<compile_context>
chip_gen: v7x
topology: tpu7x:2x2x1
jax: 0.10.2.dev20260603
libtpu: 0.0.44.dev20260713+nightly
codegen_flags: <defaults>
</compile_context>

<pallas_src>
import functools

import jax
import jax.numpy as jnp
from jax import lax
from jax.experimental import pallas as pl
from jax.experimental.pallas import tpu as pltpu
from jax.experimental.pallas import tpu_sc as plsc

NC = 2
NS = 16
NW = NC * NS
CH = 128

N = 10000
D = 128
H = 64
C = 40
NP = 10240
NPH = NP // 2
E = 320000
CPT = 80
EP = NW * CPT * CH
RPT = NP // NS

_mesh = plsc.VectorSubcoreMesh(core_axis_name="c", subcore_axis_name="s")
_sc_params = pltpu.CompilerParams(use_tc_tiling_on_sc=False)



@functools.partial(
    pl.kernel,
    out_type=[jax.ShapeDtypeStruct((NP, 16), jnp.float32),
              jax.ShapeDtypeStruct((NP, 16), jnp.float32)],
    mesh=_mesh,
    scratch_types=[
        pltpu.VMEM((CPT, CH), jnp.int32),
        pltpu.VMEM((CH, 16), jnp.float32),
        pltpu.VMEM_SHARED((NP, 16), jnp.float32),
        pltpu.SemaphoreType.DMA,
    ],
    compiler_params=_sc_params,
)
def _deg_kernel(ei_hbm, ones_hbm, zeros_hbm, d0_hbm, d1_hbm,
                idx_v, ones_v, acc_sh, sem):
    c = lax.axis_index("c")
    s = lax.axis_index("s")
    w = s * NC + c
    pltpu.sync_copy(ones_hbm, ones_v)
    pltpu.sync_copy(ei_hbm.at[1, w], idx_v)
    pltpu.sync_copy(zeros_hbm.at[pl.ds(s * RPT, RPT)],
                    acc_sh.at[pl.ds(s * RPT, RPT)])
    plsc.subcore_barrier()

    @pl.loop(0, CPT)
    def _(i):
        pltpu.async_copy(ones_v, acc_sh.at[idx_v.at[i]], sem, add=True)

    @pl.loop(0, CPT)
    def _(i):
        pltpu.make_async_copy(ones_v, acc_sh.at[idx_v.at[0]], sem).wait()

    plsc.subcore_barrier()

    @pl.when(c == 0)
    def _():
        pltpu.sync_copy(acc_sh.at[pl.ds(s * RPT, RPT)],
                        d0_hbm.at[pl.ds(s * RPT, RPT)])

    @pl.when(c == 1)
    def _():
        pltpu.sync_copy(acc_sh.at[pl.ds(s * RPT, RPT)],
                        d1_hbm.at[pl.ds(s * RPT, RPT)])


@functools.partial(
    pl.kernel,
    out_type=[jax.ShapeDtypeStruct((NP, H), jnp.float32),
              jax.ShapeDtypeStruct((NP, H), jnp.float32)],
    mesh=_mesh,
    scratch_types=[
        pltpu.VMEM((CPT, CH), jnp.int32),
        pltpu.VMEM((CPT, CH), jnp.int32),
        [pltpu.VMEM((CH, H), jnp.float32) for _ in range(8)],
        pltpu.VMEM_SHARED((NP, H), jnp.float32),
        [pltpu.SemaphoreType.DMA for _ in range(8)],
        [pltpu.SemaphoreType.DMA for _ in range(8)],
    ],
    compiler_params=_sc_params,
)
def _agg_kernel(g_hbm, ei_hbm, zeros_hbm, p0_hbm, p1_hbm,
                src_v, dst_v, rows, acc_sh, sems, sems_s):
    c = lax.axis_index("c")
    s = lax.axis_index("s")
    w = s * NC + c
    pltpu.sync_copy(ei_hbm.at[0, w], src_v)
    pltpu.sync_copy(ei_hbm.at[1, w], dst_v)
    pltpu.sync_copy(zeros_hbm.at[pl.ds(s * RPT, RPT)],
                    acc_sh.at[pl.ds(s * RPT, RPT)])
    plsc.subcore_barrier()

    PD = 8
    for b in range(PD):
        pltpu.async_copy(g_hbm.at[src_v.at[b]], rows[b], sems[b])

    @pl.loop(0, (CPT - PD) // PD)
    def _(j):
        i = PD * j
        for b in range(PD):
            pltpu.make_async_copy(g_hbm.at[src_v.at[i + b]],
                                  rows[b], sems[b]).wait()
            pltpu.async_copy(rows[b], acc_sh.at[dst_v.at[i + b]],
                             sems_s[b], add=True)
        for b in range(PD):
            pltpu.make_async_copy(rows[b], acc_sh.at[dst_v.at[i + b]],
                                  sems_s[b]).wait()
            pltpu.async_copy(g_hbm.at[src_v.at[i + b + PD]], rows[b], sems[b])

    for b in range(PD):
        i = CPT - PD + b
        pltpu.make_async_copy(g_hbm.at[src_v.at[i]], rows[b], sems[b]).wait()
        pltpu.async_copy(rows[b], acc_sh.at[dst_v.at[i]], sems_s[b], add=True)
    for b in range(PD):
        i = CPT - PD + b
        pltpu.make_async_copy(rows[b], acc_sh.at[dst_v.at[i]],
                              sems_s[b]).wait()

    plsc.subcore_barrier()

    @pl.when(c == 0)
    def _():
        pltpu.sync_copy(acc_sh.at[pl.ds(s * RPT, RPT)],
                        p0_hbm.at[pl.ds(s * RPT, RPT)])

    @pl.when(c == 1)
    def _():
        pltpu.sync_copy(acc_sh.at[pl.ds(s * RPT, RPT)],
                        p1_hbm.at[pl.ds(s * RPT, RPT)])



BNH = 640


def _mm1_body(x_ref, w_ref, dinv_ref, g_ref):
    g_ref[...] = jnp.dot(x_ref[...], w_ref[...],
                         preferred_element_type=jnp.float32) * dinv_ref[...]


def _mm1(x2, w1s, dinvp):
    return pl.pallas_call(
        _mm1_body,
        grid=(NPH // BNH,),
        in_specs=[
            pl.BlockSpec((BNH, 2 * D), lambda i: (i, 0)),
            pl.BlockSpec((2 * D, 2 * H), lambda i: (0, 0)),
            pl.BlockSpec((BNH, 2 * H), lambda i: (i, 0)),
        ],
        out_specs=pl.BlockSpec((BNH, 2 * H), lambda i: (i, 0)),
        out_shape=jax.ShapeDtypeStruct((NPH, 2 * H), jnp.float32),
    )(x2, w1s, dinvp)


def _mid_body(p0_ref, p1_ref, g_ref, dinv_ref, b_ref, w_ref, o_ref):
    dinv = dinv_ref[...]
    h = (p0_ref[...] + p1_ref[...] + g_ref[...]) * dinv + b_ref[...]
    h = jnp.maximum(h, 0.0)
    o_ref[...] = jnp.dot(h, w_ref[...],
                         preferred_element_type=jnp.float32) * dinv


def _mid(p0, p1, g, dinvp, bp, ws):
    return pl.pallas_call(
        _mid_body,
        grid=(NPH // BNH,),
        in_specs=[
            pl.BlockSpec((BNH, 2 * H), lambda i: (i, 0)),
            pl.BlockSpec((BNH, 2 * H), lambda i: (i, 0)),
            pl.BlockSpec((BNH, 2 * H), lambda i: (i, 0)),
            pl.BlockSpec((BNH, 2 * H), lambda i: (i, 0)),
            pl.BlockSpec((1, 2 * H), lambda i: (0, 0)),
            pl.BlockSpec((2 * H, 2 * H), lambda i: (0, 0)),
        ],
        out_specs=pl.BlockSpec((BNH, 2 * H), lambda i: (i, 0)),
        out_shape=jax.ShapeDtypeStruct((NPH, 2 * H), jnp.float32),
    )(p0, p1, g, dinvp, bp, ws)


def _logsoftmax40(o):
    col = lax.broadcasted_iota(jnp.int32, o.shape, 1)
    o = jnp.where(col < C, o, -1e30)
    m = jnp.max(o, axis=1, keepdims=True)
    e = jnp.where(col < C, jnp.exp(o - m), 0.0)
    return o - m - jnp.log(jnp.sum(e, axis=1, keepdims=True))


def _fin_body(p0_ref, p1_ref, g_ref, dinv_ref, b_ref, o_ref):
    o = (p0_ref[...] + p1_ref[...] + g_ref[...]) * dinv_ref[...] + b_ref[...]
    o_ref[...] = jnp.concatenate(
        [_logsoftmax40(o[:, :H]), _logsoftmax40(o[:, H:])], axis=1)


def _fin(p0, p1, g, dinvp, bp):
    return pl.pallas_call(
        _fin_body,
        grid=(NPH // BNH,),
        in_specs=[
            pl.BlockSpec((BNH, 2 * H), lambda i: (i, 0)),
            pl.BlockSpec((BNH, 2 * H), lambda i: (i, 0)),
            pl.BlockSpec((BNH, 2 * H), lambda i: (i, 0)),
            pl.BlockSpec((BNH, 2 * H), lambda i: (i, 0)),
            pl.BlockSpec((1, 2 * H), lambda i: (0, 0)),
        ],
        out_specs=pl.BlockSpec((BNH, 2 * H), lambda i: (i, 0)),
        out_shape=jax.ShapeDtypeStruct((NPH, 2 * H), jnp.float32),
    )(p0, p1, g, dinvp, bp)



def _blockdiag2(w):
    hi, ho = w.shape
    z = jnp.zeros((hi, ho), jnp.float32)
    return jnp.concatenate([
        jnp.concatenate([w, z], axis=1),
        jnp.concatenate([z, w], axis=1),
    ], axis=0)


def kernel(x, edge_index, W1, b1, W2, b2, W3, b3):
    pad = EP - E
    spread = (jnp.arange(pad, dtype=jnp.int32) % 128) + N
    ei = jnp.concatenate(
        [edge_index, jnp.broadcast_to(spread, (2, pad))],
        axis=1).reshape(2, NW, CPT, CH)

    x2 = jnp.zeros((NP, D), jnp.float32).at[:N].set(x).reshape(NPH, 2 * D)
    zeros16 = jnp.zeros((NP, 16), jnp.float32)
    zeros64 = jnp.zeros((NP, H), jnp.float32)
    ones = jnp.ones((CH, 16), jnp.float32)

    W1s = _blockdiag2(W1)
    W2s = _blockdiag2(W2)
    W3s = _blockdiag2(jnp.zeros((H, H), jnp.float32).at[:, :C].set(W3))
    b1p = jnp.concatenate([b1, b1]).reshape(1, 2 * H)
    b2p = jnp.concatenate([b2, b2]).reshape(1, 2 * H)
    b3f = jnp.zeros((H,), jnp.float32).at[:C].set(b3)
    b3p = jnp.concatenate([b3f, b3f]).reshape(1, 2 * H)

    d0, d1 = _deg_kernel(ei, ones, zeros16)
    deg8 = d0.reshape(NP // 8, 128)[:, ::16] + d1.reshape(NP // 8, 128)[:, ::16]
    dinv = lax.rsqrt(deg8.reshape(NP) + 1.0)
    dinvp = jnp.broadcast_to(dinv.reshape(NPH, 2, 1),
                             (NPH, 2, H)).reshape(NPH, 2 * H)

    g = _mm1(x2, W1s, dinvp)
    p0, p1 = _agg_kernel(g.reshape(NP, H), ei, zeros64)
    g = _mid(p0.reshape(NPH, 2 * H), p1.reshape(NPH, 2 * H), g, dinvp,
             b1p, W2s)
    p0, p1 = _agg_kernel(g.reshape(NP, H), ei, zeros64)
    g = _mid(p0.reshape(NPH, 2 * H), p1.reshape(NPH, 2 * H), g, dinvp,
             b2p, W3s)
    p0, p1 = _agg_kernel(g.reshape(NP, H), ei, zeros64)
    out = _fin(p0.reshape(NPH, 2 * H), p1.reshape(NPH, 2 * H), g, dinvp, b3p)
    return out.reshape(NP, H)[:N, :C]

# --- scband reference (transcript-rebuilt; emitter-appended) ---
"""Pipeline reference for scband-baseline-gcn-65481071395053 (READ-ONLY COPY).

The authoritative reference and input builder live on the scoring server;
editing this copy changes nothing except your own understanding.
"""

import jax, jax.numpy as jnp
import numpy as np

N = 10000
E = 320000
D = 128
H = 64
C = 40


def setup_inputs(seed: int = 0) -> dict:
    key = jax.random.key(seed)
    ks = jax.random.split(key, 8)
    x = jax.random.normal(ks[0], (N, D), dtype=jnp.float32)
    edge_index = jax.random.randint(ks[1], (2, E), 0, N, dtype=jnp.int32)
    W1 = jax.random.normal(ks[2], (D, H), dtype=jnp.float32) * (1.0 / np.sqrt(D))
    b1 = jnp.zeros((H,), dtype=jnp.float32)
    W2 = jax.random.normal(ks[3], (H, H), dtype=jnp.float32) * (1.0 / np.sqrt(H))
    b2 = jnp.zeros((H,), dtype=jnp.float32)
    W3 = jax.random.normal(ks[4], (H, C), dtype=jnp.float32) * (1.0 / np.sqrt(H))
    b3 = jnp.zeros((C,), dtype=jnp.float32)
    return {"x": x, "edge_index": edge_index, "W1": W1, "b1": b1, "W2": W2, "b2": b2, "W3": W3, "b3": b3}


def _gcn_layer(h_in, src, dst, norm, W, b):
    h = h_in @ W
    msg = h[src] * norm[:, None]
    out = jnp.zeros((h_in.shape[0], W.shape[1]), dtype=h_in.dtype).at[dst].add(msg)
    return out + b


def reference(x, edge_index, W1, b1, W2, b2, W3, b3):
    num_nodes = x.shape[0]
    # GCNConv semantics: add self-loops, symmetric D^{-1/2} (A+I) D^{-1/2} normalization
    loop = jnp.arange(num_nodes, dtype=edge_index.dtype)
    src = jnp.concatenate([edge_index[0], loop])
    dst = jnp.concatenate([edge_index[1], loop])
    deg = jnp.zeros((num_nodes,), dtype=x.dtype).at[dst].add(1.0)
    dinv = jnp.where(deg > 0, 1.0 / jnp.sqrt(deg), 0.0)
    norm = dinv[src] * dinv[dst]
    h = jax.nn.relu(_gcn_layer(x, src, dst, norm, W1, b1))
    # dropout p=0.2 is identity at inference
    h = jax.nn.relu(_gcn_layer(h, src, dst, norm, W2, b2))
    h = _gcn_layer(h, src, dst, norm, W3, b3)
    return jax.nn.log_softmax(h, axis=1)

if __name__ == "__main__":
    import jax
    _d = setup_inputs()
    print(jax.jit(kernel)(*tuple(_d.values())))

</pallas_src>

<mosaic_0001>
#map = affine_map<(d0, d1) -> (0, 0, 0, 0)>
#map1 = affine_map<(d0, d1) -> (0, 0)>
module attributes {stable_mosaic.version = 14 : i64} {
  func.func @_deg_kernel(%arg0: i32, %arg1: i32, %arg2: memref<2x32x80x128xi32, #tpu.memory_space<hbm>>, %arg3: memref<128x16xf32, #tpu.memory_space<hbm>>, %arg4: memref<10240x16xf32, #tpu.memory_space<hbm>>, %arg5: memref<10240x16xf32, #tpu.memory_space<hbm>>, %arg6: memref<10240x16xf32, #tpu.memory_space<hbm>>, %arg7: memref<80x128xi32, #tpu.memory_space<vmem>>, %arg8: memref<128x16xf32, #tpu.memory_space<vmem>>, %arg9: memref<10240x16xf32, #tpu.memory_space<vmem_shared>>, %arg10: memref<!tpu.dma_semaphore, #tpu.memory_space<semaphore_mem>>) attributes {dimension_semantics = [#tpu.dimension_semantics<core_parallel>, #tpu.dimension_semantics<subcore_parallel>], iteration_bounds = array<i64: 2, 16>, scalar_prefetch = 0 : i64, scratch_operands = 4 : i64, tpu.core_type = #tpu.core_type<sc_vector_subcore>, window_params = [{transform_indices = #map}, {transform_indices = #map1}, {transform_indices = #map1}, {transform_indices = #map1}, {transform_indices = #map1}]} {
    %mul3A = arith.constant 2 : i32
    %mul3A_0 = arith.muli %arg1, %mul3A : i32
    %add3A = arith.addi %mul3A_0, %arg0 : i32
    "tpu.region"() ({
      %run_scoped3A_22 = tpu.sem_alloc : memref<!tpu.dma_semaphore, #tpu.memory_space<semaphore_mem>>
      tpu.enqueue_dma source(%arg3 : memref<128x16xf32, #tpu.memory_space<hbm>>) target(%arg8 : memref<128x16xf32, #tpu.memory_space<vmem>>) target_semaphore(%run_scoped3A_22 : memref<!tpu.dma_semaphore, #tpu.memory_space<semaphore_mem>>)
      tpu.wait_dma2 semaphore(%run_scoped3A_22 : memref<!tpu.dma_semaphore, #tpu.memory_space<semaphore_mem>>) src(%arg3 : memref<128x16xf32, #tpu.memory_space<hbm>>) dst(%arg8 : memref<128x16xf32, #tpu.memory_space<vmem>>)
      tpu.yield
    }) : () -> ()
    %run_scoped3A = arith.constant 1 : i32
    "tpu.region"() ({
      %run_scoped3A_22 = tpu.sem_alloc : memref<!tpu.dma_semaphore, #tpu.memory_space<semaphore_mem>>
      %dma_start3A = arith.constant 0 : i32
      %dma_start3A_23 = arith.constant 0 : i32
      %dma_start3A_24 = tpu.memref_slice %arg2[%run_scoped3A, %add3A, %dma_start3A, %dma_start3A_23] : memref<2x32x80x128xi32, #tpu.memory_space<hbm>> -> memref<1x1x80x128xi32, #tpu.memory_space<hbm>>
      %dma_start3A_25 = tpu.memref_squeeze %dma_start3A_24 : memref<1x1x80x128xi32, #tpu.memory_space<hbm>> -> memref<80x128xi32, #tpu.memory_space<hbm>>
      %dma_start3A_26 = arith.constant 0 : i32
      %dma_start3A_27 = arith.constant 0 : i32
      %dma_start3A_28 = tpu.memref_slice %arg2[%run_scoped3A, %add3A, %dma_start3A_26, %dma_start3A_27] : memref<2x32x80x128xi32, #tpu.memory_space<hbm>> -> memref<1x1x80x128xi32, #tpu.memory_space<hbm>>
      %dma_start3A_29 = tpu.memref_squeeze %dma_start3A_28 : memref<1x1x80x128xi32, #tpu.memory_space<hbm>> -> memref<80x128xi32, #tpu.memory_space<hbm>>
      tpu.enqueue_dma source(%dma_start3A_29 : memref<80x128xi32, #tpu.memory_space<hbm>>) target(%arg7 : memref<80x128xi32, #tpu.memory_space<vmem>>) target_semaphore(%run_scoped3A_22 : memref<!tpu.dma_semaphore, #tpu.memory_space<semaphore_mem>>)
      %dma_wait3A = arith.constant 0 : i32
      %dma_wait3A_30 = arith.constant 0 : i32
      %dma_wait3A_31 = tpu.memref_slice %arg2[%run_scoped3A, %add3A, %dma_wait3A, %dma_wait3A_30] : memref<2x32x80x128xi32, #tpu.memory_space<hbm>> -> memref<1x1x80x128xi32, #tpu.memory_space<hbm>>
      %dma_wait3A_32 = tpu.memref_squeeze %dma_wait3A_31 : memref<1x1x80x128xi32, #tpu.memory_space<hbm>> -> memref<80x128xi32, #tpu.memory_space<hbm>>
      %dma_wait3A_33 = arith.constant 0 : i32
      %dma_wait3A_34 = arith.constant 0 : i32
      %dma_wait3A_35 = tpu.memref_slice %arg2[%run_scoped3A, %add3A, %dma_wait3A_33, %dma_wait3A_34] : memref<2x32x80x128xi32, #tpu.memory_space<hbm>> -> memref<1x1x80x128xi32, #tpu.memory_space<hbm>>
      %dma_wait3A_36 = tpu.memref_squeeze %dma_wait3A_35 : memref<1x1x80x128xi32, #tpu.memory_space<hbm>> -> memref<80x128xi32, #tpu.memory_space<hbm>>
      tpu.wait_dma2 semaphore(%run_scoped3A_22 : memref<!tpu.dma_semaphore, #tpu.memory_space<semaphore_mem>>) src(%dma_wait3A_36 : memref<80x128xi32, #tpu.memory_space<hbm>>) dst(%arg7 : memref<80x128xi32, #tpu.memory_space<vmem>>)
      tpu.yield
    }) : () -> ()
    %mul3A_1 = arith.constant 640 : i32
    %mul3A_2 = arith.muli %arg1, %mul3A_1 : i32
    %mul3A_3 = arith.constant 640 : i32
    %mul3A_4 = arith.muli %arg1, %mul3A_3 : i32
    "tpu.region"() ({
      %run_scoped3A_22 = tpu.sem_alloc : memref<!tpu.dma_semaphore, #tpu.memory_space<semaphore_mem>>
      %dma_start3A = arith.constant 0 : i32
      %dma_start3A_23 = tpu.memref_slice %arg9[%mul3A_4, %dma_start3A] : memref<10240x16xf32, #tpu.memory_space<vmem_shared>> -> memref<640x16xf32, #tpu.memory_space<vmem_shared>>
      %dma_start3A_24 = arith.constant 0 : i32
      %dma_start3A_25 = tpu.memref_slice %arg4[%mul3A_2, %dma_start3A_24] : memref<10240x16xf32, #tpu.memory_space<hbm>> -> memref<640x16xf32, #tpu.memory_space<hbm>>
      tpu.enqueue_dma source(%dma_start3A_25 : memref<640x16xf32, #tpu.memory_space<hbm>>) target(%dma_start3A_23 : memref<640x16xf32, #tpu.memory_space<vmem_shared>>) target_semaphore(%run_scoped3A_22 : memref<!tpu.dma_semaphore, #tpu.memory_space<semaphore_mem>>)
      %dma_wait3A = arith.constant 0 : i32
      %dma_wait3A_26 = tpu.memref_slice %arg9[%mul3A_4, %dma_wait3A] : memref<10240x16xf32, #tpu.memory_space<vmem_shared>> -> memref<640x16xf32, #tpu.memory_space<vmem_shared>>
      %dma_wait3A_27 = arith.constant 0 : i32
      %dma_wait3A_28 = tpu.memref_slice %arg4[%mul3A_2, %dma_wait3A_27] : memref<10240x16xf32, #tpu.memory_space<hbm>> -> memref<640x16xf32, #tpu.memory_space<hbm>>
      tpu.wait_dma2 semaphore(%run_scoped3A_22 : memref<!tpu.dma_semaphore, #tpu.memory_space<semaphore_mem>>) src(%dma_wait3A_28 : memref<640x16xf32, #tpu.memory_space<hbm>>) dst(%dma_wait3A_26 : memref<640x16xf32, #tpu.memory_space<vmem_shared>>)
      tpu.yield
    }) : () -> ()
    %barrier3A = arith.constant 0 : index
    tpu.barrier barrier_id(%barrier3A)
    %scan3A = arith.constant 0 : i32
    %scan3A_5 = arith.constant 80 : i32
    %scan3A_6 = arith.addi %scan3A, %scan3A_5 : i32
    %scan3A_7 = arith.constant 1 : i32
    scf.for %scan3A_22 = %scan3A to %scan3A_6 step %scan3A_7  : i32 {
      %mul3A_23 = arith.constant 1 : i32
      %mul3A_24 = arith.muli %scan3A_22, %mul3A_23 : i32
      %add3A_25 = arith.constant 0 : i32
      %add3A_26 = arith.addi %add3A_25, %mul3A_24 : i32
      %dma_start3A = arith.constant 0 : i32
      %dma_start3A_27 = tpu.memref_slice %arg7[%add3A_26, %dma_start3A] : memref<80x128xi32, #tpu.memory_space<vmem>> -> memref<1x128xi32, #tpu.memory_space<vmem>>
      %dma_start3A_28 = tpu.memref_squeeze %dma_start3A_27 : memref<1x128xi32, #tpu.memory_space<vmem>> -> memref<128xi32, #tpu.memory_space<vmem>>
      %dma_start3A_29 = arith.constant 0 : i32
      %dma_start3A_30 = arith.constant 0 : i32
      %dma_start3A_31 = tpu.memref_slice %arg9[%dma_start3A_29, %dma_start3A_30] : memref<10240x16xf32, #tpu.memory_space<vmem_shared>> -> memref<10240x16xf32, #tpu.memory_space<vmem_shared>>
      tpu.enqueue_indirect_dma source(%arg8 : memref<128x16xf32, #tpu.memory_space<vmem>>) target(%dma_start3A_31 : memref<10240x16xf32, #tpu.memory_space<vmem_shared>>) offsets(%dma_start3A_28 : memref<128xi32, #tpu.memory_space<vmem>>) semaphore(%arg10 : memref<!tpu.dma_semaphore, #tpu.memory_space<semaphore_mem>>) {add = true}
    }
    %scan3A_8 = arith.constant 80 : i32
    %scan3A_9 = arith.constant 0 : i32
    %scan3A_10 = arith.constant 80 : i32
    %scan3A_11 = arith.addi %scan3A_9, %scan3A_10 : i32
    %scan3A_12 = arith.constant 1 : i32
    scf.for %scan3A_22 = %scan3A_9 to %scan3A_11 step %scan3A_12  : i32 {
      %mul3A_23 = arith.constant 1 : i32
      %mul3A_24 = arith.muli %scan3A_22, %mul3A_23 : i32
      %add3A_25 = arith.constant 0 : i32
      %add3A_26 = arith.addi %add3A_25, %mul3A_24 : i32
      %dma_wait3A = arith.constant 0 : i32
      %dma_wait3A_27 = arith.constant 0 : i32
      %dma_wait3A_28 = tpu.memref_slice %arg7[%dma_wait3A, %dma_wait3A_27] : memref<80x128xi32, #tpu.memory_space<vmem>> -> memref<1x128xi32, #tpu.memory_space<vmem>>
      %dma_wait3A_29 = tpu.memref_squeeze %dma_wait3A_28 : memref<1x128xi32, #tpu.memory_space<vmem>> -> memref<128xi32, #tpu.memory_space<vmem>>
      %dma_wait3A_30 = arith.constant 0 : i32
      %dma_wait3A_31 = arith.constant 0 : i32
      %dma_wait3A_32 = tpu.memref_slice %arg9[%dma_wait3A_30, %dma_wait3A_31] : memref<10240x16xf32, #tpu.memory_space<vmem_shared>> -> memref<10240x16xf32, #tpu.memory_space<vmem_shared>>
      tpu.wait_indirect_dma semaphore(%arg10 : memref<!tpu.dma_semaphore, #tpu.memory_space<semaphore_mem>>) src(%arg8 : memref<128x16xf32, #tpu.memory_space<vmem>>) dst(%dma_wait3A_32 : memref<10240x16xf32, #tpu.memory_space<vmem_shared>>)
    }
    %scan3A_13 = arith.constant 80 : i32
    %barrier3A_14 = arith.constant 0 : index
    tpu.barrier barrier_id(%barrier3A_14)
    %eq3A = arith.constant 0 : i32
    %eq3A_15 = arith.cmpi eq, %arg0, %eq3A : i32
    %convert_element_type3A = arith.extui %eq3A_15 : i1 to i32
    %cond3A = arith.constant 0 : i32
    %cond3A_16 = arith.cmpi ne, %convert_element_type3A, %cond3A : i32
    scf.if %cond3A_16 {
      %mul3A_22 = arith.constant 640 : i32
      %mul3A_23 = arith.muli %arg1, %mul3A_22 : i32
      %mul3A_24 = arith.constant 640 : i32
      %mul3A_25 = arith.muli %arg1, %mul3A_24 : i32
      "tpu.region"() ({
        %run_scoped3A_26 = tpu.sem_alloc : memref<!tpu.dma_semaphore, #tpu.memory_space<semaphore_mem>>
        %dma_start3A = arith.constant 0 : i32
        %dma_start3A_27 = tpu.memref_slice %arg5[%mul3A_25, %dma_start3A] : memref<10240x16xf32, #tpu.memory_space<hbm>> -> memref<640x16xf32, #tpu.memory_space<hbm>>
        %dma_start3A_28 = arith.constant 0 : i32
        %dma_start3A_29 = tpu.memref_slice %arg9[%mul3A_23, %dma_start3A_28] : memref<10240x16xf32, #tpu.memory_space<vmem_shared>> -> memref<640x16xf32, #tpu.memory_space<vmem_shared>>
        tpu.enqueue_dma source(%dma_start3A_29 : memref<640x16xf32, #tpu.memory_space<vmem_shared>>) target(%dma_start3A_27 : memref<640x16xf32, #tpu.memory_space<hbm>>) target_semaphore(%run_scoped3A_26 : memref<!tpu.dma_semaphore, #tpu.memory_space<semaphore_mem>>)
        %dma_wait3A = arith.constant 0 : i32
        %dma_wait3A_30 = tpu.memref_slice %arg5[%mul3A_25, %dma_wait3A] : memref<10240x16xf32, #tpu.memory_space<hbm>> -> memref<640x16xf32, #tpu.memory_space<hbm>>
        %dma_wait3A_31 = arith.constant 0 : i32
        %dma_wait3A_32 = tpu.memref_slice %arg9[%mul3A_23, %dma_wait3A_31] : memref<10240x16xf32, #tpu.memory_space<vmem_shared>> -> memref<640x16xf32, #tpu.memory_space<vmem_shared>>
        tpu.wait_dma2 semaphore(%run_scoped3A_26 : memref<!tpu.dma_semaphore, #tpu.memory_space<semaphore_mem>>) src(%dma_wait3A_32 : memref<640x16xf32, #tpu.memory_space<vmem_shared>>) dst(%dma_wait3A_30 : memref<640x16xf32, #tpu.memory_space<hbm>>)
        tpu.yield
      }) : () -> ()
    } else {
    }
    %eq3A_17 = arith.constant 1 : i32
    %eq3A_18 = arith.cmpi eq, %arg0, %eq3A_17 : i32
    %convert_element_type3A_19 = arith.extui %eq3A_18 : i1 to i32
    %cond3A_20 = arith.constant 0 : i32
    %cond3A_21 = arith.cmpi ne, %convert_element_type3A_19, %cond3A_20 : i32
    scf.if %cond3A_21 {
      %mul3A_22 = arith.constant 640 : i32
      %mul3A_23 = arith.muli %arg1, %mul3A_22 : i32
      %mul3A_24 = arith.constant 640 : i32
      %mul3A_25 = arith.muli %arg1, %mul3A_24 : i32
      "tpu.region"() ({
        %run_scoped3A_26 = tpu.sem_alloc : memref<!tpu.dma_semaphore, #tpu.memory_space<semaphore_mem>>
        %dma_start3A = arith.constant 0 : i32
        %dma_start3A_27 = tpu.memref_slice %arg6[%mul3A_25, %dma_start3A] : memref<10240x16xf32, #tpu.memory_space<hbm>> -> memref<640x16xf32, #tpu.memory_space<hbm>>
        %dma_start3A_28 = arith.constant 0 : i32
        %dma_start3A_29 = tpu.memref_slice %arg9[%mul3A_23, %dma_start3A_28] : memref<10240x16xf32, #tpu.memory_space<vmem_shared>> -> memref<640x16xf32, #tpu.memory_space<vmem_shared>>
        tpu.enqueue_dma source(%dma_start3A_29 : memref<640x16xf32, #tpu.memory_space<vmem_shared>>) target(%dma_start3A_27 : memref<640x16xf32, #tpu.memory_space<hbm>>) target_semaphore(%run_scoped3A_26 : memref<!tpu.dma_semaphore, #tpu.memory_space<semaphore_mem>>)
        %dma_wait3A = arith.constant 0 : i32
        %dma_wait3A_30 = tpu.memref_slice %arg6[%mul3A_25, %dma_wait3A] : memref<10240x16xf32, #tpu.memory_space<hbm>> -> memref<640x16xf32, #tpu.memory_space<hbm>>
        %dma_wait3A_31 = arith.constant 0 : i32
        %dma_wait3A_32 = tpu.memref_slice %arg9[%mul3A_23, %dma_wait3A_31] : memref<10240x16xf32, #tpu.memory_space<vmem_shared>> -> memref<640x16xf32, #tpu.memory_space<vmem_shared>>
        tpu.wait_dma2 semaphore(%run_scoped3A_26 : memref<!tpu.dma_semaphore, #tpu.memory_space<semaphore_mem>>) src(%dma_wait3A_32 : memref<640x16xf32, #tpu.memory_space<vmem_shared>>) dst(%dma_wait3A_30 : memref<640x16xf32, #tpu.memory_space<hbm>>)
        tpu.yield
      }) : () -> ()
    } else {
    }
    return
  }
}

#map = affine_map<(d0, d1) -> (0, 0)>
#map1 = affine_map<(d0, d1) -> (0, 0, 0, 0)>
module attributes {stable_mosaic.version = 14 : i64} {
  func.func @_agg_kernel(%arg0: i32, %arg1: i32, %arg2: memref<10240x64xf32, #tpu.memory_space<hbm>>, %arg3: memref<2x32x80x128xi32, #tpu.memory_space<hbm>>, %arg4: memref<10240x64xf32, #tpu.memory_space<hbm>>, %arg5: memref<10240x64xf32, #tpu.memory_space<hbm>>, %arg6: memref<10240x64xf32, #tpu.memory_space<hbm>>, %arg7: memref<80x128xi32, #tpu.memory_space<vmem>>, %arg8: memref<80x128xi32, #tpu.memory_space<vmem>>, %arg9: memref<128x64xf32, #tpu.memory_space<vmem>>, %arg10: memref<128x64xf32, #tpu.memory_space<vmem>>, %arg11: memref<128x64xf32, #tpu.memory_space<vmem>>, %arg12: memref<128x64xf32, #tpu.memory_space<vmem>>, %arg13: memref<128x64xf32, #tpu.memory_space<vmem>>, %arg14: memref<128x64xf32, #tpu.memory_space<vmem>>, %arg15: memref<128x64xf32, #tpu.memory_space<vmem>>, %arg16: memref<128x64xf32, #tpu.memory_space<vmem>>, %arg17: memref<10240x64xf32, #tpu.memory_space<vmem_shared>>, %arg18: memref<!tpu.dma_semaphore, #tpu.memory_space<semaphore_mem>>, %arg19: memref<!tpu.dma_semaphore, #tpu.memory_space<semaphore_mem>>, %arg20: memref<!tpu.dma_semaphore, #tpu.memory_space<semaphore_mem>>, %arg21: memref<!tpu.dma_semaphore, #tpu.memory_space<semaphore_mem>>, %arg22: memref<!tpu.dma_semaphore, #tpu.memory_space<semaphore_mem>>, %arg23: memref<!tpu.dma_semaphore, #tpu.memory_space<semaphore_mem>>, %arg24: memref<!tpu.dma_semaphore, #tpu.memory_space<semaphore_mem>>, %arg25: memref<!tpu.dma_semaphore, #tpu.memory_space<semaphore_mem>>, %arg26: memref<!tpu.dma_semaphore, #tpu.memory_space<semaphore_mem>>, %arg27: memref<!tpu.dma_semaphore, #tpu.memory_space<semaphore_mem>>, %arg28: memref<!tpu.dma_semaphore, #tpu.memory_space<semaphore_mem>>, %arg29: memref<!tpu.dma_semaphore, #tpu.memory_space<semaphore_mem>>, %arg30: memref<!tpu.dma_semaphore, #tpu.memory_space<semaphore_mem>>, %arg31: memref<!tpu.dma_semaphore, #tpu.memory_space<semaphore_mem>>, %arg32: memref<!tpu.dma_semaphore, #tpu.memory_space<semaphore_mem>>, %arg33: memref<!tpu.dma_semaphore, #tpu.memory_space<semaphore_mem>>) attributes {dimension_semantics = [#tpu.dimension_semantics<core_parallel>, #tpu.dimension_semantics<subcore_parallel>], iteration_bounds = array<i64: 2, 16>, scalar_prefetch = 0 : i64, scratch_operands = 27 : i64, tpu.core_type = #tpu.core_type<sc_vector_subcore>, window_params = [{transform_indices = #map}, {transform_indices = #map1}, {transform_indices = #map}, {transform_indices = #map}, {transform_indices = #map}]} {
    %mul3A = arith.constant 2 : i32
    %mul3A_0 = arith.muli %arg1, %mul3A : i32
    %add3A = arith.addi %mul3A_0, %arg0 : i32
    %run_scoped3A = arith.constant 0 : i32
    "tpu.region"() ({
      %run_scoped3A_240 = tpu.sem_alloc : memref<!tpu.dma_semaphore, #tpu.memory_space<semaphore_mem>>
      %dma_start3A_241 = arith.constant 0 : i32
      %dma_start3A_242 = arith.constant 0 : i32
      %dma_start3A_243 = tpu.memref_slice %arg3[%run_scoped3A, %add3A, %dma_start3A_241, %dma_start3A_242] : memref<2x32x80x128xi32, #tpu.memory_space<hbm>> -> memref<1x1x80x128xi32, #tpu.memory_space<hbm>>
      %dma_start3A_244 = tpu.memref_squeeze %dma_start3A_243 : memref<1x1x80x128xi32, #tpu.memory_space<hbm>> -> memref<80x128xi32, #tpu.memory_space<hbm>>
      %dma_start3A_245 = arith.constant 0 : i32
      %dma_start3A_246 = arith.constant 0 : i32
      %dma_start3A_247 = tpu.memref_slice %arg3[%run_scoped3A, %add3A, %dma_start3A_245, %dma_start3A_246] : memref<2x32x80x128xi32, #tpu.memory_space<hbm>> -> memref<1x1x80x128xi32, #tpu.memory_space<hbm>>
      %dma_start3A_248 = tpu.memref_squeeze %dma_start3A_247 : memref<1x1x80x128xi32, #tpu.memory_space<hbm>> -> memref<80x128xi32, #tpu.memory_space<hbm>>
      tpu.enqueue_dma source(%dma_start3A_248 : memref<80x128xi32, #tpu.memory_space<hbm>>) target(%arg7 : memref<80x128xi32, #tpu.memory_space<vmem>>) target_semaphore(%run_scoped3A_240 : memref<!tpu.dma_semaphore, #tpu.memory_space<semaphore_mem>>)
      %dma_wait3A_249 = arith.constant 0 : i32
      %dma_wait3A_250 = arith.constant 0 : i32
      %dma_wait3A_251 = tpu.memref_slice %arg3[%run_scoped3A, %add3A, %dma_wait3A_249, %dma_wait3A_250] : memref<2x32x80x128xi32, #tpu.memory_space<hbm>> -> memref<1x1x80x128xi32, #tpu.memory_space<hbm>>
      %dma_wait3A_252 = tpu.memref_squeeze %dma_wait3A_251 : memref<1x1x80x128xi32, #tpu.memory_space<hbm>> -> memref<80x128xi32, #tpu.memory_space<hbm>>
      %dma_wait3A_253 = arith.constant 0 : i32
      %dma_wait3A_254 = arith.constant 0 : i32
      %dma_wait3A_255 = tpu.memref_slice %arg3[%run_scoped3A, %add3A, %dma_wait3A_253, %dma_wait3A_254] : memref<2x32x80x128xi32, #tpu.memory_space<hbm>> -> memref<1x1x80x128xi32, #tpu.memory_space<hbm>>
      %dma_wait3A_256 = tpu.memref_squeeze %dma_wait3A_255 : memref<1x1x80x128xi32, #tpu.memory_space<hbm>> -> memref<80x128xi32, #tpu.memory_space<hbm>>
      tpu.wait_dma2 semaphore(%run_scoped3A_240 : memref<!tpu.dma_semaphore, #tpu.memory_space<semaphore_mem>>) src(%dma_wait3A_256 : memref<80x128xi32, #tpu.memory_space<hbm>>) dst(%arg7 : memref<80x128xi32, #tpu.memory_space<vmem>>)
      tpu.yield
    }) : () -> ()
    %run_scoped3A_1 = arith.constant 1 : i32
    "tpu.region"() ({
      %run_scoped3A_240 = tpu.sem_alloc : memref<!tpu.dma_semaphore, #tpu.memory_space<semaphore_mem>>
      %dma_start3A_241 = arith.constant 0 : i32
      %dma_start3A_242 = arith.constant 0 : i32
      %dma_start3A_243 = tpu.memref_slice %arg3[%run_scoped3A_1, %add3A, %dma_start3A_241, %dma_start3A_242] : memref<2x32x80x128xi32, #tpu.memory_space<hbm>> -> memref<1x1x80x128xi32, #tpu.memory_space<hbm>>
      %dma_start3A_244 = tpu.memref_squeeze %dma_start3A_243 : memref<1x1x80x128xi32, #tpu.memory_space<hbm>> -> memref<80x128xi32, #tpu.memory_space<hbm>>
      %dma_start3A_245 = arith.constant 0 : i32
      %dma_start3A_246 = arith.constant 0 : i32
      %dma_start3A_247 = tpu.memref_slice %arg3[%run_scoped3A_1, %add3A, %dma_start3A_245, %dma_start3A_246] : memref<2x32x80x128xi32, #tpu.memory_space<hbm>> -> memref<1x1x80x128xi32, #tpu.memory_space<hbm>>
      %dma_start3A_248 = tpu.memref_squeeze %dma_start3A_247 : memref<1x1x80x128xi32, #tpu.memory_space<hbm>> -> memref<80x128xi32, #tpu.memory_space<hbm>>
      tpu.enqueue_dma source(%dma_start3A_248 : memref<80x128xi32, #tpu.memory_space<hbm>>) target(%arg8 : memref<80x128xi32, #tpu.memory_space<vmem>>) target_semaphore(%run_scoped3A_240 : memref<!tpu.dma_semaphore, #tpu.memory_space<semaphore_mem>>)
      %dma_wait3A_249 = arith.constant 0 : i32
      %dma_wait3A_250 = arith.constant 0 : i32
      %dma_wait3A_251 = tpu.memref_slice %arg3[%run_scoped3A_1, %add3A, %dma_wait3A_249, %dma_wait3A_250] : memref<2x32x80x128xi32, #tpu.memory_space<hbm>> -> memref<1x1x80x128xi32, #tpu.memory_space<hbm>>
      %dma_wait3A_252 = tpu.memref_squeeze %dma_wait3A_251 : memref<1x1x80x128xi32, #tpu.memory_space<hbm>> -> memref<80x128xi32, #tpu.memory_space<hbm>>
      %dma_wait3A_253 = arith.constant 0 : i32
      %dma_wait3A_254 = arith.constant 0 : i32
      %dma_wait3A_255 = tpu.memref_slice %arg3[%run_scoped3A_1, %add3A, %dma_wait3A_253, %dma_wait3A_254] : memref<2x32x80x128xi32, #tpu.memory_space<hbm>> -> memref<1x1x80x128xi32, #tpu.memory_space<hbm>>
      %dma_wait3A_256 = tpu.memref_squeeze %dma_wait3A_255 : memref<1x1x80x128xi32, #tpu.memory_space<hbm>> -> memref<80x128xi32, #tpu.memory_space<hbm>>
      tpu.wait_dma2 semaphore(%run_scoped3A_240 : memref<!tpu.dma_semaphore, #tpu.memory_space<semaphore_mem>>) src(%dma_wait3A_256 : memref<80x128xi32, #tpu.memory_space<hbm>>) dst(%arg8 : memref<80x128xi32, #tpu.memory_space<vmem>>)
      tpu.yield
    }) : () -> ()
    %mul3A_2 = arith.constant 640 : i32
    %mul3A_3 = arith.muli %arg1, %mul3A_2 : i32
    %mul3A_4 = arith.constant 640 : i32
    %mul3A_5 = arith.muli %arg1, %mul3A_4 : i32
    "tpu.region"() ({
      %run_scoped3A_240 = tpu.sem_alloc : memref<!tpu.dma_semaphore, #tpu.memory_space<semaphore_mem>>
      %dma_start3A_241 = arith.constant 0 : i32
      %dma_start3A_242 = tpu.memref_slice %arg17[%mul3A_5, %dma_start3A_241] : memref<10240x64xf32, #tpu.memory_space<vmem_shared>> -> memref<640x64xf32, #tpu.memory_space<vmem_shared>>
      %dma_start3A_243 = arith.constant 0 : i32
      %dma_start3A_244 = tpu.memref_slice %arg4[%mul3A_3, %dma_start3A_243] : memref<10240x64xf32, #tpu.memory_space<hbm>> -> memref<640x64xf32, #tpu.memory_space<hbm>>
      tpu.enqueue_dma source(%dma_start3A_244 : memref<640x64xf32, #tpu.memory_space<hbm>>) target(%dma_start3A_242 : memref<640x64xf32, #tpu.memory_space<vmem_shared>>) target_semaphore(%run_scoped3A_240 : memref<!tpu.dma_semaphore, #tpu.memory_space<semaphore_mem>>)
      %dma_wait3A_245 = arith.constant 0 : i32
      %dma_wait3A_246 = tpu.memref_slice %arg17[%mul3A_5, %dma_wait3A_245] : memref<10240x64xf32, #tpu.memory_space<vmem_shared>> -> memref<640x64xf32, #tpu.memory_space<vmem_shared>>
      %dma_wait3A_247 = arith.constant 0 : i32
      %dma_wait3A_248 = tpu.memref_slice %arg4[%mul3A_3, %dma_wait3A_247] : memref<10240x64xf32, #tpu.memory_space<hbm>> -> memref<640x64xf32, #tpu.memory_space<hbm>>
      tpu.wait_dma2 semaphore(%run_scoped3A_240 : memref<!tpu.dma_semaphore, #tpu.memory_space<semaphore_mem>>) src(%dma_wait3A_248 : memref<640x64xf32, #tpu.memory_space<hbm>>) dst(%dma_wait3A_246 : memref<640x64xf32, #tpu.memory_space<vmem_shared>>)
      tpu.yield
    }) : () -> ()
    %barrier3A = arith.constant 0 : index
    tpu.barrier barrier_id(%barrier3A)
    %dma_start3A = arith.constant 0 : i32
    %dma_start3A_6 = arith.constant 0 : i32
    %dma_start3A_7 = tpu.memref_slice %arg7[%dma_start3A, %dma_start3A_6] : memref<80x128xi32, #tpu.memory_space<vmem>> -> memref<1x128xi32, #tpu.memory_space<vmem>>
    %dma_start3A_8 = tpu.memref_squeeze %dma_start3A_7 : memref<1x128xi32, #tpu.memory_space<vmem>> -> memref<128xi32, #tpu.memory_space<vmem>>
    %dma_start3A_9 = arith.constant 0 : i32
    %dma_start3A_10 = arith.constant 0 : i32
    %dma_start3A_11 = tpu.memref_slice %arg2[%dma_start3A_9, %dma_start3A_10] : memref<10240x64xf32, #tpu.memory_space<hbm>> -> memref<10240x64xf32, #tpu.memory_space<hbm>>
    tpu.enqueue_indirect_dma source(%dma_start3A_11 : memref<10240x64xf32, #tpu.memory_space<hbm>>) target(%arg9 : memref<128x64xf32, #tpu.memory_space<vmem>>) offsets(%dma_start3A_8 : memref<128xi32, #tpu.memory_space<vmem>>) semaphore(%arg18 : memref<!tpu.dma_semaphore, #tpu.memory_space<semaphore_mem>>)
    %dma_start3A_12 = arith.constant 1 : i32
    %dma_start3A_13 = arith.constant 0 : i32
    %dma_start3A_14 = tpu.memref_slice %arg7[%dma_start3A_12, %dma_start3A_13] : memref<80x128xi32, #tpu.memory_space<vmem>> -> memref<1x128xi32, #tpu.memory_space<vmem>>
    %dma_start3A_15 = tpu.memref_squeeze %dma_start3A_14 : memref<1x128xi32, #tpu.memory_space<vmem>> -> memref<128xi32, #tpu.memory_space<vmem>>
    %dma_start3A_16 = arith.constant 0 : i32
    %dma_start3A_17 = arith.constant 0 : i32
    %dma_start3A_18 = tpu.memref_slice %arg2[%dma_start3A_16, %dma_start3A_17] : memref<10240x64xf32, #tpu.memory_space<hbm>> -> memref<10240x64xf32, #tpu.memory_space<hbm>>
    tpu.enqueue_indirect_dma source(%dma_start3A_18 : memref<10240x64xf32, #tpu.memory_space<hbm>>) target(%arg10 : memref<128x64xf32, #tpu.memory_space<vmem>>) offsets(%dma_start3A_15 : memref<128xi32, #tpu.memory_space<vmem>>) semaphore(%arg19 : memref<!tpu.dma_semaphore, #tpu.memory_space<semaphore_mem>>)
    %dma_start3A_19 = arith.constant 2 : i32
    %dma_start3A_20 = arith.constant 0 : i32
    %dma_start3A_21 = tpu.memref_slice %arg7[%dma_start3A_19, %dma_start3A_20] : memref<80x128xi32, #tpu.memory_space<vmem>> -> memref<1x128xi32, #tpu.memory_space<vmem>>
    %dma_start3A_22 = tpu.memref_squeeze %dma_start3A_21 : memref<1x128xi32, #tpu.memory_space<vmem>> -> memref<128xi32, #tpu.memory_space<vmem>>
    %dma_start3A_23 = arith.constant 0 : i32
    %dma_start3A_24 = arith.constant 0 : i32
    %dma_start3A_25 = tpu.memref_slice %arg2[%dma_start3A_23, %dma_start3A_24] : memref<10240x64xf32, #tpu.memory_space<hbm>> -> memref<10240x64xf32, #tpu.memory_space<hbm>>
    tpu.enqueue_indirect_dma source(%dma_start3A_25 : memref<10240x64xf32, #tpu.memory_space<hbm>>) target(%arg11 : memref<128x64xf32, #tpu.memory_space<vmem>>) offsets(%dma_start3A_22 : memref<128xi32, #tpu.memory_space<vmem>>) semaphore(%arg20 : memref<!tpu.dma_semaphore, #tpu.memory_space<semaphore_mem>>)
    %dma_start3A_26 = arith.constant 3 : i32
    %dma_start3A_27 = arith.constant 0 : i32
    %dma_start3A_28 = tpu.memref_slice %arg7[%dma_start3A_26, %dma_start3A_27] : memref<80x128xi32, #tpu.memory_space<vmem>> -> memref<1x128xi32, #tpu.memory_space<vmem>>
    %dma_start3A_29 = tpu.memref_squeeze %dma_start3A_28 : memref<1x128xi32, #tpu.memory_space<vmem>> -> memref<128xi32, #tpu.memory_space<vmem>>
    %dma_start3A_30 = arith.constant 0 : i32
    %dma_start3A_31 = arith.constant 0 : i32
    %dma_start3A_32 = tpu.memref_slice %arg2[%dma_start3A_30, %dma_start3A_31] : memref<10240x64xf32, #tpu.memory_space<hbm>> -> memref<10240x64xf32, #tpu.memory_space<hbm>>
    tpu.enqueue_indirect_dma source(%dma_start3A_32 : memref<10240x64xf32, #tpu.memory_space<hbm>>) target(%arg12 : memref<128x64xf32, #tpu.memory_space<vmem>>) offsets(%dma_start3A_29 : memref<128xi32, #tpu.memory_space<vmem>>) semaphore(%arg21 : memref<!tpu.dma_semaphore, #tpu.memory_space<semaphore_mem>>)
    %dma_start3A_33 = arith.constant 4 : i32
    %dma_start3A_34 = arith.constant 0 : i32
    %dma_start3A_35 = tpu.memref_slice %arg7[%dma_start3A_33, %dma_start3A_34] : memref<80x128xi32, #tpu.memory_space<vmem>> -> memref<1x128xi32, #tpu.memory_space<vmem>>
    %dma_start3A_36 = tpu.memref_squeeze %dma_start3A_35 : memref<1x128xi32, #tpu.memory_space<vmem>> -> memref<128xi32, #tpu.memory_space<vmem>>
    %dma_start3A_37 = arith.constant 0 : i32
    %dma_start3A_38 = arith.constant 0 : i32
    %dma_start3A_39 = tpu.memref_slice %arg2[%dma_start3A_37, %dma_start3A_38] : memref<10240x64xf32, #tpu.memory_space<hbm>> -> memref<10240x64xf32, #tpu.memory_space<hbm>>
    tpu.enqueue_indirect_dma source(%dma_start3A_39 : memref<10240x64xf32, #tpu.memory_space<hbm>>) target(%arg13 : memref<128x64xf32, #tpu.memory_space<vmem>>) offsets(%dma_start3A_36 : memref<128xi32, #tpu.memory_space<vmem>>) semaphore(%arg22 : memref<!tpu.dma_semaphore, #tpu.memory_space<semaphore_mem>>)
    %dma_start3A_40 = arith.constant 5 : i32
    %dma_start3A_41 = arith.constant 0 : i32
    %dma_start3A_42 = tpu.memref_slice %arg7[%dma_start3A_40, %dma_start3A_41] : memref<80x128xi32, #tpu.memory_space<vmem>> -> memref<1x128xi32, #tpu.memory_space<vmem>>
    %dma_start3A_43 = tpu.memref_squeeze %dma_start3A_42 : memref<1x128xi32, #tpu.memory_space<vmem>> -> memref<128xi32, #tpu.memory_space<vmem>>
    %dma_start3A_44 = arith.constant 0 : i32
    %dma_start3A_45 = arith.constant 0 : i32
    %dma_start3A_46 = tpu.memref_slice %arg2[%dma_start3A_44, %dma_start3A_45] : memref<10240x64xf32, #tpu.memory_space<hbm>> -> memref<10240x64xf32, #tpu.memory_space<hbm>>
    tpu.enqueue_indirect_dma source(%dma_start3A_46 : memref<10240x64xf32, #tpu.memory_space<hbm>>) target(%arg14 : memref<128x64xf32, #tpu.memory_space<vmem>>) offsets(%dma_start3A_43 : memref<128xi32, #tpu.memory_space<vmem>>) semaphore(%arg23 : memref<!tpu.dma_semaphore, #tpu.memory_space<semaphore_mem>>)
    %dma_start3A_47 = arith.constant 6 : i32
    %dma_start3A_48 = arith.constant 0 : i32
    %dma_start3A_49 = tpu.memref_slice %arg7[%dma_start3A_47, %dma_start3A_48] : memref<80x128xi32, #tpu.memory_space<vmem>> -> memref<1x128xi32, #tpu.memory_space<vmem>>
    %dma_start3A_50 = tpu.memref_squeeze %dma_start3A_49 : memref<1x128xi32, #tpu.memory_space<vmem>> -> memref<128xi32, #tpu.memory_space<vmem>>
    %dma_start3A_51 = arith.constant 0 : i32
    %dma_start3A_52 = arith.constant 0 : i32
    %dma_start3A_53 = tpu.memref_slice %arg2[%dma_start3A_51, %dma_start3A_52] : memref<10240x64xf32, #tpu.memory_space<hbm>> -> memref<10240x64xf32, #tpu.memory_space<hbm>>
    tpu.enqueue_indirect_dma source(%dma_start3A_53 : memref<10240x64xf32, #tpu.memory_space<hbm>>) target(%arg15 : memref<128x64xf32, #tpu.memory_space<vmem>>) offsets(%dma_start3A_50 : memref<128xi32, #tpu.memory_space<vmem>>) semaphore(%arg24 : memref<!tpu.dma_semaphore, #tpu.memory_space<semaphore_mem>>)
    %dma_start3A_54 = arith.constant 7 : i32
    %dma_start3A_55 = arith.constant 0 : i32
    %dma_start3A_56 = tpu.memref_slice %arg7[%dma_start3A_54, %dma_start3A_55] : memref<80x128xi32, #tpu.memory_space<vmem>> -> memref<1x128xi32, #tpu.memory_space<vmem>>
    %dma_start3A_57 = tpu.memref_squeeze %dma_start3A_56 : memref<1x128xi32, #tpu.memory_space<vmem>> -> memref<128xi32, #tpu.memory_space<vmem>>
    %dma_start3A_58 = arith.constant 0 : i32
    %dma_start3A_59 = arith.constant 0 : i32
    %dma_start3A_60 = tpu.memref_slice %arg2[%dma_start3A_58, %dma_start3A_59] : memref<10240x64xf32, #tpu.memory_space<hbm>> -> memref<10240x64xf32, #tpu.memory_space<hbm>>
    tpu.enqueue_indirect_dma source(%dma_start3A_60 : memref<10240x64xf32, #tpu.memory_space<hbm>>) target(%arg16 : memref<128x64xf32, #tpu.memory_space<vmem>>) offsets(%dma_start3A_57 : memref<128xi32, #tpu.memory_space<vmem>>) semaphore(%arg25 : memref<!tpu.dma_semaphore, #tpu.memory_space<semaphore_mem>>)
    %scan3A = arith.constant 0 : i32
    %scan3A_61 = arith.constant 9 : i32
    %scan3A_62 = arith.addi %scan3A, %scan3A_61 : i32
    %scan3A_63 = arith.constant 1 : i32
    scf.for %scan3A_240 = %scan3A to %scan3A_62 step %scan3A_63  : i32 {
      %mul3A_241 = arith.constant 1 : i32
      %mul3A_242 = arith.muli %scan3A_240, %mul3A_241 : i32
      %add3A_243 = arith.constant 0 : i32
      %add3A_244 = arith.addi %add3A_243, %mul3A_242 : i32
      %mul3A_245 = arith.constant 8 : i32
      %mul3A_246 = arith.muli %mul3A_245, %add3A_244 : i32
      %add3A_247 = arith.constant 0 : i32
      %add3A_248 = arith.addi %mul3A_246, %add3A_247 : i32
      %dma_wait3A_249 = arith.constant 0 : i32
      %dma_wait3A_250 = tpu.memref_slice %arg7[%add3A_248, %dma_wait3A_249] : memref<80x128xi32, #tpu.memory_space<vmem>> -> memref<1x128xi32, #tpu.memory_space<vmem>>
      %dma_wait3A_251 = tpu.memref_squeeze %dma_wait3A_250 : memref<1x128xi32, #tpu.memory_space<vmem>> -> memref<128xi32, #tpu.memory_space<vmem>>
      %dma_wait3A_252 = arith.constant 0 : i32
      %dma_wait3A_253 = arith.constant 0 : i32
      %dma_wait3A_254 = tpu.memref_slice %arg2[%dma_wait3A_252, %dma_wait3A_253] : memref<10240x64xf32, #tpu.memory_space<hbm>> -> memref<10240x64xf32, #tpu.memory_space<hbm>>
      tpu.wait_indirect_dma semaphore(%arg18 : memref<!tpu.dma_semaphore, #tpu.memory_space<semaphore_mem>>) src(%dma_wait3A_254 : memref<10240x64xf32, #tpu.memory_space<hbm>>) dst(%arg9 : memref<128x64xf32, #tpu.memory_space<vmem>>)
      %add3A_255 = arith.constant 0 : i32
      %add3A_256 = arith.addi %mul3A_246, %add3A_255 : i32
      %dma_start3A_257 = arith.constant 0 : i32
      %dma_start3A_258 = tpu.memref_slice %arg8[%add3A_256, %dma_start3A_257] : memref<80x128xi32, #tpu.memory_space<vmem>> -> memref<1x128xi32, #tpu.memory_space<vmem>>
      %dma_start3A_259 = tpu.memref_squeeze %dma_start3A_258 : memref<1x128xi32, #tpu.memory_space<vmem>> -> memref<128xi32, #tpu.memory_space<vmem>>
      %dma_start3A_260 = arith.constant 0 : i32
      %dma_start3A_261 = arith.constant 0 : i32
      %dma_start3A_262 = tpu.memref_slice %arg17[%dma_start3A_260, %dma_start3A_261] : memref<10240x64xf32, #tpu.memory_space<vmem_shared>> -> memref<10240x64xf32, #tpu.memory_space<vmem_shared>>
      tpu.enqueue_indirect_dma source(%arg9 : memref<128x64xf32, #tpu.memory_space<vmem>>) target(%dma_start3A_262 : memref<10240x64xf32, #tpu.memory_space<vmem_shared>>) offsets(%dma_start3A_259 : memref<128xi32, #tpu.memory_space<vmem>>) semaphore(%arg26 : memref<!tpu.dma_semaphore, #tpu.memory_space<semaphore_mem>>) {add = true}
      %add3A_263 = arith.constant 1 : i32
      %add3A_264 = arith.addi %mul3A_246, %add3A_263 : i32
      %dma_wait3A_265 = arith.constant 0 : i32
      %dma_wait3A_266 = tpu.memref_slice %arg7[%add3A_264, %dma_wait3A_265] : memref<80x128xi32, #tpu.memory_space<vmem>> -> memref<1x128xi32, #tpu.memory_space<vmem>>
      %dma_wait3A_267 = tpu.memref_squeeze %dma_wait3A_266 : memref<1x128xi32, #tpu.memory_space<vmem>> -> memref<128xi32, #tpu.memory_space<vmem>>
      %dma_wait3A_268 = arith.constant 0 : i32
      %dma_wait3A_269 = arith.constant 0 : i32
      %dma_wait3A_270 = tpu.memref_slice %arg2[%dma_wait3A_268, %dma_wait3A_269] : memref<10240x64xf32, #tpu.memory_space<hbm>> -> memref<10240x64xf32, #tpu.memory_space<hbm>>
      tpu.wait_indirect_dma semaphore(%arg19 : memref<!tpu.dma_semaphore, #tpu.memory_space<semaphore_mem>>) src(%dma_wait3A_270 : memref<10240x64xf32, #tpu.memory_space<hbm>>) dst(%arg10 : memref<128x64xf32, #tpu.memory_space<vmem>>)
      %add3A_271 = arith.constant 1 : i32
      %add3A_272 = arith.addi %mul3A_246, %add3A_271 : i32
      %dma_start3A_273 = arith.constant 0 : i32
      %dma_start3A_274 = tpu.memref_slice %arg8[%add3A_272, %dma_start3A_273] : memref<80x128xi32, #tpu.memory_space<vmem>> -> memref<1x128xi32, #tpu.memory_space<vmem>>
      %dma_start3A_275 = tpu.memref_squeeze %dma_start3A_274 : memref<1x128xi32, #tpu.memory_space<vmem>> -> memref<128xi32, #tpu.memory_space<vmem>>
      %dma_start3A_276 = arith.constant 0 : i32
      %dma_start3A_277 = arith.constant 0 : i32
      %dma_start3A_278 = tpu.memref_slice %arg17[%dma_start3A_276, %dma_start3A_277] : memref<10240x64xf32, #tpu.memory_space<vmem_shared>> -> memref<10240x64xf32, #tpu.memory_space<vmem_shared>>
      tpu.enqueue_indirect_dma source(%arg10 : memref<128x64xf32, #tpu.memory_space<vmem>>) target(%dma_start3A_278 : memref<10240x64xf32, #tpu.memory_space<vmem_shared>>) offsets(%dma_start3A_275 : memref<128xi32, #tpu.memory_space<vmem>>) semaphore(%arg27 : memref<!tpu.dma_semaphore, #tpu.memory_space<semaphore_mem>>) {add = true}
      %add3A_279 = arith.constant 2 : i32
      %add3A_280 = arith.addi %mul3A_246, %add3A_279 : i32
      %dma_wait3A_281 = arith.constant 0 : i32
      %dma_wait3A_282 = tpu.memref_slice %arg7[%add3A_280, %dma_wait3A_281] : memref<80x128xi32, #tpu.memory_space<vmem>> -> memref<1x128xi32, #tpu.memory_space<vmem>>
      %dma_wait3A_283 = tpu.memref_squeeze %dma_wait3A_282 : memref<1x128xi32, #tpu.memory_space<vmem>> -> memref<128xi32, #tpu.memory_space<vmem>>
      %dma_wait3A_284 = arith.constant 0 : i32
      %dma_wait3A_285 = arith.constant 0 : i32
      %dma_wait3A_286 = tpu.memref_slice %arg2[%dma_wait3A_284, %dma_wait3A_285] : memref<10240x64xf32, #tpu.memory_space<hbm>> -> memref<10240x64xf32, #tpu.memory_space<hbm>>
      tpu.wait_indirect_dma semaphore(%arg20 : memref<!tpu.dma_semaphore, #tpu.memory_space<semaphore_mem>>) src(%dma_wait3A_286 : memref<10240x64xf32, #tpu.memory_space<hbm>>) dst(%arg11 : memref<128x64xf32, #tpu.memory_space<vmem>>)
      %add3A_287 = arith.constant 2 : i32
      %add3A_288 = arith.addi %mul3A_246, %add3A_287 : i32
      %dma_start3A_289 = arith.constant 0 : i32
      %dma_start3A_290 = tpu.memref_slice %arg8[%add3A_288, %dma_start3A_289] : memref<80x128xi32, #tpu.memory_space<vmem>> -> memref<1x128xi32, #tpu.memory_space<vmem>>
      %dma_start3A_291 = tpu.memref_squeeze %dma_start3A_290 : memref<1x128xi32, #tpu.memory_space<vmem>> -> memref<128xi32, #tpu.memory_space<vmem>>
      %dma_start3A_292 = arith.constant 0 : i32
      %dma_start3A_293 = arith.constant 0 : i32
      %dma_start3A_294 = tpu.memref_slice %arg17[%dma_start3A_292, %dma_start3A_293] : memref<10240x64xf32, #tpu.memory_space<vmem_shared>> -> memref<10240x64xf32, #tpu.memory_space<vmem_shared>>
      tpu.enqueue_indirect_dma source(%arg11 : memref<128x64xf32, #tpu.memory_space<vmem>>) target(%dma_start3A_294 : memref<10240x64xf32, #tpu.memory_space<vmem_shared>>) offsets(%dma_start3A_291 : memref<128xi32, #tpu.memory_space<vmem>>) semaphore(%arg28 : memref<!tpu.dma_semaphore, #tpu.memory_space<semaphore_mem>>) {add = true}
      %add3A_295 = arith.constant 3 : i32
      %add3A_296 = arith.addi %mul3A_246, %add3A_295 : i32
      %dma_wait3A_297 = arith.constant 0 : i32
      %dma_wait3A_298 = tpu.memref_slice %arg7[%add3A_296, %dma_wait3A_297] : memref<80x128xi32, #tpu.memory_space<vmem>> -> memref<1x128xi32, #tpu.memory_space<vmem>>
      %dma_wait3A_299 = tpu.memref_squeeze %dma_wait3A_298 : memref<1x128xi32, #tpu.memory_space<vmem>> -> memref<128xi32, #tpu.memory_space<vmem>>
      %dma_wait3A_300 = arith.constant 0 : i32
      %dma_wait3A_301 = arith.constant 0 : i32
      %dma_wait3A_302 = tpu.memref_slice %arg2[%dma_wait3A_300, %dma_wait3A_301] : memref<10240x64xf32, #tpu.memory_space<hbm>> -> memref<10240x64xf32, #tpu.memory_space<hbm>>
      tpu.wait_indirect_dma semaphore(%arg21 : memref<!tpu.dma_semaphore, #tpu.memory_space<semaphore_mem>>) src(%dma_wait3A_302 : memref<10240x64xf32, #tpu.memory_space<hbm>>) dst(%arg12 : memref<128x64xf32, #tpu.memory_space<vmem>>)
      %add3A_303 = arith.constant 3 : i32
      %add3A_304 = arith.addi %mul3A_246, %add3A_303 : i32
      %dma_start3A_305 = arith.constant 0 : i32
      %dma_start3A_306 = tpu.memref_slice %arg8[%add3A_304, %dma_start3A_305] : memref<80x128xi32, #tpu.memory_space<vmem>> -> memref<1x128xi32, #tpu.memory_space<vmem>>
      %dma_start3A_307 = tpu.memref_squeeze %dma_start3A_306 : memref<1x128xi32, #tpu.memory_space<vmem>> -> memref<128xi32, #tpu.memory_space<vmem>>
      %dma_start3A_308 = arith.constant 0 : i32
      %dma_start3A_309 = arith.constant 0 : i32
      %dma_start3A_310 = tpu.memref_slice %arg17[%dma_start3A_308, %dma_start3A_309] : memref<10240x64xf32, #tpu.memory_space<vmem_shared>> -> memref<10240x64xf32, #tpu.memory_space<vmem_shared>>
      tpu.enqueue_indirect_dma source(%arg12 : memref<128x64xf32, #tpu.memory_space<vmem>>) target(%dma_start3A_310 : memref<10240x64xf32, #tpu.memory_space<vmem_shared>>) offsets(%dma_start3A_307 : memref<128xi32, #tpu.memory_space<vmem>>) semaphore(%arg29 : memref<!tpu.dma_semaphore, #tpu.memory_space<semaphore_mem>>) {add = true}
      %add3A_311 = arith.constant 4 : i32
      %add3A_312 = arith.addi %mul3A_246, %add3A_311 : i32
      %dma_wait3A_313 = arith.constant 0 : i32
      %dma_wait3A_314 = tpu.memref_slice %arg7[%add3A_312, %dma_wait3A_313] : memref<80x128xi32, #tpu.memory_space<vmem>> -> memref<1x128xi32, #tpu.memory_space<vmem>>
      %dma_wait3A_315 = tpu.memref_squeeze %dma_wait3A_314 : memref<1x128xi32, #tpu.memory_space<vmem>> -> memref<128xi32, #tpu.memory_space<vmem>>
      %dma_wait3A_316 = arith.constant 0 : i32
      %dma_wait3A_317 = arith.constant 0 : i32
      %dma_wait3A_318 = tpu.memref_slice %arg2[%dma_wait3A_316, %dma_wait3A_317] : memref<10240x64xf32, #tpu.memory_space<hbm>> -> memref<10240x64xf32, #tpu.memory_space<hbm>>
      tpu.wait_indirect_dma semaphore(%arg22 : memref<!tpu.dma_semaphore, #tpu.memory_space<semaphore_mem>>) src(%dma_wait3A_318 : memref<10240x64xf32, #tpu.memory_space<hbm>>) dst(%arg13 : memref<128x64xf32, #tpu.memory_space<vmem>>)
      %add3A_319 = arith.constant 4 : i32
      %add3A_320 = arith.addi %mul3A_246, %add3A_319 : i32
      %dma_start3A_321 = arith.constant 0 : i32
      %dma_start3A_322 = tpu.memref_slice %arg8[%add3A_320, %dma_start3A_321] : memref<80x128xi32, #tpu.memory_space<vmem>> -> memref<1x128xi32, #tpu.memory_space<vmem>>
      %dma_start3A_323 = tpu.memref_squeeze %dma_start3A_322 : memref<1x128xi32, #tpu.memory_space<vmem>> -> memref<128xi32, #tpu.memory_space<vmem>>
      %dma_start3A_324 = arith.constant 0 : i32
      %dma_start3A_325 = arith.constant 0 : i32
      %dma_start3A_326 = tpu.memref_slice %arg17[%dma_start3A_324, %dma_start3A_325] : memref<10240x64xf32, #tpu.memory_space<vmem_shared>> -> memref<10240x64xf32, #tpu.memory_space<vmem_shared>>
      tpu.enqueue_indirect_dma source(%arg13 : memref<128x64xf32, #tpu.memory_space<vmem>>) target(%dma_start3A_326 : memref<10240x64xf32, #tpu.memory_space<vmem_shared>>) offsets(%dma_start3A_323 : memref<128xi32, #tpu.memory_space<vmem>>) semaphore(%arg30 : memref<!tpu.dma_semaphore, #tpu.memory_space<semaphore_mem>>) {add = true}
      %add3A_327 = arith.constant 5 : i32
      %add3A_328 = arith.addi %mul3A_246, %add3A_327 : i32
      %dma_wait3A_329 = arith.constant 0 : i32
      %dma_wait3A_330 = tpu.memref_slice %arg7[%add3A_328, %dma_wait3A_329] : memref<80x128xi32, #tpu.memory_space<vmem>> -> memref<1x128xi32, #tpu.memory_space<vmem>>
      %dma_wait3A_331 = tpu.memref_squeeze %dma_wait3A_330 : memref<1x128xi32, #tpu.memory_space<vmem>> -> memref<128xi32, #tpu.memory_space<vmem>>
      %dma_wait3A_332 = arith.constant 0 : i32
      %dma_wait3A_333 = arith.constant 0 : i32
      %dma_wait3A_334 = tpu.memref_slice %arg2[%dma_wait3A_332, %dma_wait3A_333] : memref<10240x64xf32, #tpu.memory_space<hbm>> -> memref<10240x64xf32, #tpu.memory_space<hbm>>
      tpu.wait_indirect_dma semaphore(%arg23 : memref<!tpu.dma_semaphore, #tpu.memory_space<semaphore_mem>>) src(%dma_wait3A_334 : memref<10240x64xf32, #tpu.memory_space<hbm>>) dst(%arg14 : memref<128x64xf32, #tpu.memory_space<vmem>>)
      %add3A_335 = arith.constant 5 : i32
      %add3A_336 = arith.addi %mul3A_246, %add3A_335 : i32
      %dma_start3A_337 = arith.constant 0 : i32
      %dma_start3A_338 = tpu.memref_slice %arg8[%add3A_336, %dma_start3A_337] : memref<80x128xi32, #tpu.memory_space<vmem>> -> memref<1x128xi32, #tpu.memory_space<vmem>>
      %dma_start3A_339 = tpu.memref_squeeze %dma_start3A_338 : memref<1x128xi32, #tpu.memory_space<vmem>> -> memref<128xi32, #tpu.memory_space<vmem>>
      %dma_start3A_340 = arith.constant 0 : i32
      %dma_start3A_341 = arith.constant 0 : i32
      %dma_start3A_342 = tpu.memref_slice %arg17[%dma_start3A_340, %dma_start3A_341] : memref<10240x64xf32, #tpu.memory_space<vmem_shared>> -> memref<10240x64xf32, #tpu.memory_space<vmem_shared>>
      tpu.enqueue_indirect_dma source(%arg14 : memref<128x64xf32, #tpu.memory_space<vmem>>) target(%dma_start3A_342 : memref<10240x64xf32, #tpu.memory_space<vmem_shared>>) offsets(%dma_start3A_339 : memref<128xi32, #tpu.memory_space<vmem>>) semaphore(%arg31 : memref<!tpu.dma_semaphore, #tpu.memory_space<semaphore_mem>>) {add = true}
      %add3A_343 = arith.constant 6 : i32
      %add3A_344 = arith.addi %mul3A_246, %add3A_343 : i32
      %dma_wait3A_345 = arith.constant 0 : i32
      %dma_wait3A_346 = tpu.memref_slice %arg7[%add3A_344, %dma_wait3A_345] : memref<80x128xi32, #tpu.memory_space<vmem>> -> memref<1x128xi32, #tpu.memory_space<vmem>>
      %dma_wait3A_347 = tpu.memref_squeeze %dma_wait3A_346 : memref<1x128xi32, #tpu.memory_space<vmem>> -> memref<128xi32, #tpu.memory_space<vmem>>
      %dma_wait3A_348 = arith.constant 0 : i32
      %dma_wait3A_349 = arith.constant 0 : i32
      %dma_wait3A_350 = tpu.memref_slice %arg2[%dma_wait3A_348, %dma_wait3A_349] : memref<10240x64xf32, #tpu.memory_space<hbm>> -> memref<10240x64xf32, #tpu.memory_space<hbm>>
      tpu.wait_indirect_dma semaphore(%arg24 : memref<!tpu.dma_semaphore, #tpu.memory_space<semaphore_mem>>) src(%dma_wait3A_350 : memref<10240x64xf32, #tpu.memory_space<hbm>>) dst(%arg15 : memref<128x64xf32, #tpu.memory_space<vmem>>)
      %add3A_351 = arith.constant 6 : i32
      %add3A_352 = arith.addi %mul3A_246, %add3A_351 : i32
      %dma_start3A_353 = arith.constant 0 : i32
      %dma_start3A_354 = tpu.memref_slice %arg8[%add3A_352, %dma_start3A_353] : memref<80x128xi32, #tpu.memory_space<vmem>> -> memref<1x128xi32, #tpu.memory_space<vmem>>
      %dma_start3A_355 = tpu.memref_squeeze %dma_start3A_354 : memref<1x128xi32, #tpu.memory_space<vmem>> -> memref<128xi32, #tpu.memory_space<vmem>>
      %dma_start3A_356 = arith.constant 0 : i32
      %dma_start3A_357 = arith.constant 0 : i32
      %dma_start3A_358 = tpu.memref_slice %arg17[%dma_start3A_356, %dma_start3A_357] : memref<10240x64xf32, #tpu.memory_space<vmem_shared>> -> memref<10240x64xf32, #tpu.memory_space<vmem_shared>>
      tpu.enqueue_indirect_dma source(%arg15 : memref<128x64xf32, #tpu.memory_space<vmem>>) target(%dma_start3A_358 : memref<10240x64xf32, #tpu.memory_space<vmem_shared>>) offsets(%dma_start3A_355 : memref<128xi32, #tpu.memory_space<vmem>>) semaphore(%arg32 : memref<!tpu.dma_semaphore, #tpu.memory_space<semaphore_mem>>) {add = true}
      %add3A_359 = arith.constant 7 : i32
      %add3A_360 = arith.addi %mul3A_246, %add3A_359 : i32
      %dma_wait3A_361 = arith.constant 0 : i32
      %dma_wait3A_362 = tpu.memref_slice %arg7[%add3A_360, %dma_wait3A_361] : memref<80x128xi32, #tpu.memory_space<vmem>> -> memref<1x128xi32, #tpu.memory_space<vmem>>
      %dma_wait3A_363 = tpu.memref_squeeze %dma_wait3A_362 : memref<1x128xi32, #tpu.memory_space<vmem>> -> memref<128xi32, #tpu.memory_space<vmem>>
      %dma_wait3A_364 = arith.constant 0 : i32
      %dma_wait3A_365 = arith.constant 0 : i32
      %dma_wait3A_366 = tpu.memref_slice %arg2[%dma_wait3A_364, %dma_wait3A_365] : memref<10240x64xf32, #tpu.memory_space<hbm>> -> memref<10240x64xf32, #tpu.memory_space<hbm>>
      tpu.wait_indirect_dma semaphore(%arg25 : memref<!tpu.dma_semaphore, #tpu.memory_space<semaphore_mem>>) src(%dma_wait3A_366 : memref<10240x64xf32, #tpu.memory_space<hbm>>) dst(%arg16 : memref<128x64xf32, #tpu.memory_space<vmem>>)
      %add3A_367 = arith.constant 7 : i32
      %add3A_368 = arith.addi %mul3A_246, %add3A_367 : i32
      %dma_start3A_369 = arith.constant 0 : i32
      %dma_start3A_370 = tpu.memref_slice %arg8[%add3A_368, %dma_start3A_369] : memref<80x128xi32, #tpu.memory_space<vmem>> -> memref<1x128xi32, #tpu.memory_space<vmem>>
      %dma_start3A_371 = tpu.memref_squeeze %dma_start3A_370 : memref<1x128xi32, #tpu.memory_space<vmem>> -> memref<128xi32, #tpu.memory_space<vmem>>
      %dma_start3A_372 = arith.constant 0 : i32
      %dma_start3A_373 = arith.constant 0 : i32
      %dma_start3A_374 = tpu.memref_slice %arg17[%dma_start3A_372, %dma_start3A_373] : memref<10240x64xf32, #tpu.memory_space<vmem_shared>> -> memref<10240x64xf32, #tpu.memory_space<vmem_shared>>
      tpu.enqueue_indirect_dma source(%arg16 : memref<128x64xf32, #tpu.memory_space<vmem>>) target(%dma_start3A_374 : memref<10240x64xf32, #tpu.memory_space<vmem_shared>>) offsets(%dma_start3A_371 : memref<128xi32, #tpu.memory_space<vmem>>) semaphore(%arg33 : memref<!tpu.dma_semaphore, #tpu.memory_space<semaphore_mem>>) {add = true}
      %add3A_375 = arith.constant 0 : i32
      %add3A_376 = arith.addi %mul3A_246, %add3A_375 : i32
      %dma_wait3A_377 = arith.constant 0 : i32
      %dma_wait3A_378 = tpu.memref_slice %arg8[%add3A_376, %dma_wait3A_377] : memref<80x128xi32, #tpu.memory_space<vmem>> -> memref<1x128xi32, #tpu.memory_space<vmem>>
      %dma_wait3A_379 = tpu.memref_squeeze %dma_wait3A_378 : memref<1x128xi32, #tpu.memory_space<vmem>> -> memref<128xi32, #tpu.memory_space<vmem>>
      %dma_wait3A_380 = arith.constant 0 : i32
      %dma_wait3A_381 = arith.constant 0 : i32
      %dma_wait3A_382 = tpu.memref_slice %arg17[%dma_wait3A_380, %dma_wait3A_381] : memref<10240x64xf32, #tpu.memory_space<vmem_shared>> -> memref<10240x64xf32, #tpu.memory_space<vmem_shared>>
      tpu.wait_indirect_dma semaphore(%arg26 : memref<!tpu.dma_semaphore, #tpu.memory_space<semaphore_mem>>) src(%arg9 : memref<128x64xf32, #tpu.memory_space<vmem>>) dst(%dma_wait3A_382 : memref<10240x64xf32, #tpu.memory_space<vmem_shared>>)
      %add3A_383 = arith.constant 0 : i32
      %add3A_384 = arith.addi %mul3A_246, %add3A_383 : i32
      %add3A_385 = arith.constant 8 : i32
      %add3A_386 = arith.addi %add3A_384, %add3A_385 : i32
      %dma_start3A_387 = arith.constant 0 : i32
      %dma_start3A_388 = tpu.memref_slice %arg7[%add3A_386, %dma_start3A_387] : memref<80x128xi32, #tpu.memory_space<vmem>> -> memref<1x128xi32, #tpu.memory_space<vmem>>
      %dma_start3A_389 = tpu.memref_squeeze %dma_start3A_388 : memref<1x128xi32, #tpu.memory_space<vmem>> -> memref<128xi32, #tpu.memory_space<vmem>>
      %dma_start3A_390 = arith.constant 0 : i32
      %dma_start3A_391 = arith.constant 0 : i32
      %dma_start3A_392 = tpu.memref_slice %arg2[%dma_start3A_390, %dma_start3A_391] : memref<10240x64xf32, #tpu.memory_space<hbm>> -> memref<10240x64xf32, #tpu.memory_space<hbm>>
      tpu.enqueue_indirect_dma source(%dma_start3A_392 : memref<10240x64xf32, #tpu.memory_space<hbm>>) target(%arg9 : memref<128x64xf32, #tpu.memory_space<vmem>>) offsets(%dma_start3A_389 : memref<128xi32, #tpu.memory_space<vmem>>) semaphore(%arg18 : memref<!tpu.dma_semaphore, #tpu.memory_space<semaphore_mem>>)
      %add3A_393 = arith.constant 1 : i32
      %add3A_394 = arith.addi %mul3A_246, %add3A_393 : i32
      %dma_wait3A_395 = arith.constant 0 : i32
      %dma_wait3A_396 = tpu.memref_slice %arg8[%add3A_394, %dma_wait3A_395] : memref<80x128xi32, #tpu.memory_space<vmem>> -> memref<1x128xi32, #tpu.memory_space<vmem>>
      %dma_wait3A_397 = tpu.memref_squeeze %dma_wait3A_396 : memref<1x128xi32, #tpu.memory_space<vmem>> -> memref<128xi32, #tpu.memory_space<vmem>>
      %dma_wait3A_398 = arith.constant 0 : i32
      %dma_wait3A_399 = arith.constant 0 : i32
      %dma_wait3A_400 = tpu.memref_slice %arg17[%dma_wait3A_398, %dma_wait3A_399] : memref<10240x64xf32, #tpu.memory_space<vmem_shared>> -> memref<10240x64xf32, #tpu.memory_space<vmem_shared>>
      tpu.wait_indirect_dma semaphore(%arg27 : memref<!tpu.dma_semaphore, #tpu.memory_space<semaphore_mem>>) src(%arg10 : memref<128x64xf32, #tpu.memory_space<vmem>>) dst(%dma_wait3A_400 : memref<10240x64xf32, #tpu.memory_space<vmem_shared>>)
      %add3A_401 = arith.constant 1 : i32
      %add3A_402 = arith.addi %mul3A_246, %add3A_401 : i32
      %add3A_403 = arith.constant 8 : i32
      %add3A_404 = arith.addi %add3A_402, %add3A_403 : i32
      %dma_start3A_405 = arith.constant 0 : i32
      %dma_start3A_406 = tpu.memref_slice %arg7[%add3A_404, %dma_start3A_405] : memref<80x128xi32, #tpu.memory_space<vmem>> -> memref<1x128xi32, #tpu.memory_space<vmem>>
      %dma_start3A_407 = tpu.memref_squeeze %dma_start3A_406 : memref<1x128xi32, #tpu.memory_space<vmem>> -> memref<128xi32, #tpu.memory_space<vmem>>
      %dma_start3A_408 = arith.constant 0 : i32
      %dma_start3A_409 = arith.constant 0 : i32
      %dma_start3A_410 = tpu.memref_slice %arg2[%dma_start3A_408, %dma_start3A_409] : memref<10240x64xf32, #tpu.memory_space<hbm>> -> memref<10240x64xf32, #tpu.memory_space<hbm>>
      tpu.enqueue_indirect_dma source(%dma_start3A_410 : memref<10240x64xf32, #tpu.memory_space<hbm>>) target(%arg10 : memref<128x64xf32, #tpu.memory_space<vmem>>) offsets(%dma_start3A_407 : memref<128xi32, #tpu.memory_space<vmem>>) semaphore(%arg19 : memref<!tpu.dma_semaphore, #tpu.memory_space<semaphore_mem>>)
      %add3A_411 = arith.constant 2 : i32
      %add3A_412 = arith.addi %mul3A_246, %add3A_411 : i32
      %dma_wait3A_413 = arith.constant 0 : i32
      %dma_wait3A_414 = tpu.memref_slice %arg8[%add3A_412, %dma_wait3A_413] : memref<80x128xi32, #tpu.memory_space<vmem>> -> memref<1x128xi32, #tpu.memory_space<vmem>>
      %dma_wait3A_415 = tpu.memref_squeeze %dma_wait3A_414 : memref<1x128xi32, #tpu.memory_space<vmem>> -> memref<128xi32, #tpu.memory_space<vmem>>
      %dma_wait3A_416 = arith.constant 0 : i32
      %dma_wait3A_417 = arith.constant 0 : i32
      %dma_wait3A_418 = tpu.memref_slice %arg17[%dma_wait3A_416, %dma_wait3A_417] : memref<10240x64xf32, #tpu.memory_space<vmem_shared>> -> memref<10240x64xf32, #tpu.memory_space<vmem_shared>>
      tpu.wait_indirect_dma semaphore(%arg28 : memref<!tpu.dma_semaphore, #tpu.memory_space<semaphore_mem>>) src(%arg11 : memref<128x64xf32, #tpu.memory_space<vmem>>) dst(%dma_wait3A_418 : memref<10240x64xf32, #tpu.memory_space<vmem_shared>>)
      %add3A_419 = arith.constant 2 : i32
      %add3A_420 = arith.addi %mul3A_246, %add3A_419 : i32
      %add3A_421 = arith.constant 8 : i32
      %add3A_422 = arith.addi %add3A_420, %add3A_421 : i32
      %dma_start3A_423 = arith.constant 0 : i32
      %dma_start3A_424 = tpu.memref_slice %arg7[%add3A_422, %dma_start3A_423] : memref<80x128xi32, #tpu.memory_space<vmem>> -> memref<1x128xi32, #tpu.memory_space<vmem>>
      %dma_start3A_425 = tpu.memref_squeeze %dma_start3A_424 : memref<1x128xi32, #tpu.memory_space<vmem>> -> memref<128xi32, #tpu.memory_space<vmem>>
      %dma_start3A_426 = arith.constant 0 : i32
      %dma_start3A_427 = arith.constant 0 : i32
      %dma_start3A_428 = tpu.memref_slice %arg2[%dma_start3A_426, %dma_start3A_427] : memref<10240x64xf32, #tpu.memory_space<hbm>> -> memref<10240x64xf32, #tpu.memory_space<hbm>>
      tpu.enqueue_indirect_dma source(%dma_start3A_428 : memref<10240x64xf32, #tpu.memory_space<hbm>>) target(%arg11 : memref<128x64xf32, #tpu.memory_space<vmem>>) offsets(%dma_start3A_425 : memref<128xi32, #tpu.memory_space<vmem>>) semaphore(%arg20 : memref<!tpu.dma_semaphore, #tpu.memory_space<semaphore_mem>>)
      %add3A_429 = arith.constant 3 : i32
      %add3A_430 = arith.addi %mul3A_246, %add3A_429 : i32
      %dma_wait3A_431 = arith.constant 0 : i32
      %dma_wait3A_432 = tpu.memref_slice %arg8[%add3A_430, %dma_wait3A_431] : memref<80x128xi32, #tpu.memory_space<vmem>> -> memref<1x128xi32, #tpu.memory_space<vmem>>
      %dma_wait3A_433 = tpu.memref_squeeze %dma_wait3A_432 : memref<1x128xi32, #tpu.memory_space<vmem>> -> memref<128xi32, #tpu.memory_space<vmem>>
      %dma_wait3A_434 = arith.constant 0 : i32
      %dma_wait3A_435 = arith.constant 0 : i32
      %dma_wait3A_436 = tpu.memref_slice %arg17[%dma_wait3A_434, %dma_wait3A_435] : memref<10240x64xf32, #tpu.memory_space<vmem_shared>> -> memref<10240x64xf32, #tpu.memory_space<vmem_shared>>
      tpu.wait_indirect_dma semaphore(%arg29 : memref<!tpu.dma_semaphore, #tpu.memory_space<semaphore_mem>>) src(%arg12 : memref<128x64xf32, #tpu.memory_space<vmem>>) dst(%dma_wait3A_436 : memref<10240x64xf32, #tpu.memory_space<vmem_shared>>)
      %add3A_437 = arith.constant 3 : i32
      %add3A_438 = arith.addi %mul3A_246, %add3A_437 : i32
      %add3A_439 = arith.constant 8 : i32
      %add3A_440 = arith.addi %add3A_438, %add3A_439 : i32
      %dma_start3A_441 = arith.constant 0 : i32
      %dma_start3A_442 = tpu.memref_slice %arg7[%add3A_440, %dma_start3A_441] : memref<80x128xi32, #tpu.memory_space<vmem>> -> memref<1x128xi32, #tpu.memory_space<vmem>>
      %dma_start3A_443 = tpu.memref_squeeze %dma_start3A_442 : memref<1x128xi32, #tpu.memory_space<vmem>> -> memref<128xi32, #tpu.memory_space<vmem>>
      %dma_start3A_444 = arith.constant 0 : i32
      %dma_start3A_445 = arith.constant 0 : i32
      %dma_start3A_446 = tpu.memref_slice %arg2[%dma_start3A_444, %dma_start3A_445] : memref<10240x64xf32, #tpu.memory_space<hbm>> -> memref<10240x64xf32, #tpu.memory_space<hbm>>
      tpu.enqueue_indirect_dma source(%dma_start3A_446 : memref<10240x64xf32, #tpu.memory_space<hbm>>) target(%arg12 : memref<128x64xf32, #tpu.memory_space<vmem>>) offsets(%dma_start3A_443 : memref<128xi32, #tpu.memory_space<vmem>>) semaphore(%arg21 : memref<!tpu.dma_semaphore, #tpu.memory_space<semaphore_mem>>)
      %add3A_447 = arith.constant 4 : i32
      %add3A_448 = arith.addi %mul3A_246, %add3A_447 : i32
      %dma_wait3A_449 = arith.constant 0 : i32
      %dma_wait3A_450 = tpu.memref_slice %arg8[%add3A_448, %dma_wait3A_449] : memref<80x128xi32, #tpu.memory_space<vmem>> -> memref<1x128xi32, #tpu.memory_space<vmem>>
      %dma_wait3A_451 = tpu.memref_squeeze %dma_wait3A_450 : memref<1x128xi32, #tpu.memory_space<vmem>> -> memref<128xi32, #tpu.memory_space<vmem>>
      %dma_wait3A_452 = arith.constant 0 : i32
      %dma_wait3A_453 = arith.constant 0 : i32
      %dma_wait3A_454 = tpu.memref_slice %arg17[%dma_wait3A_452, %dma_wait3A_453] : memref<10240x64xf32, #tpu.memory_space<vmem_shared>> -> memref<10240x64xf32, #tpu.memory_space<vmem_shared>>
      tpu.wait_indirect_dma semaphore(%arg30 : memref<!tpu.dma_semaphore, #tpu.memory_space<semaphore_mem>>) src(%arg13 : memref<128x64xf32, #tpu.memory_space<vmem>>) dst(%dma_wait3A_454 : memref<10240x64xf32, #tpu.memory_space<vmem_shared>>)
      %add3A_455 = arith.constant 4 : i32
      %add3A_456 = arith.addi %mul3A_246, %add3A_455 : i32
      %add3A_457 = arith.constant 8 : i32
      %add3A_458 = arith.addi %add3A_456, %add3A_457 : i32
      %dma_start3A_459 = arith.constant 0 : i32
      %dma_start3A_460 = tpu.memref_slice %arg7[%add3A_458, %dma_start3A_459] : memref<80x128xi32, #tpu.memory_space<vmem>> -> memref<1x128xi32, #tpu.memory_space<vmem>>
      %dma_start3A_461 = tpu.memref_squeeze %dma_start3A_460 : memref<1x128xi32, #tpu.memory_space<vmem>> -> memref<128xi32, #tpu.memory_space<vmem>>
      %dma_start3A_462 = arith.constant 0 : i32
      %dma_start3A_463 = arith.constant 0 : i32
      %dma_start3A_464 = tpu.memref_slice %arg2[%dma_start3A_462, %dma_start3A_463] : memref<10240x64xf32, #tpu.memory_space<hbm>> -> memref<10240x64xf32, #tpu.memory_space<hbm>>
      tpu.enqueue_indirect_dma source(%dma_start3A_464 : memref<10240x64xf32, #tpu.memory_space<hbm>>) target(%arg13 : memref<128x64xf32, #tpu.memory_space<vmem>>) offsets(%dma_start3A_461 : memref<128xi32, #tpu.memory_space<vmem>>) semaphore(%arg22 : memref<!tpu.dma_semaphore, #tpu.memory_space<semaphore_mem>>)
      %add3A_465 = arith.constant 5 : i32
      %add3A_466 = arith.addi %mul3A_246, %add3A_465 : i32
      %dma_wait3A_467 = arith.constant 0 : i32
      %dma_wait3A_468 = tpu.memref_slice %arg8[%add3A_466, %dma_wait3A_467] : memref<80x128xi32, #tpu.memory_space<vmem>> -> memref<1x128xi32, #tpu.memory_space<vmem>>
      %dma_wait3A_469 = tpu.memref_squeeze %dma_wait3A_468 : memref<1x128xi32, #tpu.memory_space<vmem>> -> memref<128xi32, #tpu.memory_space<vmem>>
      %dma_wait3A_470 = arith.constant 0 : i32
      %dma_wait3A_471 = arith.constant 0 : i32
      %dma_wait3A_472 = tpu.memref_slice %arg17[%dma_wait3A_470, %dma_wait3A_471] : memref<10240x64xf32, #tpu.memory_space<vmem_shared>> -> memref<10240x64xf32, #tpu.memory_space<vmem_shared>>
      tpu.wait_indirect_dma semaphore(%arg31 : memref<!tpu.dma_semaphore, #tpu.memory_space<semaphore_mem>>) src(%arg14 : memref<128x64xf32, #tpu.memory_space<vmem>>) dst(%dma_wait3A_472 : memref<10240x64xf32, #tpu.memory_space<vmem_shared>>)
      %add3A_473 = arith.constant 5 : i32
      %add3A_474 = arith.addi %mul3A_246, %add3A_473 : i32
      %add3A_475 = arith.constant 8 : i32
      %add3A_476 = arith.addi %add3A_474, %add3A_475 : i32
      %dma_start3A_477 = arith.constant 0 : i32
      %dma_start3A_478 = tpu.memref_slice %arg7[%add3A_476, %dma_start3A_477] : memref<80x128xi32, #tpu.memory_space<vmem>> -> memref<1x128xi32, #tpu.memory_space<vmem>>
      %dma_start3A_479 = tpu.memref_squeeze %dma_start3A_478 : memref<1x128xi32, #tpu.memory_space<vmem>> -> memref<128xi32, #tpu.memory_space<vmem>>
      %dma_start3A_480 = arith.constant 0 : i32
      %dma_start3A_481 = arith.constant 0 : i32
      %dma_start3A_482 = tpu.memref_slice %arg2[%dma_start3A_480, %dma_start3A_481] : memref<10240x64xf32, #tpu.memory_space<hbm>> -> memref<10240x64xf32, #tpu.memory_space<hbm>>
      tpu.enqueue_indirect_dma source(%dma_start3A_482 : memref<10240x64xf32, #tpu.memory_space<hbm>>) target(%arg14 : memref<128x64xf32, #tpu.memory_space<vmem>>) offsets(%dma_start3A_479 : memref<128xi32, #tpu.memory_space<vmem>>) semaphore(%arg23 : memref<!tpu.dma_semaphore, #tpu.memory_space<semaphore_mem>>)
      %add3A_483 = arith.constant 6 : i32
      %add3A_484 = arith.addi %mul3A_246, %add3A_483 : i32
      %dma_wait3A_485 = arith.constant 0 : i32
      %dma_wait3A_486 = tpu.memref_slice %arg8[%add3A_484, %dma_wait3A_485] : memref<80x128xi32, #tpu.memory_space<vmem>> -> memref<1x128xi32, #tpu.memory_space<vmem>>
      %dma_wait3A_487 = tpu.memref_squeeze %dma_wait3A_486 : memref<1x128xi32, #tpu.memory_space<vmem>> -> memref<128xi32, #tpu.memory_space<vmem>>
      %dma_wait3A_488 = arith.constant 0 : i32
      %dma_wait3A_489 = arith.constant 0 : i32
      %dma_wait3A_490 = tpu.memref_slice %arg17[%dma_wait3A_488, %dma_wait3A_489] : memref<10240x64xf32, #tpu.memory_space<vmem_shared>> -> memref<10240x64xf32, #tpu.memory_space<vmem_shared>>
      tpu.wait_indirect_dma semaphore(%arg32 : memref<!tpu.dma_semaphore, #tpu.memory_space<semaphore_mem>>) src(%arg15 : memref<128x64xf32, #tpu.memory_space<vmem>>) dst(%dma_wait3A_490 : memref<10240x64xf32, #tpu.memory_space<vmem_shared>>)
      %add3A_491 = arith.constant 6 : i32
      %add3A_492 = arith.addi %mul3A_246, %add3A_491 : i32
      %add3A_493 = arith.constant 8 : i32
      %add3A_494 = arith.addi %add3A_492, %add3A_493 : i32
      %dma_start3A_495 = arith.constant 0 : i32
      %dma_start3A_496 = tpu.memref_slice %arg7[%add3A_494, %dma_start3A_495] : memref<80x128xi32, #tpu.memory_space<vmem>> -> memref<1x128xi32, #tpu.memory_space<vmem>>
      %dma_start3A_497 = tpu.memref_squeeze %dma_start3A_496 : memref<1x128xi32, #tpu.memory_space<vmem>> -> memref<128xi32, #tpu.memory_space<vmem>>
      %dma_start3A_498 = arith.constant 0 : i32
      %dma_start3A_499 = arith.constant 0 : i32
      %dma_start3A_500 = tpu.memref_slice %arg2[%dma_start3A_498, %dma_start3A_499] : memref<10240x64xf32, #tpu.memory_space<hbm>> -> memref<10240x64xf32, #tpu.memory_space<hbm>>
      tpu.enqueue_indirect_dma source(%dma_start3A_500 : memref<10240x64xf32, #tpu.memory_space<hbm>>) target(%arg15 : memref<128x64xf32, #tpu.memory_space<vmem>>) offsets(%dma_start3A_497 : memref<128xi32, #tpu.memory_space<vmem>>) semaphore(%arg24 : memref<!tpu.dma_semaphore, #tpu.memory_space<semaphore_mem>>)
      %add3A_501 = arith.constant 7 : i32
      %add3A_502 = arith.addi %mul3A_246, %add3A_501 : i32
      %dma_wait3A_503 = arith.constant 0 : i32
      %dma_wait3A_504 = tpu.memref_slice %arg8[%add3A_502, %dma_wait3A_503] : memref<80x128xi32, #tpu.memory_space<vmem>> -> memref<1x128xi32, #tpu.memory_space<vmem>>
      %dma_wait3A_505 = tpu.memref_squeeze %dma_wait3A_504 : memref<1x128xi32, #tpu.memory_space<vmem>> -> memref<128xi32, #tpu.memory_space<vmem>>
      %dma_wait3A_506 = arith.constant 0 : i32
      %dma_wait3A_507 = arith.constant 0 : i32
      %dma_wait3A_508 = tpu.memref_slice %arg17[%dma_wait3A_506, %dma_wait3A_507] : memref<10240x64xf32, #tpu.memory_space<vmem_shared>> -> memref<10240x64xf32, #tpu.memory_space<vmem_shared>>
      tpu.wait_indirect_dma semaphore(%arg33 : memref<!tpu.dma_semaphore, #tpu.memory_space<semaphore_mem>>) src(%arg16 : memref<128x64xf32, #tpu.memory_space<vmem>>) dst(%dma_wait3A_508 : memref<10240x64xf32, #tpu.memory_space<vmem_shared>>)
      %add3A_509 = arith.constant 7 : i32
      %add3A_510 = arith.addi %mul3A_246, %add3A_509 : i32
      %add3A_511 = arith.constant 8 : i32
      %add3A_512 = arith.addi %add3A_510, %add3A_511 : i32
      %dma_start3A_513 = arith.constant 0 : i32
      %dma_start3A_514 = tpu.memref_slice %arg7[%add3A_512, %dma_start3A_513] : memref<80x128xi32, #tpu.memory_space<vmem>> -> memref<1x128xi32, #tpu.memory_space<vmem>>
      %dma_start3A_515 = tpu.memref_squeeze %dma_start3A_514 : memref<1x128xi32, #tpu.memory_space<vmem>> -> memref<128xi32, #tpu.memory_space<vmem>>
      %dma_start3A_516 = arith.constant 0 : i32
      %dma_start3A_517 = arith.constant 0 : i32
      %dma_start3A_518 = tpu.memref_slice %arg2[%dma_start3A_516, %dma_start3A_517] : memref<10240x64xf32, #tpu.memory_space<hbm>> -> memref<10240x64xf32, #tpu.memory_space<hbm>>
      tpu.enqueue_indirect_dma source(%dma_start3A_518 : memref<10240x64xf32, #tpu.memory_space<hbm>>) target(%arg16 : memref<128x64xf32, #tpu.memory_space<vmem>>) offsets(%dma_start3A_515 : memref<128xi32, #tpu.memory_space<vmem>>) semaphore(%arg25 : memref<!tpu.dma_semaphore, #tpu.memory_space<semaphore_mem>>)
    }
    %scan3A_64 = arith.constant 9 : i32
    %dma_wait3A = arith.constant 72 : i32
    %dma_wait3A_65 = arith.constant 0 : i32
    %dma_wait3A_66 = tpu.memref_slice %arg7[%dma_wait3A, %dma_wait3A_65] : memref<80x128xi32, #tpu.memory_space<vmem>> -> memref<1x128xi32, #tpu.memory_space<vmem>>
    %dma_wait3A_67 = tpu.memref_squeeze %dma_wait3A_66 : memref<1x128xi32, #tpu.memory_space<vmem>> -> memref<128xi32, #tpu.memory_space<vmem>>
    %dma_wait3A_68 = arith.constant 0 : i32
    %dma_wait3A_69 = arith.constant 0 : i32
    %dma_wait3A_70 = tpu.memref_slice %arg2[%dma_wait3A_68, %dma_wait3A_69] : memref<10240x64xf32, #tpu.memory_space<hbm>> -> memref<10240x64xf32, #tpu.memory_space<hbm>>
    tpu.wait_indirect_dma semaphore(%arg18 : memref<!tpu.dma_semaphore, #tpu.memory_space<semaphore_mem>>) src(%dma_wait3A_70 : memref<10240x64xf32, #tpu.memory_space<hbm>>) dst(%arg9 : memref<128x64xf32, #tpu.memory_space<vmem>>)
    %dma_start3A_71 = arith.constant 72 : i32
    %dma_start3A_72 = arith.constant 0 : i32
    %dma_start3A_73 = tpu.memref_slice %arg8[%dma_start3A_71, %dma_start3A_72] : memref<80x128xi32, #tpu.memory_space<vmem>> -> memref<1x128xi32, #tpu.memory_space<vmem>>
    %dma_start3A_74 = tpu.memref_squeeze %dma_start3A_73 : memref<1x128xi32, #tpu.memory_space<vmem>> -> memref<128xi32, #tpu.memory_space<vmem>>
    %dma_start3A_75 = arith.constant 0 : i32
    %dma_start3A_76 = arith.constant 0 : i32
    %dma_start3A_77 = tpu.memref_slice %arg17[%dma_start3A_75, %dma_start3A_76] : memref<10240x64xf32, #tpu.memory_space<vmem_shared>> -> memref<10240x64xf32, #tpu.memory_space<vmem_shared>>
    tpu.enqueue_indirect_dma source(%arg9 : memref<128x64xf32, #tpu.memory_space<vmem>>) target(%dma_start3A_77 : memref<10240x64xf32, #tpu.memory_space<vmem_shared>>) offsets(%dma_start3A_74 : memref<128xi32, #tpu.memory_space<vmem>>) semaphore(%arg26 : memref<!tpu.dma_semaphore, #tpu.memory_space<semaphore_mem>>) {add = true}
    %dma_wait3A_78 = arith.constant 73 : i32
    %dma_wait3A_79 = arith.constant 0 : i32
    %dma_wait3A_80 = tpu.memref_slice %arg7[%dma_wait3A_78, %dma_wait3A_79] : memref<80x128xi32, #tpu.memory_space<vmem>> -> memref<1x128xi32, #tpu.memory_space<vmem>>
    %dma_wait3A_81 = tpu.memref_squeeze %dma_wait3A_80 : memref<1x128xi32, #tpu.memory_space<vmem>> -> memref<128xi32, #tpu.memory_space<vmem>>
    %dma_wait3A_82 = arith.constant 0 : i32
    %dma_wait3A_83 = arith.constant 0 : i32
    %dma_wait3A_84 = tpu.memref_slice %arg2[%dma_wait3A_82, %dma_wait3A_83] : memref<10240x64xf32, #tpu.memory_space<hbm>> -> memref<10240x64xf32, #tpu.memory_space<hbm>>
    tpu.wait_indirect_dma semaphore(%arg19 : memref<!tpu.dma_semaphore, #tpu.memory_space<semaphore_mem>>) src(%dma_wait3A_84 : memref<10240x64xf32, #tpu.memory_space<hbm>>) dst(%arg10 : memref<128x64xf32, #tpu.memory_space<vmem>>)
    %dma_start3A_85 = arith.constant 73 : i32
    %dma_start3A_86 = arith.constant 0 : i32
    %dma_start3A_87 = tpu.memref_slice %arg8[%dma_start3A_85, %dma_start3A_86] : memref<80x128xi32, #tpu.memory_space<vmem>> -> memref<1x128xi32, #tpu.memory_space<vmem>>
    %dma_start3A_88 = tpu.memref_squeeze %dma_start3A_87 : memref<1x128xi32, #tpu.memory_space<vmem>> -> memref<128xi32, #tpu.memory_space<vmem>>
    %dma_start3A_89 = arith.constant 0 : i32
    %dma_start3A_90 = arith.constant 0 : i32
    %dma_start3A_91 = tpu.memref_slice %arg17[%dma_start3A_89, %dma_start3A_90] : memref<10240x64xf32, #tpu.memory_space<vmem_shared>> -> memref<10240x64xf32, #tpu.memory_space<vmem_shared>>
    tpu.enqueue_indirect_dma source(%arg10 : memref<128x64xf32, #tpu.memory_space<vmem>>) target(%dma_start3A_91 : memref<10240x64xf32, #tpu.memory_space<vmem_shared>>) offsets(%dma_start3A_88 : memref<128xi32, #tpu.memory_space<vmem>>) semaphore(%arg27 : memref<!tpu.dma_semaphore, #tpu.memory_space<semaphore_mem>>) {add = true}
    %dma_wait3A_92 = arith.constant 74 : i32
    %dma_wait3A_93 = arith.constant 0 : i32
    %dma_wait3A_94 = tpu.memref_slice %arg7[%dma_wait3A_92, %dma_wait3A_93] : memref<80x128xi32, #tpu.memory_space<vmem>> -> memref<1x128xi32, #tpu.memory_space<vmem>>
    %dma_wait3A_95 = tpu.memref_squeeze %dma_wait3A_94 : memref<1x128xi32, #tpu.memory_space<vmem>> -> memref<128xi32, #tpu.memory_space<vmem>>
    %dma_wait3A_96 = arith.constant 0 : i32
    %dma_wait3A_97 = arith.constant 0 : i32
    %dma_wait3A_98 = tpu.memref_slice %arg2[%dma_wait3A_96, %dma_wait3A_97] : memref<10240x64xf32, #tpu.memory_space<hbm>> -> memref<10240x64xf32, #tpu.memory_space<hbm>>
    tpu.wait_indirect_dma semaphore(%arg20 : memref<!tpu.dma_semaphore, #tpu.memory_space<semaphore_mem>>) src(%dma_wait3A_98 : memref<10240x64xf32, #tpu.memory_space<hbm>>) dst(%arg11 : memref<128x64xf32, #tpu.memory_space<vmem>>)
    %dma_start3A_99 = arith.constant 74 : i32
    %dma_start3A_100 = arith.constant 0 : i32
    %dma_start3A_101 = tpu.memref_slice %arg8[%dma_start3A_99, %dma_start3A_100] : memref<80x128xi32, #tpu.memory_space<vmem>> -> memref<1x128xi32, #tpu.memory_space<vmem>>
    %dma_start3A_102 = tpu.memref_squeeze %dma_start3A_101 : memref<1x128xi32, #tpu.memory_space<vmem>> -> memref<128xi32, #tpu.memory_space<vmem>>
    %dma_start3A_103 = arith.constant 0 : i32
    %dma_start3A_104 = arith.constant 0 : i32
    %dma_start3A_105 = tpu.memref_slice %arg17[%dma_start3A_103, %dma_start3A_104] : memref<10240x64xf32, #tpu.memory_space<vmem_shared>> -> memref<10240x64xf32, #tpu.memory_space<vmem_shared>>
    tpu.enqueue_indirect_dma source(%arg11 : memref<128x64xf32, #tpu.memory_space<vmem>>) target(%dma_start3A_105 : memref<10240x64xf32, #tpu.memory_space<vmem_shared>>) offsets(%dma_start3A_102 : memref<128xi32, #tpu.memory_space<vmem>>) semaphore(%arg28 : memref<!tpu.dma_semaphore, #tpu.memory_space<semaphore_mem>>) {add = true}
    %dma_wait3A_106 = arith.constant 75 : i32
    %dma_wait3A_107 = arith.constant 0 : i32
    %dma_wait3A_108 = tpu.memref_slice %arg7[%dma_wait3A_106, %dma_wait3A_107] : memref<80x128xi32, #tpu.memory_space<vmem>> -> memref<1x128xi32, #tpu.memory_space<vmem>>
    %dma_wait3A_109 = tpu.memref_squeeze %dma_wait3A_108 : memref<1x128xi32, #tpu.memory_space<vmem>> -> memref<128xi32, #tpu.memory_space<vmem>>
    %dma_wait3A_110 = arith.constant 0 : i32
    %dma_wait3A_111 = arith.constant 0 : i32
    %dma_wait3A_112 = tpu.memref_slice %arg2[%dma_wait3A_110, %dma_wait3A_111] : memref<10240x64xf32, #tpu.memory_space<hbm>> -> memref<10240x64xf32, #tpu.memory_space<hbm>>
    tpu.wait_indirect_dma semaphore(%arg21 : memref<!tpu.dma_semaphore, #tpu.memory_space<semaphore_mem>>) src(%dma_wait3A_112 : memref<10240x64xf32, #tpu.memory_space<hbm>>) dst(%arg12 : memref<128x64xf32, #tpu.memory_space<vmem>>)
    %dma_start3A_113 = arith.constant 75 : i32
    %dma_start3A_114 = arith.constant 0 : i32
    %dma_start3A_115 = tpu.memref_slice %arg8[%dma_start3A_113, %dma_start3A_114] : memref<80x128xi32, #tpu.memory_space<vmem>> -> memref<1x128xi32, #tpu.memory_space<vmem>>
    %dma_start3A_116 = tpu.memref_squeeze %dma_start3A_115 : memref<1x128xi32, #tpu.memory_space<vmem>> -> memref<128xi32, #tpu.memory_space<vmem>>
    %dma_start3A_117 = arith.constant 0 : i32
    %dma_start3A_118 = arith.constant 0 : i32
    %dma_start3A_119 = tpu.memref_slice %arg17[%dma_start3A_117, %dma_start3A_118] : memref<10240x64xf32, #tpu.memory_space<vmem_shared>> -> memref<10240x64xf32, #tpu.memory_space<vmem_shared>>
    tpu.enqueue_indirect_dma source(%arg12 : memref<128x64xf32, #tpu.memory_space<vmem>>) target(%dma_start3A_119 : memref<10240x64xf32, #tpu.memory_space<vmem_shared>>) offsets(%dma_start3A_116 : memref<128xi32, #tpu.memory_space<vmem>>) semaphore(%arg29 : memref<!tpu.dma_semaphore, #tpu.memory_space<semaphore_mem>>) {add = true}
    %dma_wait3A_120 = arith.constant 76 : i32
    %dma_wait3A_121 = arith.constant 0 : i32
    %dma_wait3A_122 = tpu.memref_slice %arg7[%dma_wait3A_120, %dma_wait3A_121] : memref<80x128xi32, #tpu.memory_space<vmem>> -> memref<1x128xi32, #tpu.memory_space<vmem>>
    %dma_wait3A_123 = tpu.memref_squeeze %dma_wait3A_122 : memref<1x128xi32, #tpu.memory_space<vmem>> -> memref<128xi32, #tpu.memory_space<vmem>>
    %dma_wait3A_124 = arith.constant 0 : i32
    %dma_wait3A_125 = arith.constant 0 : i32
    %dma_wait3A_126 = tpu.memref_slice %arg2[%dma_wait3A_124, %dma_wait3A_125] : memref<10240x64xf32, #tpu.memory_space<hbm>> -> memref<10240x64xf32, #tpu.memory_space<hbm>>
    tpu.wait_indirect_dma semaphore(%arg22 : memref<!tpu.dma_semaphore, #tpu.memory_space<semaphore_mem>>) src(%dma_wait3A_126 : memref<10240x64xf32, #tpu.memory_space<hbm>>) dst(%arg13 : memref<128x64xf32, #tpu.memory_space<vmem>>)
    %dma_start3A_127 = arith.constant 76 : i32
    %dma_start3A_128 = arith.constant 0 : i32
    %dma_start3A_129 = tpu.memref_slice %arg8[%dma_start3A_127, %dma_start3A_128] : memref<80x128xi32, #tpu.memory_space<vmem>> -> memref<1x128xi32, #tpu.memory_space<vmem>>
    %dma_start3A_130 = tpu.memref_squeeze %dma_start3A_129 : memref<1x128xi32, #tpu.memory_space<vmem>> -> memref<128xi32, #tpu.memory_space<vmem>>
    %dma_start3A_131 = arith.constant 0 : i32
    %dma_start3A_132 = arith.constant 0 : i32
    %dma_start3A_133 = tpu.memref_slice %arg17[%dma_start3A_131, %dma_start3A_132] : memref<10240x64xf32, #tpu.memory_space<vmem_shared>> -> memref<10240x64xf32, #tpu.memory_space<vmem_shared>>
    tpu.enqueue_indirect_dma source(%arg13 : memref<128x64xf32, #tpu.memory_space<vmem>>) target(%dma_start3A_133 : memref<10240x64xf32, #tpu.memory_space<vmem_shared>>) offsets(%dma_start3A_130 : memref<128xi32, #tpu.memory_space<vmem>>) semaphore(%arg30 : memref<!tpu.dma_semaphore, #tpu.memory_space<semaphore_mem>>) {add = true}
    %dma_wait3A_134 = arith.constant 77 : i32
    %dma_wait3A_135 = arith.constant 0 : i32
    %dma_wait3A_136 = tpu.memref_slice %arg7[%dma_wait3A_134, %dma_wait3A_135] : memref<80x128xi32, #tpu.memory_space<vmem>> -> memref<1x128xi32, #tpu.memory_space<vmem>>
    %dma_wait3A_137 = tpu.memref_squeeze %dma_wait3A_136 : memref<1x128xi32, #tpu.memory_space<vmem>> -> memref<128xi32, #tpu.memory_space<vmem>>
    %dma_wait3A_138 = arith.constant 0 : i32
    %dma_wait3A_139 = arith.constant 0 : i32
    %dma_wait3A_140 = tpu.memref_slice %arg2[%dma_wait3A_138, %dma_wait3A_139] : memref<10240x64xf32, #tpu.memory_space<hbm>> -> memref<10240x64xf32, #tpu.memory_space<hbm>>
    tpu.wait_indirect_dma semaphore(%arg23 : memref<!tpu.dma_semaphore, #tpu.memory_space<semaphore_mem>>) src(%dma_wait3A_140 : memref<10240x64xf32, #tpu.memory_space<hbm>>) dst(%arg14 : memref<128x64xf32, #tpu.memory_space<vmem>>)
    %dma_start3A_141 = arith.constant 77 : i32
    %dma_start3A_142 = arith.constant 0 : i32
    %dma_start3A_143 = tpu.memref_slice %arg8[%dma_start3A_141, %dma_start3A_142] : memref<80x128xi32, #tpu.memory_space<vmem>> -> memref<1x128xi32, #tpu.memory_space<vmem>>
    %dma_start3A_144 = tpu.memref_squeeze %dma_start3A_143 : memref<1x128xi32, #tpu.memory_space<vmem>> -> memref<128xi32, #tpu.memory_space<vmem>>
    %dma_start3A_145 = arith.constant 0 : i32
    %dma_start3A_146 = arith.constant 0 : i32
    %dma_start3A_147 = tpu.memref_slice %arg17[%dma_start3A_145, %dma_start3A_146] : memref<10240x64xf32, #tpu.memory_space<vmem_shared>> -> memref<10240x64xf32, #tpu.memory_space<vmem_shared>>
    tpu.enqueue_indirect_dma source(%arg14 : memref<128x64xf32, #tpu.memory_space<vmem>>) target(%dma_start3A_147 : memref<10240x64xf32, #tpu.memory_space<vmem_shared>>) offsets(%dma_start3A_144 : memref<128xi32, #tpu.memory_space<vmem>>) semaphore(%arg31 : memref<!tpu.dma_semaphore, #tpu.memory_space<semaphore_mem>>) {add = true}
    %dma_wait3A_148 = arith.constant 78 : i32
    %dma_wait3A_149 = arith.constant 0 : i32
    %dma_wait3A_150 = tpu.memref_slice %arg7[%dma_wait3A_148, %dma_wait3A_149] : memref<80x128xi32, #tpu.memory_space<vmem>> -> memref<1x128xi32, #tpu.memory_space<vmem>>
    %dma_wait3A_151 = tpu.memref_squeeze %dma_wait3A_150 : memref<1x128xi32, #tpu.memory_space<vmem>> -> memref<128xi32, #tpu.memory_space<vmem>>
    %dma_wait3A_152 = arith.constant 0 : i32
    %dma_wait3A_153 = arith.constant 0 : i32
    %dma_wait3A_154 = tpu.memref_slice %arg2[%dma_wait3A_152, %dma_wait3A_153] : memref<10240x64xf32, #tpu.memory_space<hbm>> -> memref<10240x64xf32, #tpu.memory_space<hbm>>
    tpu.wait_indirect_dma semaphore(%arg24 : memref<!tpu.dma_semaphore, #tpu.memory_space<semaphore_mem>>) src(%dma_wait3A_154 : memref<10240x64xf32, #tpu.memory_space<hbm>>) dst(%arg15 : memref<128x64xf32, #tpu.memory_space<vmem>>)
    %dma_start3A_155 = arith.constant 78 : i32
    %dma_start3A_156 = arith.constant 0 : i32
    %dma_start3A_157 = tpu.memref_slice %arg8[%dma_start3A_155, %dma_start3A_156] : memref<80x128xi32, #tpu.memory_space<vmem>> -> memref<1x128xi32, #tpu.memory_space<vmem>>
    %dma_start3A_158 = tpu.memref_squeeze %dma_start3A_157 : memref<1x128xi32, #tpu.memory_space<vmem>> -> memref<128xi32, #tpu.memory_space<vmem>>
    %dma_start3A_159 = arith.constant 0 : i32
    %dma_start3A_160 = arith.constant 0 : i32
    %dma_start3A_161 = tpu.memref_slice %arg17[%dma_start3A_159, %dma_start3A_160] : memref<10240x64xf32, #tpu.memory_space<vmem_shared>> -> memref<10240x64xf32, #tpu.memory_space<vmem_shared>>
    tpu.enqueue_indirect_dma source(%arg15 : memref<128x64xf32, #tpu.memory_space<vmem>>) target(%dma_start3A_161 : memref<10240x64xf32, #tpu.memory_space<vmem_shared>>) offsets(%dma_start3A_158 : memref<128xi32, #tpu.memory_space<vmem>>) semaphore(%arg32 : memref<!tpu.dma_semaphore, #tpu.memory_space<semaphore_mem>>) {add = true}
    %dma_wait3A_162 = arith.constant 79 : i32
    %dma_wait3A_163 = arith.constant 0 : i32
    %dma_wait3A_164 = tpu.memref_slice %arg7[%dma_wait3A_162, %dma_wait3A_163] : memref<80x128xi32, #tpu.memory_space<vmem>> -> memref<1x128xi32, #tpu.memory_space<vmem>>
    %dma_wait3A_165 = tpu.memref_squeeze %dma_wait3A_164 : memref<1x128xi32, #tpu.memory_space<vmem>> -> memref<128xi32, #tpu.memory_space<vmem>>
    %dma_wait3A_166 = arith.constant 0 : i32
    %dma_wait3A_167 = arith.constant 0 : i32
    %dma_wait3A_168 = tpu.memref_slice %arg2[%dma_wait3A_166, %dma_wait3A_167] : memref<10240x64xf32, #tpu.memory_space<hbm>> -> memref<10240x64xf32, #tpu.memory_space<hbm>>
    tpu.wait_indirect_dma semaphore(%arg25 : memref<!tpu.dma_semaphore, #tpu.memory_space<semaphore_mem>>) src(%dma_wait3A_168 : memref<10240x64xf32, #tpu.memory_space<hbm>>) dst(%arg16 : memref<128x64xf32, #tpu.memory_space<vmem>>)
    %dma_start3A_169 = arith.constant 79 : i32
    %dma_start3A_170 = arith.constant 0 : i32
    %dma_start3A_171 = tpu.memref_slice %arg8[%dma_start3A_169, %dma_start3A_170] : memref<80x128xi32, #tpu.memory_space<vmem>> -> memref<1x128xi32, #tpu.memory_space<vmem>>
    %dma_start3A_172 = tpu.memref_squeeze %dma_start3A_171 : memref<1x128xi32, #tpu.memory_space<vmem>> -> memref<128xi32, #tpu.memory_space<vmem>>
    %dma_start3A_173 = arith.constant 0 : i32
    %dma_start3A_174 = arith.constant 0 : i32
    %dma_start3A_175 = tpu.memref_slice %arg17[%dma_start3A_173, %dma_start3A_174] : memref<10240x64xf32, #tpu.memory_space<vmem_shared>> -> memref<10240x64xf32, #tpu.memory_space<vmem_shared>>
    tpu.enqueue_indirect_dma source(%arg16 : memref<128x64xf32, #tpu.memory_space<vmem>>) target(%dma_start3A_175 : memref<10240x64xf32, #tpu.memory_space<vmem_shared>>) offsets(%dma_start3A_172 : memref<128xi32, #tpu.memory_space<vmem>>) semaphore(%arg33 : memref<!tpu.dma_semaphore, #tpu.memory_space<semaphore_mem>>) {add = true}
    %dma_wait3A_176 = arith.constant 72 : i32
    %dma_wait3A_177 = arith.constant 0 : i32
    %dma_wait3A_178 = tpu.memref_slice %arg8[%dma_wait3A_176, %dma_wait3A_177] : memref<80x128xi32, #tpu.memory_space<vmem>> -> memref<1x128xi32, #tpu.memory_space<vmem>>
    %dma_wait3A_179 = tpu.memref_squeeze %dma_wait3A_178 : memref<1x128xi32, #tpu.memory_space<vmem>> -> memref<128xi32, #tpu.memory_space<vmem>>
    %dma_wait3A_180 = arith.constant 0 : i32
    %dma_wait3A_181 = arith.constant 0 : i32
    %dma_wait3A_182 = tpu.memref_slice %arg17[%dma_wait3A_180, %dma_wait3A_181] : memref<10240x64xf32, #tpu.memory_space<vmem_shared>> -> memref<10240x64xf32, #tpu.memory_space<vmem_shared>>
    tpu.wait_indirect_dma semaphore(%arg26 : memref<!tpu.dma_semaphore, #tpu.memory_space<semaphore_mem>>) src(%arg9 : memref<128x64xf32, #tpu.memory_space<vmem>>) dst(%dma_wait3A_182 : memref<10240x64xf32, #tpu.memory_space<vmem_shared>>)
    %dma_wait3A_183 = arith.constant 73 : i32
    %dma_wait3A_184 = arith.constant 0 : i32
    %dma_wait3A_185 = tpu.memref_slice %arg8[%dma_wait3A_183, %dma_wait3A_184] : memref<80x128xi32, #tpu.memory_space<vmem>> -> memref<1x128xi32, #tpu.memory_space<vmem>>
    %dma_wait3A_186 = tpu.memref_squeeze %dma_wait3A_185 : memref<1x128xi32, #tpu.memory_space<vmem>> -> memref<128xi32, #tpu.memory_space<vmem>>
    %dma_wait3A_187 = arith.constant 0 : i32
    %dma_wait3A_188 = arith.constant 0 : i32
    %dma_wait3A_189 = tpu.memref_slice %arg17[%dma_wait3A_187, %dma_wait3A_188] : memref<10240x64xf32, #tpu.memory_space<vmem_shared>> -> memref<10240x64xf32, #tpu.memory_space<vmem_shared>>
    tpu.wait_indirect_dma semaphore(%arg27 : memref<!tpu.dma_semaphore, #tpu.memory_space<semaphore_mem>>) src(%arg10 : memref<128x64xf32, #tpu.memory_space<vmem>>) dst(%dma_wait3A_189 : memref<10240x64xf32, #tpu.memory_space<vmem_shared>>)
    %dma_wait3A_190 = arith.constant 74 : i32
    %dma_wait3A_191 = arith.constant 0 : i32
    %dma_wait3A_192 = tpu.memref_slice %arg8[%dma_wait3A_190, %dma_wait3A_191] : memref<80x128xi32, #tpu.memory_space<vmem>> -> memref<1x128xi32, #tpu.memory_space<vmem>>
    %dma_wait3A_193 = tpu.memref_squeeze %dma_wait3A_192 : memref<1x128xi32, #tpu.memory_space<vmem>> -> memref<128xi32, #tpu.memory_space<vmem>>
    %dma_wait3A_194 = arith.constant 0 : i32
    %dma_wait3A_195 = arith.constant 0 : i32
    %dma_wait3A_196 = tpu.memref_slice %arg17[%dma_wait3A_194, %dma_wait3A_195] : memref<10240x64xf32, #tpu.memory_space<vmem_shared>> -> memref<10240x64xf32, #tpu.memory_space<vmem_shared>>
    tpu.wait_indirect_dma semaphore(%arg28 : memref<!tpu.dma_semaphore, #tpu.memory_space<semaphore_mem>>) src(%arg11 : memref<128x64xf32, #tpu.memory_space<vmem>>) dst(%dma_wait3A_196 : memref<10240x64xf32, #tpu.memory_space<vmem_shared>>)
    %dma_wait3A_197 = arith.constant 75 : i32
    %dma_wait3A_198 = arith.constant 0 : i32
    %dma_wait3A_199 = tpu.memref_slice %arg8[%dma_wait3A_197, %dma_wait3A_198] : memref<80x128xi32, #tpu.memory_space<vmem>> -> memref<1x128xi32, #tpu.memory_space<vmem>>
    %dma_wait3A_200 = tpu.memref_squeeze %dma_wait3A_199 : memref<1x128xi32, #tpu.memory_space<vmem>> -> memref<128xi32, #tpu.memory_space<vmem>>
    %dma_wait3A_201 = arith.constant 0 : i32
    %dma_wait3A_202 = arith.constant 0 : i32
    %dma_wait3A_203 = tpu.memref_slice %arg17[%dma_wait3A_201, %dma_wait3A_202] : memref<10240x64xf32, #tpu.memory_space<vmem_shared>> -> memref<10240x64xf32, #tpu.memory_space<vmem_shared>>
    tpu.wait_indirect_dma semaphore(%arg29 : memref<!tpu.dma_semaphore, #tpu.memory_space<semaphore_mem>>) src(%arg12 : memref<128x64xf32, #tpu.memory_space<vmem>>) dst(%dma_wait3A_203 : memref<10240x64xf32, #tpu.memory_space<vmem_shared>>)
    %dma_wait3A_204 = arith.constant 76 : i32
    %dma_wait3A_205 = arith.constant 0 : i32
    %dma_wait3A_206 = tpu.memref_slice %arg8[%dma_wait3A_204, %dma_wait3A_205] : memref<80x128xi32, #tpu.memory_space<vmem>> -> memref<1x128xi32, #tpu.memory_space<vmem>>
    %dma_wait3A_207 = tpu.memref_squeeze %dma_wait3A_206 : memref<1x128xi32, #tpu.memory_space<vmem>> -> memref<128xi32, #tpu.memory_space<vmem>>
    %dma_wait3A_208 = arith.constant 0 : i32
    %dma_wait3A_209 = arith.constant 0 : i32
    %dma_wait3A_210 = tpu.memref_slice %arg17[%dma_wait3A_208, %dma_wait3A_209] : memref<10240x64xf32, #tpu.memory_space<vmem_shared>> -> memref<10240x64xf32, #tpu.memory_space<vmem_shared>>
    tpu.wait_indirect_dma semaphore(%arg30 : memref<!tpu.dma_semaphore, #tpu.memory_space<semaphore_mem>>) src(%arg13 : memref<128x64xf32, #tpu.memory_space<vmem>>) dst(%dma_wait3A_210 : memref<10240x64xf32, #tpu.memory_space<vmem_shared>>)
    %dma_wait3A_211 = arith.constant 77 : i32
    %dma_wait3A_212 = arith.constant 0 : i32
    %dma_wait3A_213 = tpu.memref_slice %arg8[%dma_wait3A_211, %dma_wait3A_212] : memref<80x128xi32, #tpu.memory_space<vmem>> -> memref<1x128xi32, #tpu.memory_space<vmem>>
    %dma_wait3A_214 = tpu.memref_squeeze %dma_wait3A_213 : memref<1x128xi32, #tpu.memory_space<vmem>> -> memref<128xi32, #tpu.memory_space<vmem>>
    %dma_wait3A_215 = arith.constant 0 : i32
    %dma_wait3A_216 = arith.constant 0 : i32
    %dma_wait3A_217 = tpu.memref_slice %arg17[%dma_wait3A_215, %dma_wait3A_216] : memref<10240x64xf32, #tpu.memory_space<vmem_shared>> -> memref<10240x64xf32, #tpu.memory_space<vmem_shared>>
    tpu.wait_indirect_dma semaphore(%arg31 : memref<!tpu.dma_semaphore, #tpu.memory_space<semaphore_mem>>) src(%arg14 : memref<128x64xf32, #tpu.memory_space<vmem>>) dst(%dma_wait3A_217 : memref<10240x64xf32, #tpu.memory_space<vmem_shared>>)
    %dma_wait3A_218 = arith.constant 78 : i32
    %dma_wait3A_219 = arith.constant 0 : i32
    %dma_wait3A_220 = tpu.memref_slice %arg8[%dma_wait3A_218, %dma_wait3A_219] : memref<80x128xi32, #tpu.memory_space<vmem>> -> memref<1x128xi32, #tpu.memory_space<vmem>>
    %dma_wait3A_221 = tpu.memref_squeeze %dma_wait3A_220 : memref<1x128xi32, #tpu.memory_space<vmem>> -> memref<128xi32, #tpu.memory_space<vmem>>
    %dma_wait3A_222 = arith.constant 0 : i32
    %dma_wait3A_223 = arith.constant 0 : i32
    %dma_wait3A_224 = tpu.memref_slice %arg17[%dma_wait3A_222, %dma_wait3A_223] : memref<10240x64xf32, #tpu.memory_space<vmem_shared>> -> memref<10240x64xf32, #tpu.memory_space<vmem_shared>>
    tpu.wait_indirect_dma semaphore(%arg32 : memref<!tpu.dma_semaphore, #tpu.memory_space<semaphore_mem>>) src(%arg15 : memref<128x64xf32, #tpu.memory_space<vmem>>) dst(%dma_wait3A_224 : memref<10240x64xf32, #tpu.memory_space<vmem_shared>>)
    %dma_wait3A_225 = arith.constant 79 : i32
    %dma_wait3A_226 = arith.constant 0 : i32
    %dma_wait3A_227 = tpu.memref_slice %arg8[%dma_wait3A_225, %dma_wait3A_226] : memref<80x128xi32, #tpu.memory_space<vmem>> -> memref<1x128xi32, #tpu.memory_space<vmem>>
    %dma_wait3A_228 = tpu.memref_squeeze %dma_wait3A_227 : memref<1x128xi32, #tpu.memory_space<vmem>> -> memref<128xi32, #tpu.memory_space<vmem>>
    %dma_wait3A_229 = arith.constant 0 : i32
    %dma_wait3A_230 = arith.constant 0 : i32
    %dma_wait3A_231 = tpu.memref_slice %arg17[%dma_wait3A_229, %dma_wait3A_230] : memref<10240x64xf32, #tpu.memory_space<vmem_shared>> -> memref<10240x64xf32, #tpu.memory_space<vmem_shared>>
    tpu.wait_indirect_dma semaphore(%arg33 : memref<!tpu.dma_semaphore, #tpu.memory_space<semaphore_mem>>) src(%arg16 : memref<128x64xf32, #tpu.memory_space<vmem>>) dst(%dma_wait3A_231 : memref<10240x64xf32, #tpu.memory_space<vmem_shared>>)
    %barrier3A_232 = arith.constant 0 : index
    tpu.barrier barrier_id(%barrier3A_232)
    %eq3A = arith.constant 0 : i32
    %eq3A_233 = arith.cmpi eq, %arg0, %eq3A : i32
    %convert_element_type3A = arith.extui %eq3A_233 : i1 to i32
    %cond3A = arith.constant 0 : i32
    %cond3A_234 = arith.cmpi ne, %convert_element_type3A, %cond3A : i32
    scf.if %cond3A_234 {
      %mul3A_240 = arith.constant 640 : i32
      %mul3A_241 = arith.muli %arg1, %mul3A_240 : i32
      %mul3A_242 = arith.constant 640 : i32
      %mul3A_243 = arith.muli %arg1, %mul3A_242 : i32
      "tpu.region"() ({
        %run_scoped3A_244 = tpu.sem_alloc : memref<!tpu.dma_semaphore, #tpu.memory_space<semaphore_mem>>
        %dma_start3A_245 = arith.constant 0 : i32
        %dma_start3A_246 = tpu.memref_slice %arg5[%mul3A_243, %dma_start3A_245] : memref<10240x64xf32, #tpu.memory_space<hbm>> -> memref<640x64xf32, #tpu.memory_space<hbm>>
        %dma_start3A_247 = arith.constant 0 : i32
        %dma_start3A_248 = tpu.memref_slice %arg17[%mul3A_241, %dma_start3A_247] : memref<10240x64xf32, #tpu.memory_space<vmem_shared>> -> memref<640x64xf32, #tpu.memory_space<vmem_shared>>
        tpu.enqueue_dma source(%dma_start3A_248 : memref<640x64xf32, #tpu.memory_space<vmem_shared>>) target(%dma_start3A_246 : memref<640x64xf32, #tpu.memory_space<hbm>>) target_semaphore(%run_scoped3A_244 : memref<!tpu.dma_semaphore, #tpu.memory_space<semaphore_mem>>)
        %dma_wait3A_249 = arith.constant 0 : i32
        %dma_wait3A_250 = tpu.memref_slice %arg5[%mul3A_243, %dma_wait3A_249] : memref<10240x64xf32, #tpu.memory_space<hbm>> -> memref<640x64xf32, #tpu.memory_space<hbm>>
        %dma_wait3A_251 = arith.constant 0 : i32
        %dma_wait3A_252 = tpu.memref_slice %arg17[%mul3A_241, %dma_wait3A_251] : memref<10240x64xf32, #tpu.memory_space<vmem_shared>> -> memref<640x64xf32, #tpu.memory_space<vmem_shared>>
        tpu.wait_dma2 semaphore(%run_scoped3A_244 : memref<!tpu.dma_semaphore, #tpu.memory_space<semaphore_mem>>) src(%dma_wait3A_252 : memref<640x64xf32, #tpu.memory_space<vmem_shared>>) dst(%dma_wait3A_250 : memref<640x64xf32, #tpu.memory_space<hbm>>)
        tpu.yield
      }) : () -> ()
    } else {
    }
    %eq3A_235 = arith.constant 1 : i32
    %eq3A_236 = arith.cmpi eq, %arg0, %eq3A_235 : i32
    %convert_element_type3A_237 = arith.extui %eq3A_236 : i1 to i32
    %cond3A_238 = arith.constant 0 : i32
    %cond3A_239 = arith.cmpi ne, %convert_element_type3A_237, %cond3A_238 : i32
    scf.if %cond3A_239 {
      %mul3A_240 = arith.constant 640 : i32
      %mul3A_241 = arith.muli %arg1, %mul3A_240 : i32
      %mul3A_242 = arith.constant 640 : i32
      %mul3A_243 = arith.muli %arg1, %mul3A_242 : i32
      "tpu.region"() ({
        %run_scoped3A_244 = tpu.sem_alloc : memref<!tpu.dma_semaphore, #tpu.memory_space<semaphore_mem>>
        %dma_start3A_245 = arith.constant 0 : i32
        %dma_start3A_246 = tpu.memref_slice %arg6[%mul3A_243, %dma_start3A_245] : memref<10240x64xf32, #tpu.memory_space<hbm>> -> memref<640x64xf32, #tpu.memory_space<hbm>>
        %dma_start3A_247 = arith.constant 0 : i32
        %dma_start3A_248 = tpu.memref_slice %arg17[%mul3A_241, %dma_start3A_247] : memref<10240x64xf32, #tpu.memory_space<vmem_shared>> -> memref<640x64xf32, #tpu.memory_space<vmem_shared>>
        tpu.enqueue_dma source(%dma_start3A_248 : memref<640x64xf32, #tpu.memory_space<vmem_shared>>) target(%dma_start3A_246 : memref<640x64xf32, #tpu.memory_space<hbm>>) target_semaphore(%run_scoped3A_244 : memref<!tpu.dma_semaphore, #tpu.memory_space<semaphore_mem>>)
        %dma_wait3A_249 = arith.constant 0 : i32
        %dma_wait3A_250 = tpu.memref_slice %arg6[%mul3A_243, %dma_wait3A_249] : memref<10240x64xf32, #tpu.memory_space<hbm>> -> memref<640x64xf32, #tpu.memory_space<hbm>>
        %dma_wait3A_251 = arith.constant 0 : i32
        %dma_wait3A_252 = tpu.memref_slice %arg17[%mul3A_241, %dma_wait3A_251] : memref<10240x64xf32, #tpu.memory_space<vmem_shared>> -> memref<640x64xf32, #tpu.memory_space<vmem_shared>>
        tpu.wait_dma2 semaphore(%run_scoped3A_244 : memref<!tpu.dma_semaphore, #tpu.memory_space<semaphore_mem>>) src(%dma_wait3A_252 : memref<640x64xf32, #tpu.memory_space<vmem_shared>>) dst(%dma_wait3A_250 : memref<640x64xf32, #tpu.memory_space<hbm>>)
        tpu.yield
      }) : () -> ()
    } else {
    }
    return
  }
}

#map = affine_map<(d0, d1) -> (0, 0)>
#map1 = affine_map<(d0, d1) -> (0, 0, 0, 0)>
module attributes {stable_mosaic.version = 14 : i64} {
  func.func @_agg_kernel(%arg0: i32, %arg1: i32, %arg2: memref<10240x64xf32, #tpu.memory_space<hbm>>, %arg3: memref<2x32x80x128xi32, #tpu.memory_space<hbm>>, %arg4: memref<10240x64xf32, #tpu.memory_space<hbm>>, %arg5: memref<10240x64xf32, #tpu.memory_space<hbm>>, %arg6: memref<10240x64xf32, #tpu.memory_space<hbm>>, %arg7: memref<80x128xi32, #tpu.memory_space<vmem>>, %arg8: memref<80x128xi32, #tpu.memory_space<vmem>>, %arg9: memref<128x64xf32, #tpu.memory_space<vmem>>, %arg10: memref<128x64xf32, #tpu.memory_space<vmem>>, %arg11: memref<128x64xf32, #tpu.memory_space<vmem>>, %arg12: memref<128x64xf32, #tpu.memory_space<vmem>>, %arg13: memref<128x64xf32, #tpu.memory_space<vmem>>, %arg14: memref<128x64xf32, #tpu.memory_space<vmem>>, %arg15: memref<128x64xf32, #tpu.memory_space<vmem>>, %arg16: memref<128x64xf32, #tpu.memory_space<vmem>>, %arg17: memref<10240x64xf32, #tpu.memory_space<vmem_shared>>, %arg18: memref<!tpu.dma_semaphore, #tpu.memory_space<semaphore_mem>>, %arg19: memref<!tpu.dma_semaphore, #tpu.memory_space<semaphore_mem>>, %arg20: memref<!tpu.dma_semaphore, #tpu.memory_space<semaphore_mem>>, %arg21: memref<!tpu.dma_semaphore, #tpu.memory_space<semaphore_mem>>, %arg22: memref<!tpu.dma_semaphore, #tpu.memory_space<semaphore_mem>>, %arg23: memref<!tpu.dma_semaphore, #tpu.memory_space<semaphore_mem>>, %arg24: memref<!tpu.dma_semaphore, #tpu.memory_space<semaphore_mem>>, %arg25: memref<!tpu.dma_semaphore, #tpu.memory_space<semaphore_mem>>, %arg26: memref<!tpu.dma_semaphore, #tpu.memory_space<semaphore_mem>>, %arg27: memref<!tpu.dma_semaphore, #tpu.memory_space<semaphore_mem>>, %arg28: memref<!tpu.dma_semaphore, #tpu.memory_space<semaphore_mem>>, %arg29: memref<!tpu.dma_semaphore, #tpu.memory_space<semaphore_mem>>, %arg30: memref<!tpu.dma_semaphore, #tpu.memory_space<semaphore_mem>>, %arg31: memref<!tpu.dma_semaphore, #tpu.memory_space<semaphore_mem>>, %arg32: memref<!tpu.dma_semaphore, #tpu.memory_space<semaphore_mem>>, %arg33: memref<!tpu.dma_semaphore, #tpu.memory_space<semaphore_mem>>) attributes {dimension_semantics = [#tpu.dimension_semantics<core_parallel>, #tpu.dimension_semantics<subcore_parallel>], iteration_bounds = array<i64: 2, 16>, scalar_prefetch = 0 : i64, scratch_operands = 27 : i64, tpu.core_type = #tpu.core_type<sc_vector_subcore>, window_params = [{transform_indices = #map}, {transform_indices = #map1}, {transform_indices = #map}, {transform_indices = #map}, {transform_indices = #map}]} {
    %mul3A = arith.constant 2 : i32
    %mul3A_0 = arith.muli %arg1, %mul3A : i32
    %add3A = arith.addi %mul3A_0, %arg0 : i32
    %run_scoped3A = arith.constant 0 : i32
    "tpu.region"() ({
      %run_scoped3A_240 = tpu.sem_alloc : memref<!tpu.dma_semaphore, #tpu.memory_space<semaphore_mem>>
      %dma_start3A_241 = arith.constant 0 : i32
      %dma_start3A_242 = arith.constant 0 : i32
      %dma_start3A_243 = tpu.memref_slice %arg3[%run_scoped3A, %add3A, %dma_start3A_241, %dma_start3A_242] : memref<2x32x80x128xi32, #tpu.memory_space<hbm>> -> memref<1x1x80x128xi32, #tpu.memory_space<hbm>>
      %dma_start3A_244 = tpu.memref_squeeze %dma_start3A_243 : memref<1x1x80x128xi32, #tpu.memory_space<hbm>> -> memref<80x128xi32, #tpu.memory_space<hbm>>
      %dma_start3A_245 = arith.constant 0 : i32
      %dma_start3A_246 = arith.constant 0 : i32
      %dma_start3A_247 = tpu.memref_slice %arg3[%run_scoped3A, %add3A, %dma_start3A_245, %dma_start3A_246] : memref<2x32x80x128xi32, #tpu.memory_space<hbm>> -> memref<1x1x80x128xi32, #tpu.memory_space<hbm>>
      %dma_start3A_248 = tpu.memref_squeeze %dma_start3A_247 : memref<1x1x80x128xi32, #tpu.memory_space<hbm>> -> memref<80x128xi32, #tpu.memory_space<hbm>>
      tpu.enqueue_dma source(%dma_start3A_248 : memref<80x128xi32, #tpu.memory_space<hbm>>) target(%arg7 : memref<80x128xi32, #tpu.memory_space<vmem>>) target_semaphore(%run_scoped3A_240 : memref<!tpu.dma_semaphore, #tpu.memory_space<semaphore_mem>>)
      %dma_wait3A_249 = arith.constant 0 : i32
      %dma_wait3A_250 = arith.constant 0 : i32
      %dma_wait3A_251 = tpu.memref_slice %arg3[%run_scoped3A, %add3A, %dma_wait3A_249, %dma_wait3A_250] : memref<2x32x80x128xi32, #tpu.memory_space<hbm>> -> memref<1x1x80x128xi32, #tpu.memory_space<hbm>>
      %dma_wait3A_252 = tpu.memref_squeeze %dma_wait3A_251 : memref<1x1x80x128xi32, #tpu.memory_space<hbm>> -> memref<80x128xi32, #tpu.memory_space<hbm>>
      %dma_wait3A_253 = arith.constant 0 : i32
      %dma_wait3A_254 = arith.constant 0 : i32
      %dma_wait3A_255 = tpu.memref_slice %arg3[%run_scoped3A, %add3A, %dma_wait3A_253, %dma_wait3A_254] : memref<2x32x80x128xi32, #tpu.memory_space<hbm>> -> memref<1x1x80x128xi32, #tpu.memory_space<hbm>>
      %dma_wait3A_256 = tpu.memref_squeeze %dma_wait3A_255 : memref<1x1x80x128xi32, #tpu.memory_space<hbm>> -> memref<80x128xi32, #tpu.memory_space<hbm>>
      tpu.wait_dma2 semaphore(%run_scoped3A_240 : memref<!tpu.dma_semaphore, #tpu.memory_space<semaphore_mem>>) src(%dma_wait3A_256 : memref<80x128xi32, #tpu.memory_space<hbm>>) dst(%arg7 : memref<80x128xi32, #tpu.memory_space<vmem>>)
      tpu.yield
    }) : () -> ()
    %run_scoped3A_1 = arith.constant 1 : i32
    "tpu.region"() ({
      %run_scoped3A_240 = tpu.sem_alloc : memref<!tpu.dma_semaphore, #tpu.memory_space<semaphore_mem>>
      %dma_start3A_241 = arith.constant 0 : i32
      %dma_start3A_242 = arith.constant 0 : i32
      %dma_start3A_243 = tpu.memref_slice %arg3[%run_scoped3A_1, %add3A, %dma_start3A_241, %dma_start3A_242] : memref<2x32x80x128xi32, #tpu.memory_space<hbm>> -> memref<1x1x80x128xi32, #tpu.memory_space<hbm>>
      %dma_start3A_244 = tpu.memref_squeeze %dma_start3A_243 : memref<1x1x80x128xi32, #tpu.memory_space<hbm>> -> memref<80x128xi32, #tpu.memory_space<hbm>>
      %dma_start3A_245 = arith.constant 0 : i32
      %dma_start3A_246 = arith.constant 0 : i32
      %dma_start3A_247 = tpu.memref_slice %arg3[%run_scoped3A_1, %add3A, %dma_start3A_245, %dma_start3A_246] : memref<2x32x80x128xi32, #tpu.memory_space<hbm>> -> memref<1x1x80x128xi32, #tpu.memory_space<hbm>>
      %dma_start3A_248 = tpu.memref_squeeze %dma_start3A_247 : memref<1x1x80x128xi32, #tpu.memory_space<hbm>> -> memref<80x128xi32, #tpu.memory_space<hbm>>
      tpu.enqueue_dma source(%dma_start3A_248 : memref<80x128xi32, #tpu.memory_space<hbm>>) target(%arg8 : memref<80x128xi32, #tpu.memory_space<vmem>>) target_semaphore(%run_scoped3A_240 : memref<!tpu.dma_semaphore, #tpu.memory_space<semaphore_mem>>)
      %dma_wait3A_249 = arith.constant 0 : i32
      %dma_wait3A_250 = arith.constant 0 : i32
      %dma_wait3A_251 = tpu.memref_slice %arg3[%run_scoped3A_1, %add3A, %dma_wait3A_249, %dma_wait3A_250] : memref<2x32x80x128xi32, #tpu.memory_space<hbm>> -> memref<1x1x80x128xi32, #tpu.memory_space<hbm>>
      %dma_wait3A_252 = tpu.memref_squeeze %dma_wait3A_251 : memref<1x1x80x128xi32, #tpu.memory_space<hbm>> -> memref<80x128xi32, #tpu.memory_space<hbm>>
      %dma_wait3A_253 = arith.constant 0 : i32
      %dma_wait3A_254 = arith.constant 0 : i32
      %dma_wait3A_255 = tpu.memref_slice %arg3[%run_scoped3A_1, %add3A, %dma_wait3A_253, %dma_wait3A_254] : memref<2x32x80x128xi32, #tpu.memory_space<hbm>> -> memref<1x1x80x128xi32, #tpu.memory_space<hbm>>
      %dma_wait3A_256 = tpu.memref_squeeze %dma_wait3A_255 : memref<1x1x80x128xi32, #tpu.memory_space<hbm>> -> memref<80x128xi32, #tpu.memory_space<hbm>>
      tpu.wait_dma2 semaphore(%run_scoped3A_240 : memref<!tpu.dma_semaphore, #tpu.memory_space<semaphore_mem>>) src(%dma_wait3A_256 : memref<80x128xi32, #tpu.memory_space<hbm>>) dst(%arg8 : memref<80x128xi32, #tpu.memory_space<vmem>>)
      tpu.yield
    }) : () -> ()
    %mul3A_2 = arith.constant 640 : i32
    %mul3A_3 = arith.muli %arg1, %mul3A_2 : i32
    %mul3A_4 = arith.constant 640 : i32
    %mul3A_5 = arith.muli %arg1, %mul3A_4 : i32
    "tpu.region"() ({
      %run_scoped3A_240 = tpu.sem_alloc : memref<!tpu.dma_semaphore, #tpu.memory_space<semaphore_mem>>
      %dma_start3A_241 = arith.constant 0 : i32
      %dma_start3A_242 = tpu.memref_slice %arg17[%mul3A_5, %dma_start3A_241] : memref<10240x64xf32, #tpu.memory_space<vmem_shared>> -> memref<640x64xf32, #tpu.memory_space<vmem_shared>>
      %dma_start3A_243 = arith.constant 0 : i32
      %dma_start3A_244 = tpu.memref_slice %arg4[%mul3A_3, %dma_start3A_243] : memref<10240x64xf32, #tpu.memory_space<hbm>> -> memref<640x64xf32, #tpu.memory_space<hbm>>
      tpu.enqueue_dma source(%dma_start3A_244 : memref<640x64xf32, #tpu.memory_space<hbm>>) target(%dma_start3A_242 : memref<640x64xf32, #tpu.memory_space<vmem_shared>>) target_semaphore(%run_scoped3A_240 : memref<!tpu.dma_semaphore, #tpu.memory_space<semaphore_mem>>)
      %dma_wait3A_245 = arith.constant 0 : i32
      %dma_wait3A_246 = tpu.memref_slice %arg17[%mul3A_5, %dma_wait3A_245] : memref<10240x64xf32, #tpu.memory_space<vmem_shared>> -> memref<640x64xf32, #tpu.memory_space<vmem_shared>>
      %dma_wait3A_247 = arith.constant 0 : i32
      %dma_wait3A_248 = tpu.memref_slice %arg4[%mul3A_3, %dma_wait3A_247] : memref<10240x64xf32, #tpu.memory_space<hbm>> -> memref<640x64xf32, #tpu.memory_space<hbm>>
      tpu.wait_dma2 semaphore(%run_scoped3A_240 : memref<!tpu.dma_semaphore, #tpu.memory_space<semaphore_mem>>) src(%dma_wait3A_248 : memref<640x64xf32, #tpu.memory_space<hbm>>) dst(%dma_wait3A_246 : memref<640x64xf32, #tpu.memory_space<vmem_shared>>)
      tpu.yield
    }) : () -> ()
    %barrier3A = arith.constant 0 : index
    tpu.barrier barrier_id(%barrier3A)
    %dma_start3A = arith.constant 0 : i32
    %dma_start3A_6 = arith.constant 0 : i32
    %dma_start3A_7 = tpu.memref_slice %arg7[%dma_start3A, %dma_start3A_6] : memref<80x128xi32, #tpu.memory_space<vmem>> -> memref<1x128xi32, #tpu.memory_space<vmem>>
    %dma_start3A_8 = tpu.memref_squeeze %dma_start3A_7 : memref<1x128xi32, #tpu.memory_space<vmem>> -> memref<128xi32, #tpu.memory_space<vmem>>
    %dma_start3A_9 = arith.constant 0 : i32
    %dma_start3A_10 = arith.constant 0 : i32
    %dma_start3A_11 = tpu.memref_slice %arg2[%dma_start3A_9, %dma_start3A_10] : memref<10240x64xf32, #tpu.memory_space<hbm>> -> memref<10240x64xf32, #tpu.memory_space<hbm>>
    tpu.enqueue_indirect_dma source(%dma_start3A_11 : memref<10240x64xf32, #tpu.memory_space<hbm>>) target(%arg9 : memref<128x64xf32, #tpu.memory_space<vmem>>) offsets(%dma_start3A_8 : memref<128xi32, #tpu.memory_space<vmem>>) semaphore(%arg18 : memref<!tpu.dma_semaphore, #tpu.memory_space<semaphore_mem>>)
    %dma_start3A_12 = arith.constant 1 : i32
    %dma_start3A_13 = arith.constant 0 : i32
    %dma_start3A_14 = tpu.memref_slice %arg7[%dma_start3A_12, %dma_start3A_13] : memref<80x128xi32, #tpu.memory_space<vmem>> -> memref<1x128xi32, #tpu.memory_space<vmem>>
    %dma_start3A_15 = tpu.memref_squeeze %dma_start3A_14 : memref<1x128xi32, #tpu.memory_space<vmem>> -> memref<128xi32, #tpu.memory_space<vmem>>
    %dma_start3A_16 = arith.constant 0 : i32
    %dma_start3A_17 = arith.constant 0 : i32
    %dma_start3A_18 = tpu.memref_slice %arg2[%dma_start3A_16, %dma_start3A_17] : memref<10240x64xf32, #tpu.memory_space<hbm>> -> memref<10240x64xf32, #tpu.memory_space<hbm>>
    tpu.enqueue_indirect_dma source(%dma_start3A_18 : memref<10240x64xf32, #tpu.memory_space<hbm>>) target(%arg10 : memref<128x64xf32, #tpu.memory_space<vmem>>) offsets(%dma_start3A_15 : memref<128xi32, #tpu.memory_space<vmem>>) semaphore(%arg19 : memref<!tpu.dma_semaphore, #tpu.memory_space<semaphore_mem>>)
    %dma_start3A_19 = arith.constant 2 : i32
    %dma_start3A_20 = arith.constant 0 : i32
    %dma_start3A_21 = tpu.memref_slice %arg7[%dma_start3A_19, %dma_start3A_20] : memref<80x128xi32, #tpu.memory_space<vmem>> -> memref<1x128xi32, #tpu.memory_space<vmem>>
    %dma_start3A_22 = tpu.memref_squeeze %dma_start3A_21 : memref<1x128xi32, #tpu.memory_space<vmem>> -> memref<128xi32, #tpu.memory_space<vmem>>
    %dma_start3A_23 = arith.constant 0 : i32
    %dma_start3A_24 = arith.constant 0 : i32
    %dma_start3A_25 = tpu.memref_slice %arg2[%dma_start3A_23, %dma_start3A_24] : memref<10240x64xf32, #tpu.memory_space<hbm>> -> memref<10240x64xf32, #tpu.memory_space<hbm>>
    tpu.enqueue_indirect_dma source(%dma_start3A_25 : memref<10240x64xf32, #tpu.memory_space<hbm>>) target(%arg11 : memref<128x64xf32, #tpu.memory_space<vmem>>) offsets(%dma_start3A_22 : memref<128xi32, #tpu.memory_space<vmem>>) semaphore(%arg20 : memref<!tpu.dma_semaphore, #tpu.memory_space<semaphore_mem>>)
    %dma_start3A_26 = arith.constant 3 : i32
    %dma_start3A_27 = arith.constant 0 : i32
    %dma_start3A_28 = tpu.memref_slice %arg7[%dma_start3A_26, %dma_start3A_27] : memref<80x128xi32, #tpu.memory_space<vmem>> -> memref<1x128xi32, #tpu.memory_space<vmem>>
    %dma_start3A_29 = tpu.memref_squeeze %dma_start3A_28 : memref<1x128xi32, #tpu.memory_space<vmem>> -> memref<128xi32, #tpu.memory_space<vmem>>
    %dma_start3A_30 = arith.constant 0 : i32
    %dma_start3A_31 = arith.constant 0 : i32
    %dma_start3A_32 = tpu.memref_slice %arg2[%dma_start3A_30, %dma_start3A_31] : memref<10240x64xf32, #tpu.memory_space<hbm>> -> memref<10240x64xf32, #tpu.memory_space<hbm>>
    tpu.enqueue_indirect_dma source(%dma_start3A_32 : memref<10240x64xf32, #tpu.memory_space<hbm>>) target(%arg12 : memref<128x64xf32, #tpu.memory_space<vmem>>) offsets(%dma_start3A_29 : memref<128xi32, #tpu.memory_space<vmem>>) semaphore(%arg21 : memref<!tpu.dma_semaphore, #tpu.memory_space<semaphore_mem>>)
    %dma_start3A_33 = arith.constant 4 : i32
    %dma_start3A_34 = arith.constant 0 : i32
    %dma_start3A_35 = tpu.memref_slice %arg7[%dma_start3A_33, %dma_start3A_34] : memref<80x128xi32, #tpu.memory_space<vmem>> -> memref<1x128xi32, #tpu.memory_space<vmem>>
    %dma_start3A_36 = tpu.memref_squeeze %dma_start3A_35 : memref<1x128xi32, #tpu.memory_space<vmem>> -> memref<128xi32, #tpu.memory_space<vmem>>
    %dma_start3A_37 = arith.constant 0 : i32
    %dma_start3A_38 = arith.constant 0 : i32
    %dma_start3A_39 = tpu.memref_slice %arg2[%dma_start3A_37, %dma_start3A_38] : memref<10240x64xf32, #tpu.memory_space<hbm>> -> memref<10240x64xf32, #tpu.memory_space<hbm>>
    tpu.enqueue_indirect_dma source(%dma_start3A_39 : memref<10240x64xf32, #tpu.memory_space<hbm>>) target(%arg13 : memref<128x64xf32, #tpu.memory_space<vmem>>) offsets(%dma_start3A_36 : memref<128xi32, #tpu.memory_space<vmem>>) semaphore(%arg22 : memref<!tpu.dma_semaphore, #tpu.memory_space<semaphore_mem>>)
    %dma_start3A_40 = arith.constant 5 : i32
    %dma_start3A_41 = arith.constant 0 : i32
    %dma_start3A_42 = tpu.memref_slice %arg7[%dma_start3A_40, %dma_start3A_41] : memref<80x128xi32, #tpu.memory_space<vmem>> -> memref<1x128xi32, #tpu.memory_space<vmem>>
    %dma_start3A_43 = tpu.memref_squeeze %dma_start3A_42 : memref<1x128xi32, #tpu.memory_space<vmem>> -> memref<128xi32, #tpu.memory_space<vmem>>
    %dma_start3A_44 = arith.constant 0 : i32
    %dma_start3A_45 = arith.constant 0 : i32
    %dma_start3A_46 = tpu.memref_slice %arg2[%dma_start3A_44, %dma_start3A_45] : memref<10240x64xf32, #tpu.memory_space<hbm>> -> memref<10240x64xf32, #tpu.memory_space<hbm>>
    tpu.enqueue_indirect_dma source(%dma_start3A_46 : memref<10240x64xf32, #tpu.memory_space<hbm>>) target(%arg14 : memref<128x64xf32, #tpu.memory_space<vmem>>) offsets(%dma_start3A_43 : memref<128xi32, #tpu.memory_space<vmem>>) semaphore(%arg23 : memref<!tpu.dma_semaphore, #tpu.memory_space<semaphore_mem>>)
    %dma_start3A_47 = arith.constant 6 : i32
    %dma_start3A_48 = arith.constant 0 : i32
    %dma_start3A_49 = tpu.memref_slice %arg7[%dma_start3A_47, %dma_start3A_48] : memref<80x128xi32, #tpu.memory_space<vmem>> -> memref<1x128xi32, #tpu.memory_space<vmem>>
    %dma_start3A_50 = tpu.memref_squeeze %dma_start3A_49 : memref<1x128xi32, #tpu.memory_space<vmem>> -> memref<128xi32, #tpu.memory_space<vmem>>
    %dma_start3A_51 = arith.constant 0 : i32
    %dma_start3A_52 = arith.constant 0 : i32
    %dma_start3A_53 = tpu.memref_slice %arg2[%dma_start3A_51, %dma_start3A_52] : memref<10240x64xf32, #tpu.memory_space<hbm>> -> memref<10240x64xf32, #tpu.memory_space<hbm>>
    tpu.enqueue_indirect_dma source(%dma_start3A_53 : memref<10240x64xf32, #tpu.memory_space<hbm>>) target(%arg15 : memref<128x64xf32, #tpu.memory_space<vmem>>) offsets(%dma_start3A_50 : memref<128xi32, #tpu.memory_space<vmem>>) semaphore(%arg24 : memref<!tpu.dma_semaphore, #tpu.memory_space<semaphore_mem>>)
    %dma_start3A_54 = arith.constant 7 : i32
    %dma_start3A_55 = arith.constant 0 : i32
    %dma_start3A_56 = tpu.memref_slice %arg7[%dma_start3A_54, %dma_start3A_55] : memref<80x128xi32, #tpu.memory_space<vmem>> -> memref<1x128xi32, #tpu.memory_space<vmem>>
    %dma_start3A_57 = tpu.memref_squeeze %dma_start3A_56 : memref<1x128xi32, #tpu.memory_space<vmem>> -> memref<128xi32, #tpu.memory_space<vmem>>
    %dma_start3A_58 = arith.constant 0 : i32
    %dma_start3A_59 = arith.constant 0 : i32
    %dma_start3A_60 = tpu.memref_slice %arg2[%dma_start3A_58, %dma_start3A_59] : memref<10240x64xf32, #tpu.memory_space<hbm>> -> memref<10240x64xf32, #tpu.memory_space<hbm>>
    tpu.enqueue_indirect_dma source(%dma_start3A_60 : memref<10240x64xf32, #tpu.memory_space<hbm>>) target(%arg16 : memref<128x64xf32, #tpu.memory_space<vmem>>) offsets(%dma_start3A_57 : memref<128xi32, #tpu.memory_space<vmem>>) semaphore(%arg25 : memref<!tpu.dma_semaphore, #tpu.memory_space<semaphore_mem>>)
    %scan3A = arith.constant 0 : i32
    %scan3A_61 = arith.constant 9 : i32
    %scan3A_62 = arith.addi %scan3A, %scan3A_61 : i32
    %scan3A_63 = arith.constant 1 : i32
    scf.for %scan3A_240 = %scan3A to %scan3A_62 step %scan3A_63  : i32 {
      %mul3A_241 = arith.constant 1 : i32
      %mul3A_242 = arith.muli %scan3A_240, %mul3A_241 : i32
      %add3A_243 = arith.constant 0 : i32
      %add3A_244 = arith.addi %add3A_243, %mul3A_242 : i32
      %mul3A_245 = arith.constant 8 : i32
      %mul3A_246 = arith.muli %mul3A_245, %add3A_244 : i32
      %add3A_247 = arith.constant 0 : i32
      %add3A_248 = arith.addi %mul3A_246, %add3A_247 : i32
      %dma_wait3A_249 = arith.constant 0 : i32
      %dma_wait3A_250 = tpu.memref_slice %arg7[%add3A_248, %dma_wait3A_249] : memref<80x128xi32, #tpu.memory_space<vmem>> -> memref<1x128xi32, #tpu.memory_space<vmem>>
      %dma_wait3A_251 = tpu.memref_squeeze %dma_wait3A_250 : memref<1x128xi32, #tpu.memory_space<vmem>> -> memref<128xi32, #tpu.memory_space<vmem>>
      %dma_wait3A_252 = arith.constant 0 : i32
      %dma_wait3A_253 = arith.constant 0 : i32
      %dma_wait3A_254 = tpu.memref_slice %arg2[%dma_wait3A_252, %dma_wait3A_253] : memref<10240x64xf32, #tpu.memory_space<hbm>> -> memref<10240x64xf32, #tpu.memory_space<hbm>>
      tpu.wait_indirect_dma semaphore(%arg18 : memref<!tpu.dma_semaphore, #tpu.memory_space<semaphore_mem>>) src(%dma_wait3A_254 : memref<10240x64xf32, #tpu.memory_space<hbm>>) dst(%arg9 : memref<128x64xf32, #tpu.memory_space<vmem>>)
      %add3A_255 = arith.constant 0 : i32
      %add3A_256 = arith.addi %mul3A_246, %add3A_255 : i32
      %dma_start3A_257 = arith.constant 0 : i32
      %dma_start3A_258 = tpu.memref_slice %arg8[%add3A_256, %dma_start3A_257] : memref<80x128xi32, #tpu.memory_space<vmem>> -> memref<1x128xi32, #tpu.memory_space<vmem>>
      %dma_start3A_259 = tpu.memref_squeeze %dma_start3A_258 : memref<1x128xi32, #tpu.memory_space<vmem>> -> memref<128xi32, #tpu.memory_space<vmem>>
      %dma_start3A_260 = arith.constant 0 : i32
      %dma_start3A_261 = arith.constant 0 : i32
      %dma_start3A_262 = tpu.memref_slice %arg17[%dma_start3A_260, %dma_start3A_261] : memref<10240x64xf32, #tpu.memory_space<vmem_shared>> -> memref<10240x64xf32, #tpu.memory_space<vmem_shared>>
      tpu.enqueue_indirect_dma source(%arg9 : memref<128x64xf32, #tpu.memory_space<vmem>>) target(%dma_start3A_262 : memref<10240x64xf32, #tpu.memory_space<vmem_shared>>) offsets(%dma_start3A_259 : memref<128xi32, #tpu.memory_space<vmem>>) semaphore(%arg26 : memref<!tpu.dma_semaphore, #tpu.memory_space<semaphore_mem>>) {add = true}
      %add3A_263 = arith.constant 1 : i32
      %add3A_264 = arith.addi %mul3A_246, %add3A_263 : i32
      %dma_wait3A_265 = arith.constant 0 : i32
      %dma_wait3A_266 = tpu.memref_slice %arg7[%add3A_264, %dma_wait3A_265] : memref<80x128xi32, #tpu.memory_space<vmem>> -> memref<1x128xi32, #tpu.memory_space<vmem>>
      %dma_wait3A_267 = tpu.memref_squeeze %dma_wait3A_266 : memref<1x128xi32, #tpu.memory_space<vmem>> -> memref<128xi32, #tpu.memory_space<vmem>>
      %dma_wait3A_268 = arith.constant 0 : i32
      %dma_wait3A_269 = arith.constant 0 : i32
      %dma_wait3A_270 = tpu.memref_slice %arg2[%dma_wait3A_268, %dma_wait3A_269] : memref<10240x64xf32, #tpu.memory_space<hbm>> -> memref<10240x64xf32, #tpu.memory_space<hbm>>
      tpu.wait_indirect_dma semaphore(%arg19 : memref<!tpu.dma_semaphore, #tpu.memory_space<semaphore_mem>>) src(%dma_wait3A_270 : memref<10240x64xf32, #tpu.memory_space<hbm>>) dst(%arg10 : memref<128x64xf32, #tpu.memory_space<vmem>>)
      %add3A_271 = arith.constant 1 : i32
      %add3A_272 = arith.addi %mul3A_246, %add3A_271 : i32
      %dma_start3A_273 = arith.constant 0 : i32
      %dma_start3A_274 = tpu.memref_slice %arg8[%add3A_272, %dma_start3A_273] : memref<80x128xi32, #tpu.memory_space<vmem>> -> memref<1x128xi32, #tpu.memory_space<vmem>>
      %dma_start3A_275 = tpu.memref_squeeze %dma_start3A_274 : memref<1x128xi32, #tpu.memory_space<vmem>> -> memref<128xi32, #tpu.memory_space<vmem>>
      %dma_start3A_276 = arith.constant 0 : i32
      %dma_start3A_277 = arith.constant 0 : i32
      %dma_start3A_278 = tpu.memref_slice %arg17[%dma_start3A_276, %dma_start3A_277] : memref<10240x64xf32, #tpu.memory_space<vmem_shared>> -> memref<10240x64xf32, #tpu.memory_space<vmem_shared>>
      tpu.enqueue_indirect_dma source(%arg10 : memref<128x64xf32, #tpu.memory_space<vmem>>) target(%dma_start3A_278 : memref<10240x64xf32, #tpu.memory_space<vmem_shared>>) offsets(%dma_start3A_275 : memref<128xi32, #tpu.memory_space<vmem>>) semaphore(%arg27 : memref<!tpu.dma_semaphore, #tpu.memory_space<semaphore_mem>>) {add = true}
      %add3A_279 = arith.constant 2 : i32
      %add3A_280 = arith.addi %mul3A_246, %add3A_279 : i32
      %dma_wait3A_281 = arith.constant 0 : i32
      %dma_wait3A_282 = tpu.memref_slice %arg7[%add3A_280, %dma_wait3A_281] : memref<80x128xi32, #tpu.memory_space<vmem>> -> memref<1x128xi32, #tpu.memory_space<vmem>>
      %dma_wait3A_283 = tpu.memref_squeeze %dma_wait3A_282 : memref<1x128xi32, #tpu.memory_space<vmem>> -> memref<128xi32, #tpu.memory_space<vmem>>
      %dma_wait3A_284 = arith.constant 0 : i32
      %dma_wait3A_285 = arith.constant 0 : i32
      %dma_wait3A_286 = tpu.memref_slice %arg2[%dma_wait3A_284, %dma_wait3A_285] : memref<10240x64xf32, #tpu.memory_space<hbm>> -> memref<10240x64xf32, #tpu.memory_space<hbm>>
      tpu.wait_indirect_dma semaphore(%arg20 : memref<!tpu.dma_semaphore, #tpu.memory_space<semaphore_mem>>) src(%dma_wait3A_286 : memref<10240x64xf32, #tpu.memory_space<hbm>>) dst(%arg11 : memref<128x64xf32, #tpu.memory_space<vmem>>)
      %add3A_287 = arith.constant 2 : i32
      %add3A_288 = arith.addi %mul3A_246, %add3A_287 : i32
      %dma_start3A_289 = arith.constant 0 : i32
      %dma_start3A_290 = tpu.memref_slice %arg8[%add3A_288, %dma_start3A_289] : memref<80x128xi32, #tpu.memory_space<vmem>> -> memref<1x128xi32, #tpu.memory_space<vmem>>
      %dma_start3A_291 = tpu.memref_squeeze %dma_start3A_290 : memref<1x128xi32, #tpu.memory_space<vmem>> -> memref<128xi32, #tpu.memory_space<vmem>>
      %dma_start3A_292 = arith.constant 0 : i32
      %dma_start3A_293 = arith.constant 0 : i32
      %dma_start3A_294 = tpu.memref_slice %arg17[%dma_start3A_292, %dma_start3A_293] : memref<10240x64xf32, #tpu.memory_space<vmem_shared>> -> memref<10240x64xf32, #tpu.memory_space<vmem_shared>>
      tpu.enqueue_indirect_dma source(%arg11 : memref<128x64xf32, #tpu.memory_space<vmem>>) target(%dma_start3A_294 : memref<10240x64xf32, #tpu.memory_space<vmem_shared>>) offsets(%dma_start3A_291 : memref<128xi32, #tpu.memory_space<vmem>>) semaphore(%arg28 : memref<!tpu.dma_semaphore, #tpu.memory_space<semaphore_mem>>) {add = true}
      %add3A_295 = arith.constant 3 : i32
      %add3A_296 = arith.addi %mul3A_246, %add3A_295 : i32
      %dma_wait3A_297 = arith.constant 0 : i32
      %dma_wait3A_298 = tpu.memref_slice %arg7[%add3A_296, %dma_wait3A_297] : memref<80x128xi32, #tpu.memory_space<vmem>> -> memref<1x128xi32, #tpu.memory_space<vmem>>
      %dma_wait3A_299 = tpu.memref_squeeze %dma_wait3A_298 : memref<1x128xi32, #tpu.memory_space<vmem>> -> memref<128xi32, #tpu.memory_space<vmem>>
      %dma_wait3A_300 = arith.constant 0 : i32
      %dma_wait3A_301 = arith.constant 0 : i32
      %dma_wait3A_302 = tpu.memref_slice %arg2[%dma_wait3A_300, %dma_wait3A_301] : memref<10240x64xf32, #tpu.memory_space<hbm>> -> memref<10240x64xf32, #tpu.memory_space<hbm>>
      tpu.wait_indirect_dma semaphore(%arg21 : memref<!tpu.dma_semaphore, #tpu.memory_space<semaphore_mem>>) src(%dma_wait3A_302 : memref<10240x64xf32, #tpu.memory_space<hbm>>) dst(%arg12 : memref<128x64xf32, #tpu.memory_space<vmem>>)
      %add3A_303 = arith.constant 3 : i32
      %add3A_304 = arith.addi %mul3A_246, %add3A_303 : i32
      %dma_start3A_305 = arith.constant 0 : i32
      %dma_start3A_306 = tpu.memref_slice %arg8[%add3A_304, %dma_start3A_305] : memref<80x128xi32, #tpu.memory_space<vmem>> -> memref<1x128xi32, #tpu.memory_space<vmem>>
      %dma_start3A_307 = tpu.memref_squeeze %dma_start3A_306 : memref<1x128xi32, #tpu.memory_space<vmem>> -> memref<128xi32, #tpu.memory_space<vmem>>
      %dma_start3A_308 = arith.constant 0 : i32
      %dma_start3A_309 = arith.constant 0 : i32
      %dma_start3A_310 = tpu.memref_slice %arg17[%dma_start3A_308, %dma_start3A_309] : memref<10240x64xf32, #tpu.memory_space<vmem_shared>> -> memref<10240x64xf32, #tpu.memory_space<vmem_shared>>
      tpu.enqueue_indirect_dma source(%arg12 : memref<128x64xf32, #tpu.memory_space<vmem>>) target(%dma_start3A_310 : memref<10240x64xf32, #tpu.memory_space<vmem_shared>>) offsets(%dma_start3A_307 : memref<128xi32, #tpu.memory_space<vmem>>) semaphore(%arg29 : memref<!tpu.dma_semaphore, #tpu.memory_space<semaphore_mem>>) {add = true}
      %add3A_311 = arith.constant 4 : i32
      %add3A_312 = arith.addi %mul3A_246, %add3A_311 : i32
      %dma_wait3A_313 = arith.constant 0 : i32
      %dma_wait3A_314 = tpu.memref_slice %arg7[%add3A_312, %dma_wait3A_313] : memref<80x128xi32, #tpu.memory_space<vmem>> -> memref<1x128xi32, #tpu.memory_space<vmem>>
      %dma_wait3A_315 = tpu.memref_squeeze %dma_wait3A_314 : memref<1x128xi32, #tpu.memory_space<vmem>> -> memref<128xi32, #tpu.memory_space<vmem>>
      %dma_wait3A_316 = arith.constant 0 : i32
      %dma_wait3A_317 = arith.constant 0 : i32
      %dma_wait3A_318 = tpu.memref_slice %arg2[%dma_wait3A_316, %dma_wait3A_317] : memref<10240x64xf32, #tpu.memory_space<hbm>> -> memref<10240x64xf32, #tpu.memory_space<hbm>>
      tpu.wait_indirect_dma semaphore(%arg22 : memref<!tpu.dma_semaphore, #tpu.memory_space<semaphore_mem>>) src(%dma_wait3A_318 : memref<10240x64xf32, #tpu.memory_space<hbm>>) dst(%arg13 : memref<128x64xf32, #tpu.memory_space<vmem>>)
      %add3A_319 = arith.constant 4 : i32
      %add3A_320 = arith.addi %mul3A_246, %add3A_319 : i32
      %dma_start3A_321 = arith.constant 0 : i32
      %dma_start3A_322 = tpu.memref_slice %arg8[%add3A_320, %dma_start3A_321] : memref<80x128xi32, #tpu.memory_space<vmem>> -> memref<1x128xi32, #tpu.memory_space<vmem>>
      %dma_start3A_323 = tpu.memref_squeeze %dma_start3A_322 : memref<1x128xi32, #tpu.memory_space<vmem>> -> memref<128xi32, #tpu.memory_space<vmem>>
      %dma_start3A_324 = arith.constant 0 : i32
      %dma_start3A_325 = arith.constant 0 : i32
      %dma_start3A_326 = tpu.memref_slice %arg17[%dma_start3A_324, %dma_start3A_325] : memref<10240x64xf32, #tpu.memory_space<vmem_shared>> -> memref<10240x64xf32, #tpu.memory_space<vmem_shared>>
      tpu.enqueue_indirect_dma source(%arg13 : memref<128x64xf32, #tpu.memory_space<vmem>>) target(%dma_start3A_326 : memref<10240x64xf32, #tpu.memory_space<vmem_shared>>) offsets(%dma_start3A_323 : memref<128xi32, #tpu.memory_space<vmem>>) semaphore(%arg30 : memref<!tpu.dma_semaphore, #tpu.memory_space<semaphore_mem>>) {add = true}
      %add3A_327 = arith.constant 5 : i32
      %add3A_328 = arith.addi %mul3A_246, %add3A_327 : i32
      %dma_wait3A_329 = arith.constant 0 : i32
      %dma_wait3A_330 = tpu.memref_slice %arg7[%add3A_328, %dma_wait3A_329] : memref<80x128xi32, #tpu.memory_space<vmem>> -> memref<1x128xi32, #tpu.memory_space<vmem>>
      %dma_wait3A_331 = tpu.memref_squeeze %dma_wait3A_330 : memref<1x128xi32, #tpu.memory_space<vmem>> -> memref<128xi32, #tpu.memory_space<vmem>>
      %dma_wait3A_332 = arith.constant 0 : i32
      %dma_wait3A_333 = arith.constant 0 : i32
      %dma_wait3A_334 = tpu.memref_slice %arg2[%dma_wait3A_332, %dma_wait3A_333] : memref<10240x64xf32, #tpu.memory_space<hbm>> -> memref<10240x64xf32, #tpu.memory_space<hbm>>
      tpu.wait_indirect_dma semaphore(%arg23 : memref<!tpu.dma_semaphore, #tpu.memory_space<semaphore_mem>>) src(%dma_wait3A_334 : memref<10240x64xf32, #tpu.memory_space<hbm>>) dst(%arg14 : memref<128x64xf32, #tpu.memory_space<vmem>>)
      %add3A_335 = arith.constant 5 : i32
      %add3A_336 = arith.addi %mul3A_246, %add3A_335 : i32
      %dma_start3A_337 = arith.constant 0 : i32
      %dma_start3A_338 = tpu.memref_slice %arg8[%add3A_336, %dma_start3A_337] : memref<80x128xi32, #tpu.memory_space<vmem>> -> memref<1x128xi32, #tpu.memory_space<vmem>>
      %dma_start3A_339 = tpu.memref_squeeze %dma_start3A_338 : memref<1x128xi32, #tpu.memory_space<vmem>> -> memref<128xi32, #tpu.memory_space<vmem>>
      %dma_start3A_340 = arith.constant 0 : i32
      %dma_start3A_341 = arith.constant 0 : i32
      %dma_start3A_342 = tpu.memref_slice %arg17[%dma_start3A_340, %dma_start3A_341] : memref<10240x64xf32, #tpu.memory_space<vmem_shared>> -> memref<10240x64xf32, #tpu.memory_space<vmem_shared>>
      tpu.enqueue_indirect_dma source(%arg14 : memref<128x64xf32, #tpu.memory_space<vmem>>) target(%dma_start3A_342 : memref<10240x64xf32, #tpu.memory_space<vmem_shared>>) offsets(%dma_start3A_339 : memref<128xi32, #tpu.memory_space<vmem>>) semaphore(%arg31 : memref<!tpu.dma_semaphore, #tpu.memory_space<semaphore_mem>>) {add = true}
      %add3A_343 = arith.constant 6 : i32
      %add3A_344 = arith.addi %mul3A_246, %add3A_343 : i32
      %dma_wait3A_345 = arith.constant 0 : i32
      %dma_wait3A_346 = tpu.memref_slice %arg7[%add3A_344, %dma_wait3A_345] : memref<80x128xi32, #tpu.memory_space<vmem>> -> memref<1x128xi32, #tpu.memory_space<vmem>>
      %dma_wait3A_347 = tpu.memref_squeeze %dma_wait3A_346 : memref<1x128xi32, #tpu.memory_space<vmem>> -> memref<128xi32, #tpu.memory_space<vmem>>
      %dma_wait3A_348 = arith.constant 0 : i32
      %dma_wait3A_349 = arith.constant 0 : i32
      %dma_wait3A_350 = tpu.memref_slice %arg2[%dma_wait3A_348, %dma_wait3A_349] : memref<10240x64xf32, #tpu.memory_space<hbm>> -> memref<10240x64xf32, #tpu.memory_space<hbm>>
      tpu.wait_indirect_dma semaphore(%arg24 : memref<!tpu.dma_semaphore, #tpu.memory_space<semaphore_mem>>) src(%dma_wait3A_350 : memref<10240x64xf32, #tpu.memory_space<hbm>>) dst(%arg15 : memref<128x64xf32, #tpu.memory_space<vmem>>)
      %add3A_351 = arith.constant 6 : i32
      %add3A_352 = arith.addi %mul3A_246, %add3A_351 : i32
      %dma_start3A_353 = arith.constant 0 : i32
      %dma_start3A_354 = tpu.memref_slice %arg8[%add3A_352, %dma_start3A_353] : memref<80x128xi32, #tpu.memory_space<vmem>> -> memref<1x128xi32, #tpu.memory_space<vmem>>
      %dma_start3A_355 = tpu.memref_squeeze %dma_start3A_354 : memref<1x128xi32, #tpu.memory_space<vmem>> -> memref<128xi32, #tpu.memory_space<vmem>>
      %dma_start3A_356 = arith.constant 0 : i32
      %dma_start3A_357 = arith.constant 0 : i32
      %dma_start3A_358 = tpu.memref_slice %arg17[%dma_start3A_356, %dma_start3A_357] : memref<10240x64xf32, #tpu.memory_space<vmem_shared>> -> memref<10240x64xf32, #tpu.memory_space<vmem_shared>>
      tpu.enqueue_indirect_dma source(%arg15 : memref<128x64xf32, #tpu.memory_space<vmem>>) target(%dma_start3A_358 : memref<10240x64xf32, #tpu.memory_space<vmem_shared>>) offsets(%dma_start3A_355 : memref<128xi32, #tpu.memory_space<vmem>>) semaphore(%arg32 : memref<!tpu.dma_semaphore, #tpu.memory_space<semaphore_mem>>) {add = true}
      %add3A_359 = arith.constant 7 : i32
      %add3A_360 = arith.addi %mul3A_246, %add3A_359 : i32
      %dma_wait3A_361 = arith.constant 0 : i32
      %dma_wait3A_362 = tpu.memref_slice %arg7[%add3A_360, %dma_wait3A_361] : memref<80x128xi32, #tpu.memory_space<vmem>> -> memref<1x128xi32, #tpu.memory_space<vmem>>
      %dma_wait3A_363 = tpu.memref_squeeze %dma_wait3A_362 : memref<1x128xi32, #tpu.memory_space<vmem>> -> memref<128xi32, #tpu.memory_space<vmem>>
      %dma_wait3A_364 = arith.constant 0 : i32
      %dma_wait3A_365 = arith.constant 0 : i32
      %dma_wait3A_366 = tpu.memref_slice %arg2[%dma_wait3A_364, %dma_wait3A_365] : memref<10240x64xf32, #tpu.memory_space<hbm>> -> memref<10240x64xf32, #tpu.memory_space<hbm>>
      tpu.wait_indirect_dma semaphore(%arg25 : memref<!tpu.dma_semaphore, #tpu.memory_space<semaphore_mem>>) src(%dma_wait3A_366 : memref<10240x64xf32, #tpu.memory_space<hbm>>) dst(%arg16 : memref<128x64xf32, #tpu.memory_space<vmem>>)
      %add3A_367 = arith.constant 7 : i32
      %add3A_368 = arith.addi %mul3A_246, %add3A_367 : i32
      %dma_start3A_369 = arith.constant 0 : i32
      %dma_start3A_370 = tpu.memref_slice %arg8[%add3A_368, %dma_start3A_369] : memref<80x128xi32, #tpu.memory_space<vmem>> -> memref<1x128xi32, #tpu.memory_space<vmem>>
      %dma_start3A_371 = tpu.memref_squeeze %dma_start3A_370 : memref<1x128xi32, #tpu.memory_space<vmem>> -> memref<128xi32, #tpu.memory_space<vmem>>
      %dma_start3A_372 = arith.constant 0 : i32
      %dma_start3A_373 = arith.constant 0 : i32
      %dma_start3A_374 = tpu.memref_slice %arg17[%dma_start3A_372, %dma_start3A_373] : memref<10240x64xf32, #tpu.memory_space<vmem_shared>> -> memref<10240x64xf32, #tpu.memory_space<vmem_shared>>
      tpu.enqueue_indirect_dma source(%arg16 : memref<128x64xf32, #tpu.memory_space<vmem>>) target(%dma_start3A_374 : memref<10240x64xf32, #tpu.memory_space<vmem_shared>>) offsets(%dma_start3A_371 : memref<128xi32, #tpu.memory_space<vmem>>) semaphore(%arg33 : memref<!tpu.dma_semaphore, #tpu.memory_space<semaphore_mem>>) {add = true}
      %add3A_375 = arith.constant 0 : i32
      %add3A_376 = arith.addi %mul3A_246, %add3A_375 : i32
      %dma_wait3A_377 = arith.constant 0 : i32
      %dma_wait3A_378 = tpu.memref_slice %arg8[%add3A_376, %dma_wait3A_377] : memref<80x128xi32, #tpu.memory_space<vmem>> -> memref<1x128xi32, #tpu.memory_space<vmem>>
      %dma_wait3A_379 = tpu.memref_squeeze %dma_wait3A_378 : memref<1x128xi32, #tpu.memory_space<vmem>> -> memref<128xi32, #tpu.memory_space<vmem>>
      %dma_wait3A_380 = arith.constant 0 : i32
      %dma_wait3A_381 = arith.constant 0 : i32
      %dma_wait3A_382 = tpu.memref_slice %arg17[%dma_wait3A_380, %dma_wait3A_381] : memref<10240x64xf32, #tpu.memory_space<vmem_shared>> -> memref<10240x64xf32, #tpu.memory_space<vmem_shared>>
      tpu.wait_indirect_dma semaphore(%arg26 : memref<!tpu.dma_semaphore, #tpu.memory_space<semaphore_mem>>) src(%arg9 : memref<128x64xf32, #tpu.memory_space<vmem>>) dst(%dma_wait3A_382 : memref<10240x64xf32, #tpu.memory_space<vmem_shared>>)
      %add3A_383 = arith.constant 0 : i32
      %add3A_384 = arith.addi %mul3A_246, %add3A_383 : i32
      %add3A_385 = arith.constant 8 : i32
      %add3A_386 = arith.addi %add3A_384, %add3A_385 : i32
      %dma_start3A_387 = arith.constant 0 : i32
      %dma_start3A_388 = tpu.memref_slice %arg7[%add3A_386, %dma_start3A_387] : memref<80x128xi32, #tpu.memory_space<vmem>> -> memref<1x128xi32, #tpu.memory_space<vmem>>
      %dma_start3A_389 = tpu.memref_squeeze %dma_start3A_388 : memref<1x128xi32, #tpu.memory_space<vmem>> -> memref<128xi32, #tpu.memory_space<vmem>>
      %dma_start3A_390 = arith.constant 0 : i32
      %dma_start3A_391 = arith.constant 0 : i32
      %dma_start3A_392 = tpu.memref_slice %arg2[%dma_start3A_390, %dma_start3A_391] : memref<10240x64xf32, #tpu.memory_space<hbm>> -> memref<10240x64xf32, #tpu.memory_space<hbm>>
      tpu.enqueue_indirect_dma source(%dma_start3A_392 : memref<10240x64xf32, #tpu.memory_space<hbm>>) target(%arg9 : memref<128x64xf32, #tpu.memory_space<vmem>>) offsets(%dma_start3A_389 : memref<128xi32, #tpu.memory_space<vmem>>) semaphore(%arg18 : memref<!tpu.dma_semaphore, #tpu.memory_space<semaphore_mem>>)
      %add3A_393 = arith.constant 1 : i32
      %add3A_394 = arith.addi %mul3A_246, %add3A_393 : i32
      %dma_wait3A_395 = arith.constant 0 : i32
      %dma_wait3A_396 = tpu.memref_slice %arg8[%add3A_394, %dma_wait3A_395] : memref<80x128xi32, #tpu.memory_space<vmem>> -> memref<1x128xi32, #tpu.memory_space<vmem>>
      %dma_wait3A_397 = tpu.memref_squeeze %dma_wait3A_396 : memref<1x128xi32, #tpu.memory_space<vmem>> -> memref<128xi32, #tpu.memory_space<vmem>>
      %dma_wait3A_398 = arith.constant 0 : i32
      %dma_wait3A_399 = arith.constant 0 : i32
      %dma_wait3A_400 = tpu.memref_slice %arg17[%dma_wait3A_398, %dma_wait3A_399] : memref<10240x64xf32, #tpu.memory_space<vmem_shared>> -> memref<10240x64xf32, #tpu.memory_space<vmem_shared>>
      tpu.wait_indirect_dma semaphore(%arg27 : memref<!tpu.dma_semaphore, #tpu.memory_space<semaphore_mem>>) src(%arg10 : memref<128x64xf32, #tpu.memory_space<vmem>>) dst(%dma_wait3A_400 : memref<10240x64xf32, #tpu.memory_space<vmem_shared>>)
      %add3A_401 = arith.constant 1 : i32
      %add3A_402 = arith.addi %mul3A_246, %add3A_401 : i32
      %add3A_403 = arith.constant 8 : i32
      %add3A_404 = arith.addi %add3A_402, %add3A_403 : i32
      %dma_start3A_405 = arith.constant 0 : i32
      %dma_start3A_406 = tpu.memref_slice %arg7[%add3A_404, %dma_start3A_405] : memref<80x128xi32, #tpu.memory_space<vmem>> -> memref<1x128xi32, #tpu.memory_space<vmem>>
      %dma_start3A_407 = tpu.memref_squeeze %dma_start3A_406 : memref<1x128xi32, #tpu.memory_space<vmem>> -> memref<128xi32, #tpu.memory_space<vmem>>
      %dma_start3A_408 = arith.constant 0 : i32
      %dma_start3A_409 = arith.constant 0 : i32
      %dma_start3A_410 = tpu.memref_slice %arg2[%dma_start3A_408, %dma_start3A_409] : memref<10240x64xf32, #tpu.memory_space<hbm>> -> memref<10240x64xf32, #tpu.memory_space<hbm>>
      tpu.enqueue_indirect_dma source(%dma_start3A_410 : memref<10240x64xf32, #tpu.memory_space<hbm>>) target(%arg10 : memref<128x64xf32, #tpu.memory_space<vmem>>) offsets(%dma_start3A_407 : memref<128xi32, #tpu.memory_space<vmem>>) semaphore(%arg19 : memref<!tpu.dma_semaphore, #tpu.memory_space<semaphore_mem>>)
      %add3A_411 = arith.constant 2 : i32
      %add3A_412 = arith.addi %mul3A_246, %add3A_411 : i32
      %dma_wait3A_413 = arith.constant 0 : i32
      %dma_wait3A_414 = tpu.memref_slice %arg8[%add3A_412, %dma_wait3A_413] : memref<80x128xi32, #tpu.memory_space<vmem>> -> memref<1x128xi32, #tpu.memory_space<vmem>>
      %dma_wait3A_415 = tpu.memref_squeeze %dma_wait3A_414 : memref<1x128xi32, #tpu.memory_space<vmem>> -> memref<128xi32, #tpu.memory_space<vmem>>
      %dma_wait3A_416 = arith.constant 0 : i32
      %dma_wait3A_417 = arith.constant 0 : i32
      %dma_wait3A_418 = tpu.memref_slice %arg17[%dma_wait3A_416, %dma_wait3A_417] : memref<10240x64xf32, #tpu.memory_space<vmem_shared>> -> memref<10240x64xf32, #tpu.memory_space<vmem_shared>>
      tpu.wait_indirect_dma semaphore(%arg28 : memref<!tpu.dma_semaphore, #tpu.memory_space<semaphore_mem>>) src(%arg11 : memref<128x64xf32, #tpu.memory_space<vmem>>) dst(%dma_wait3A_418 : memref<10240x64xf32, #tpu.memory_space<vmem_shared>>)
      %add3A_419 = arith.constant 2 : i32
      %add3A_420 = arith.addi %mul3A_246, %add3A_419 : i32
      %add3A_421 = arith.constant 8 : i32
      %add3A_422 = arith.addi %add3A_420, %add3A_421 : i32
      %dma_start3A_423 = arith.constant 0 : i32
      %dma_start3A_424 = tpu.memref_slice %arg7[%add3A_422, %dma_start3A_423] : memref<80x128xi32, #tpu.memory_space<vmem>> -> memref<1x128xi32, #tpu.memory_space<vmem>>
      %dma_start3A_425 = tpu.memref_squeeze %dma_start3A_424 : memref<1x128xi32, #tpu.memory_space<vmem>> -> memref<128xi32, #tpu.memory_space<vmem>>
      %dma_start3A_426 = arith.constant 0 : i32
      %dma_start3A_427 = arith.constant 0 : i32
      %dma_start3A_428 = tpu.memref_slice %arg2[%dma_start3A_426, %dma_start3A_427] : memref<10240x64xf32, #tpu.memory_space<hbm>> -> memref<10240x64xf32, #tpu.memory_space<hbm>>
      tpu.enqueue_indirect_dma source(%dma_start3A_428 : memref<10240x64xf32, #tpu.memory_space<hbm>>) target(%arg11 : memref<128x64xf32, #tpu.memory_space<vmem>>) offsets(%dma_start3A_425 : memref<128xi32, #tpu.memory_space<vmem>>) semaphore(%arg20 : memref<!tpu.dma_semaphore, #tpu.memory_space<semaphore_mem>>)
      %add3A_429 = arith.constant 3 : i32
      %add3A_430 = arith.addi %mul3A_246, %add3A_429 : i32
      %dma_wait3A_431 = arith.constant 0 : i32
      %dma_wait3A_432 = tpu.memref_slice %arg8[%add3A_430, %dma_wait3A_431] : memref<80x128xi32, #tpu.memory_space<vmem>> -> memref<1x128xi32, #tpu.memory_space<vmem>>
      %dma_wait3A_433 = tpu.memref_squeeze %dma_wait3A_432 : memref<1x128xi32, #tpu.memory_space<vmem>> -> memref<128xi32, #tpu.memory_space<vmem>>
      %dma_wait3A_434 = arith.constant 0 : i32
      %dma_wait3A_435 = arith.constant 0 : i32
      %dma_wait3A_436 = tpu.memref_slice %arg17[%dma_wait3A_434, %dma_wait3A_435] : memref<10240x64xf32, #tpu.memory_space<vmem_shared>> -> memref<10240x64xf32, #tpu.memory_space<vmem_shared>>
      tpu.wait_indirect_dma semaphore(%arg29 : memref<!tpu.dma_semaphore, #tpu.memory_space<semaphore_mem>>) src(%arg12 : memref<128x64xf32, #tpu.memory_space<vmem>>) dst(%dma_wait3A_436 : memref<10240x64xf32, #tpu.memory_space<vmem_shared>>)
      %add3A_437 = arith.constant 3 : i32
      %add3A_438 = arith.addi %mul3A_246, %add3A_437 : i32
      %add3A_439 = arith.constant 8 : i32
      %add3A_440 = arith.addi %add3A_438, %add3A_439 : i32
      %dma_start3A_441 = arith.constant 0 : i32
      %dma_start3A_442 = tpu.memref_slice %arg7[%add3A_440, %dma_start3A_441] : memref<80x128xi32, #tpu.memory_space<vmem>> -> memref<1x128xi32, #tpu.memory_space<vmem>>
      %dma_start3A_443 = tpu.memref_squeeze %dma_start3A_442 : memref<1x128xi32, #tpu.memory_space<vmem>> -> memref<128xi32, #tpu.memory_space<vmem>>
      %dma_start3A_444 = arith.constant 0 : i32
      %dma_start3A_445 = arith.constant 0 : i32
      %dma_start3A_446 = tpu.memref_slice %arg2[%dma_start3A_444, %dma_start3A_445] : memref<10240x64xf32, #tpu.memory_space<hbm>> -> memref<10240x64xf32, #tpu.memory_space<hbm>>
      tpu.enqueue_indirect_dma source(%dma_start3A_446 : memref<10240x64xf32, #tpu.memory_space<hbm>>) target(%arg12 : memref<128x64xf32, #tpu.memory_space<vmem>>) offsets(%dma_start3A_443 : memref<128xi32, #tpu.memory_space<vmem>>) semaphore(%arg21 : memref<!tpu.dma_semaphore, #tpu.memory_space<semaphore_mem>>)
      %add3A_447 = arith.constant 4 : i32
      %add3A_448 = arith.addi %mul3A_246, %add3A_447 : i32
      %dma_wait3A_449 = arith.constant 0 : i32
      %dma_wait3A_450 = tpu.memref_slice %arg8[%add3A_448, %dma_wait3A_449] : memref<80x128xi32, #tpu.memory_space<vmem>> -> memref<1x128xi32, #tpu.memory_space<vmem>>
      %dma_wait3A_451 = tpu.memref_squeeze %dma_wait3A_450 : memref<1x128xi32, #tpu.memory_space<vmem>> -> memref<128xi32, #tpu.memory_space<vmem>>
      %dma_wait3A_452 = arith.constant 0 : i32
      %dma_wait3A_453 = arith.constant 0 : i32
      %dma_wait3A_454 = tpu.memref_slice %arg17[%dma_wait3A_452, %dma_wait3A_453] : memref<10240x64xf32, #tpu.memory_space<vmem_shared>> -> memref<10240x64xf32, #tpu.memory_space<vmem_shared>>
      tpu.wait_indirect_dma semaphore(%arg30 : memref<!tpu.dma_semaphore, #tpu.memory_space<semaphore_mem>>) src(%arg13 : memref<128x64xf32, #tpu.memory_space<vmem>>) dst(%dma_wait3A_454 : memref<10240x64xf32, #tpu.memory_space<vmem_shared>>)
      %add3A_455 = arith.constant 4 : i32
      %add3A_456 = arith.addi %mul3A_246, %add3A_455 : i32
      %add3A_457 = arith.constant 8 : i32
      %add3A_458 = arith.addi %add3A_456, %add3A_457 : i32
      %dma_start3A_459 = arith.constant 0 : i32
      %dma_start3A_460 = tpu.memref_slice %arg7[%add3A_458, %dma_start3A_459] : memref<80x128xi32, #tpu.memory_space<vmem>> -> memref<1x128xi32, #tpu.memory_space<vmem>>
      %dma_start3A_461 = tpu.memref_squeeze %dma_start3A_460 : memref<1x128xi32, #tpu.memory_space<vmem>> -> memref<128xi32, #tpu.memory_space<vmem>>
      %dma_start3A_462 = arith.constant 0 : i32
      %dma_start3A_463 = arith.constant 0 : i32
      %dma_start3A_464 = tpu.memref_slice %arg2[%dma_start3A_462, %dma_start3A_463] : memref<10240x64xf32, #tpu.memory_space<hbm>> -> memref<10240x64xf32, #tpu.memory_space<hbm>>
      tpu.enqueue_indirect_dma source(%dma_start3A_464 : memref<10240x64xf32, #tpu.memory_space<hbm>>) target(%arg13 : memref<128x64xf32, #tpu.memory_space<vmem>>) offsets(%dma_start3A_461 : memref<128xi32, #tpu.memory_space<vmem>>) semaphore(%arg22 : memref<!tpu.dma_semaphore, #tpu.memory_space<semaphore_mem>>)
      %add3A_465 = arith.constant 5 : i32
      %add3A_466 = arith.addi %mul3A_246, %add3A_465 : i32
      %dma_wait3A_467 = arith.constant 0 : i32
      %dma_wait3A_468 = tpu.memref_slice %arg8[%add3A_466, %dma_wait3A_467] : memref<80x128xi32, #tpu.memory_space<vmem>> -> memref<1x128xi32, #tpu.memory_space<vmem>>
      %dma_wait3A_469 = tpu.memref_squeeze %dma_wait3A_468 : memref<1x128xi32, #tpu.memory_space<vmem>> -> memref<128xi32, #tpu.memory_space<vmem>>
      %dma_wait3A_470 = arith.constant 0 : i32
      %dma_wait3A_471 = arith.constant 0 : i32
      %dma_wait3A_472 = tpu.memref_slice %arg17[%dma_wait3A_470, %dma_wait3A_471] : memref<10240x64xf32, #tpu.memory_space<vmem_shared>> -> memref<10240x64xf32, #tpu.memory_space<vmem_shared>>
      tpu.wait_indirect_dma semaphore(%arg31 : memref<!tpu.dma_semaphore, #tpu.memory_space<semaphore_mem>>) src(%arg14 : memref<128x64xf32, #tpu.memory_space<vmem>>) dst(%dma_wait3A_472 : memref<10240x64xf32, #tpu.memory_space<vmem_shared>>)
      %add3A_473 = arith.constant 5 : i32
      %add3A_474 = arith.addi %mul3A_246, %add3A_473 : i32
      %add3A_475 = arith.constant 8 : i32
      %add3A_476 = arith.addi %add3A_474, %add3A_475 : i32
      %dma_start3A_477 = arith.constant 0 : i32
      %dma_start3A_478 = tpu.memref_slice %arg7[%add3A_476, %dma_start3A_477] : memref<80x128xi32, #tpu.memory_space<vmem>> -> memref<1x128xi32, #tpu.memory_space<vmem>>
      %dma_start3A_479 = tpu.memref_squeeze %dma_start3A_478 : memref<1x128xi32, #tpu.memory_space<vmem>> -> memref<128xi32, #tpu.memory_space<vmem>>
      %dma_start3A_480 = arith.constant 0 : i32
      %dma_start3A_481 = arith.constant 0 : i32
      %dma_start3A_482 = tpu.memref_slice %arg2[%dma_start3A_480, %dma_start3A_481] : memref<10240x64xf32, #tpu.memory_space<hbm>> -> memref<10240x64xf32, #tpu.memory_space<hbm>>
      tpu.enqueue_indirect_dma source(%dma_start3A_482 : memref<10240x64xf32, #tpu.memory_space<hbm>>) target(%arg14 : memref<128x64xf32, #tpu.memory_space<vmem>>) offsets(%dma_start3A_479 : memref<128xi32, #tpu.memory_space<vmem>>) semaphore(%arg23 : memref<!tpu.dma_semaphore, #tpu.memory_space<semaphore_mem>>)
      %add3A_483 = arith.constant 6 : i32
      %add3A_484 = arith.addi %mul3A_246, %add3A_483 : i32
      %dma_wait3A_485 = arith.constant 0 : i32
      %dma_wait3A_486 = tpu.memref_slice %arg8[%add3A_484, %dma_wait3A_485] : memref<80x128xi32, #tpu.memory_space<vmem>> -> memref<1x128xi32, #tpu.memory_space<vmem>>
      %dma_wait3A_487 = tpu.memref_squeeze %dma_wait3A_486 : memref<1x128xi32, #tpu.memory_space<vmem>> -> memref<128xi32, #tpu.memory_space<vmem>>
      %dma_wait3A_488 = arith.constant 0 : i32
      %dma_wait3A_489 = arith.constant 0 : i32
      %dma_wait3A_490 = tpu.memref_slice %arg17[%dma_wait3A_488, %dma_wait3A_489] : memref<10240x64xf32, #tpu.memory_space<vmem_shared>> -> memref<10240x64xf32, #tpu.memory_space<vmem_shared>>
      tpu.wait_indirect_dma semaphore(%arg32 : memref<!tpu.dma_semaphore, #tpu.memory_space<semaphore_mem>>) src(%arg15 : memref<128x64xf32, #tpu.memory_space<vmem>>) dst(%dma_wait3A_490 : memref<10240x64xf32, #tpu.memory_space<vmem_shared>>)
      %add3A_491 = arith.constant 6 : i32
      %add3A_492 = arith.addi %mul3A_246, %add3A_491 : i32
      %add3A_493 = arith.constant 8 : i32
      %add3A_494 = arith.addi %add3A_492, %add3A_493 : i32
      %dma_start3A_495 = arith.constant 0 : i32
      %dma_start3A_496 = tpu.memref_slice %arg7[%add3A_494, %dma_start3A_495] : memref<80x128xi32, #tpu.memory_space<vmem>> -> memref<1x128xi32, #tpu.memory_space<vmem>>
      %dma_start3A_497 = tpu.memref_squeeze %dma_start3A_496 : memref<1x128xi32, #tpu.memory_space<vmem>> -> memref<128xi32, #tpu.memory_space<vmem>>
      %dma_start3A_498 = arith.constant 0 : i32
      %dma_start3A_499 = arith.constant 0 : i32
      %dma_start3A_500 = tpu.memref_slice %arg2[%dma_start3A_498, %dma_start3A_499] : memref<10240x64xf32, #tpu.memory_space<hbm>> -> memref<10240x64xf32, #tpu.memory_space<hbm>>
      tpu.enqueue_indirect_dma source(%dma_start3A_500 : memref<10240x64xf32, #tpu.memory_space<hbm>>) target(%arg15 : memref<128x64xf32, #tpu.memory_space<vmem>>) offsets(%dma_start3A_497 : memref<128xi32, #tpu.memory_space<vmem>>) semaphore(%arg24 : memref<!tpu.dma_semaphore, #tpu.memory_space<semaphore_mem>>)
      %add3A_501 = arith.constant 7 : i32
      %add3A_502 = arith.addi %mul3A_246, %add3A_501 : i32
      %dma_wait3A_503 = arith.constant 0 : i32
      %dma_wait3A_504 = tpu.memref_slice %arg8[%add3A_502, %dma_wait3A_503] : memref<80x128xi32, #tpu.memory_space<vmem>> -> memref<1x128xi32, #tpu.memory_space<vmem>>
      %dma_wait3A_505 = tpu.memref_squeeze %dma_wait3A_504 : memref<1x128xi32, #tpu.memory_space<vmem>> -> memref<128xi32, #tpu.memory_space<vmem>>
      %dma_wait3A_506 = arith.constant 0 : i32
      %dma_wait3A_507 = arith.constant 0 : i32
      %dma_wait3A_508 = tpu.memref_slice %arg17[%dma_wait3A_506, %dma_wait3A_507] : memref<10240x64xf32, #tpu.memory_space<vmem_shared>> -> memref<10240x64xf32, #tpu.memory_space<vmem_shared>>
      tpu.wait_indirect_dma semaphore(%arg33 : memref<!tpu.dma_semaphore, #tpu.memory_space<semaphore_mem>>) src(%arg16 : memref<128x64xf32, #tpu.memory_space<vmem>>) dst(%dma_wait3A_508 : memref<10240x64xf32, #tpu.memory_space<vmem_shared>>)
      %add3A_509 = arith.constant 7 : i32
      %add3A_510 = arith.addi %mul3A_246, %add3A_509 : i32
      %add3A_511 = arith.constant 8 : i32
      %add3A_512 = arith.addi %add3A_510, %add3A_511 : i32
      %dma_start3A_513 = arith.constant 0 : i32
      %dma_start3A_514 = tpu.memref_slice %arg7[%add3A_512, %dma_start3A_513] : memref<80x128xi32, #tpu.memory_space<vmem>> -> memref<1x128xi32, #tpu.memory_space<vmem>>
      %dma_start3A_515 = tpu.memref_squeeze %dma_start3A_514 : memref<1x128xi32, #tpu.memory_space<vmem>> -> memref<128xi32, #tpu.memory_space<vmem>>
      %dma_start3A_516 = arith.constant 0 : i32
      %dma_start3A_517 = arith.constant 0 : i32
      %dma_start3A_518 = tpu.memref_slice %arg2[%dma_start3A_516, %dma_start3A_517] : memref<10240x64xf32, #tpu.memory_space<hbm>> -> memref<10240x64xf32, #tpu.memory_space<hbm>>
      tpu.enqueue_indirect_dma source(%dma_start3A_518 : memref<10240x64xf32, #tpu.memory_space<hbm>>) target(%arg16 : memref<128x64xf32, #tpu.memory_space<vmem>>) offsets(%dma_start3A_515 : memref<128xi32, #tpu.memory_space<vmem>>) semaphore(%arg25 : memref<!tpu.dma_semaphore, #tpu.memory_space<semaphore_mem>>)
    }
    %scan3A_64 = arith.constant 9 : i32
    %dma_wait3A = arith.constant 72 : i32
    %dma_wait3A_65 = arith.constant 0 : i32
    %dma_wait3A_66 = tpu.memref_slice %arg7[%dma_wait3A, %dma_wait3A_65] : memref<80x128xi32, #tpu.memory_space<vmem>> -> memref<1x128xi32, #tpu.memory_space<vmem>>
    %dma_wait3A_67 = tpu.memref_squeeze %dma_wait3A_66 : memref<1x128xi32, #tpu.memory_space<vmem>> -> memref<128xi32, #tpu.memory_space<vmem>>
    %dma_wait3A_68 = arith.constant 0 : i32
    %dma_wait3A_69 = arith.constant 0 : i32
    %dma_wait3A_70 = tpu.memref_slice %arg2[%dma_wait3A_68, %dma_wait3A_69] : memref<10240x64xf32, #tpu.memory_space<hbm>> -> memref<10240x64xf32, #tpu.memory_space<hbm>>
    tpu.wait_indirect_dma semaphore(%arg18 : memref<!tpu.dma_semaphore, #tpu.memory_space<semaphore_mem>>) src(%dma_wait3A_70 : memref<10240x64xf32, #tpu.memory_space<hbm>>) dst(%arg9 : memref<128x64xf32, #tpu.memory_space<vmem>>)
    %dma_start3A_71 = arith.constant 72 : i32
    %dma_start3A_72 = arith.constant 0 : i32
    %dma_start3A_73 = tpu.memref_slice %arg8[%dma_start3A_71, %dma_start3A_72] : memref<80x128xi32, #tpu.memory_space<vmem>> -> memref<1x128xi32, #tpu.memory_space<vmem>>
    %dma_start3A_74 = tpu.memref_squeeze %dma_start3A_73 : memref<1x128xi32, #tpu.memory_space<vmem>> -> memref<128xi32, #tpu.memory_space<vmem>>
    %dma_start3A_75 = arith.constant 0 : i32
    %dma_start3A_76 = arith.constant 0 : i32
    %dma_start3A_77 = tpu.memref_slice %arg17[%dma_start3A_75, %dma_start3A_76] : memref<10240x64xf32, #tpu.memory_space<vmem_shared>> -> memref<10240x64xf32, #tpu.memory_space<vmem_shared>>
    tpu.enqueue_indirect_dma source(%arg9 : memref<128x64xf32, #tpu.memory_space<vmem>>) target(%dma_start3A_77 : memref<10240x64xf32, #tpu.memory_space<vmem_shared>>) offsets(%dma_start3A_74 : memref<128xi32, #tpu.memory_space<vmem>>) semaphore(%arg26 : memref<!tpu.dma_semaphore, #tpu.memory_space<semaphore_mem>>) {add = true}
    %dma_wait3A_78 = arith.constant 73 : i32
    %dma_wait3A_79 = arith.constant 0 : i32
    %dma_wait3A_80 = tpu.memref_slice %arg7[%dma_wait3A_78, %dma_wait3A_79] : memref<80x128xi32, #tpu.memory_space<vmem>> -> memref<1x128xi32, #tpu.memory_space<vmem>>
    %dma_wait3A_81 = tpu.memref_squeeze %dma_wait3A_80 : memref<1x128xi32, #tpu.memory_space<vmem>> -> memref<128xi32, #tpu.memory_space<vmem>>
    %dma_wait3A_82 = arith.constant 0 : i32
    %dma_wait3A_83 = arith.constant 0 : i32
    %dma_wait3A_84 = tpu.memref_slice %arg2[%dma_wait3A_82, %dma_wait3A_83] : memref<10240x64xf32, #tpu.memory_space<hbm>> -> memref<10240x64xf32, #tpu.memory_space<hbm>>
    tpu.wait_indirect_dma semaphore(%arg19 : memref<!tpu.dma_semaphore, #tpu.memory_space<semaphore_mem>>) src(%dma_wait3A_84 : memref<10240x64xf32, #tpu.memory_space<hbm>>) dst(%arg10 : memref<128x64xf32, #tpu.memory_space<vmem>>)
    %dma_start3A_85 = arith.constant 73 : i32
    %dma_start3A_86 = arith.constant 0 : i32
    %dma_start3A_87 = tpu.memref_slice %arg8[%dma_start3A_85, %dma_start3A_86] : memref<80x128xi32, #tpu.memory_space<vmem>> -> memref<1x128xi32, #tpu.memory_space<vmem>>
    %dma_start3A_88 = tpu.memref_squeeze %dma_start3A_87 : memref<1x128xi32, #tpu.memory_space<vmem>> -> memref<128xi32, #tpu.memory_space<vmem>>
    %dma_start3A_89 = arith.constant 0 : i32
    %dma_start3A_90 = arith.constant 0 : i32
    %dma_start3A_91 = tpu.memref_slice %arg17[%dma_start3A_89, %dma_start3A_90] : memref<10240x64xf32, #tpu.memory_space<vmem_shared>> -> memref<10240x64xf32, #tpu.memory_space<vmem_shared>>
    tpu.enqueue_indirect_dma source(%arg10 : memref<128x64xf32, #tpu.memory_space<vmem>>) target(%dma_start3A_91 : memref<10240x64xf32, #tpu.memory_space<vmem_shared>>) offsets(%dma_start3A_88 : memref<128xi32, #tpu.memory_space<vmem>>) semaphore(%arg27 : memref<!tpu.dma_semaphore, #tpu.memory_space<semaphore_mem>>) {add = true}
    %dma_wait3A_92 = arith.constant 74 : i32
    %dma_wait3A_93 = arith.constant 0 : i32
    %dma_wait3A_94 = tpu.memref_slice %arg7[%dma_wait3A_92, %dma_wait3A_93] : memref<80x128xi32, #tpu.memory_space<vmem>> -> memref<1x128xi32, #tpu.memory_space<vmem>>
    %dma_wait3A_95 = tpu.memref_squeeze %dma_wait3A_94 : memref<1x128xi32, #tpu.memory_space<vmem>> -> memref<128xi32, #tpu.memory_space<vmem>>
    %dma_wait3A_96 = arith.constant 0 : i32
    %dma_wait3A_97 = arith.constant 0 : i32
    %dma_wait3A_98 = tpu.memref_slice %arg2[%dma_wait3A_96, %dma_wait3A_97] : memref<10240x64xf32, #tpu.memory_space<hbm>> -> memref<10240x64xf32, #tpu.memory_space<hbm>>
    tpu.wait_indirect_dma semaphore(%arg20 : memref<!tpu.dma_semaphore, #tpu.memory_space<semaphore_mem>>) src(%dma_wait3A_98 : memref<10240x64xf32, #tpu.memory_space<hbm>>) dst(%arg11 : memref<128x64xf32, #tpu.memory_space<vmem>>)
    %dma_start3A_99 = arith.constant 74 : i32
    %dma_start3A_100 = arith.constant 0 : i32
    %dma_start3A_101 = tpu.memref_slice %arg8[%dma_start3A_99, %dma_start3A_100] : memref<80x128xi32, #tpu.memory_space<vmem>> -> memref<1x128xi32, #tpu.memory_space<vmem>>
    %dma_start3A_102 = tpu.memref_squeeze %dma_start3A_101 : memref<1x128xi32, #tpu.memory_space<vmem>> -> memref<128xi32, #tpu.memory_space<vmem>>
    %dma_start3A_103 = arith.constant 0 : i32
    %dma_start3A_104 = arith.constant 0 : i32
    %dma_start3A_105 = tpu.memref_slice %arg17[%dma_start3A_103, %dma_start3A_104] : memref<10240x64xf32, #tpu.memory_space<vmem_shared>> -> memref<10240x64xf32, #tpu.memory_space<vmem_shared>>
    tpu.enqueue_indirect_dma source(%arg11 : memref<128x64xf32, #tpu.memory_space<vmem>>) target(%dma_start3A_105 : memref<10240x64xf32, #tpu.memory_space<vmem_shared>>) offsets(%dma_start3A_102 : memref<128xi32, #tpu.memory_space<vmem>>) semaphore(%arg28 : memref<!tpu.dma_semaphore, #tpu.memory_space<semaphore_mem>>) {add = true}
    %dma_wait3A_106 = arith.constant 75 : i32
    %dma_wait3A_107 = arith.constant 0 : i32
    %dma_wait3A_108 = tpu.memref_slice %arg7[%dma_wait3A_106, %dma_wait3A_107] : memref<80x128xi32, #tpu.memory_space<vmem>> -> memref<1x128xi32, #tpu.memory_space<vmem>>
    %dma_wait3A_109 = tpu.memref_squeeze %dma_wait3A_108 : memref<1x128xi32, #tpu.memory_space<vmem>> -> memref<128xi32, #tpu.memory_space<vmem>>
    %dma_wait3A_110 = arith.constant 0 : i32
    %dma_wait3A_111 = arith.constant 0 : i32
    %dma_wait3A_112 = tpu.memref_slice %arg2[%dma_wait3A_110, %dma_wait3A_111] : memref<10240x64xf32, #tpu.memory_space<hbm>> -> memref<10240x64xf32, #tpu.memory_space<hbm>>
    tpu.wait_indirect_dma semaphore(%arg21 : memref<!tpu.dma_semaphore, #tpu.memory_space<semaphore_mem>>) src(%dma_wait3A_112 : memref<10240x64xf32, #tpu.memory_space<hbm>>) dst(%arg12 : memref<128x64xf32, #tpu.memory_space<vmem>>)
    %dma_start3A_113 = arith.constant 75 : i32
    %dma_start3A_114 = arith.constant 0 : i32
    %dma_start3A_115 = tpu.memref_slice %arg8[%dma_start3A_113, %dma_start3A_114] : memref<80x128xi32, #tpu.memory_space<vmem>> -> memref<1x128xi32, #tpu.memory_space<vmem>>
    %dma_start3A_116 = tpu.memref_squeeze %dma_start3A_115 : memref<1x128xi32, #tpu.memory_space<vmem>> -> memref<128xi32, #tpu.memory_space<vmem>>
    %dma_start3A_117 = arith.constant 0 : i32
    %dma_start3A_118 = arith.constant 0 : i32
    %dma_start3A_119 = tpu.memref_slice %arg17[%dma_start3A_117, %dma_start3A_118] : memref<10240x64xf32, #tpu.memory_space<vmem_shared>> -> memref<10240x64xf32, #tpu.memory_space<vmem_shared>>
    tpu.enqueue_indirect_dma source(%arg12 : memref<128x64xf32, #tpu.memory_space<vmem>>) target(%dma_start3A_119 : memref<10240x64xf32, #tpu.memory_space<vmem_shared>>) offsets(%dma_start3A_116 : memref<128xi32, #tpu.memory_space<vmem>>) semaphore(%arg29 : memref<!tpu.dma_semaphore, #tpu.memory_space<semaphore_mem>>) {add = true}
    %dma_wait3A_120 = arith.constant 76 : i32
    %dma_wait3A_121 = arith.constant 0 : i32
    %dma_wait3A_122 = tpu.memref_slice %arg7[%dma_wait3A_120, %dma_wait3A_121] : memref<80x128xi32, #tpu.memory_space<vmem>> -> memref<1x128xi32, #tpu.memory_space<vmem>>
    %dma_wait3A_123 = tpu.memref_squeeze %dma_wait3A_122 : memref<1x128xi32, #tpu.memory_space<vmem>> -> memref<128xi32, #tpu.memory_space<vmem>>
    %dma_wait3A_124 = arith.constant 0 : i32
    %dma_wait3A_125 = arith.constant 0 : i32
    %dma_wait3A_126 = tpu.memref_slice %arg2[%dma_wait3A_124, %dma_wait3A_125] : memref<10240x64xf32, #tpu.memory_space<hbm>> -> memref<10240x64xf32, #tpu.memory_space<hbm>>
    tpu.wait_indirect_dma semaphore(%arg22 : memref<!tpu.dma_semaphore, #tpu.memory_space<semaphore_mem>>) src(%dma_wait3A_126 : memref<10240x64xf32, #tpu.memory_space<hbm>>) dst(%arg13 : memref<128x64xf32, #tpu.memory_space<vmem>>)
    %dma_start3A_127 = arith.constant 76 : i32
    %dma_start3A_128 = arith.constant 0 : i32
    %dma_start3A_129 = tpu.memref_slice %arg8[%dma_start3A_127, %dma_start3A_128] : memref<80x128xi32, #tpu.memory_space<vmem>> -> memref<1x128xi32, #tpu.memory_space<vmem>>
    %dma_start3A_130 = tpu.memref_squeeze %dma_start3A_129 : memref<1x128xi32, #tpu.memory_space<vmem>> -> memref<128xi32, #tpu.memory_space<vmem>>
    %dma_start3A_131 = arith.constant 0 : i32
    %dma_start3A_132 = arith.constant 0 : i32
    %dma_start3A_133 = tpu.memref_slice %arg17[%dma_start3A_131, %dma_start3A_132] : memref<10240x64xf32, #tpu.memory_space<vmem_shared>> -> memref<10240x64xf32, #tpu.memory_space<vmem_shared>>
    tpu.enqueue_indirect_dma source(%arg13 : memref<128x64xf32, #tpu.memory_space<vmem>>) target(%dma_start3A_133 : memref<10240x64xf32, #tpu.memory_space<vmem_shared>>) offsets(%dma_start3A_130 : memref<128xi32, #tpu.memory_space<vmem>>) semaphore(%arg30 : memref<!tpu.dma_semaphore, #tpu.memory_space<semaphore_mem>>) {add = true}
    %dma_wait3A_134 = arith.constant 77 : i32
    %dma_wait3A_135 = arith.constant 0 : i32
    %dma_wait3A_136 = tpu.memref_slice %arg7[%dma_wait3A_134, %dma_wait3A_135] : memref<80x128xi32, #tpu.memory_space<vmem>> -> memref<1x128xi32, #tpu.memory_space<vmem>>
    %dma_wait3A_137 = tpu.memref_squeeze %dma_wait3A_136 : memref<1x128xi32, #tpu.memory_space<vmem>> -> memref<128xi32, #tpu.memory_space<vmem>>
    %dma_wait3A_138 = arith.constant 0 : i32
    %dma_wait3A_139 = arith.constant 0 : i32
    %dma_wait3A_140 = tpu.memref_slice %arg2[%dma_wait3A_138, %dma_wait3A_139] : memref<10240x64xf32, #tpu.memory_space<hbm>> -> memref<10240x64xf32, #tpu.memory_space<hbm>>
    tpu.wait_indirect_dma semaphore(%arg23 : memref<!tpu.dma_semaphore, #tpu.memory_space<semaphore_mem>>) src(%dma_wait3A_140 : memref<10240x64xf32, #tpu.memory_space<hbm>>) dst(%arg14 : memref<128x64xf32, #tpu.memory_space<vmem>>)
    %dma_start3A_141 = arith.constant 77 : i32
    %dma_start3A_142 = arith.constant 0 : i32
    %dma_start3A_143 = tpu.memref_slice %arg8[%dma_start3A_141, %dma_start3A_142] : memref<80x128xi32, #tpu.memory_space<vmem>> -> memref<1x128xi32, #tpu.memory_space<vmem>>
    %dma_start3A_144 = tpu.memref_squeeze %dma_start3A_143 : memref<1x128xi32, #tpu.memory_space<vmem>> -> memref<128xi32, #tpu.memory_space<vmem>>
    %dma_start3A_145 = arith.constant 0 : i32
    %dma_start3A_146 = arith.constant 0 : i32
    %dma_start3A_147 = tpu.memref_slice %arg17[%dma_start3A_145, %dma_start3A_146] : memref<10240x64xf32, #tpu.memory_space<vmem_shared>> -> memref<10240x64xf32, #tpu.memory_space<vmem_shared>>
    tpu.enqueue_indirect_dma source(%arg14 : memref<128x64xf32, #tpu.memory_space<vmem>>) target(%dma_start3A_147 : memref<10240x64xf32, #tpu.memory_space<vmem_shared>>) offsets(%dma_start3A_144 : memref<128xi32, #tpu.memory_space<vmem>>) semaphore(%arg31 : memref<!tpu.dma_semaphore, #tpu.memory_space<semaphore_mem>>) {add = true}
    %dma_wait3A_148 = arith.constant 78 : i32
    %dma_wait3A_149 = arith.constant 0 : i32
    %dma_wait3A_150 = tpu.memref_slice %arg7[%dma_wait3A_148, %dma_wait3A_149] : memref<80x128xi32, #tpu.memory_space<vmem>> -> memref<1x128xi32, #tpu.memory_space<vmem>>
    %dma_wait3A_151 = tpu.memref_squeeze %dma_wait3A_150 : memref<1x128xi32, #tpu.memory_space<vmem>> -> memref<128xi32, #tpu.memory_space<vmem>>
    %dma_wait3A_152 = arith.constant 0 : i32
    %dma_wait3A_153 = arith.constant 0 : i32
    %dma_wait3A_154 = tpu.memref_slice %arg2[%dma_wait3A_152, %dma_wait3A_153] : memref<10240x64xf32, #tpu.memory_space<hbm>> -> memref<10240x64xf32, #tpu.memory_space<hbm>>
    tpu.wait_indirect_dma semaphore(%arg24 : memref<!tpu.dma_semaphore, #tpu.memory_space<semaphore_mem>>) src(%dma_wait3A_154 : memref<10240x64xf32, #tpu.memory_space<hbm>>) dst(%arg15 : memref<128x64xf32, #tpu.memory_space<vmem>>)
    %dma_start3A_155 = arith.constant 78 : i32
    %dma_start3A_156 = arith.constant 0 : i32
    %dma_start3A_157 = tpu.memref_slice %arg8[%dma_start3A_155, %dma_start3A_156] : memref<80x128xi32, #tpu.memory_space<vmem>> -> memref<1x128xi32, #tpu.memory_space<vmem>>
    %dma_start3A_158 = tpu.memref_squeeze %dma_start3A_157 : memref<1x128xi32, #tpu.memory_space<vmem>> -> memref<128xi32, #tpu.memory_space<vmem>>
    %dma_start3A_159 = arith.constant 0 : i32
    %dma_start3A_160 = arith.constant 0 : i32
    %dma_start3A_161 = tpu.memref_slice %arg17[%dma_start3A_159, %dma_start3A_160] : memref<10240x64xf32, #tpu.memory_space<vmem_shared>> -> memref<10240x64xf32, #tpu.memory_space<vmem_shared>>
    tpu.enqueue_indirect_dma source(%arg15 : memref<128x64xf32, #tpu.memory_space<vmem>>) target(%dma_start3A_161 : memref<10240x64xf32, #tpu.memory_space<vmem_shared>>) offsets(%dma_start3A_158 : memref<128xi32, #tpu.memory_space<vmem>>) semaphore(%arg32 : memref<!tpu.dma_semaphore, #tpu.memory_space<semaphore_mem>>) {add = true}
    %dma_wait3A_162 = arith.constant 79 : i32
    %dma_wait3A_163 = arith.constant 0 : i32
    %dma_wait3A_164 = tpu.memref_slice %arg7[%dma_wait3A_162, %dma_wait3A_163] : memref<80x128xi32, #tpu.memory_space<vmem>> -> memref<1x128xi32, #tpu.memory_space<vmem>>
    %dma_wait3A_165 = tpu.memref_squeeze %dma_wait3A_164 : memref<1x128xi32, #tpu.memory_space<vmem>> -> memref<128xi32, #tpu.memory_space<vmem>>
    %dma_wait3A_166 = arith.constant 0 : i32
    %dma_wait3A_167 = arith.constant 0 : i32
    %dma_wait3A_168 = tpu.memref_slice %arg2[%dma_wait3A_166, %dma_wait3A_167] : memref<10240x64xf32, #tpu.memory_space<hbm>> -> memref<10240x64xf32, #tpu.memory_space<hbm>>
    tpu.wait_indirect_dma semaphore(%arg25 : memref<!tpu.dma_semaphore, #tpu.memory_space<semaphore_mem>>) src(%dma_wait3A_168 : memref<10240x64xf32, #tpu.memory_space<hbm>>) dst(%arg16 : memref<128x64xf32, #tpu.memory_space<vmem>>)
    %dma_start3A_169 = arith.constant 79 : i32
    %dma_start3A_170 = arith.constant 0 : i32
    %dma_start3A_171 = tpu.memref_slice %arg8[%dma_start3A_169, %dma_start3A_170] : memref<80x128xi32, #tpu.memory_space<vmem>> -> memref<1x128xi32, #tpu.memory_space<vmem>>
    %dma_start3A_172 = tpu.memref_squeeze %dma_start3A_171 : memref<1x128xi32, #tpu.memory_space<vmem>> -> memref<128xi32, #tpu.memory_space<vmem>>
    %dma_start3A_173 = arith.constant 0 : i32
    %dma_start3A_174 = arith.constant 0 : i32
    %dma_start3A_175 = tpu.memref_slice %arg17[%dma_start3A_173, %dma_start3A_174] : memref<10240x64xf32, #tpu.memory_space<vmem_shared>> -> memref<10240x64xf32, #tpu.memory_space<vmem_shared>>
    tpu.enqueue_indirect_dma source(%arg16 : memref<128x64xf32, #tpu.memory_space<vmem>>) target(%dma_start3A_175 : memref<10240x64xf32, #tpu.memory_space<vmem_shared>>) offsets(%dma_start3A_172 : memref<128xi32, #tpu.memory_space<vmem>>) semaphore(%arg33 : memref<!tpu.dma_semaphore, #tpu.memory_space<semaphore_mem>>) {add = true}
    %dma_wait3A_176 = arith.constant 72 : i32
    %dma_wait3A_177 = arith.constant 0 : i32
    %dma_wait3A_178 = tpu.memref_slice %arg8[%dma_wait3A_176, %dma_wait3A_177] : memref<80x128xi32, #tpu.memory_space<vmem>> -> memref<1x128xi32, #tpu.memory_space<vmem>>
    %dma_wait3A_179 = tpu.memref_squeeze %dma_wait3A_178 : memref<1x128xi32, #tpu.memory_space<vmem>> -> memref<128xi32, #tpu.memory_space<vmem>>
    %dma_wait3A_180 = arith.constant 0 : i32
    %dma_wait3A_181 = arith.constant 0 : i32
    %dma_wait3A_182 = tpu.memref_slice %arg17[%dma_wait3A_180, %dma_wait3A_181] : memref<10240x64xf32, #tpu.memory_space<vmem_shared>> -> memref<10240x64xf32, #tpu.memory_space<vmem_shared>>
    tpu.wait_indirect_dma semaphore(%arg26 : memref<!tpu.dma_semaphore, #tpu.memory_space<semaphore_mem>>) src(%arg9 : memref<128x64xf32, #tpu.memory_space<vmem>>) dst(%dma_wait3A_182 : memref<10240x64xf32, #tpu.memory_space<vmem_shared>>)
    %dma_wait3A_183 = arith.constant 73 : i32
    %dma_wait3A_184 = arith.constant 0 : i32
    %dma_wait3A_185 = tpu.memref_slice %arg8[%dma_wait3A_183, %dma_wait3A_184] : memref<80x128xi32, #tpu.memory_space<vmem>> -> memref<1x128xi32, #tpu.memory_space<vmem>>
    %dma_wait3A_186 = tpu.memref_squeeze %dma_wait3A_185 : memref<1x128xi32, #tpu.memory_space<vmem>> -> memref<128xi32, #tpu.memory_space<vmem>>
    %dma_wait3A_187 = arith.constant 0 : i32
    %dma_wait3A_188 = arith.constant 0 : i32
    %dma_wait3A_189 = tpu.memref_slice %arg17[%dma_wait3A_187, %dma_wait3A_188] : memref<10240x64xf32, #tpu.memory_space<vmem_shared>> -> memref<10240x64xf32, #tpu.memory_space<vmem_shared>>
    tpu.wait_indirect_dma semaphore(%arg27 : memref<!tpu.dma_semaphore, #tpu.memory_space<semaphore_mem>>) src(%arg10 : memref<128x64xf32, #tpu.memory_space<vmem>>) dst(%dma_wait3A_189 : memref<10240x64xf32, #tpu.memory_space<vmem_shared>>)
    %dma_wait3A_190 = arith.constant 74 : i32
    %dma_wait3A_191 = arith.constant 0 : i32
    %dma_wait3A_192 = tpu.memref_slice %arg8[%dma_wait3A_190, %dma_wait3A_191] : memref<80x128xi32, #tpu.memory_space<vmem>> -> memref<1x128xi32, #tpu.memory_space<vmem>>
    %dma_wait3A_193 = tpu.memref_squeeze %dma_wait3A_192 : memref<1x128xi32, #tpu.memory_space<vmem>> -> memref<128xi32, #tpu.memory_space<vmem>>
    %dma_wait3A_194 = arith.constant 0 : i32
    %dma_wait3A_195 = arith.constant 0 : i32
    %dma_wait3A_196 = tpu.memref_slice %arg17[%dma_wait3A_194, %dma_wait3A_195] : memref<10240x64xf32, #tpu.memory_space<vmem_shared>> -> memref<10240x64xf32, #tpu.memory_space<vmem_shared>>
    tpu.wait_indirect_dma semaphore(%arg28 : memref<!tpu.dma_semaphore, #tpu.memory_space<semaphore_mem>>) src(%arg11 : memref<128x64xf32, #tpu.memory_space<vmem>>) dst(%dma_wait3A_196 : memref<10240x64xf32, #tpu.memory_space<vmem_shared>>)
    %dma_wait3A_197 = arith.constant 75 : i32
    %dma_wait3A_198 = arith.constant 0 : i32
    %dma_wait3A_199 = tpu.memref_slice %arg8[%dma_wait3A_197, %dma_wait3A_198] : memref<80x128xi32, #tpu.memory_space<vmem>> -> memref<1x128xi32, #tpu.memory_space<vmem>>
    %dma_wait3A_200 = tpu.memref_squeeze %dma_wait3A_199 : memref<1x128xi32, #tpu.memory_space<vmem>> -> memref<128xi32, #tpu.memory_space<vmem>>
    %dma_wait3A_201 = arith.constant 0 : i32
    %dma_wait3A_202 = arith.constant 0 : i32
    %dma_wait3A_203 = tpu.memref_slice %arg17[%dma_wait3A_201, %dma_wait3A_202] : memref<10240x64xf32, #tpu.memory_space<vmem_shared>> -> memref<10240x64xf32, #tpu.memory_space<vmem_shared>>
    tpu.wait_indirect_dma semaphore(%arg29 : memref<!tpu.dma_semaphore, #tpu.memory_space<semaphore_mem>>) src(%arg12 : memref<128x64xf32, #tpu.memory_space<vmem>>) dst(%dma_wait3A_203 : memref<10240x64xf32, #tpu.memory_space<vmem_shared>>)
    %dma_wait3A_204 = arith.constant 76 : i32
    %dma_wait3A_205 = arith.constant 0 : i32
    %dma_wait3A_206 = tpu.memref_slice %arg8[%dma_wait3A_204, %dma_wait3A_205] : memref<80x128xi32, #tpu.memory_space<vmem>> -> memref<1x128xi32, #tpu.memory_space<vmem>>
    %dma_wait3A_207 = tpu.memref_squeeze %dma_wait3A_206 : memref<1x128xi32, #tpu.memory_space<vmem>> -> memref<128xi32, #tpu.memory_space<vmem>>
    %dma_wait3A_208 = arith.constant 0 : i32
    %dma_wait3A_209 = arith.constant 0 : i32
    %dma_wait3A_210 = tpu.memref_slice %arg17[%dma_wait3A_208, %dma_wait3A_209] : memref<10240x64xf32, #tpu.memory_space<vmem_shared>> -> memref<10240x64xf32, #tpu.memory_space<vmem_shared>>
    tpu.wait_indirect_dma semaphore(%arg30 : memref<!tpu.dma_semaphore, #tpu.memory_space<semaphore_mem>>) src(%arg13 : memref<128x64xf32, #tpu.memory_space<vmem>>) dst(%dma_wait3A_210 : memref<10240x64xf32, #tpu.memory_space<vmem_shared>>)
    %dma_wait3A_211 = arith.constant 77 : i32
    %dma_wait3A_212 = arith.constant 0 : i32
    %dma_wait3A_213 = tpu.memref_slice %arg8[%dma_wait3A_211, %dma_wait3A_212] : memref<80x128xi32, #tpu.memory_space<vmem>> -> memref<1x128xi32, #tpu.memory_space<vmem>>
    %dma_wait3A_214 = tpu.memref_squeeze %dma_wait3A_213 : memref<1x128xi32, #tpu.memory_space<vmem>> -> memref<128xi32, #tpu.memory_space<vmem>>
    %dma_wait3A_215 = arith.constant 0 : i32
    %dma_wait3A_216 = arith.constant 0 : i32
    %dma_wait3A_217 = tpu.memref_slice %arg17[%dma_wait3A_215, %dma_wait3A_216] : memref<10240x64xf32, #tpu.memory_space<vmem_shared>> -> memref<10240x64xf32, #tpu.memory_space<vmem_shared>>
    tpu.wait_indirect_dma semaphore(%arg31 : memref<!tpu.dma_semaphore, #tpu.memory_space<semaphore_mem>>) src(%arg14 : memref<128x64xf32, #tpu.memory_space<vmem>>) dst(%dma_wait3A_217 : memref<10240x64xf32, #tpu.memory_space<vmem_shared>>)
    %dma_wait3A_218 = arith.constant 78 : i32
    %dma_wait3A_219 = arith.constant 0 : i32
    %dma_wait3A_220 = tpu.memref_slice %arg8[%dma_wait3A_218, %dma_wait3A_219] : memref<80x128xi32, #tpu.memory_space<vmem>> -> memref<1x128xi32, #tpu.memory_space<vmem>>
    %dma_wait3A_221 = tpu.memref_squeeze %dma_wait3A_220 : memref<1x128xi32, #tpu.memory_space<vmem>> -> memref<128xi32, #tpu.memory_space<vmem>>
    %dma_wait3A_222 = arith.constant 0 : i32
    %dma_wait3A_223 = arith.constant 0 : i32
    %dma_wait3A_224 = tpu.memref_slice %arg17[%dma_wait3A_222, %dma_wait3A_223] : memref<10240x64xf32, #tpu.memory_space<vmem_shared>> -> memref<10240x64xf32, #tpu.memory_space<vmem_shared>>
    tpu.wait_indirect_dma semaphore(%arg32 : memref<!tpu.dma_semaphore, #tpu.memory_space<semaphore_mem>>) src(%arg15 : memref<128x64xf32, #tpu.memory_space<vmem>>) dst(%dma_wait3A_224 : memref<10240x64xf32, #tpu.memory_space<vmem_shared>>)
    %dma_wait3A_225 = arith.constant 79 : i32
    %dma_wait3A_226 = arith.constant 0 : i32
    %dma_wait3A_227 = tpu.memref_slice %arg8[%dma_wait3A_225, %dma_wait3A_226] : memref<80x128xi32, #tpu.memory_space<vmem>> -> memref<1x128xi32, #tpu.memory_space<vmem>>
    %dma_wait3A_228 = tpu.memref_squeeze %dma_wait3A_227 : memref<1x128xi32, #tpu.memory_space<vmem>> -> memref<128xi32, #tpu.memory_space<vmem>>
    %dma_wait3A_229 = arith.constant 0 : i32
    %dma_wait3A_230 = arith.constant 0 : i32
    %dma_wait3A_231 = tpu.memref_slice %arg17[%dma_wait3A_229, %dma_wait3A_230] : memref<10240x64xf32, #tpu.memory_space<vmem_shared>> -> memref<10240x64xf32, #tpu.memory_space<vmem_shared>>
    tpu.wait_indirect_dma semaphore(%arg33 : memref<!tpu.dma_semaphore, #tpu.memory_space<semaphore_mem>>) src(%arg16 : memref<128x64xf32, #tpu.memory_space<vmem>>) dst(%dma_wait3A_231 : memref<10240x64xf32, #tpu.memory_space<vmem_shared>>)
    %barrier3A_232 = arith.constant 0 : index
    tpu.barrier barrier_id(%barrier3A_232)
    %eq3A = arith.constant 0 : i32
    %eq3A_233 = arith.cmpi eq, %arg0, %eq3A : i32
    %convert_element_type3A = arith.extui %eq3A_233 : i1 to i32
    %cond3A = arith.constant 0 : i32
    %cond3A_234 = arith.cmpi ne, %convert_element_type3A, %cond3A : i32
    scf.if %cond3A_234 {
      %mul3A_240 = arith.constant 640 : i32
      %mul3A_241 = arith.muli %arg1, %mul3A_240 : i32
      %mul3A_242 = arith.constant 640 : i32
      %mul3A_243 = arith.muli %arg1, %mul3A_242 : i32
      "tpu.region"() ({
        %run_scoped3A_244 = tpu.sem_alloc : memref<!tpu.dma_semaphore, #tpu.memory_space<semaphore_mem>>
        %dma_start3A_245 = arith.constant 0 : i32
        %dma_start3A_246 = tpu.memref_slice %arg5[%mul3A_243, %dma_start3A_245] : memref<10240x64xf32, #tpu.memory_space<hbm>> -> memref<640x64xf32, #tpu.memory_space<hbm>>
        %dma_start3A_247 = arith.constant 0 : i32
        %dma_start3A_248 = tpu.memref_slice %arg17[%mul3A_241, %dma_start3A_247] : memref<10240x64xf32, #tpu.memory_space<vmem_shared>> -> memref<640x64xf32, #tpu.memory_space<vmem_shared>>
        tpu.enqueue_dma source(%dma_start3A_248 : memref<640x64xf32, #tpu.memory_space<vmem_shared>>) target(%dma_start3A_246 : memref<640x64xf32, #tpu.memory_space<hbm>>) target_semaphore(%run_scoped3A_244 : memref<!tpu.dma_semaphore, #tpu.memory_space<semaphore_mem>>)
        %dma_wait3A_249 = arith.constant 0 : i32
        %dma_wait3A_250 = tpu.memref_slice %arg5[%mul3A_243, %dma_wait3A_249] : memref<10240x64xf32, #tpu.memory_space<hbm>> -> memref<640x64xf32, #tpu.memory_space<hbm>>
        %dma_wait3A_251 = arith.constant 0 : i32
        %dma_wait3A_252 = tpu.memref_slice %arg17[%mul3A_241, %dma_wait3A_251] : memref<10240x64xf32, #tpu.memory_space<vmem_shared>> -> memref<640x64xf32, #tpu.memory_space<vmem_shared>>
        tpu.wait_dma2 semaphore(%run_scoped3A_244 : memref<!tpu.dma_semaphore, #tpu.memory_space<semaphore_mem>>) src(%dma_wait3A_252 : memref<640x64xf32, #tpu.memory_space<vmem_shared>>) dst(%dma_wait3A_250 : memref<640x64xf32, #tpu.memory_space<hbm>>)
        tpu.yield
      }) : () -> ()
    } else {
    }
    %eq3A_235 = arith.constant 1 : i32
    %eq3A_236 = arith.cmpi eq, %arg0, %eq3A_235 : i32
    %convert_element_type3A_237 = arith.extui %eq3A_236 : i1 to i32
    %cond3A_238 = arith.constant 0 : i32
    %cond3A_239 = arith.cmpi ne, %convert_element_type3A_237, %cond3A_238 : i32
    scf.if %cond3A_239 {
      %mul3A_240 = arith.constant 640 : i32
      %mul3A_241 = arith.muli %arg1, %mul3A_240 : i32
      %mul3A_242 = arith.constant 640 : i32
      %mul3A_243 = arith.muli %arg1, %mul3A_242 : i32
      "tpu.region"() ({
        %run_scoped3A_244 = tpu.sem_alloc : memref<!tpu.dma_semaphore, #tpu.memory_space<semaphore_mem>>
        %dma_start3A_245 = arith.constant 0 : i32
        %dma_start3A_246 = tpu.memref_slice %arg6[%mul3A_243, %dma_start3A_245] : memref<10240x64xf32, #tpu.memory_space<hbm>> -> memref<640x64xf32, #tpu.memory_space<hbm>>
        %dma_start3A_247 = arith.constant 0 : i32
        %dma_start3A_248 = tpu.memref_slice %arg17[%mul3A_241, %dma_start3A_247] : memref<10240x64xf32, #tpu.memory_space<vmem_shared>> -> memref<640x64xf32, #tpu.memory_space<vmem_shared>>
        tpu.enqueue_dma source(%dma_start3A_248 : memref<640x64xf32, #tpu.memory_space<vmem_shared>>) target(%dma_start3A_246 : memref<640x64xf32, #tpu.memory_space<hbm>>) target_semaphore(%run_scoped3A_244 : memref<!tpu.dma_semaphore, #tpu.memory_space<semaphore_mem>>)
        %dma_wait3A_249 = arith.constant 0 : i32
        %dma_wait3A_250 = tpu.memref_slice %arg6[%mul3A_243, %dma_wait3A_249] : memref<10240x64xf32, #tpu.memory_space<hbm>> -> memref<640x64xf32, #tpu.memory_space<hbm>>
        %dma_wait3A_251 = arith.constant 0 : i32
        %dma_wait3A_252 = tpu.memref_slice %arg17[%mul3A_241, %dma_wait3A_251] : memref<10240x64xf32, #tpu.memory_space<vmem_shared>> -> memref<640x64xf32, #tpu.memory_space<vmem_shared>>
        tpu.wait_dma2 semaphore(%run_scoped3A_244 : memref<!tpu.dma_semaphore, #tpu.memory_space<semaphore_mem>>) src(%dma_wait3A_252 : memref<640x64xf32, #tpu.memory_space<vmem_shared>>) dst(%dma_wait3A_250 : memref<640x64xf32, #tpu.memory_space<hbm>>)
        tpu.yield
      }) : () -> ()
    } else {
    }
    return
  }
}

#map = affine_map<(d0, d1) -> (0, 0)>
#map1 = affine_map<(d0, d1) -> (0, 0, 0, 0)>
module attributes {stable_mosaic.version = 14 : i64} {
  func.func @_agg_kernel(%arg0: i32, %arg1: i32, %arg2: memref<10240x64xf32, #tpu.memory_space<hbm>>, %arg3: memref<2x32x80x128xi32, #tpu.memory_space<hbm>>, %arg4: memref<10240x64xf32, #tpu.memory_space<hbm>>, %arg5: memref<10240x64xf32, #tpu.memory_space<hbm>>, %arg6: memref<10240x64xf32, #tpu.memory_space<hbm>>, %arg7: memref<80x128xi32, #tpu.memory_space<vmem>>, %arg8: memref<80x128xi32, #tpu.memory_space<vmem>>, %arg9: memref<128x64xf32, #tpu.memory_space<vmem>>, %arg10: memref<128x64xf32, #tpu.memory_space<vmem>>, %arg11: memref<128x64xf32, #tpu.memory_space<vmem>>, %arg12: memref<128x64xf32, #tpu.memory_space<vmem>>, %arg13: memref<128x64xf32, #tpu.memory_space<vmem>>, %arg14: memref<128x64xf32, #tpu.memory_space<vmem>>, %arg15: memref<128x64xf32, #tpu.memory_space<vmem>>, %arg16: memref<128x64xf32, #tpu.memory_space<vmem>>, %arg17: memref<10240x64xf32, #tpu.memory_space<vmem_shared>>, %arg18: memref<!tpu.dma_semaphore, #tpu.memory_space<semaphore_mem>>, %arg19: memref<!tpu.dma_semaphore, #tpu.memory_space<semaphore_mem>>, %arg20: memref<!tpu.dma_semaphore, #tpu.memory_space<semaphore_mem>>, %arg21: memref<!tpu.dma_semaphore, #tpu.memory_space<semaphore_mem>>, %arg22: memref<!tpu.dma_semaphore, #tpu.memory_space<semaphore_mem>>, %arg23: memref<!tpu.dma_semaphore, #tpu.memory_space<semaphore_mem>>, %arg24: memref<!tpu.dma_semaphore, #tpu.memory_space<semaphore_mem>>, %arg25: memref<!tpu.dma_semaphore, #tpu.memory_space<semaphore_mem>>, %arg26: memref<!tpu.dma_semaphore, #tpu.memory_space<semaphore_mem>>, %arg27: memref<!tpu.dma_semaphore, #tpu.memory_space<semaphore_mem>>, %arg28: memref<!tpu.dma_semaphore, #tpu.memory_space<semaphore_mem>>, %arg29: memref<!tpu.dma_semaphore, #tpu.memory_space<semaphore_mem>>, %arg30: memref<!tpu.dma_semaphore, #tpu.memory_space<semaphore_mem>>, %arg31: memref<!tpu.dma_semaphore, #tpu.memory_space<semaphore_mem>>, %arg32: memref<!tpu.dma_semaphore, #tpu.memory_space<semaphore_mem>>, %arg33: memref<!tpu.dma_semaphore, #tpu.memory_space<semaphore_mem>>) attributes {dimension_semantics = [#tpu.dimension_semantics<core_parallel>, #tpu.dimension_semantics<subcore_parallel>], iteration_bounds = array<i64: 2, 16>, scalar_prefetch = 0 : i64, scratch_operands = 27 : i64, tpu.core_type = #tpu.core_type<sc_vector_subcore>, window_params = [{transform_indices = #map}, {transform_indices = #map1}, {transform_indices = #map}, {transform_indices = #map}, {transform_indices = #map}]} {
    %mul3A = arith.constant 2 : i32
    %mul3A_0 = arith.muli %arg1, %mul3A : i32
    %add3A = arith.addi %mul3A_0, %arg0 : i32
    %run_scoped3A = arith.constant 0 : i32
    "tpu.region"() ({
      %run_scoped3A_240 = tpu.sem_alloc : memref<!tpu.dma_semaphore, #tpu.memory_space<semaphore_mem>>
      %dma_start3A_241 = arith.constant 0 : i32
      %dma_start3A_242 = arith.constant 0 : i32
      %dma_start3A_243 = tpu.memref_slice %arg3[%run_scoped3A, %add3A, %dma_start3A_241, %dma_start3A_242] : memref<2x32x80x128xi32, #tpu.memory_space<hbm>> -> memref<1x1x80x128xi32, #tpu.memory_space<hbm>>
      %dma_start3A_244 = tpu.memref_squeeze %dma_start3A_243 : memref<1x1x80x128xi32, #tpu.memory_space<hbm>> -> memref<80x128xi32, #tpu.memory_space<hbm>>
      %dma_start3A_245 = arith.constant 0 : i32
      %dma_start3A_246 = arith.constant 0 : i32
      %dma_start3A_247 = tpu.memref_slice %arg3[%run_scoped3A, %add3A, %dma_start3A_245, %dma_start3A_246] : memref<2x32x80x128xi32, #tpu.memory_space<hbm>> -> memref<1x1x80x128xi32, #tpu.memory_space<hbm>>
      %dma_start3A_248 = tpu.memref_squeeze %dma_start3A_247 : memref<1x1x80x128xi32, #tpu.memory_space<hbm>> -> memref<80x128xi32, #tpu.memory_space<hbm>>
      tpu.enqueue_dma source(%dma_start3A_248 : memref<80x128xi32, #tpu.memory_space<hbm>>) target(%arg7 : memref<80x128xi32, #tpu.memory_space<vmem>>) target_semaphore(%run_scoped3A_240 : memref<!tpu.dma_semaphore, #tpu.memory_space<semaphore_mem>>)
      %dma_wait3A_249 = arith.constant 0 : i32
      %dma_wait3A_250 = arith.constant 0 : i32
      %dma_wait3A_251 = tpu.memref_slice %arg3[%run_scoped3A, %add3A, %dma_wait3A_249, %dma_wait3A_250] : memref<2x32x80x128xi32, #tpu.memory_space<hbm>> -> memref<1x1x80x128xi32, #tpu.memory_space<hbm>>
      %dma_wait3A_252 = tpu.memref_squeeze %dma_wait3A_251 : memref<1x1x80x128xi32, #tpu.memory_space<hbm>> -> memref<80x128xi32, #tpu.memory_space<hbm>>
      %dma_wait3A_253 = arith.constant 0 : i32
      %dma_wait3A_254 = arith.constant 0 : i32
      %dma_wait3A_255 = tpu.memref_slice %arg3[%run_scoped3A, %add3A, %dma_wait3A_253, %dma_wait3A_254] : memref<2x32x80x128xi32, #tpu.memory_space<hbm>> -> memref<1x1x80x128xi32, #tpu.memory_space<hbm>>
      %dma_wait3A_256 = tpu.memref_squeeze %dma_wait3A_255 : memref<1x1x80x128xi32, #tpu.memory_space<hbm>> -> memref<80x128xi32, #tpu.memory_space<hbm>>
      tpu.wait_dma2 semaphore(%run_scoped3A_240 : memref<!tpu.dma_semaphore, #tpu.memory_space<semaphore_mem>>) src(%dma_wait3A_256 : memref<80x128xi32, #tpu.memory_space<hbm>>) dst(%arg7 : memref<80x128xi32, #tpu.memory_space<vmem>>)
      tpu.yield
    }) : () -> ()
    %run_scoped3A_1 = arith.constant 1 : i32
    "tpu.region"() ({
      %run_scoped3A_240 = tpu.sem_alloc : memref<!tpu.dma_semaphore, #tpu.memory_space<semaphore_mem>>
      %dma_start3A_241 = arith.constant 0 : i32
      %dma_start3A_242 = arith.constant 0 : i32
      %dma_start3A_243 = tpu.memref_slice %arg3[%run_scoped3A_1, %add3A, %dma_start3A_241, %dma_start3A_242] : memref<2x32x80x128xi32, #tpu.memory_space<hbm>> -> memref<1x1x80x128xi32, #tpu.memory_space<hbm>>
      %dma_start3A_244 = tpu.memref_squeeze %dma_start3A_243 : memref<1x1x80x128xi32, #tpu.memory_space<hbm>> -> memref<80x128xi32, #tpu.memory_space<hbm>>
      %dma_start3A_245 = arith.constant 0 : i32
      %dma_start3A_246 = arith.constant 0 : i32
      %dma_start3A_247 = tpu.memref_slice %arg3[%run_scoped3A_1, %add3A, %dma_start3A_245, %dma_start3A_246] : memref<2x32x80x128xi32, #tpu.memory_space<hbm>> -> memref<1x1x80x128xi32, #tpu.memory_space<hbm>>
      %dma_start3A_248 = tpu.memref_squeeze %dma_start3A_247 : memref<1x1x80x128xi32, #tpu.memory_space<hbm>> -> memref<80x128xi32, #tpu.memory_space<hbm>>
      tpu.enqueue_dma source(%dma_start3A_248 : memref<80x128xi32, #tpu.memory_space<hbm>>) target(%arg8 : memref<80x128xi32, #tpu.memory_space<vmem>>) target_semaphore(%run_scoped3A_240 : memref<!tpu.dma_semaphore, #tpu.memory_space<semaphore_mem>>)
      %dma_wait3A_249 = arith.constant 0 : i32
      %dma_wait3A_250 = arith.constant 0 : i32
      %dma_wait3A_251 = tpu.memref_slice %arg3[%run_scoped3A_1, %add3A, %dma_wait3A_249, %dma_wait3A_250] : memref<2x32x80x128xi32, #tpu.memory_space<hbm>> -> memref<1x1x80x128xi32, #tpu.memory_space<hbm>>
      %dma_wait3A_252 = tpu.memref_squeeze %dma_wait3A_251 : memref<1x1x80x128xi32, #tpu.memory_space<hbm>> -> memref<80x128xi32, #tpu.memory_space<hbm>>
      %dma_wait3A_253 = arith.constant 0 : i32
      %dma_wait3A_254 = arith.constant 0 : i32
      %dma_wait3A_255 = tpu.memref_slice %arg3[%run_scoped3A_1, %add3A, %dma_wait3A_253, %dma_wait3A_254] : memref<2x32x80x128xi32, #tpu.memory_space<hbm>> -> memref<1x1x80x128xi32, #tpu.memory_space<hbm>>
      %dma_wait3A_256 = tpu.memref_squeeze %dma_wait3A_255 : memref<1x1x80x128xi32, #tpu.memory_space<hbm>> -> memref<80x128xi32, #tpu.memory_space<hbm>>
      tpu.wait_dma2 semaphore(%run_scoped3A_240 : memref<!tpu.dma_semaphore, #tpu.memory_space<semaphore_mem>>) src(%dma_wait3A_256 : memref<80x128xi32, #tpu.memory_space<hbm>>) dst(%arg8 : memref<80x128xi32, #tpu.memory_space<vmem>>)
      tpu.yield
    }) : () -> ()
    %mul3A_2 = arith.constant 640 : i32
    %mul3A_3 = arith.muli %arg1, %mul3A_2 : i32
    %mul3A_4 = arith.constant 640 : i32
    %mul3A_5 = arith.muli %arg1, %mul3A_4 : i32
    "tpu.region"() ({
      %run_scoped3A_240 = tpu.sem_alloc : memref<!tpu.dma_semaphore, #tpu.memory_space<semaphore_mem>>
      %dma_start3A_241 = arith.constant 0 : i32
      %dma_start3A_242 = tpu.memref_slice %arg17[%mul3A_5, %dma_start3A_241] : memref<10240x64xf32, #tpu.memory_space<vmem_shared>> -> memref<640x64xf32, #tpu.memory_space<vmem_shared>>
      %dma_start3A_243 = arith.constant 0 : i32
      %dma_start3A_244 = tpu.memref_slice %arg4[%mul3A_3, %dma_start3A_243] : memref<10240x64xf32, #tpu.memory_space<hbm>> -> memref<640x64xf32, #tpu.memory_space<hbm>>
      tpu.enqueue_dma source(%dma_start3A_244 : memref<640x64xf32, #tpu.memory_space<hbm>>) target(%dma_start3A_242 : memref<640x64xf32, #tpu.memory_space<vmem_shared>>) target_semaphore(%run_scoped3A_240 : memref<!tpu.dma_semaphore, #tpu.memory_space<semaphore_mem>>)
      %dma_wait3A_245 = arith.constant 0 : i32
      %dma_wait3A_246 = tpu.memref_slice %arg17[%mul3A_5, %dma_wait3A_245] : memref<10240x64xf32, #tpu.memory_space<vmem_shared>> -> memref<640x64xf32, #tpu.memory_space<vmem_shared>>
      %dma_wait3A_247 = arith.constant 0 : i32
      %dma_wait3A_248 = tpu.memref_slice %arg4[%mul3A_3, %dma_wait3A_247] : memref<10240x64xf32, #tpu.memory_space<hbm>> -> memref<640x64xf32, #tpu.memory_space<hbm>>
      tpu.wait_dma2 semaphore(%run_scoped3A_240 : memref<!tpu.dma_semaphore, #tpu.memory_space<semaphore_mem>>) src(%dma_wait3A_248 : memref<640x64xf32, #tpu.memory_space<hbm>>) dst(%dma_wait3A_246 : memref<640x64xf32, #tpu.memory_space<vmem_shared>>)
      tpu.yield
    }) : () -> ()
    %barrier3A = arith.constant 0 : index
    tpu.barrier barrier_id(%barrier3A)
    %dma_start3A = arith.constant 0 : i32
    %dma_start3A_6 = arith.constant 0 : i32
    %dma_start3A_7 = tpu.memref_slice %arg7[%dma_start3A, %dma_start3A_6] : memref<80x128xi32, #tpu.memory_space<vmem>> -> memref<1x128xi32, #tpu.memory_space<vmem>>
    %dma_start3A_8 = tpu.memref_squeeze %dma_start3A_7 : memref<1x128xi32, #tpu.memory_space<vmem>> -> memref<128xi32, #tpu.memory_space<vmem>>
    %dma_start3A_9 = arith.constant 0 : i32
    %dma_start3A_10 = arith.constant 0 : i32
    %dma_start3A_11 = tpu.memref_slice %arg2[%dma_start3A_9, %dma_start3A_10] : memref<10240x64xf32, #tpu.memory_space<hbm>> -> memref<10240x64xf32, #tpu.memory_space<hbm>>
    tpu.enqueue_indirect_dma source(%dma_start3A_11 : memref<10240x64xf32, #tpu.memory_space<hbm>>) target(%arg9 : memref<128x64xf32, #tpu.memory_space<vmem>>) offsets(%dma_start3A_8 : memref<128xi32, #tpu.memory_space<vmem>>) semaphore(%arg18 : memref<!tpu.dma_semaphore, #tpu.memory_space<semaphore_mem>>)
    %dma_start3A_12 = arith.constant 1 : i32
    %dma_start3A_13 = arith.constant 0 : i32
    %dma_start3A_14 = tpu.memref_slice %arg7[%dma_start3A_12, %dma_start3A_13] : memref<80x128xi32, #tpu.memory_space<vmem>> -> memref<1x128xi32, #tpu.memory_space<vmem>>
    %dma_start3A_15 = tpu.memref_squeeze %dma_start3A_14 : memref<1x128xi32, #tpu.memory_space<vmem>> -> memref<128xi32, #tpu.memory_space<vmem>>
    %dma_start3A_16 = arith.constant 0 : i32
    %dma_start3A_17 = arith.constant 0 : i32
    %dma_start3A_18 = tpu.memref_slice %arg2[%dma_start3A_16, %dma_start3A_17] : memref<10240x64xf32, #tpu.memory_space<hbm>> -> memref<10240x64xf32, #tpu.memory_space<hbm>>
    tpu.enqueue_indirect_dma source(%dma_start3A_18 : memref<10240x64xf32, #tpu.memory_space<hbm>>) target(%arg10 : memref<128x64xf32, #tpu.memory_space<vmem>>) offsets(%dma_start3A_15 : memref<128xi32, #tpu.memory_space<vmem>>) semaphore(%arg19 : memref<!tpu.dma_semaphore, #tpu.memory_space<semaphore_mem>>)
    %dma_start3A_19 = arith.constant 2 : i32
    %dma_start3A_20 = arith.constant 0 : i32
    %dma_start3A_21 = tpu.memref_slice %arg7[%dma_start3A_19, %dma_start3A_20] : memref<80x128xi32, #tpu.memory_space<vmem>> -> memref<1x128xi32, #tpu.memory_space<vmem>>
    %dma_start3A_22 = tpu.memref_squeeze %dma_start3A_21 : memref<1x128xi32, #tpu.memory_space<vmem>> -> memref<128xi32, #tpu.memory_space<vmem>>
    %dma_start3A_23 = arith.constant 0 : i32
    %dma_start3A_24 = arith.constant 0 : i32
    %dma_start3A_25 = tpu.memref_slice %arg2[%dma_start3A_23, %dma_start3A_24] : memref<10240x64xf32, #tpu.memory_space<hbm>> -> memref<10240x64xf32, #tpu.memory_space<hbm>>
    tpu.enqueue_indirect_dma source(%dma_start3A_25 : memref<10240x64xf32, #tpu.memory_space<hbm>>) target(%arg11 : memref<128x64xf32, #tpu.memory_space<vmem>>) offsets(%dma_start3A_22 : memref<128xi32, #tpu.memory_space<vmem>>) semaphore(%arg20 : memref<!tpu.dma_semaphore, #tpu.memory_space<semaphore_mem>>)
    %dma_start3A_26 = arith.constant 3 : i32
    %dma_start3A_27 = arith.constant 0 : i32
    %dma_start3A_28 = tpu.memref_slice %arg7[%dma_start3A_26, %dma_start3A_27] : memref<80x128xi32, #tpu.memory_space<vmem>> -> memref<1x128xi32, #tpu.memory_space<vmem>>
    %dma_start3A_29 = tpu.memref_squeeze %dma_start3A_28 : memref<1x128xi32, #tpu.memory_space<vmem>> -> memref<128xi32, #tpu.memory_space<vmem>>
    %dma_start3A_30 = arith.constant 0 : i32
    %dma_start3A_31 = arith.constant 0 : i32
    %dma_start3A_32 = tpu.memref_slice %arg2[%dma_start3A_30, %dma_start3A_31] : memref<10240x64xf32, #tpu.memory_space<hbm>> -> memref<10240x64xf32, #tpu.memory_space<hbm>>
    tpu.enqueue_indirect_dma source(%dma_start3A_32 : memref<10240x64xf32, #tpu.memory_space<hbm>>) target(%arg12 : memref<128x64xf32, #tpu.memory_space<vmem>>) offsets(%dma_start3A_29 : memref<128xi32, #tpu.memory_space<vmem>>) semaphore(%arg21 : memref<!tpu.dma_semaphore, #tpu.memory_space<semaphore_mem>>)
    %dma_start3A_33 = arith.constant 4 : i32
    %dma_start3A_34 = arith.constant 0 : i32
    %dma_start3A_35 = tpu.memref_slice %arg7[%dma_start3A_33, %dma_start3A_34] : memref<80x128xi32, #tpu.memory_space<vmem>> -> memref<1x128xi32, #tpu.memory_space<vmem>>
    %dma_start3A_36 = tpu.memref_squeeze %dma_start3A_35 : memref<1x128xi32, #tpu.memory_space<vmem>> -> memref<128xi32, #tpu.memory_space<vmem>>
    %dma_start3A_37 = arith.constant 0 : i32
    %dma_start3A_38 = arith.constant 0 : i32
    %dma_start3A_39 = tpu.memref_slice %arg2[%dma_start3A_37, %dma_start3A_38] : memref<10240x64xf32, #tpu.memory_space<hbm>> -> memref<10240x64xf32, #tpu.memory_space<hbm>>
    tpu.enqueue_indirect_dma source(%dma_start3A_39 : memref<10240x64xf32, #tpu.memory_space<hbm>>) target(%arg13 : memref<128x64xf32, #tpu.memory_space<vmem>>) offsets(%dma_start3A_36 : memref<128xi32, #tpu.memory_space<vmem>>) semaphore(%arg22 : memref<!tpu.dma_semaphore, #tpu.memory_space<semaphore_mem>>)
    %dma_start3A_40 = arith.constant 5 : i32
    %dma_start3A_41 = arith.constant 0 : i32
    %dma_start3A_42 = tpu.memref_slice %arg7[%dma_start3A_40, %dma_start3A_41] : memref<80x128xi32, #tpu.memory_space<vmem>> -> memref<1x128xi32, #tpu.memory_space<vmem>>
    %dma_start3A_43 = tpu.memref_squeeze %dma_start3A_42 : memref<1x128xi32, #tpu.memory_space<vmem>> -> memref<128xi32, #tpu.memory_space<vmem>>
    %dma_start3A_44 = arith.constant 0 : i32
    %dma_start3A_45 = arith.constant 0 : i32
    %dma_start3A_46 = tpu.memref_slice %arg2[%dma_start3A_44, %dma_start3A_45] : memref<10240x64xf32, #tpu.memory_space<hbm>> -> memref<10240x64xf32, #tpu.memory_space<hbm>>
    tpu.enqueue_indirect_dma source(%dma_start3A_46 : memref<10240x64xf32, #tpu.memory_space<hbm>>) target(%arg14 : memref<128x64xf32, #tpu.memory_space<vmem>>) offsets(%dma_start3A_43 : memref<128xi32, #tpu.memory_space<vmem>>) semaphore(%arg23 : memref<!tpu.dma_semaphore, #tpu.memory_space<semaphore_mem>>)
    %dma_start3A_47 = arith.constant 6 : i32
    %dma_start3A_48 = arith.constant 0 : i32
    %dma_start3A_49 = tpu.memref_slice %arg7[%dma_start3A_47, %dma_start3A_48] : memref<80x128xi32, #tpu.memory_space<vmem>> -> memref<1x128xi32, #tpu.memory_space<vmem>>
    %dma_start3A_50 = tpu.memref_squeeze %dma_start3A_49 : memref<1x128xi32, #tpu.memory_space<vmem>> -> memref<128xi32, #tpu.memory_space<vmem>>
    %dma_start3A_51 = arith.constant 0 : i32
    %dma_start3A_52 = arith.constant 0 : i32
    %dma_start3A_53 = tpu.memref_slice %arg2[%dma_start3A_51, %dma_start3A_52] : memref<10240x64xf32, #tpu.memory_space<hbm>> -> memref<10240x64xf32, #tpu.memory_space<hbm>>
    tpu.enqueue_indirect_dma source(%dma_start3A_53 : memref<10240x64xf32, #tpu.memory_space<hbm>>) target(%arg15 : memref<128x64xf32, #tpu.memory_space<vmem>>) offsets(%dma_start3A_50 : memref<128xi32, #tpu.memory_space<vmem>>) semaphore(%arg24 : memref<!tpu.dma_semaphore, #tpu.memory_space<semaphore_mem>>)
    %dma_start3A_54 = arith.constant 7 : i32
    %dma_start3A_55 = arith.constant 0 : i32
    %dma_start3A_56 = tpu.memref_slice %arg7[%dma_start3A_54, %dma_start3A_55] : memref<80x128xi32, #tpu.memory_space<vmem>> -> memref<1x128xi32, #tpu.memory_space<vmem>>
    %dma_start3A_57 = tpu.memref_squeeze %dma_start3A_56 : memref<1x128xi32, #tpu.memory_space<vmem>> -> memref<128xi32, #tpu.memory_space<vmem>>
    %dma_start3A_58 = arith.constant 0 : i32
    %dma_start3A_59 = arith.constant 0 : i32
    %dma_start3A_60 = tpu.memref_slice %arg2[%dma_start3A_58, %dma_start3A_59] : memref<10240x64xf32, #tpu.memory_space<hbm>> -> memref<10240x64xf32, #tpu.memory_space<hbm>>
    tpu.enqueue_indirect_dma source(%dma_start3A_60 : memref<10240x64xf32, #tpu.memory_space<hbm>>) target(%arg16 : memref<128x64xf32, #tpu.memory_space<vmem>>) offsets(%dma_start3A_57 : memref<128xi32, #tpu.memory_space<vmem>>) semaphore(%arg25 : memref<!tpu.dma_semaphore, #tpu.memory_space<semaphore_mem>>)
    %scan3A = arith.constant 0 : i32
    %scan3A_61 = arith.constant 9 : i32
    %scan3A_62 = arith.addi %scan3A, %scan3A_61 : i32
    %scan3A_63 = arith.constant 1 : i32
    scf.for %scan3A_240 = %scan3A to %scan3A_62 step %scan3A_63  : i32 {
      %mul3A_241 = arith.constant 1 : i32
      %mul3A_242 = arith.muli %scan3A_240, %mul3A_241 : i32
      %add3A_243 = arith.constant 0 : i32
      %add3A_244 = arith.addi %add3A_243, %mul3A_242 : i32
      %mul3A_245 = arith.constant 8 : i32
      %mul3A_246 = arith.muli %mul3A_245, %add3A_244 : i32
      %add3A_247 = arith.constant 0 : i32
      %add3A_248 = arith.addi %mul3A_246, %add3A_247 : i32
      %dma_wait3A_249 = arith.constant 0 : i32
      %dma_wait3A_250 = tpu.memref_slice %arg7[%add3A_248, %dma_wait3A_249] : memref<80x128xi32, #tpu.memory_space<vmem>> -> memref<1x128xi32, #tpu.memory_space<vmem>>
      %dma_wait3A_251 = tpu.memref_squeeze %dma_wait3A_250 : memref<1x128xi32, #tpu.memory_space<vmem>> -> memref<128xi32, #tpu.memory_space<vmem>>
      %dma_wait3A_252 = arith.constant 0 : i32
      %dma_wait3A_253 = arith.constant 0 : i32
      %dma_wait3A_254 = tpu.memref_slice %arg2[%dma_wait3A_252, %dma_wait3A_253] : memref<10240x64xf32, #tpu.memory_space<hbm>> -> memref<10240x64xf32, #tpu.memory_space<hbm>>
      tpu.wait_indirect_dma semaphore(%arg18 : memref<!tpu.dma_semaphore, #tpu.memory_space<semaphore_mem>>) src(%dma_wait3A_254 : memref<10240x64xf32, #tpu.memory_space<hbm>>) dst(%arg9 : memref<128x64xf32, #tpu.memory_space<vmem>>)
      %add3A_255 = arith.constant 0 : i32
      %add3A_256 = arith.addi %mul3A_246, %add3A_255 : i32
      %dma_start3A_257 = arith.constant 0 : i32
      %dma_start3A_258 = tpu.memref_slice %arg8[%add3A_256, %dma_start3A_257] : memref<80x128xi32, #tpu.memory_space<vmem>> -> memref<1x128xi32, #tpu.memory_space<vmem>>
      %dma_start3A_259 = tpu.memref_squeeze %dma_start3A_258 : memref<1x128xi32, #tpu.memory_space<vmem>> -> memref<128xi32, #tpu.memory_space<vmem>>
      %dma_start3A_260 = arith.constant 0 : i32
      %dma_start3A_261 = arith.constant 0 : i32
      %dma_start3A_262 = tpu.memref_slice %arg17[%dma_start3A_260, %dma_start3A_261] : memref<10240x64xf32, #tpu.memory_space<vmem_shared>> -> memref<10240x64xf32, #tpu.memory_space<vmem_shared>>
      tpu.enqueue_indirect_dma source(%arg9 : memref<128x64xf32, #tpu.memory_space<vmem>>) target(%dma_start3A_262 : memref<10240x64xf32, #tpu.memory_space<vmem_shared>>) offsets(%dma_start3A_259 : memref<128xi32, #tpu.memory_space<vmem>>) semaphore(%arg26 : memref<!tpu.dma_semaphore, #tpu.memory_space<semaphore_mem>>) {add = true}
      %add3A_263 = arith.constant 1 : i32
      %add3A_264 = arith.addi %mul3A_246, %add3A_263 : i32
      %dma_wait3A_265 = arith.constant 0 : i32
      %dma_wait3A_266 = tpu.memref_slice %arg7[%add3A_264, %dma_wait3A_265] : memref<80x128xi32, #tpu.memory_space<vmem>> -> memref<1x128xi32, #tpu.memory_space<vmem>>
      %dma_wait3A_267 = tpu.memref_squeeze %dma_wait3A_266 : memref<1x128xi32, #tpu.memory_space<vmem>> -> memref<128xi32, #tpu.memory_space<vmem>>
      %dma_wait3A_268 = arith.constant 0 : i32
      %dma_wait3A_269 = arith.constant 0 : i32
      %dma_wait3A_270 = tpu.memref_slice %arg2[%dma_wait3A_268, %dma_wait3A_269] : memref<10240x64xf32, #tpu.memory_space<hbm>> -> memref<10240x64xf32, #tpu.memory_space<hbm>>
      tpu.wait_indirect_dma semaphore(%arg19 : memref<!tpu.dma_semaphore, #tpu.memory_space<semaphore_mem>>) src(%dma_wait3A_270 : memref<10240x64xf32, #tpu.memory_space<hbm>>) dst(%arg10 : memref<128x64xf32, #tpu.memory_space<vmem>>)
      %add3A_271 = arith.constant 1 : i32
      %add3A_272 = arith.addi %mul3A_246, %add3A_271 : i32
      %dma_start3A_273 = arith.constant 0 : i32
      %dma_start3A_274 = tpu.memref_slice %arg8[%add3A_272, %dma_start3A_273] : memref<80x128xi32, #tpu.memory_space<vmem>> -> memref<1x128xi32, #tpu.memory_space<vmem>>
      %dma_start3A_275 = tpu.memref_squeeze %dma_start3A_274 : memref<1x128xi32, #tpu.memory_space<vmem>> -> memref<128xi32, #tpu.memory_space<vmem>>
      %dma_start3A_276 = arith.constant 0 : i32
      %dma_start3A_277 = arith.constant 0 : i32
      %dma_start3A_278 = tpu.memref_slice %arg17[%dma_start3A_276, %dma_start3A_277] : memref<10240x64xf32, #tpu.memory_space<vmem_shared>> -> memref<10240x64xf32, #tpu.memory_space<vmem_shared>>
      tpu.enqueue_indirect_dma source(%arg10 : memref<128x64xf32, #tpu.memory_space<vmem>>) target(%dma_start3A_278 : memref<10240x64xf32, #tpu.memory_space<vmem_shared>>) offsets(%dma_start3A_275 : memref<128xi32, #tpu.memory_space<vmem>>) semaphore(%arg27 : memref<!tpu.dma_semaphore, #tpu.memory_space<semaphore_mem>>) {add = true}
      %add3A_279 = arith.constant 2 : i32
      %add3A_280 = arith.addi %mul3A_246, %add3A_279 : i32
      %dma_wait3A_281 = arith.constant 0 : i32
      %dma_wait3A_282 = tpu.memref_slice %arg7[%add3A_280, %dma_wait3A_281] : memref<80x128xi32, #tpu.memory_space<vmem>> -> memref<1x128xi32, #tpu.memory_space<vmem>>
      %dma_wait3A_283 = tpu.memref_squeeze %dma_wait3A_282 : memref<1x128xi32, #tpu.memory_space<vmem>> -> memref<128xi32, #tpu.memory_space<vmem>>
      %dma_wait3A_284 = arith.constant 0 : i32
      %dma_wait3A_285 = arith.constant 0 : i32
      %dma_wait3A_286 = tpu.memref_slice %arg2[%dma_wait3A_284, %dma_wait3A_285] : memref<10240x64xf32, #tpu.memory_space<hbm>> -> memref<10240x64xf32, #tpu.memory_space<hbm>>
      tpu.wait_indirect_dma semaphore(%arg20 : memref<!tpu.dma_semaphore, #tpu.memory_space<semaphore_mem>>) src(%dma_wait3A_286 : memref<10240x64xf32, #tpu.memory_space<hbm>>) dst(%arg11 : memref<128x64xf32, #tpu.memory_space<vmem>>)
      %add3A_287 = arith.constant 2 : i32
      %add3A_288 = arith.addi %mul3A_246, %add3A_287 : i32
      %dma_start3A_289 = arith.constant 0 : i32
      %dma_start3A_290 = tpu.memref_slice %arg8[%add3A_288, %dma_start3A_289] : memref<80x128xi32, #tpu.memory_space<vmem>> -> memref<1x128xi32, #tpu.memory_space<vmem>>
      %dma_start3A_291 = tpu.memref_squeeze %dma_start3A_290 : memref<1x128xi32, #tpu.memory_space<vmem>> -> memref<128xi32, #tpu.memory_space<vmem>>
      %dma_start3A_292 = arith.constant 0 : i32
      %dma_start3A_293 = arith.constant 0 : i32
      %dma_start3A_294 = tpu.memref_slice %arg17[%dma_start3A_292, %dma_start3A_293] : memref<10240x64xf32, #tpu.memory_space<vmem_shared>> -> memref<10240x64xf32, #tpu.memory_space<vmem_shared>>
      tpu.enqueue_indirect_dma source(%arg11 : memref<128x64xf32, #tpu.memory_space<vmem>>) target(%dma_start3A_294 : memref<10240x64xf32, #tpu.memory_space<vmem_shared>>) offsets(%dma_start3A_291 : memref<128xi32, #tpu.memory_space<vmem>>) semaphore(%arg28 : memref<!tpu.dma_semaphore, #tpu.memory_space<semaphore_mem>>) {add = true}
      %add3A_295 = arith.constant 3 : i32
      %add3A_296 = arith.addi %mul3A_246, %add3A_295 : i32
      %dma_wait3A_297 = arith.constant 0 : i32
      %dma_wait3A_298 = tpu.memref_slice %arg7[%add3A_296, %dma_wait3A_297] : memref<80x128xi32, #tpu.memory_space<vmem>> -> memref<1x128xi32, #tpu.memory_space<vmem>>
      %dma_wait3A_299 = tpu.memref_squeeze %dma_wait3A_298 : memref<1x128xi32, #tpu.memory_space<vmem>> -> memref<128xi32, #tpu.memory_space<vmem>>
      %dma_wait3A_300 = arith.constant 0 : i32
      %dma_wait3A_301 = arith.constant 0 : i32
      %dma_wait3A_302 = tpu.memref_slice %arg2[%dma_wait3A_300, %dma_wait3A_301] : memref<10240x64xf32, #tpu.memory_space<hbm>> -> memref<10240x64xf32, #tpu.memory_space<hbm>>
      tpu.wait_indirect_dma semaphore(%arg21 : memref<!tpu.dma_semaphore, #tpu.memory_space<semaphore_mem>>) src(%dma_wait3A_302 : memref<10240x64xf32, #tpu.memory_space<hbm>>) dst(%arg12 : memref<128x64xf32, #tpu.memory_space<vmem>>)
      %add3A_303 = arith.constant 3 : i32
      %add3A_304 = arith.addi %mul3A_246, %add3A_303 : i32
      %dma_start3A_305 = arith.constant 0 : i32
      %dma_start3A_306 = tpu.memref_slice %arg8[%add3A_304, %dma_start3A_305] : memref<80x128xi32, #tpu.memory_space<vmem>> -> memref<1x128xi32, #tpu.memory_space<vmem>>
      %dma_start3A_307 = tpu.memref_squeeze %dma_start3A_306 : memref<1x128xi32, #tpu.memory_space<vmem>> -> memref<128xi32, #tpu.memory_space<vmem>>
      %dma_start3A_308 = arith.constant 0 : i32
      %dma_start3A_309 = arith.constant 0 : i32
      %dma_start3A_310 = tpu.memref_slice %arg17[%dma_start3A_308, %dma_start3A_309] : memref<10240x64xf32, #tpu.memory_space<vmem_shared>> -> memref<10240x64xf32, #tpu.memory_space<vmem_shared>>
      tpu.enqueue_indirect_dma source(%arg12 : memref<128x64xf32, #tpu.memory_space<vmem>>) target(%dma_start3A_310 : memref<10240x64xf32, #tpu.memory_space<vmem_shared>>) offsets(%dma_start3A_307 : memref<128xi32, #tpu.memory_space<vmem>>) semaphore(%arg29 : memref<!tpu.dma_semaphore, #tpu.memory_space<semaphore_mem>>) {add = true}
      %add3A_311 = arith.constant 4 : i32
      %add3A_312 = arith.addi %mul3A_246, %add3A_311 : i32
      %dma_wait3A_313 = arith.constant 0 : i32
      %dma_wait3A_314 = tpu.memref_slice %arg7[%add3A_312, %dma_wait3A_313] : memref<80x128xi32, #tpu.memory_space<vmem>> -> memref<1x128xi32, #tpu.memory_space<vmem>>
      %dma_wait3A_315 = tpu.memref_squeeze %dma_wait3A_314 : memref<1x128xi32, #tpu.memory_space<vmem>> -> memref<128xi32, #tpu.memory_space<vmem>>
      %dma_wait3A_316 = arith.constant 0 : i32
      %dma_wait3A_317 = arith.constant 0 : i32
      %dma_wait3A_318 = tpu.memref_slice %arg2[%dma_wait3A_316, %dma_wait3A_317] : memref<10240x64xf32, #tpu.memory_space<hbm>> -> memref<10240x64xf32, #tpu.memory_space<hbm>>
      tpu.wait_indirect_dma semaphore(%arg22 : memref<!tpu.dma_semaphore, #tpu.memory_space<semaphore_mem>>) src(%dma_wait3A_318 : memref<10240x64xf32, #tpu.memory_space<hbm>>) dst(%arg13 : memref<128x64xf32, #tpu.memory_space<vmem>>)
      %add3A_319 = arith.constant 4 : i32
      %add3A_320 = arith.addi %mul3A_246, %add3A_319 : i32
      %dma_start3A_321 = arith.constant 0 : i32
      %dma_start3A_322 = tpu.memref_slice %arg8[%add3A_320, %dma_start3A_321] : memref<80x128xi32, #tpu.memory_space<vmem>> -> memref<1x128xi32, #tpu.memory_space<vmem>>
      %dma_start3A_323 = tpu.memref_squeeze %dma_start3A_322 : memref<1x128xi32, #tpu.memory_space<vmem>> -> memref<128xi32, #tpu.memory_space<vmem>>
      %dma_start3A_324 = arith.constant 0 : i32
      %dma_start3A_325 = arith.constant 0 : i32
      %dma_start3A_326 = tpu.memref_slice %arg17[%dma_start3A_324, %dma_start3A_325] : memref<10240x64xf32, #tpu.memory_space<vmem_shared>> -> memref<10240x64xf32, #tpu.memory_space<vmem_shared>>
      tpu.enqueue_indirect_dma source(%arg13 : memref<128x64xf32, #tpu.memory_space<vmem>>) target(%dma_start3A_326 : memref<10240x64xf32, #tpu.memory_space<vmem_shared>>) offsets(%dma_start3A_323 : memref<128xi32, #tpu.memory_space<vmem>>) semaphore(%arg30 : memref<!tpu.dma_semaphore, #tpu.memory_space<semaphore_mem>>) {add = true}
      %add3A_327 = arith.constant 5 : i32
      %add3A_328 = arith.addi %mul3A_246, %add3A_327 : i32
      %dma_wait3A_329 = arith.constant 0 : i32
      %dma_wait3A_330 = tpu.memref_slice %arg7[%add3A_328, %dma_wait3A_329] : memref<80x128xi32, #tpu.memory_space<vmem>> -> memref<1x128xi32, #tpu.memory_space<vmem>>
      %dma_wait3A_331 = tpu.memref_squeeze %dma_wait3A_330 : memref<1x128xi32, #tpu.memory_space<vmem>> -> memref<128xi32, #tpu.memory_space<vmem>>
      %dma_wait3A_332 = arith.constant 0 : i32
      %dma_wait3A_333 = arith.constant 0 : i32
      %dma_wait3A_334 = tpu.memref_slice %arg2[%dma_wait3A_332, %dma_wait3A_333] : memref<10240x64xf32, #tpu.memory_space<hbm>> -> memref<10240x64xf32, #tpu.memory_space<hbm>>
      tpu.wait_indirect_dma semaphore(%arg23 : memref<!tpu.dma_semaphore, #tpu.memory_space<semaphore_mem>>) src(%dma_wait3A_334 : memref<10240x64xf32, #tpu.memory_space<hbm>>) dst(%arg14 : memref<128x64xf32, #tpu.memory_space<vmem>>)
      %add3A_335 = arith.constant 5 : i32
      %add3A_336 = arith.addi %mul3A_246, %add3A_335 : i32
      %dma_start3A_337 = arith.constant 0 : i32
      %dma_start3A_338 = tpu.memref_slice %arg8[%add3A_336, %dma_start3A_337] : memref<80x128xi32, #tpu.memory_space<vmem>> -> memref<1x128xi32, #tpu.memory_space<vmem>>
      %dma_start3A_339 = tpu.memref_squeeze %dma_start3A_338 : memref<1x128xi32, #tpu.memory_space<vmem>> -> memref<128xi32, #tpu.memory_space<vmem>>
      %dma_start3A_340 = arith.constant 0 : i32
      %dma_start3A_341 = arith.constant 0 : i32
      %dma_start3A_342 = tpu.memref_slice %arg17[%dma_start3A_340, %dma_start3A_341] : memref<10240x64xf32, #tpu.memory_space<vmem_shared>> -> memref<10240x64xf32, #tpu.memory_space<vmem_shared>>
      tpu.enqueue_indirect_dma source(%arg14 : memref<128x64xf32, #tpu.memory_space<vmem>>) target(%dma_start3A_342 : memref<10240x64xf32, #tpu.memory_space<vmem_shared>>) offsets(%dma_start3A_339 : memref<128xi32, #tpu.memory_space<vmem>>) semaphore(%arg31 : memref<!tpu.dma_semaphore, #tpu.memory_space<semaphore_mem>>) {add = true}
      %add3A_343 = arith.constant 6 : i32
      %add3A_344 = arith.addi %mul3A_246, %add3A_343 : i32
      %dma_wait3A_345 = arith.constant 0 : i32
      %dma_wait3A_346 = tpu.memref_slice %arg7[%add3A_344, %dma_wait3A_345] : memref<80x128xi32, #tpu.memory_space<vmem>> -> memref<1x128xi32, #tpu.memory_space<vmem>>
      %dma_wait3A_347 = tpu.memref_squeeze %dma_wait3A_346 : memref<1x128xi32, #tpu.memory_space<vmem>> -> memref<128xi32, #tpu.memory_space<vmem>>
      %dma_wait3A_348 = arith.constant 0 : i32
      %dma_wait3A_349 = arith.constant 0 : i32
      %dma_wait3A_350 = tpu.memref_slice %arg2[%dma_wait3A_348, %dma_wait3A_349] : memref<10240x64xf32, #tpu.memory_space<hbm>> -> memref<10240x64xf32, #tpu.memory_space<hbm>>
      tpu.wait_indirect_dma semaphore(%arg24 : memref<!tpu.dma_semaphore, #tpu.memory_space<semaphore_mem>>) src(%dma_wait3A_350 : memref<10240x64xf32, #tpu.memory_space<hbm>>) dst(%arg15 : memref<128x64xf32, #tpu.memory_space<vmem>>)
      %add3A_351 = arith.constant 6 : i32
      %add3A_352 = arith.addi %mul3A_246, %add3A_351 : i32
      %dma_start3A_353 = arith.constant 0 : i32
      %dma_start3A_354 = tpu.memref_slice %arg8[%add3A_352, %dma_start3A_353] : memref<80x128xi32, #tpu.memory_space<vmem>> -> memref<1x128xi32, #tpu.memory_space<vmem>>
      %dma_start3A_355 = tpu.memref_squeeze %dma_start3A_354 : memref<1x128xi32, #tpu.memory_space<vmem>> -> memref<128xi32, #tpu.memory_space<vmem>>
      %dma_start3A_356 = arith.constant 0 : i32
      %dma_start3A_357 = arith.constant 0 : i32
      %dma_start3A_358 = tpu.memref_slice %arg17[%dma_start3A_356, %dma_start3A_357] : memref<10240x64xf32, #tpu.memory_space<vmem_shared>> -> memref<10240x64xf32, #tpu.memory_space<vmem_shared>>
      tpu.enqueue_indirect_dma source(%arg15 : memref<128x64xf32, #tpu.memory_space<vmem>>) target(%dma_start3A_358 : memref<10240x64xf32, #tpu.memory_space<vmem_shared>>) offsets(%dma_start3A_355 : memref<128xi32, #tpu.memory_space<vmem>>) semaphore(%arg32 : memref<!tpu.dma_semaphore, #tpu.memory_space<semaphore_mem>>) {add = true}
      %add3A_359 = arith.constant 7 : i32
      %add3A_360 = arith.addi %mul3A_246, %add3A_359 : i32
      %dma_wait3A_361 = arith.constant 0 : i32
      %dma_wait3A_362 = tpu.memref_slice %arg7[%add3A_360, %dma_wait3A_361] : memref<80x128xi32, #tpu.memory_space<vmem>> -> memref<1x128xi32, #tpu.memory_space<vmem>>
      %dma_wait3A_363 = tpu.memref_squeeze %dma_wait3A_362 : memref<1x128xi32, #tpu.memory_space<vmem>> -> memref<128xi32, #tpu.memory_space<vmem>>
      %dma_wait3A_364 = arith.constant 0 : i32
      %dma_wait3A_365 = arith.constant 0 : i32
      %dma_wait3A_366 = tpu.memref_slice %arg2[%dma_wait3A_364, %dma_wait3A_365] : memref<10240x64xf32, #tpu.memory_space<hbm>> -> memref<10240x64xf32, #tpu.memory_space<hbm>>
      tpu.wait_indirect_dma semaphore(%arg25 : memref<!tpu.dma_semaphore, #tpu.memory_space<semaphore_mem>>) src(%dma_wait3A_366 : memref<10240x64xf32, #tpu.memory_space<hbm>>) dst(%arg16 : memref<128x64xf32, #tpu.memory_space<vmem>>)
      %add3A_367 = arith.constant 7 : i32
      %add3A_368 = arith.addi %mul3A_246, %add3A_367 : i32
      %dma_start3A_369 = arith.constant 0 : i32
      %dma_start3A_370 = tpu.memref_slice %arg8[%add3A_368, %dma_start3A_369] : memref<80x128xi32, #tpu.memory_space<vmem>> -> memref<1x128xi32, #tpu.memory_space<vmem>>
      %dma_start3A_371 = tpu.memref_squeeze %dma_start3A_370 : memref<1x128xi32, #tpu.memory_space<vmem>> -> memref<128xi32, #tpu.memory_space<vmem>>
      %dma_start3A_372 = arith.constant 0 : i32
      %dma_start3A_373 = arith.constant 0 : i32
      %dma_start3A_374 = tpu.memref_slice %arg17[%dma_start3A_372, %dma_start3A_373] : memref<10240x64xf32, #tpu.memory_space<vmem_shared>> -> memref<10240x64xf32, #tpu.memory_space<vmem_shared>>
      tpu.enqueue_indirect_dma source(%arg16 : memref<128x64xf32, #tpu.memory_space<vmem>>) target(%dma_start3A_374 : memref<10240x64xf32, #tpu.memory_space<vmem_shared>>) offsets(%dma_start3A_371 : memref<128xi32, #tpu.memory_space<vmem>>) semaphore(%arg33 : memref<!tpu.dma_semaphore, #tpu.memory_space<semaphore_mem>>) {add = true}
      %add3A_375 = arith.constant 0 : i32
      %add3A_376 = arith.addi %mul3A_246, %add3A_375 : i32
      %dma_wait3A_377 = arith.constant 0 : i32
      %dma_wait3A_378 = tpu.memref_slice %arg8[%add3A_376, %dma_wait3A_377] : memref<80x128xi32, #tpu.memory_space<vmem>> -> memref<1x128xi32, #tpu.memory_space<vmem>>
      %dma_wait3A_379 = tpu.memref_squeeze %dma_wait3A_378 : memref<1x128xi32, #tpu.memory_space<vmem>> -> memref<128xi32, #tpu.memory_space<vmem>>
      %dma_wait3A_380 = arith.constant 0 : i32
      %dma_wait3A_381 = arith.constant 0 : i32
      %dma_wait3A_382 = tpu.memref_slice %arg17[%dma_wait3A_380, %dma_wait3A_381] : memref<10240x64xf32, #tpu.memory_space<vmem_shared>> -> memref<10240x64xf32, #tpu.memory_space<vmem_shared>>
      tpu.wait_indirect_dma semaphore(%arg26 : memref<!tpu.dma_semaphore, #tpu.memory_space<semaphore_mem>>) src(%arg9 : memref<128x64xf32, #tpu.memory_space<vmem>>) dst(%dma_wait3A_382 : memref<10240x64xf32, #tpu.memory_space<vmem_shared>>)
      %add3A_383 = arith.constant 0 : i32
      %add3A_384 = arith.addi %mul3A_246, %add3A_383 : i32
      %add3A_385 = arith.constant 8 : i32
      %add3A_386 = arith.addi %add3A_384, %add3A_385 : i32
      %dma_start3A_387 = arith.constant 0 : i32
      %dma_start3A_388 = tpu.memref_slice %arg7[%add3A_386, %dma_start3A_387] : memref<80x128xi32, #tpu.memory_space<vmem>> -> memref<1x128xi32, #tpu.memory_space<vmem>>
      %dma_start3A_389 = tpu.memref_squeeze %dma_start3A_388 : memref<1x128xi32, #tpu.memory_space<vmem>> -> memref<128xi32, #tpu.memory_space<vmem>>
      %dma_start3A_390 = arith.constant 0 : i32
      %dma_start3A_391 = arith.constant 0 : i32
      %dma_start3A_392 = tpu.memref_slice %arg2[%dma_start3A_390, %dma_start3A_391] : memref<10240x64xf32, #tpu.memory_space<hbm>> -> memref<10240x64xf32, #tpu.memory_space<hbm>>
      tpu.enqueue_indirect_dma source(%dma_start3A_392 : memref<10240x64xf32, #tpu.memory_space<hbm>>) target(%arg9 : memref<128x64xf32, #tpu.memory_space<vmem>>) offsets(%dma_start3A_389 : memref<128xi32, #tpu.memory_space<vmem>>) semaphore(%arg18 : memref<!tpu.dma_semaphore, #tpu.memory_space<semaphore_mem>>)
      %add3A_393 = arith.constant 1 : i32
      %add3A_394 = arith.addi %mul3A_246, %add3A_393 : i32
      %dma_wait3A_395 = arith.constant 0 : i32
      %dma_wait3A_396 = tpu.memref_slice %arg8[%add3A_394, %dma_wait3A_395] : memref<80x128xi32, #tpu.memory_space<vmem>> -> memref<1x128xi32, #tpu.memory_space<vmem>>
      %dma_wait3A_397 = tpu.memref_squeeze %dma_wait3A_396 : memref<1x128xi32, #tpu.memory_space<vmem>> -> memref<128xi32, #tpu.memory_space<vmem>>
      %dma_wait3A_398 = arith.constant 0 : i32
      %dma_wait3A_399 = arith.constant 0 : i32
      %dma_wait3A_400 = tpu.memref_slice %arg17[%dma_wait3A_398, %dma_wait3A_399] : memref<10240x64xf32, #tpu.memory_space<vmem_shared>> -> memref<10240x64xf32, #tpu.memory_space<vmem_shared>>
      tpu.wait_indirect_dma semaphore(%arg27 : memref<!tpu.dma_semaphore, #tpu.memory_space<semaphore_mem>>) src(%arg10 : memref<128x64xf32, #tpu.memory_space<vmem>>) dst(%dma_wait3A_400 : memref<10240x64xf32, #tpu.memory_space<vmem_shared>>)
      %add3A_401 = arith.constant 1 : i32
      %add3A_402 = arith.addi %mul3A_246, %add3A_401 : i32
      %add3A_403 = arith.constant 8 : i32
      %add3A_404 = arith.addi %add3A_402, %add3A_403 : i32
      %dma_start3A_405 = arith.constant 0 : i32
      %dma_start3A_406 = tpu.memref_slice %arg7[%add3A_404, %dma_start3A_405] : memref<80x128xi32, #tpu.memory_space<vmem>> -> memref<1x128xi32, #tpu.memory_space<vmem>>
      %dma_start3A_407 = tpu.memref_squeeze %dma_start3A_406 : memref<1x128xi32, #tpu.memory_space<vmem>> -> memref<128xi32, #tpu.memory_space<vmem>>
      %dma_start3A_408 = arith.constant 0 : i32
      %dma_start3A_409 = arith.constant 0 : i32
      %dma_start3A_410 = tpu.memref_slice %arg2[%dma_start3A_408, %dma_start3A_409] : memref<10240x64xf32, #tpu.memory_space<hbm>> -> memref<10240x64xf32, #tpu.memory_space<hbm>>
      tpu.enqueue_indirect_dma source(%dma_start3A_410 : memref<10240x64xf32, #tpu.memory_space<hbm>>) target(%arg10 : memref<128x64xf32, #tpu.memory_space<vmem>>) offsets(%dma_start3A_407 : memref<128xi32, #tpu.memory_space<vmem>>) semaphore(%arg19 : memref<!tpu.dma_semaphore, #tpu.memory_space<semaphore_mem>>)
      %add3A_411 = arith.constant 2 : i32
      %add3A_412 = arith.addi %mul3A_246, %add3A_411 : i32
      %dma_wait3A_413 = arith.constant 0 : i32
      %dma_wait3A_414 = tpu.memref_slice %arg8[%add3A_412, %dma_wait3A_413] : memref<80x128xi32, #tpu.memory_space<vmem>> -> memref<1x128xi32, #tpu.memory_space<vmem>>
      %dma_wait3A_415 = tpu.memref_squeeze %dma_wait3A_414 : memref<1x128xi32, #tpu.memory_space<vmem>> -> memref<128xi32, #tpu.memory_space<vmem>>
      %dma_wait3A_416 = arith.constant 0 : i32
      %dma_wait3A_417 = arith.constant 0 : i32
      %dma_wait3A_418 = tpu.memref_slice %arg17[%dma_wait3A_416, %dma_wait3A_417] : memref<10240x64xf32, #tpu.memory_space<vmem_shared>> -> memref<10240x64xf32, #tpu.memory_space<vmem_shared>>
      tpu.wait_indirect_dma semaphore(%arg28 : memref<!tpu.dma_semaphore, #tpu.memory_space<semaphore_mem>>) src(%arg11 : memref<128x64xf32, #tpu.memory_space<vmem>>) dst(%dma_wait3A_418 : memref<10240x64xf32, #tpu.memory_space<vmem_shared>>)
      %add3A_419 = arith.constant 2 : i32
      %add3A_420 = arith.addi %mul3A_246, %add3A_419 : i32
      %add3A_421 = arith.constant 8 : i32
      %add3A_422 = arith.addi %add3A_420, %add3A_421 : i32
      %dma_start3A_423 = arith.constant 0 : i32
      %dma_start3A_424 = tpu.memref_slice %arg7[%add3A_422, %dma_start3A_423] : memref<80x128xi32, #tpu.memory_space<vmem>> -> memref<1x128xi32, #tpu.memory_space<vmem>>
      %dma_start3A_425 = tpu.memref_squeeze %dma_start3A_424 : memref<1x128xi32, #tpu.memory_space<vmem>> -> memref<128xi32, #tpu.memory_space<vmem>>
      %dma_start3A_426 = arith.constant 0 : i32
      %dma_start3A_427 = arith.constant 0 : i32
      %dma_start3A_428 = tpu.memref_slice %arg2[%dma_start3A_426, %dma_start3A_427] : memref<10240x64xf32, #tpu.memory_space<hbm>> -> memref<10240x64xf32, #tpu.memory_space<hbm>>
      tpu.enqueue_indirect_dma source(%dma_start3A_428 : memref<10240x64xf32, #tpu.memory_space<hbm>>) target(%arg11 : memref<128x64xf32, #tpu.memory_space<vmem>>) offsets(%dma_start3A_425 : memref<128xi32, #tpu.memory_space<vmem>>) semaphore(%arg20 : memref<!tpu.dma_semaphore, #tpu.memory_space<semaphore_mem>>)
      %add3A_429 = arith.constant 3 : i32
      %add3A_430 = arith.addi %mul3A_246, %add3A_429 : i32
      %dma_wait3A_431 = arith.constant 0 : i32
      %dma_wait3A_432 = tpu.memref_slice %arg8[%add3A_430, %dma_wait3A_431] : memref<80x128xi32, #tpu.memory_space<vmem>> -> memref<1x128xi32, #tpu.memory_space<vmem>>
      %dma_wait3A_433 = tpu.memref_squeeze %dma_wait3A_432 : memref<1x128xi32, #tpu.memory_space<vmem>> -> memref<128xi32, #tpu.memory_space<vmem>>
      %dma_wait3A_434 = arith.constant 0 : i32
      %dma_wait3A_435 = arith.constant 0 : i32
      %dma_wait3A_436 = tpu.memref_slice %arg17[%dma_wait3A_434, %dma_wait3A_435] : memref<10240x64xf32, #tpu.memory_space<vmem_shared>> -> memref<10240x64xf32, #tpu.memory_space<vmem_shared>>
      tpu.wait_indirect_dma semaphore(%arg29 : memref<!tpu.dma_semaphore, #tpu.memory_space<semaphore_mem>>) src(%arg12 : memref<128x64xf32, #tpu.memory_space<vmem>>) dst(%dma_wait3A_436 : memref<10240x64xf32, #tpu.memory_space<vmem_shared>>)
      %add3A_437 = arith.constant 3 : i32
      %add3A_438 = arith.addi %mul3A_246, %add3A_437 : i32
      %add3A_439 = arith.constant 8 : i32
      %add3A_440 = arith.addi %add3A_438, %add3A_439 : i32
      %dma_start3A_441 = arith.constant 0 : i32
      %dma_start3A_442 = tpu.memref_slice %arg7[%add3A_440, %dma_start3A_441] : memref<80x128xi32, #tpu.memory_space<vmem>> -> memref<1x128xi32, #tpu.memory_space<vmem>>
      %dma_start3A_443 = tpu.memref_squeeze %dma_start3A_442 : memref<1x128xi32, #tpu.memory_space<vmem>> -> memref<128xi32, #tpu.memory_space<vmem>>
      %dma_start3A_444 = arith.constant 0 : i32
      %dma_start3A_445 = arith.constant 0 : i32
      %dma_start3A_446 = tpu.memref_slice %arg2[%dma_start3A_444, %dma_start3A_445] : memref<10240x64xf32, #tpu.memory_space<hbm>> -> memref<10240x64xf32, #tpu.memory_space<hbm>>
      tpu.enqueue_indirect_dma source(%dma_start3A_446 : memref<10240x64xf32, #tpu.memory_space<hbm>>) target(%arg12 : memref<128x64xf32, #tpu.memory_space<vmem>>) offsets(%dma_start3A_443 : memref<128xi32, #tpu.memory_space<vmem>>) semaphore(%arg21 : memref<!tpu.dma_semaphore, #tpu.memory_space<semaphore_mem>>)
      %add3A_447 = arith.constant 4 : i32
      %add3A_448 = arith.addi %mul3A_246, %add3A_447 : i32
      %dma_wait3A_449 = arith.constant 0 : i32
      %dma_wait3A_450 = tpu.memref_slice %arg8[%add3A_448, %dma_wait3A_449] : memref<80x128xi32, #tpu.memory_space<vmem>> -> memref<1x128xi32, #tpu.memory_space<vmem>>
      %dma_wait3A_451 = tpu.memref_squeeze %dma_wait3A_450 : memref<1x128xi32, #tpu.memory_space<vmem>> -> memref<128xi32, #tpu.memory_space<vmem>>
      %dma_wait3A_452 = arith.constant 0 : i32
      %dma_wait3A_453 = arith.constant 0 : i32
      %dma_wait3A_454 = tpu.memref_slice %arg17[%dma_wait3A_452, %dma_wait3A_453] : memref<10240x64xf32, #tpu.memory_space<vmem_shared>> -> memref<10240x64xf32, #tpu.memory_space<vmem_shared>>
      tpu.wait_indirect_dma semaphore(%arg30 : memref<!tpu.dma_semaphore, #tpu.memory_space<semaphore_mem>>) src(%arg13 : memref<128x64xf32, #tpu.memory_space<vmem>>) dst(%dma_wait3A_454 : memref<10240x64xf32, #tpu.memory_space<vmem_shared>>)
      %add3A_455 = arith.constant 4 : i32
      %add3A_456 = arith.addi %mul3A_246, %add3A_455 : i32
      %add3A_457 = arith.constant 8 : i32
      %add3A_458 = arith.addi %add3A_456, %add3A_457 : i32
      %dma_start3A_459 = arith.constant 0 : i32
      %dma_start3A_460 = tpu.memref_slice %arg7[%add3A_458, %dma_start3A_459] : memref<80x128xi32, #tpu.memory_space<vmem>> -> memref<1x128xi32, #tpu.memory_space<vmem>>
      %dma_start3A_461 = tpu.memref_squeeze %dma_start3A_460 : memref<1x128xi32, #tpu.memory_space<vmem>> -> memref<128xi32, #tpu.memory_space<vmem>>
      %dma_start3A_462 = arith.constant 0 : i32
      %dma_start3A_463 = arith.constant 0 : i32
      %dma_start3A_464 = tpu.memref_slice %arg2[%dma_start3A_462, %dma_start3A_463] : memref<10240x64xf32, #tpu.memory_space<hbm>> -> memref<10240x64xf32, #tpu.memory_space<hbm>>
      tpu.enqueue_indirect_dma source(%dma_start3A_464 : memref<10240x64xf32, #tpu.memory_space<hbm>>) target(%arg13 : memref<128x64xf32, #tpu.memory_space<vmem>>) offsets(%dma_start3A_461 : memref<128xi32, #tpu.memory_space<vmem>>) semaphore(%arg22 : memref<!tpu.dma_semaphore, #tpu.memory_space<semaphore_mem>>)
      %add3A_465 = arith.constant 5 : i32
      %add3A_466 = arith.addi %mul3A_246, %add3A_465 : i32
      %dma_wait3A_467 = arith.constant 0 : i32
      %dma_wait3A_468 = tpu.memref_slice %arg8[%add3A_466, %dma_wait3A_467] : memref<80x128xi32, #tpu.memory_space<vmem>> -> memref<1x128xi32, #tpu.memory_space<vmem>>
      %dma_wait3A_469 = tpu.memref_squeeze %dma_wait3A_468 : memref<1x128xi32, #tpu.memory_space<vmem>> -> memref<128xi32, #tpu.memory_space<vmem>>
      %dma_wait3A_470 = arith.constant 0 : i32
      %dma_wait3A_471 = arith.constant 0 : i32
      %dma_wait3A_472 = tpu.memref_slice %arg17[%dma_wait3A_470, %dma_wait3A_471] : memref<10240x64xf32, #tpu.memory_space<vmem_shared>> -> memref<10240x64xf32, #tpu.memory_space<vmem_shared>>
      tpu.wait_indirect_dma semaphore(%arg31 : memref<!tpu.dma_semaphore, #tpu.memory_space<semaphore_mem>>) src(%arg14 : memref<128x64xf32, #tpu.memory_space<vmem>>) dst(%dma_wait3A_472 : memref<10240x64xf32, #tpu.memory_space<vmem_shared>>)
      %add3A_473 = arith.constant 5 : i32
      %add3A_474 = arith.addi %mul3A_246, %add3A_473 : i32
      %add3A_475 = arith.constant 8 : i32
      %add3A_476 = arith.addi %add3A_474, %add3A_475 : i32
      %dma_start3A_477 = arith.constant 0 : i32
      %dma_start3A_478 = tpu.memref_slice %arg7[%add3A_476, %dma_start3A_477] : memref<80x128xi32, #tpu.memory_space<vmem>> -> memref<1x128xi32, #tpu.memory_space<vmem>>
      %dma_start3A_479 = tpu.memref_squeeze %dma_start3A_478 : memref<1x128xi32, #tpu.memory_space<vmem>> -> memref<128xi32, #tpu.memory_space<vmem>>
      %dma_start3A_480 = arith.constant 0 : i32
      %dma_start3A_481 = arith.constant 0 : i32
      %dma_start3A_482 = tpu.memref_slice %arg2[%dma_start3A_480, %dma_start3A_481] : memref<10240x64xf32, #tpu.memory_space<hbm>> -> memref<10240x64xf32, #tpu.memory_space<hbm>>
      tpu.enqueue_indirect_dma source(%dma_start3A_482 : memref<10240x64xf32, #tpu.memory_space<hbm>>) target(%arg14 : memref<128x64xf32, #tpu.memory_space<vmem>>) offsets(%dma_start3A_479 : memref<128xi32, #tpu.memory_space<vmem>>) semaphore(%arg23 : memref<!tpu.dma_semaphore, #tpu.memory_space<semaphore_mem>>)
      %add3A_483 = arith.constant 6 : i32
      %add3A_484 = arith.addi %mul3A_246, %add3A_483 : i32
      %dma_wait3A_485 = arith.constant 0 : i32
      %dma_wait3A_486 = tpu.memref_slice %arg8[%add3A_484, %dma_wait3A_485] : memref<80x128xi32, #tpu.memory_space<vmem>> -> memref<1x128xi32, #tpu.memory_space<vmem>>
      %dma_wait3A_487 = tpu.memref_squeeze %dma_wait3A_486 : memref<1x128xi32, #tpu.memory_space<vmem>> -> memref<128xi32, #tpu.memory_space<vmem>>
      %dma_wait3A_488 = arith.constant 0 : i32
      %dma_wait3A_489 = arith.constant 0 : i32
      %dma_wait3A_490 = tpu.memref_slice %arg17[%dma_wait3A_488, %dma_wait3A_489] : memref<10240x64xf32, #tpu.memory_space<vmem_shared>> -> memref<10240x64xf32, #tpu.memory_space<vmem_shared>>
      tpu.wait_indirect_dma semaphore(%arg32 : memref<!tpu.dma_semaphore, #tpu.memory_space<semaphore_mem>>) src(%arg15 : memref<128x64xf32, #tpu.memory_space<vmem>>) dst(%dma_wait3A_490 : memref<10240x64xf32, #tpu.memory_space<vmem_shared>>)
      %add3A_491 = arith.constant 6 : i32
      %add3A_492 = arith.addi %mul3A_246, %add3A_491 : i32
      %add3A_493 = arith.constant 8 : i32
      %add3A_494 = arith.addi %add3A_492, %add3A_493 : i32
      %dma_start3A_495 = arith.constant 0 : i32
      %dma_start3A_496 = tpu.memref_slice %arg7[%add3A_494, %dma_start3A_495] : memref<80x128xi32, #tpu.memory_space<vmem>> -> memref<1x128xi32, #tpu.memory_space<vmem>>
      %dma_start3A_497 = tpu.memref_squeeze %dma_start3A_496 : memref<1x128xi32, #tpu.memory_space<vmem>> -> memref<128xi32, #tpu.memory_space<vmem>>
      %dma_start3A_498 = arith.constant 0 : i32
      %dma_start3A_499 = arith.constant 0 : i32
      %dma_start3A_500 = tpu.memref_slice %arg2[%dma_start3A_498, %dma_start3A_499] : memref<10240x64xf32, #tpu.memory_space<hbm>> -> memref<10240x64xf32, #tpu.memory_space<hbm>>
      tpu.enqueue_indirect_dma source(%dma_start3A_500 : memref<10240x64xf32, #tpu.memory_space<hbm>>) target(%arg15 : memref<128x64xf32, #tpu.memory_space<vmem>>) offsets(%dma_start3A_497 : memref<128xi32, #tpu.memory_space<vmem>>) semaphore(%arg24 : memref<!tpu.dma_semaphore, #tpu.memory_space<semaphore_mem>>)
      %add3A_501 = arith.constant 7 : i32
      %add3A_502 = arith.addi %mul3A_246, %add3A_501 : i32
      %dma_wait3A_503 = arith.constant 0 : i32
      %dma_wait3A_504 = tpu.memref_slice %arg8[%add3A_502, %dma_wait3A_503] : memref<80x128xi32, #tpu.memory_space<vmem>> -> memref<1x128xi32, #tpu.memory_space<vmem>>
      %dma_wait3A_505 = tpu.memref_squeeze %dma_wait3A_504 : memref<1x128xi32, #tpu.memory_space<vmem>> -> memref<128xi32, #tpu.memory_space<vmem>>
      %dma_wait3A_506 = arith.constant 0 : i32
      %dma_wait3A_507 = arith.constant 0 : i32
      %dma_wait3A_508 = tpu.memref_slice %arg17[%dma_wait3A_506, %dma_wait3A_507] : memref<10240x64xf32, #tpu.memory_space<vmem_shared>> -> memref<10240x64xf32, #tpu.memory_space<vmem_shared>>
      tpu.wait_indirect_dma semaphore(%arg33 : memref<!tpu.dma_semaphore, #tpu.memory_space<semaphore_mem>>) src(%arg16 : memref<128x64xf32, #tpu.memory_space<vmem>>) dst(%dma_wait3A_508 : memref<10240x64xf32, #tpu.memory_space<vmem_shared>>)
      %add3A_509 = arith.constant 7 : i32
      %add3A_510 = arith.addi %mul3A_246, %add3A_509 : i32
      %add3A_511 = arith.constant 8 : i32
      %add3A_512 = arith.addi %add3A_510, %add3A_511 : i32
      %dma_start3A_513 = arith.constant 0 : i32
      %dma_start3A_514 = tpu.memref_slice %arg7[%add3A_512, %dma_start3A_513] : memref<80x128xi32, #tpu.memory_space<vmem>> -> memref<1x128xi32, #tpu.memory_space<vmem>>
      %dma_start3A_515 = tpu.memref_squeeze %dma_start3A_514 : memref<1x128xi32, #tpu.memory_space<vmem>> -> memref<128xi32, #tpu.memory_space<vmem>>
      %dma_start3A_516 = arith.constant 0 : i32
      %dma_start3A_517 = arith.constant 0 : i32
      %dma_start3A_518 = tpu.memref_slice %arg2[%dma_start3A_516, %dma_start3A_517] : memref<10240x64xf32, #tpu.memory_space<hbm>> -> memref<10240x64xf32, #tpu.memory_space<hbm>>
      tpu.enqueue_indirect_dma source(%dma_start3A_518 : memref<10240x64xf32, #tpu.memory_space<hbm>>) target(%arg16 : memref<128x64xf32, #tpu.memory_space<vmem>>) offsets(%dma_start3A_515 : memref<128xi32, #tpu.memory_space<vmem>>) semaphore(%arg25 : memref<!tpu.dma_semaphore, #tpu.memory_space<semaphore_mem>>)
    }
    %scan3A_64 = arith.constant 9 : i32
    %dma_wait3A = arith.constant 72 : i32
    %dma_wait3A_65 = arith.constant 0 : i32
    %dma_wait3A_66 = tpu.memref_slice %arg7[%dma_wait3A, %dma_wait3A_65] : memref<80x128xi32, #tpu.memory_space<vmem>> -> memref<1x128xi32, #tpu.memory_space<vmem>>
    %dma_wait3A_67 = tpu.memref_squeeze %dma_wait3A_66 : memref<1x128xi32, #tpu.memory_space<vmem>> -> memref<128xi32, #tpu.memory_space<vmem>>
    %dma_wait3A_68 = arith.constant 0 : i32
    %dma_wait3A_69 = arith.constant 0 : i32
    %dma_wait3A_70 = tpu.memref_slice %arg2[%dma_wait3A_68, %dma_wait3A_69] : memref<10240x64xf32, #tpu.memory_space<hbm>> -> memref<10240x64xf32, #tpu.memory_space<hbm>>
    tpu.wait_indirect_dma semaphore(%arg18 : memref<!tpu.dma_semaphore, #tpu.memory_space<semaphore_mem>>) src(%dma_wait3A_70 : memref<10240x64xf32, #tpu.memory_space<hbm>>) dst(%arg9 : memref<128x64xf32, #tpu.memory_space<vmem>>)
    %dma_start3A_71 = arith.constant 72 : i32
    %dma_start3A_72 = arith.constant 0 : i32
    %dma_start3A_73 = tpu.memref_slice %arg8[%dma_start3A_71, %dma_start3A_72] : memref<80x128xi32, #tpu.memory_space<vmem>> -> memref<1x128xi32, #tpu.memory_space<vmem>>
    %dma_start3A_74 = tpu.memref_squeeze %dma_start3A_73 : memref<1x128xi32, #tpu.memory_space<vmem>> -> memref<128xi32, #tpu.memory_space<vmem>>
    %dma_start3A_75 = arith.constant 0 : i32
    %dma_start3A_76 = arith.constant 0 : i32
    %dma_start3A_77 = tpu.memref_slice %arg17[%dma_start3A_75, %dma_start3A_76] : memref<10240x64xf32, #tpu.memory_space<vmem_shared>> -> memref<10240x64xf32, #tpu.memory_space<vmem_shared>>
    tpu.enqueue_indirect_dma source(%arg9 : memref<128x64xf32, #tpu.memory_space<vmem>>) target(%dma_start3A_77 : memref<10240x64xf32, #tpu.memory_space<vmem_shared>>) offsets(%dma_start3A_74 : memref<128xi32, #tpu.memory_space<vmem>>) semaphore(%arg26 : memref<!tpu.dma_semaphore, #tpu.memory_space<semaphore_mem>>) {add = true}
    %dma_wait3A_78 = arith.constant 73 : i32
    %dma_wait3A_79 = arith.constant 0 : i32
    %dma_wait3A_80 = tpu.memref_slice %arg7[%dma_wait3A_78, %dma_wait3A_79] : memref<80x128xi32, #tpu.memory_space<vmem>> -> memref<1x128xi32, #tpu.memory_space<vmem>>
    %dma_wait3A_81 = tpu.memref_squeeze %dma_wait3A_80 : memref<1x128xi32, #tpu.memory_space<vmem>> -> memref<128xi32, #tpu.memory_space<vmem>>
    %dma_wait3A_82 = arith.constant 0 : i32
    %dma_wait3A_83 = arith.constant 0 : i32
    %dma_wait3A_84 = tpu.memref_slice %arg2[%dma_wait3A_82, %dma_wait3A_83] : memref<10240x64xf32, #tpu.memory_space<hbm>> -> memref<10240x64xf32, #tpu.memory_space<hbm>>
    tpu.wait_indirect_dma semaphore(%arg19 : memref<!tpu.dma_semaphore, #tpu.memory_space<semaphore_mem>>) src(%dma_wait3A_84 : memref<10240x64xf32, #tpu.memory_space<hbm>>) dst(%arg10 : memref<128x64xf32, #tpu.memory_space<vmem>>)
    %dma_start3A_85 = arith.constant 73 : i32
    %dma_start3A_86 = arith.constant 0 : i32
    %dma_start3A_87 = tpu.memref_slice %arg8[%dma_start3A_85, %dma_start3A_86] : memref<80x128xi32, #tpu.memory_space<vmem>> -> memref<1x128xi32, #tpu.memory_space<vmem>>
    %dma_start3A_88 = tpu.memref_squeeze %dma_start3A_87 : memref<1x128xi32, #tpu.memory_space<vmem>> -> memref<128xi32, #tpu.memory_space<vmem>>
    %dma_start3A_89 = arith.constant 0 : i32
    %dma_start3A_90 = arith.constant 0 : i32
    %dma_start3A_91 = tpu.memref_slice %arg17[%dma_start3A_89, %dma_start3A_90] : memref<10240x64xf32, #tpu.memory_space<vmem_shared>> -> memref<10240x64xf32, #tpu.memory_space<vmem_shared>>
    tpu.enqueue_indirect_dma source(%arg10 : memref<128x64xf32, #tpu.memory_space<vmem>>) target(%dma_start3A_91 : memref<10240x64xf32, #tpu.memory_space<vmem_shared>>) offsets(%dma_start3A_88 : memref<128xi32, #tpu.memory_space<vmem>>) semaphore(%arg27 : memref<!tpu.dma_semaphore, #tpu.memory_space<semaphore_mem>>) {add = true}
    %dma_wait3A_92 = arith.constant 74 : i32
    %dma_wait3A_93 = arith.constant 0 : i32
    %dma_wait3A_94 = tpu.memref_slice %arg7[%dma_wait3A_92, %dma_wait3A_93] : memref<80x128xi32, #tpu.memory_space<vmem>> -> memref<1x128xi32, #tpu.memory_space<vmem>>
    %dma_wait3A_95 = tpu.memref_squeeze %dma_wait3A_94 : memref<1x128xi32, #tpu.memory_space<vmem>> -> memref<128xi32, #tpu.memory_space<vmem>>
    %dma_wait3A_96 = arith.constant 0 : i32
    %dma_wait3A_97 = arith.constant 0 : i32
    %dma_wait3A_98 = tpu.memref_slice %arg2[%dma_wait3A_96, %dma_wait3A_97] : memref<10240x64xf32, #tpu.memory_space<hbm>> -> memref<10240x64xf32, #tpu.memory_space<hbm>>
    tpu.wait_indirect_dma semaphore(%arg20 : memref<!tpu.dma_semaphore, #tpu.memory_space<semaphore_mem>>) src(%dma_wait3A_98 : memref<10240x64xf32, #tpu.memory_space<hbm>>) dst(%arg11 : memref<128x64xf32, #tpu.memory_space<vmem>>)
    %dma_start3A_99 = arith.constant 74 : i32
    %dma_start3A_100 = arith.constant 0 : i32
    %dma_start3A_101 = tpu.memref_slice %arg8[%dma_start3A_99, %dma_start3A_100] : memref<80x128xi32, #tpu.memory_space<vmem>> -> memref<1x128xi32, #tpu.memory_space<vmem>>
    %dma_start3A_102 = tpu.memref_squeeze %dma_start3A_101 : memref<1x128xi32, #tpu.memory_space<vmem>> -> memref<128xi32, #tpu.memory_space<vmem>>
    %dma_start3A_103 = arith.constant 0 : i32
    %dma_start3A_104 = arith.constant 0 : i32
    %dma_start3A_105 = tpu.memref_slice %arg17[%dma_start3A_103, %dma_start3A_104] : memref<10240x64xf32, #tpu.memory_space<vmem_shared>> -> memref<10240x64xf32, #tpu.memory_space<vmem_shared>>
    tpu.enqueue_indirect_dma source(%arg11 : memref<128x64xf32, #tpu.memory_space<vmem>>) target(%dma_start3A_105 : memref<10240x64xf32, #tpu.memory_space<vmem_shared>>) offsets(%dma_start3A_102 : memref<128xi32, #tpu.memory_space<vmem>>) semaphore(%arg28 : memref<!tpu.dma_semaphore, #tpu.memory_space<semaphore_mem>>) {add = true}
    %dma_wait3A_106 = arith.constant 75 : i32
    %dma_wait3A_107 = arith.constant 0 : i32
    %dma_wait3A_108 = tpu.memref_slice %arg7[%dma_wait3A_106, %dma_wait3A_107] : memref<80x128xi32, #tpu.memory_space<vmem>> -> memref<1x128xi32, #tpu.memory_space<vmem>>
    %dma_wait3A_109 = tpu.memref_squeeze %dma_wait3A_108 : memref<1x128xi32, #tpu.memory_space<vmem>> -> memref<128xi32, #tpu.memory_space<vmem>>
    %dma_wait3A_110 = arith.constant 0 : i32
    %dma_wait3A_111 = arith.constant 0 : i32
    %dma_wait3A_112 = tpu.memref_slice %arg2[%dma_wait3A_110, %dma_wait3A_111] : memref<10240x64xf32, #tpu.memory_space<hbm>> -> memref<10240x64xf32, #tpu.memory_space<hbm>>
    tpu.wait_indirect_dma semaphore(%arg21 : memref<!tpu.dma_semaphore, #tpu.memory_space<semaphore_mem>>) src(%dma_wait3A_112 : memref<10240x64xf32, #tpu.memory_space<hbm>>) dst(%arg12 : memref<128x64xf32, #tpu.memory_space<vmem>>)
    %dma_start3A_113 = arith.constant 75 : i32
    %dma_start3A_114 = arith.constant 0 : i32
    %dma_start3A_115 = tpu.memref_slice %arg8[%dma_start3A_113, %dma_start3A_114] : memref<80x128xi32, #tpu.memory_space<vmem>> -> memref<1x128xi32, #tpu.memory_space<vmem>>
    %dma_start3A_116 = tpu.memref_squeeze %dma_start3A_115 : memref<1x128xi32, #tpu.memory_space<vmem>> -> memref<128xi32, #tpu.memory_space<vmem>>
    %dma_start3A_117 = arith.constant 0 : i32
    %dma_start3A_118 = arith.constant 0 : i32
    %dma_start3A_119 = tpu.memref_slice %arg17[%dma_start3A_117, %dma_start3A_118] : memref<10240x64xf32, #tpu.memory_space<vmem_shared>> -> memref<10240x64xf32, #tpu.memory_space<vmem_shared>>
    tpu.enqueue_indirect_dma source(%arg12 : memref<128x64xf32, #tpu.memory_space<vmem>>) target(%dma_start3A_119 : memref<10240x64xf32, #tpu.memory_space<vmem_shared>>) offsets(%dma_start3A_116 : memref<128xi32, #tpu.memory_space<vmem>>) semaphore(%arg29 : memref<!tpu.dma_semaphore, #tpu.memory_space<semaphore_mem>>) {add = true}
    %dma_wait3A_120 = arith.constant 76 : i32
    %dma_wait3A_121 = arith.constant 0 : i32
    %dma_wait3A_122 = tpu.memref_slice %arg7[%dma_wait3A_120, %dma_wait3A_121] : memref<80x128xi32, #tpu.memory_space<vmem>> -> memref<1x128xi32, #tpu.memory_space<vmem>>
    %dma_wait3A_123 = tpu.memref_squeeze %dma_wait3A_122 : memref<1x128xi32, #tpu.memory_space<vmem>> -> memref<128xi32, #tpu.memory_space<vmem>>
    %dma_wait3A_124 = arith.constant 0 : i32
    %dma_wait3A_125 = arith.constant 0 : i32
    %dma_wait3A_126 = tpu.memref_slice %arg2[%dma_wait3A_124, %dma_wait3A_125] : memref<10240x64xf32, #tpu.memory_space<hbm>> -> memref<10240x64xf32, #tpu.memory_space<hbm>>
    tpu.wait_indirect_dma semaphore(%arg22 : memref<!tpu.dma_semaphore, #tpu.memory_space<semaphore_mem>>) src(%dma_wait3A_126 : memref<10240x64xf32, #tpu.memory_space<hbm>>) dst(%arg13 : memref<128x64xf32, #tpu.memory_space<vmem>>)
    %dma_start3A_127 = arith.constant 76 : i32
    %dma_start3A_128 = arith.constant 0 : i32
    %dma_start3A_129 = tpu.memref_slice %arg8[%dma_start3A_127, %dma_start3A_128] : memref<80x128xi32, #tpu.memory_space<vmem>> -> memref<1x128xi32, #tpu.memory_space<vmem>>
    %dma_start3A_130 = tpu.memref_squeeze %dma_start3A_129 : memref<1x128xi32, #tpu.memory_space<vmem>> -> memref<128xi32, #tpu.memory_space<vmem>>
    %dma_start3A_131 = arith.constant 0 : i32
    %dma_start3A_132 = arith.constant 0 : i32
    %dma_start3A_133 = tpu.memref_slice %arg17[%dma_start3A_131, %dma_start3A_132] : memref<10240x64xf32, #tpu.memory_space<vmem_shared>> -> memref<10240x64xf32, #tpu.memory_space<vmem_shared>>
    tpu.enqueue_indirect_dma source(%arg13 : memref<128x64xf32, #tpu.memory_space<vmem>>) target(%dma_start3A_133 : memref<10240x64xf32, #tpu.memory_space<vmem_shared>>) offsets(%dma_start3A_130 : memref<128xi32, #tpu.memory_space<vmem>>) semaphore(%arg30 : memref<!tpu.dma_semaphore, #tpu.memory_space<semaphore_mem>>) {add = true}
    %dma_wait3A_134 = arith.constant 77 : i32
    %dma_wait3A_135 = arith.constant 0 : i32
    %dma_wait3A_136 = tpu.memref_slice %arg7[%dma_wait3A_134, %dma_wait3A_135] : memref<80x128xi32, #tpu.memory_space<vmem>> -> memref<1x128xi32, #tpu.memory_space<vmem>>
    %dma_wait3A_137 = tpu.memref_squeeze %dma_wait3A_136 : memref<1x128xi32, #tpu.memory_space<vmem>> -> memref<128xi32, #tpu.memory_space<vmem>>
    %dma_wait3A_138 = arith.constant 0 : i32
    %dma_wait3A_139 = arith.constant 0 : i32
    %dma_wait3A_140 = tpu.memref_slice %arg2[%dma_wait3A_138, %dma_wait3A_139] : memref<10240x64xf32, #tpu.memory_space<hbm>> -> memref<10240x64xf32, #tpu.memory_space<hbm>>
    tpu.wait_indirect_dma semaphore(%arg23 : memref<!tpu.dma_semaphore, #tpu.memory_space<semaphore_mem>>) src(%dma_wait3A_140 : memref<10240x64xf32, #tpu.memory_space<hbm>>) dst(%arg14 : memref<128x64xf32, #tpu.memory_space<vmem>>)
    %dma_start3A_141 = arith.constant 77 : i32
    %dma_start3A_142 = arith.constant 0 : i32
    %dma_start3A_143 = tpu.memref_slice %arg8[%dma_start3A_141, %dma_start3A_142] : memref<80x128xi32, #tpu.memory_space<vmem>> -> memref<1x128xi32, #tpu.memory_space<vmem>>
    %dma_start3A_144 = tpu.memref_squeeze %dma_start3A_143 : memref<1x128xi32, #tpu.memory_space<vmem>> -> memref<128xi32, #tpu.memory_space<vmem>>
    %dma_start3A_145 = arith.constant 0 : i32
    %dma_start3A_146 = arith.constant 0 : i32
    %dma_start3A_147 = tpu.memref_slice %arg17[%dma_start3A_145, %dma_start3A_146] : memref<10240x64xf32, #tpu.memory_space<vmem_shared>> -> memref<10240x64xf32, #tpu.memory_space<vmem_shared>>
    tpu.enqueue_indirect_dma source(%arg14 : memref<128x64xf32, #tpu.memory_space<vmem>>) target(%dma_start3A_147 : memref<10240x64xf32, #tpu.memory_space<vmem_shared>>) offsets(%dma_start3A_144 : memref<128xi32, #tpu.memory_space<vmem>>) semaphore(%arg31 : memref<!tpu.dma_semaphore, #tpu.memory_space<semaphore_mem>>) {add = true}
    %dma_wait3A_148 = arith.constant 78 : i32
    %dma_wait3A_149 = arith.constant 0 : i32
    %dma_wait3A_150 = tpu.memref_slice %arg7[%dma_wait3A_148, %dma_wait3A_149] : memref<80x128xi32, #tpu.memory_space<vmem>> -> memref<1x128xi32, #tpu.memory_space<vmem>>
    %dma_wait3A_151 = tpu.memref_squeeze %dma_wait3A_150 : memref<1x128xi32, #tpu.memory_space<vmem>> -> memref<128xi32, #tpu.memory_space<vmem>>
    %dma_wait3A_152 = arith.constant 0 : i32
    %dma_wait3A_153 = arith.constant 0 : i32
    %dma_wait3A_154 = tpu.memref_slice %arg2[%dma_wait3A_152, %dma_wait3A_153] : memref<10240x64xf32, #tpu.memory_space<hbm>> -> memref<10240x64xf32, #tpu.memory_space<hbm>>
    tpu.wait_indirect_dma semaphore(%arg24 : memref<!tpu.dma_semaphore, #tpu.memory_space<semaphore_mem>>) src(%dma_wait3A_154 : memref<10240x64xf32, #tpu.memory_space<hbm>>) dst(%arg15 : memref<128x64xf32, #tpu.memory_space<vmem>>)
    %dma_start3A_155 = arith.constant 78 : i32
    %dma_start3A_156 = arith.constant 0 : i32
    %dma_start3A_157 = tpu.memref_slice %arg8[%dma_start3A_155, %dma_start3A_156] : memref<80x128xi32, #tpu.memory_space<vmem>> -> memref<1x128xi32, #tpu.memory_space<vmem>>
    %dma_start3A_158 = tpu.memref_squeeze %dma_start3A_157 : memref<1x128xi32, #tpu.memory_space<vmem>> -> memref<128xi32, #tpu.memory_space<vmem>>
    %dma_start3A_159 = arith.constant 0 : i32
    %dma_start3A_160 = arith.constant 0 : i32
    %dma_start3A_161 = tpu.memref_slice %arg17[%dma_start3A_159, %dma_start3A_160] : memref<10240x64xf32, #tpu.memory_space<vmem_shared>> -> memref<10240x64xf32, #tpu.memory_space<vmem_shared>>
    tpu.enqueue_indirect_dma source(%arg15 : memref<128x64xf32, #tpu.memory_space<vmem>>) target(%dma_start3A_161 : memref<10240x64xf32, #tpu.memory_space<vmem_shared>>) offsets(%dma_start3A_158 : memref<128xi32, #tpu.memory_space<vmem>>) semaphore(%arg32 : memref<!tpu.dma_semaphore, #tpu.memory_space<semaphore_mem>>) {add = true}
    %dma_wait3A_162 = arith.constant 79 : i32
    %dma_wait3A_163 = arith.constant 0 : i32
    %dma_wait3A_164 = tpu.memref_slice %arg7[%dma_wait3A_162, %dma_wait3A_163] : memref<80x128xi32, #tpu.memory_space<vmem>> -> memref<1x128xi32, #tpu.memory_space<vmem>>
    %dma_wait3A_165 = tpu.memref_squeeze %dma_wait3A_164 : memref<1x128xi32, #tpu.memory_space<vmem>> -> memref<128xi32, #tpu.memory_space<vmem>>
    %dma_wait3A_166 = arith.constant 0 : i32
    %dma_wait3A_167 = arith.constant 0 : i32
    %dma_wait3A_168 = tpu.memref_slice %arg2[%dma_wait3A_166, %dma_wait3A_167] : memref<10240x64xf32, #tpu.memory_space<hbm>> -> memref<10240x64xf32, #tpu.memory_space<hbm>>
    tpu.wait_indirect_dma semaphore(%arg25 : memref<!tpu.dma_semaphore, #tpu.memory_space<semaphore_mem>>) src(%dma_wait3A_168 : memref<10240x64xf32, #tpu.memory_space<hbm>>) dst(%arg16 : memref<128x64xf32, #tpu.memory_space<vmem>>)
    %dma_start3A_169 = arith.constant 79 : i32
    %dma_start3A_170 = arith.constant 0 : i32
    %dma_start3A_171 = tpu.memref_slice %arg8[%dma_start3A_169, %dma_start3A_170] : memref<80x128xi32, #tpu.memory_space<vmem>> -> memref<1x128xi32, #tpu.memory_space<vmem>>
    %dma_start3A_172 = tpu.memref_squeeze %dma_start3A_171 : memref<1x128xi32, #tpu.memory_space<vmem>> -> memref<128xi32, #tpu.memory_space<vmem>>
    %dma_start3A_173 = arith.constant 0 : i32
    %dma_start3A_174 = arith.constant 0 : i32
    %dma_start3A_175 = tpu.memref_slice %arg17[%dma_start3A_173, %dma_start3A_174] : memref<10240x64xf32, #tpu.memory_space<vmem_shared>> -> memref<10240x64xf32, #tpu.memory_space<vmem_shared>>
    tpu.enqueue_indirect_dma source(%arg16 : memref<128x64xf32, #tpu.memory_space<vmem>>) target(%dma_start3A_175 : memref<10240x64xf32, #tpu.memory_space<vmem_shared>>) offsets(%dma_start3A_172 : memref<128xi32, #tpu.memory_space<vmem>>) semaphore(%arg33 : memref<!tpu.dma_semaphore, #tpu.memory_space<semaphore_mem>>) {add = true}
    %dma_wait3A_176 = arith.constant 72 : i32
    %dma_wait3A_177 = arith.constant 0 : i32
    %dma_wait3A_178 = tpu.memref_slice %arg8[%dma_wait3A_176, %dma_wait3A_177] : memref<80x128xi32, #tpu.memory_space<vmem>> -> memref<1x128xi32, #tpu.memory_space<vmem>>
    %dma_wait3A_179 = tpu.memref_squeeze %dma_wait3A_178 : memref<1x128xi32, #tpu.memory_space<vmem>> -> memref<128xi32, #tpu.memory_space<vmem>>
    %dma_wait3A_180 = arith.constant 0 : i32
    %dma_wait3A_181 = arith.constant 0 : i32
    %dma_wait3A_182 = tpu.memref_slice %arg17[%dma_wait3A_180, %dma_wait3A_181] : memref<10240x64xf32, #tpu.memory_space<vmem_shared>> -> memref<10240x64xf32, #tpu.memory_space<vmem_shared>>
    tpu.wait_indirect_dma semaphore(%arg26 : memref<!tpu.dma_semaphore, #tpu.memory_space<semaphore_mem>>) src(%arg9 : memref<128x64xf32, #tpu.memory_space<vmem>>) dst(%dma_wait3A_182 : memref<10240x64xf32, #tpu.memory_space<vmem_shared>>)
    %dma_wait3A_183 = arith.constant 73 : i32
    %dma_wait3A_184 = arith.constant 0 : i32
    %dma_wait3A_185 = tpu.memref_slice %arg8[%dma_wait3A_183, %dma_wait3A_184] : memref<80x128xi32, #tpu.memory_space<vmem>> -> memref<1x128xi32, #tpu.memory_space<vmem>>
    %dma_wait3A_186 = tpu.memref_squeeze %dma_wait3A_185 : memref<1x128xi32, #tpu.memory_space<vmem>> -> memref<128xi32, #tpu.memory_space<vmem>>
    %dma_wait3A_187 = arith.constant 0 : i32
    %dma_wait3A_188 = arith.constant 0 : i32
    %dma_wait3A_189 = tpu.memref_slice %arg17[%dma_wait3A_187, %dma_wait3A_188] : memref<10240x64xf32, #tpu.memory_space<vmem_shared>> -> memref<10240x64xf32, #tpu.memory_space<vmem_shared>>
    tpu.wait_indirect_dma semaphore(%arg27 : memref<!tpu.dma_semaphore, #tpu.memory_space<semaphore_mem>>) src(%arg10 : memref<128x64xf32, #tpu.memory_space<vmem>>) dst(%dma_wait3A_189 : memref<10240x64xf32, #tpu.memory_space<vmem_shared>>)
    %dma_wait3A_190 = arith.constant 74 : i32
    %dma_wait3A_191 = arith.constant 0 : i32
    %dma_wait3A_192 = tpu.memref_slice %arg8[%dma_wait3A_190, %dma_wait3A_191] : memref<80x128xi32, #tpu.memory_space<vmem>> -> memref<1x128xi32, #tpu.memory_space<vmem>>
    %dma_wait3A_193 = tpu.memref_squeeze %dma_wait3A_192 : memref<1x128xi32, #tpu.memory_space<vmem>> -> memref<128xi32, #tpu.memory_space<vmem>>
    %dma_wait3A_194 = arith.constant 0 : i32
    %dma_wait3A_195 = arith.constant 0 : i32
    %dma_wait3A_196 = tpu.memref_slice %arg17[%dma_wait3A_194, %dma_wait3A_195] : memref<10240x64xf32, #tpu.memory_space<vmem_shared>> -> memref<10240x64xf32, #tpu.memory_space<vmem_shared>>
    tpu.wait_indirect_dma semaphore(%arg28 : memref<!tpu.dma_semaphore, #tpu.memory_space<semaphore_mem>>) src(%arg11 : memref<128x64xf32, #tpu.memory_space<vmem>>) dst(%dma_wait3A_196 : memref<10240x64xf32, #tpu.memory_space<vmem_shared>>)
    %dma_wait3A_197 = arith.constant 75 : i32
    %dma_wait3A_198 = arith.constant 0 : i32
    %dma_wait3A_199 = tpu.memref_slice %arg8[%dma_wait3A_197, %dma_wait3A_198] : memref<80x128xi32, #tpu.memory_space<vmem>> -> memref<1x128xi32, #tpu.memory_space<vmem>>
    %dma_wait3A_200 = tpu.memref_squeeze %dma_wait3A_199 : memref<1x128xi32, #tpu.memory_space<vmem>> -> memref<128xi32, #tpu.memory_space<vmem>>
    %dma_wait3A_201 = arith.constant 0 : i32
    %dma_wait3A_202 = arith.constant 0 : i32
    %dma_wait3A_203 = tpu.memref_slice %arg17[%dma_wait3A_201, %dma_wait3A_202] : memref<10240x64xf32, #tpu.memory_space<vmem_shared>> -> memref<10240x64xf32, #tpu.memory_space<vmem_shared>>
    tpu.wait_indirect_dma semaphore(%arg29 : memref<!tpu.dma_semaphore, #tpu.memory_space<semaphore_mem>>) src(%arg12 : memref<128x64xf32, #tpu.memory_space<vmem>>) dst(%dma_wait3A_203 : memref<10240x64xf32, #tpu.memory_space<vmem_shared>>)
    %dma_wait3A_204 = arith.constant 76 : i32
    %dma_wait3A_205 = arith.constant 0 : i32
    %dma_wait3A_206 = tpu.memref_slice %arg8[%dma_wait3A_204, %dma_wait3A_205] : memref<80x128xi32, #tpu.memory_space<vmem>> -> memref<1x128xi32, #tpu.memory_space<vmem>>
    %dma_wait3A_207 = tpu.memref_squeeze %dma_wait3A_206 : memref<1x128xi32, #tpu.memory_space<vmem>> -> memref<128xi32, #tpu.memory_space<vmem>>
    %dma_wait3A_208 = arith.constant 0 : i32
    %dma_wait3A_209 = arith.constant 0 : i32
    %dma_wait3A_210 = tpu.memref_slice %arg17[%dma_wait3A_208, %dma_wait3A_209] : memref<10240x64xf32, #tpu.memory_space<vmem_shared>> -> memref<10240x64xf32, #tpu.memory_space<vmem_shared>>
    tpu.wait_indirect_dma semaphore(%arg30 : memref<!tpu.dma_semaphore, #tpu.memory_space<semaphore_mem>>) src(%arg13 : memref<128x64xf32, #tpu.memory_space<vmem>>) dst(%dma_wait3A_210 : memref<10240x64xf32, #tpu.memory_space<vmem_shared>>)
    %dma_wait3A_211 = arith.constant 77 : i32
    %dma_wait3A_212 = arith.constant 0 : i32
    %dma_wait3A_213 = tpu.memref_slice %arg8[%dma_wait3A_211, %dma_wait3A_212] : memref<80x128xi32, #tpu.memory_space<vmem>> -> memref<1x128xi32, #tpu.memory_space<vmem>>
    %dma_wait3A_214 = tpu.memref_squeeze %dma_wait3A_213 : memref<1x128xi32, #tpu.memory_space<vmem>> -> memref<128xi32, #tpu.memory_space<vmem>>
    %dma_wait3A_215 = arith.constant 0 : i32
    %dma_wait3A_216 = arith.constant 0 : i32
    %dma_wait3A_217 = tpu.memref_slice %arg17[%dma_wait3A_215, %dma_wait3A_216] : memref<10240x64xf32, #tpu.memory_space<vmem_shared>> -> memref<10240x64xf32, #tpu.memory_space<vmem_shared>>
    tpu.wait_indirect_dma semaphore(%arg31 : memref<!tpu.dma_semaphore, #tpu.memory_space<semaphore_mem>>) src(%arg14 : memref<128x64xf32, #tpu.memory_space<vmem>>) dst(%dma_wait3A_217 : memref<10240x64xf32, #tpu.memory_space<vmem_shared>>)
    %dma_wait3A_218 = arith.constant 78 : i32
    %dma_wait3A_219 = arith.constant 0 : i32
    %dma_wait3A_220 = tpu.memref_slice %arg8[%dma_wait3A_218, %dma_wait3A_219] : memref<80x128xi32, #tpu.memory_space<vmem>> -> memref<1x128xi32, #tpu.memory_space<vmem>>
    %dma_wait3A_221 = tpu.memref_squeeze %dma_wait3A_220 : memref<1x128xi32, #tpu.memory_space<vmem>> -> memref<128xi32, #tpu.memory_space<vmem>>
    %dma_wait3A_222 = arith.constant 0 : i32
    %dma_wait3A_223 = arith.constant 0 : i32
    %dma_wait3A_224 = tpu.memref_slice %arg17[%dma_wait3A_222, %dma_wait3A_223] : memref<10240x64xf32, #tpu.memory_space<vmem_shared>> -> memref<10240x64xf32, #tpu.memory_space<vmem_shared>>
    tpu.wait_indirect_dma semaphore(%arg32 : memref<!tpu.dma_semaphore, #tpu.memory_space<semaphore_mem>>) src(%arg15 : memref<128x64xf32, #tpu.memory_space<vmem>>) dst(%dma_wait3A_224 : memref<10240x64xf32, #tpu.memory_space<vmem_shared>>)
    %dma_wait3A_225 = arith.constant 79 : i32
    %dma_wait3A_226 = arith.constant 0 : i32
    %dma_wait3A_227 = tpu.memref_slice %arg8[%dma_wait3A_225, %dma_wait3A_226] : memref<80x128xi32, #tpu.memory_space<vmem>> -> memref<1x128xi32, #tpu.memory_space<vmem>>
    %dma_wait3A_228 = tpu.memref_squeeze %dma_wait3A_227 : memref<1x128xi32, #tpu.memory_space<vmem>> -> memref<128xi32, #tpu.memory_space<vmem>>
    %dma_wait3A_229 = arith.constant 0 : i32
    %dma_wait3A_230 = arith.constant 0 : i32
    %dma_wait3A_231 = tpu.memref_slice %arg17[%dma_wait3A_229, %dma_wait3A_230] : memref<10240x64xf32, #tpu.memory_space<vmem_shared>> -> memref<10240x64xf32, #tpu.memory_space<vmem_shared>>
    tpu.wait_indirect_dma semaphore(%arg33 : memref<!tpu.dma_semaphore, #tpu.memory_space<semaphore_mem>>) src(%arg16 : memref<128x64xf32, #tpu.memory_space<vmem>>) dst(%dma_wait3A_231 : memref<10240x64xf32, #tpu.memory_space<vmem_shared>>)
    %barrier3A_232 = arith.constant 0 : index
    tpu.barrier barrier_id(%barrier3A_232)
    %eq3A = arith.constant 0 : i32
    %eq3A_233 = arith.cmpi eq, %arg0, %eq3A : i32
    %convert_element_type3A = arith.extui %eq3A_233 : i1 to i32
    %cond3A = arith.constant 0 : i32
    %cond3A_234 = arith.cmpi ne, %convert_element_type3A, %cond3A : i32
    scf.if %cond3A_234 {
      %mul3A_240 = arith.constant 640 : i32
      %mul3A_241 = arith.muli %arg1, %mul3A_240 : i32
      %mul3A_242 = arith.constant 640 : i32
      %mul3A_243 = arith.muli %arg1, %mul3A_242 : i32
      "tpu.region"() ({
        %run_scoped3A_244 = tpu.sem_alloc : memref<!tpu.dma_semaphore, #tpu.memory_space<semaphore_mem>>
        %dma_start3A_245 = arith.constant 0 : i32
        %dma_start3A_246 = tpu.memref_slice %arg5[%mul3A_243, %dma_start3A_245] : memref<10240x64xf32, #tpu.memory_space<hbm>> -> memref<640x64xf32, #tpu.memory_space<hbm>>
        %dma_start3A_247 = arith.constant 0 : i32
        %dma_start3A_248 = tpu.memref_slice %arg17[%mul3A_241, %dma_start3A_247] : memref<10240x64xf32, #tpu.memory_space<vmem_shared>> -> memref<640x64xf32, #tpu.memory_space<vmem_shared>>
        tpu.enqueue_dma source(%dma_start3A_248 : memref<640x64xf32, #tpu.memory_space<vmem_shared>>) target(%dma_start3A_246 : memref<640x64xf32, #tpu.memory_space<hbm>>) target_semaphore(%run_scoped3A_244 : memref<!tpu.dma_semaphore, #tpu.memory_space<semaphore_mem>>)
        %dma_wait3A_249 = arith.constant 0 : i32
        %dma_wait3A_250 = tpu.memref_slice %arg5[%mul3A_243, %dma_wait3A_249] : memref<10240x64xf32, #tpu.memory_space<hbm>> -> memref<640x64xf32, #tpu.memory_space<hbm>>
        %dma_wait3A_251 = arith.constant 0 : i32
        %dma_wait3A_252 = tpu.memref_slice %arg17[%mul3A_241, %dma_wait3A_251] : memref<10240x64xf32, #tpu.memory_space<vmem_shared>> -> memref<640x64xf32, #tpu.memory_space<vmem_shared>>
        tpu.wait_dma2 semaphore(%run_scoped3A_244 : memref<!tpu.dma_semaphore, #tpu.memory_space<semaphore_mem>>) src(%dma_wait3A_252 : memref<640x64xf32, #tpu.memory_space<vmem_shared>>) dst(%dma_wait3A_250 : memref<640x64xf32, #tpu.memory_space<hbm>>)
        tpu.yield
      }) : () -> ()
    } else {
    }
    %eq3A_235 = arith.constant 1 : i32
    %eq3A_236 = arith.cmpi eq, %arg0, %eq3A_235 : i32
    %convert_element_type3A_237 = arith.extui %eq3A_236 : i1 to i32
    %cond3A_238 = arith.constant 0 : i32
    %cond3A_239 = arith.cmpi ne, %convert_element_type3A_237, %cond3A_238 : i32
    scf.if %cond3A_239 {
      %mul3A_240 = arith.constant 640 : i32
      %mul3A_241 = arith.muli %arg1, %mul3A_240 : i32
      %mul3A_242 = arith.constant 640 : i32
      %mul3A_243 = arith.muli %arg1, %mul3A_242 : i32
      "tpu.region"() ({
        %run_scoped3A_244 = tpu.sem_alloc : memref<!tpu.dma_semaphore, #tpu.memory_space<semaphore_mem>>
        %dma_start3A_245 = arith.constant 0 : i32
        %dma_start3A_246 = tpu.memref_slice %arg6[%mul3A_243, %dma_start3A_245] : memref<10240x64xf32, #tpu.memory_space<hbm>> -> memref<640x64xf32, #tpu.memory_space<hbm>>
        %dma_start3A_247 = arith.constant 0 : i32
        %dma_start3A_248 = tpu.memref_slice %arg17[%mul3A_241, %dma_start3A_247] : memref<10240x64xf32, #tpu.memory_space<vmem_shared>> -> memref<640x64xf32, #tpu.memory_space<vmem_shared>>
        tpu.enqueue_dma source(%dma_start3A_248 : memref<640x64xf32, #tpu.memory_space<vmem_shared>>) target(%dma_start3A_246 : memref<640x64xf32, #tpu.memory_space<hbm>>) target_semaphore(%run_scoped3A_244 : memref<!tpu.dma_semaphore, #tpu.memory_space<semaphore_mem>>)
        %dma_wait3A_249 = arith.constant 0 : i32
        %dma_wait3A_250 = tpu.memref_slice %arg6[%mul3A_243, %dma_wait3A_249] : memref<10240x64xf32, #tpu.memory_space<hbm>> -> memref<640x64xf32, #tpu.memory_space<hbm>>
        %dma_wait3A_251 = arith.constant 0 : i32
        %dma_wait3A_252 = tpu.memref_slice %arg17[%mul3A_241, %dma_wait3A_251] : memref<10240x64xf32, #tpu.memory_space<vmem_shared>> -> memref<640x64xf32, #tpu.memory_space<vmem_shared>>
        tpu.wait_dma2 semaphore(%run_scoped3A_244 : memref<!tpu.dma_semaphore, #tpu.memory_space<semaphore_mem>>) src(%dma_wait3A_252 : memref<640x64xf32, #tpu.memory_space<vmem_shared>>) dst(%dma_wait3A_250 : memref<640x64xf32, #tpu.memory_space<hbm>>)
        tpu.yield
      }) : () -> ()
    } else {
    }
    return
  }
}

module attributes {stable_mosaic.version = 14 : i64} {
  func.func @_mm1_body(%arg0: i32, %arg1: memref<640x256xf32, #tpu.memory_space<vmem>>, %arg2: memref<256x128xf32, #tpu.memory_space<vmem>>, %arg3: memref<640x128xf32, #tpu.memory_space<vmem>>, %arg4: memref<640x128xf32, #tpu.memory_space<vmem>>) attributes {dimension_semantics = [#tpu.dimension_semantics<arbitrary>], iteration_bounds = array<i64: 8>, scalar_prefetch = 0 : i64, scratch_operands = 0 : i64, tpu.core_type = #tpu.core_type<tc>, window_params = [{transform_indices = @transform_0, window_bounds = array<i64: 640, 256>}, {pipeline_mode = #tpu.pipeline_mode<synchronous>, transform_indices = @transform_1, window_bounds = array<i64: 256, 128>}, {transform_indices = @transform_2, window_bounds = array<i64: 640, 128>}, {transform_indices = @transform_3, window_bounds = array<i64: 640, 128>}]} {
    %get3A = arith.constant 0 : index
    %get3A_0 = arith.constant 0 : index
    %get3A_1 = vector.load %arg1[%get3A, %get3A_0] : memref<640x256xf32, #tpu.memory_space<vmem>>, vector<640x256xf32>
    %get3A_2 = arith.constant 0 : index
    %get3A_3 = arith.constant 0 : index
    %get3A_4 = vector.load %arg2[%get3A_2, %get3A_3] : memref<256x128xf32, #tpu.memory_space<vmem>>, vector<256x128xf32>
    %dot_general3A = arith.constant dense<0.000000e+00> : vector<640x128xf32>
    %dot_general3A_5 = tpu.matmul %get3A_1, %get3A_4, %dot_general3A {dimension_numbers = #tpu.dot_dimension_numbers<[1], [0], [0], [1], [0, 0, 1, 1], [], []>, transpose_lhs_hint = false} : vector<640x256xf32>, vector<256x128xf32>, vector<640x128xf32> -> vector<640x128xf32>
    %get3A_6 = arith.constant 0 : index
    %get3A_7 = arith.constant 0 : index
    %get3A_8 = vector.load %arg3[%get3A_6, %get3A_7] : memref<640x128xf32, #tpu.memory_space<vmem>>, vector<640x128xf32>
    %mul3A = arith.mulf %dot_general3A_5, %get3A_8 : vector<640x128xf32>
    %swap3A = arith.constant 0 : index
    %swap3A_9 = arith.constant 0 : index
    %swap3A_10 = vector.load %arg4[%swap3A, %swap3A_9] : memref<640x128xf32, #tpu.memory_space<vmem>>, vector<640x128xf32>
    tpu.vector_store %arg4[%swap3A, %swap3A_9], %mul3A {strides = array<i32>} : memref<640x128xf32, #tpu.memory_space<vmem>>, vector<640x128xf32>,
    return
  }
  func.func @transform_0(%arg0: i32) -> (i32, i32) {
    %c0_i32 = arith.constant 0 : i32
    %c0_i32_0 = arith.constant 0 : i32
    return %arg0, %c0_i32 : i32, i32
  }
  func.func @transform_1(%arg0: i32) -> (i32, i32) {
    %c0_i32 = arith.constant 0 : i32
    %c0_i32_0 = arith.constant 0 : i32
    %c0_i32_1 = arith.constant 0 : i32
    return %c0_i32, %c0_i32_0 : i32, i32
  }
  func.func @transform_2(%arg0: i32) -> (i32, i32) {
    %c0_i32 = arith.constant 0 : i32
    %c0_i32_0 = arith.constant 0 : i32
    return %arg0, %c0_i32 : i32, i32
  }
  func.func @transform_3(%arg0: i32) -> (i32, i32) {
    %c0_i32 = arith.constant 0 : i32
    %c0_i32_0 = arith.constant 0 : i32
    return %arg0, %c0_i32 : i32, i32
  }
}

module attributes {stable_mosaic.version = 14 : i64} {
  func.func @_mid_body(%arg0: i32, %arg1: memref<640x128xf32, #tpu.memory_space<vmem>>, %arg2: memref<640x128xf32, #tpu.memory_space<vmem>>, %arg3: memref<640x128xf32, #tpu.memory_space<vmem>>, %arg4: memref<640x128xf32, #tpu.memory_space<vmem>>, %arg5: memref<1x128xf32, #tpu.memory_space<vmem>>, %arg6: memref<128x128xf32, #tpu.memory_space<vmem>>, %arg7: memref<640x128xf32, #tpu.memory_space<vmem>>) attributes {dimension_semantics = [#tpu.dimension_semantics<arbitrary>], iteration_bounds = array<i64: 8>, scalar_prefetch = 0 : i64, scratch_operands = 0 : i64, tpu.core_type = #tpu.core_type<tc>, window_params = [{transform_indices = @transform_0, window_bounds = array<i64: 640, 128>}, {transform_indices = @transform_1, window_bounds = array<i64: 640, 128>}, {transform_indices = @transform_2, window_bounds = array<i64: 640, 128>}, {transform_indices = @transform_3, window_bounds = array<i64: 640, 128>}, {pipeline_mode = #tpu.pipeline_mode<synchronous>, transform_indices = @transform_4, window_bounds = array<i64: 1, 128>}, {pipeline_mode = #tpu.pipeline_mode<synchronous>, transform_indices = @transform_5, window_bounds = array<i64: 128, 128>}, {transform_indices = @transform_6, window_bounds = array<i64: 640, 128>}]} {
    %get3A = arith.constant 0 : index
    %get3A_0 = arith.constant 0 : index
    %get3A_1 = vector.load %arg4[%get3A, %get3A_0] : memref<640x128xf32, #tpu.memory_space<vmem>>, vector<640x128xf32>
    %get3A_2 = arith.constant 0 : index
    %get3A_3 = arith.constant 0 : index
    %get3A_4 = vector.load %arg1[%get3A_2, %get3A_3] : memref<640x128xf32, #tpu.memory_space<vmem>>, vector<640x128xf32>
    %get3A_5 = arith.constant 0 : index
    %get3A_6 = arith.constant 0 : index
    %get3A_7 = vector.load %arg2[%get3A_5, %get3A_6] : memref<640x128xf32, #tpu.memory_space<vmem>>, vector<640x128xf32>
    %add3A = arith.addf %get3A_4, %get3A_7 : vector<640x128xf32>
    %get3A_8 = arith.constant 0 : index
    %get3A_9 = arith.constant 0 : index
    %get3A_10 = vector.load %arg3[%get3A_8, %get3A_9] : memref<640x128xf32, #tpu.memory_space<vmem>>, vector<640x128xf32>
    %add3A_11 = arith.addf %add3A, %get3A_10 : vector<640x128xf32>
    %mul3A = arith.mulf %add3A_11, %get3A_1 : vector<640x128xf32>
    %get3A_12 = arith.constant 0 : index
    %get3A_13 = arith.constant 0 : index
    %get3A_14 = vector.load %arg5[%get3A_12, %get3A_13] : memref<1x128xf32, #tpu.memory_space<vmem>>, vector<1x128xf32>
    %add3A_15 = vector.broadcast %get3A_14 : vector<1x128xf32> to vector<640x128xf32>
    %add3A_16 = arith.addf %mul3A, %add3A_15 : vector<640x128xf32>
    %max3A = arith.constant 0.000000e+00 : f32
    %max3A_17 = vector.broadcast %max3A : f32 to vector<640x128xf32>
    %max3A_18 = arith.maximumf %add3A_16, %max3A_17 : vector<640x128xf32>
    %get3A_19 = arith.constant 0 : index
    %get3A_20 = arith.constant 0 : index
    %get3A_21 = vector.load %arg6[%get3A_19, %get3A_20] : memref<128x128xf32, #tpu.memory_space<vmem>>, vector<128x128xf32>
    %dot_general3A = arith.constant dense<0.000000e+00> : vector<640x128xf32>
    %dot_general3A_22 = tpu.matmul %max3A_18, %get3A_21, %dot_general3A {dimension_numbers = #tpu.dot_dimension_numbers<[1], [0], [0], [1], [0, 0, 1, 1], [], []>, transpose_lhs_hint = false} : vector<640x128xf32>, vector<128x128xf32>, vector<640x128xf32> -> vector<640x128xf32>
    %mul3A_23 = arith.mulf %dot_general3A_22, %get3A_1 : vector<640x128xf32>
    %swap3A = arith.constant 0 : index
    %swap3A_24 = arith.constant 0 : index
    %swap3A_25 = vector.load %arg7[%swap3A, %swap3A_24] : memref<640x128xf32, #tpu.memory_space<vmem>>, vector<640x128xf32>
    tpu.vector_store %arg7[%swap3A, %swap3A_24], %mul3A_23 {strides = array<i32>} : memref<640x128xf32, #tpu.memory_space<vmem>>, vector<640x128xf32>,
    return
  }
  func.func @transform_0(%arg0: i32) -> (i32, i32) {
    %c0_i32 = arith.constant 0 : i32
    %c0_i32_0 = arith.constant 0 : i32
    return %arg0, %c0_i32 : i32, i32
  }
  func.func @transform_1(%arg0: i32) -> (i32, i32) {
    %c0_i32 = arith.constant 0 : i32
    %c0_i32_0 = arith.constant 0 : i32
    return %arg0, %c0_i32 : i32, i32
  }
  func.func @transform_2(%arg0: i32) -> (i32, i32) {
    %c0_i32 = arith.constant 0 : i32
    %c0_i32_0 = arith.constant 0 : i32
    return %arg0, %c0_i32 : i32, i32
  }
  func.func @transform_3(%arg0: i32) -> (i32, i32) {
    %c0_i32 = arith.constant 0 : i32
    %c0_i32_0 = arith.constant 0 : i32
    return %arg0, %c0_i32 : i32, i32
  }
  func.func @transform_4(%arg0: i32) -> (i32, i32) {
    %c0_i32 = arith.constant 0 : i32
    %c0_i32_0 = arith.constant 0 : i32
    %c0_i32_1 = arith.constant 0 : i32
    return %c0_i32, %c0_i32_0 : i32, i32
  }
  func.func @transform_5(%arg0: i32) -> (i32, i32) {
    %c0_i32 = arith.constant 0 : i32
    %c0_i32_0 = arith.constant 0 : i32
    %c0_i32_1 = arith.constant 0 : i32
    return %c0_i32, %c0_i32_0 : i32, i32
  }
  func.func @transform_6(%arg0: i32) -> (i32, i32) {
    %c0_i32 = arith.constant 0 : i32
    %c0_i32_0 = arith.constant 0 : i32
    return %arg0, %c0_i32 : i32, i32
  }
}

module attributes {stable_mosaic.version = 14 : i64} {
  func.func @_fin_body(%arg0: i32, %arg1: memref<640x128xf32, #tpu.memory_space<vmem>>, %arg2: memref<640x128xf32, #tpu.memory_space<vmem>>, %arg3: memref<640x128xf32, #tpu.memory_space<vmem>>, %arg4: memref<640x128xf32, #tpu.memory_space<vmem>>, %arg5: memref<1x128xf32, #tpu.memory_space<vmem>>, %arg6: memref<640x128xf32, #tpu.memory_space<vmem>>) attributes {dimension_semantics = [#tpu.dimension_semantics<arbitrary>], iteration_bounds = array<i64: 8>, scalar_prefetch = 0 : i64, scratch_operands = 0 : i64, tpu.core_type = #tpu.core_type<tc>, window_params = [{transform_indices = @transform_0, window_bounds = array<i64: 640, 128>}, {transform_indices = @transform_1, window_bounds = array<i64: 640, 128>}, {transform_indices = @transform_2, window_bounds = array<i64: 640, 128>}, {transform_indices = @transform_3, window_bounds = array<i64: 640, 128>}, {pipeline_mode = #tpu.pipeline_mode<synchronous>, transform_indices = @transform_4, window_bounds = array<i64: 1, 128>}, {transform_indices = @transform_5, window_bounds = array<i64: 640, 128>}]} {
    %get3A = arith.constant 0 : index
    %get3A_0 = arith.constant 0 : index
    %get3A_1 = vector.load %arg1[%get3A, %get3A_0] : memref<640x128xf32, #tpu.memory_space<vmem>>, vector<640x128xf32>
    %get3A_2 = arith.constant 0 : index
    %get3A_3 = arith.constant 0 : index
    %get3A_4 = vector.load %arg2[%get3A_2, %get3A_3] : memref<640x128xf32, #tpu.memory_space<vmem>>, vector<640x128xf32>
    %add3A = arith.addf %get3A_1, %get3A_4 : vector<640x128xf32>
    %get3A_5 = arith.constant 0 : index
    %get3A_6 = arith.constant 0 : index
    %get3A_7 = vector.load %arg3[%get3A_5, %get3A_6] : memref<640x128xf32, #tpu.memory_space<vmem>>, vector<640x128xf32>
    %add3A_8 = arith.addf %add3A, %get3A_7 : vector<640x128xf32>
    %get3A_9 = arith.constant 0 : index
    %get3A_10 = arith.constant 0 : index
    %get3A_11 = vector.load %arg4[%get3A_9, %get3A_10] : memref<640x128xf32, #tpu.memory_space<vmem>>, vector<640x128xf32>
    %mul3A = arith.mulf %add3A_8, %get3A_11 : vector<640x128xf32>
    %get3A_12 = arith.constant 0 : index
    %get3A_13 = arith.constant 0 : index
    %get3A_14 = vector.load %arg5[%get3A_12, %get3A_13] : memref<1x128xf32, #tpu.memory_space<vmem>>, vector<1x128xf32>
    %add3A_15 = vector.broadcast %get3A_14 : vector<1x128xf32> to vector<640x128xf32>
    %add3A_16 = arith.addf %mul3A, %add3A_15 : vector<640x128xf32>
    %slice3A = vector.extract_strided_slice %add3A_16 {offsets = [0, 0], sizes = [640, 64], strides = [1, 1]} : vector<640x128xf32> to vector<640x64xf32>
    %iota3A = tpu.iota {dimensions = array<i32: 1>} : vector<640x64xi32>
    %lt3A = arith.constant 40 : i32
    %lt3A_17 = vector.broadcast %lt3A : i32 to vector<640x64xi32>
    %lt3A_18 = arith.cmpi slt, %iota3A, %lt3A_17 : vector<640x64xi32>
    %jit3A = arith.constant -1.000000e+30 : f32
    %broadcast_in_dim3A = vector.broadcast %jit3A : f32 to vector<640x64xf32>
    %select_n3A = arith.select %lt3A_18, %slice3A, %broadcast_in_dim3A : vector<640x64xi1>, vector<640x64xf32>
    %reduce_max3A = arith.constant dense<0xFF800000> : vector<640xf32>
    %reduce_max3A_19 = vector.multi_reduction <maximumf>, %select_n3A, %reduce_max3A [1] : vector<640x64xf32> to vector<640xf32>
    %broadcast_in_dim3A_20 = vector.shape_cast %reduce_max3A_19 : vector<640xf32> to vector<640x1xf32>
    %lt3A_21 = arith.constant 40 : i32
    %lt3A_22 = vector.broadcast %lt3A_21 : i32 to vector<640x64xi32>
    %lt3A_23 = arith.cmpi slt, %iota3A, %lt3A_22 : vector<640x64xi32>
    %sub3A = vector.broadcast %broadcast_in_dim3A_20 : vector<640x1xf32> to vector<640x64xf32>
    %sub3A_24 = arith.subf %select_n3A, %sub3A : vector<640x64xf32>
    %exp3A = math.exp %sub3A_24 : vector<640x64xf32>
    %jit3A_25 = arith.constant 0.000000e+00 : f32
    %broadcast_in_dim3A_26 = vector.broadcast %jit3A_25 : f32 to vector<640x64xf32>
    %select_n3A_27 = arith.select %lt3A_23, %exp3A, %broadcast_in_dim3A_26 : vector<640x64xi1>, vector<640x64xf32>
    %sub3A_28 = vector.broadcast %broadcast_in_dim3A_20 : vector<640x1xf32> to vector<640x64xf32>
    %sub3A_29 = arith.subf %select_n3A, %sub3A_28 : vector<640x64xf32>
    %reduce_sum3A = arith.constant dense<0.000000e+00> : vector<640xf32>
    %reduce_sum3A_30 = vector.multi_reduction <add>, %select_n3A_27, %reduce_sum3A [1] : vector<640x64xf32> to vector<640xf32>
    %broadcast_in_dim3A_31 = vector.shape_cast %reduce_sum3A_30 : vector<640xf32> to vector<640x1xf32>
    %log3A = math.log %broadcast_in_dim3A_31 : vector<640x1xf32>
    %sub3A_32 = vector.broadcast %log3A : vector<640x1xf32> to vector<640x64xf32>
    %sub3A_33 = arith.subf %sub3A_29, %sub3A_32 : vector<640x64xf32>
    %slice3A_34 = vector.extract_strided_slice %add3A_16 {offsets = [0, 64], sizes = [640, 64], strides = [1, 1]} : vector<640x128xf32> to vector<640x64xf32>
    %iota3A_35 = tpu.iota {dimensions = array<i32: 1>} : vector<640x64xi32>
    %lt3A_36 = arith.constant 40 : i32
    %lt3A_37 = vector.broadcast %lt3A_36 : i32 to vector<640x64xi32>
    %lt3A_38 = arith.cmpi slt, %iota3A_35, %lt3A_37 : vector<640x64xi32>
    %jit3A_39 = arith.constant -1.000000e+30 : f32
    %broadcast_in_dim3A_40 = vector.broadcast %jit3A_39 : f32 to vector<640x64xf32>
    %select_n3A_41 = arith.select %lt3A_38, %slice3A_34, %broadcast_in_dim3A_40 : vector<640x64xi1>, vector<640x64xf32>
    %reduce_max3A_42 = arith.constant dense<0xFF800000> : vector<640xf32>
    %reduce_max3A_43 = vector.multi_reduction <maximumf>, %select_n3A_41, %reduce_max3A_42 [1] : vector<640x64xf32> to vector<640xf32>
    %broadcast_in_dim3A_44 = vector.shape_cast %reduce_max3A_43 : vector<640xf32> to vector<640x1xf32>
    %lt3A_45 = arith.constant 40 : i32
    %lt3A_46 = vector.broadcast %lt3A_45 : i32 to vector<640x64xi32>
    %lt3A_47 = arith.cmpi slt, %iota3A_35, %lt3A_46 : vector<640x64xi32>
    %sub3A_48 = vector.broadcast %broadcast_in_dim3A_44 : vector<640x1xf32> to vector<640x64xf32>
    %sub3A_49 = arith.subf %select_n3A_41, %sub3A_48 : vector<640x64xf32>
    %exp3A_50 = math.exp %sub3A_49 : vector<640x64xf32>
    %jit3A_51 = arith.constant 0.000000e+00 : f32
    %broadcast_in_dim3A_52 = vector.broadcast %jit3A_51 : f32 to vector<640x64xf32>
    %select_n3A_53 = arith.select %lt3A_47, %exp3A_50, %broadcast_in_dim3A_52 : vector<640x64xi1>, vector<640x64xf32>
    %sub3A_54 = vector.broadcast %broadcast_in_dim3A_44 : vector<640x1xf32> to vector<640x64xf32>
    %sub3A_55 = arith.subf %select_n3A_41, %sub3A_54 : vector<640x64xf32>
    %reduce_sum3A_56 = arith.constant dense<0.000000e+00> : vector<640xf32>
    %reduce_sum3A_57 = vector.multi_reduction <add>, %select_n3A_53, %reduce_sum3A_56 [1] : vector<640x64xf32> to vector<640xf32>
    %broadcast_in_dim3A_58 = vector.shape_cast %reduce_sum3A_57 : vector<640xf32> to vector<640x1xf32>
    %log3A_59 = math.log %broadcast_in_dim3A_58 : vector<640x1xf32>
    %sub3A_60 = vector.broadcast %log3A_59 : vector<640x1xf32> to vector<640x64xf32>
    %sub3A_61 = arith.subf %sub3A_55, %sub3A_60 : vector<640x64xf32>
    %concatenate3A = tpu.concatenate %sub3A_33, %sub3A_61 in 1 : vector<640x64xf32>, vector<640x64xf32> -> vector<640x128xf32>
    %swap3A = arith.constant 0 : index
    %swap3A_62 = arith.constant 0 : index
    %swap3A_63 = vector.load %arg6[%swap3A, %swap3A_62] : memref<640x128xf32, #tpu.memory_space<vmem>>, vector<640x128xf32>
    tpu.vector_store %arg6[%swap3A, %swap3A_62], %concatenate3A {strides = array<i32>} : memref<640x128xf32, #tpu.memory_space<vmem>>, vector<640x128xf32>,
    return
  }
  func.func @transform_0(%arg0: i32) -> (i32, i32) {
    %c0_i32 = arith.constant 0 : i32
    %c0_i32_0 = arith.constant 0 : i32
    return %arg0, %c0_i32 : i32, i32
  }
  func.func @transform_1(%arg0: i32) -> (i32, i32) {
    %c0_i32 = arith.constant 0 : i32
    %c0_i32_0 = arith.constant 0 : i32
    return %arg0, %c0_i32 : i32, i32
  }
  func.func @transform_2(%arg0: i32) -> (i32, i32) {
    %c0_i32 = arith.constant 0 : i32
    %c0_i32_0 = arith.constant 0 : i32
    return %arg0, %c0_i32 : i32, i32
  }
  func.func @transform_3(%arg0: i32) -> (i32, i32) {
    %c0_i32 = arith.constant 0 : i32
    %c0_i32_0 = arith.constant 0 : i32
    return %arg0, %c0_i32 : i32, i32
  }
  func.func @transform_4(%arg0: i32) -> (i32, i32) {
    %c0_i32 = arith.constant 0 : i32
    %c0_i32_0 = arith.constant 0 : i32
    %c0_i32_1 = arith.constant 0 : i32
    return %c0_i32, %c0_i32_0 : i32, i32
  }
  func.func @transform_5(%arg0: i32) -> (i32, i32) {
    %c0_i32 = arith.constant 0 : i32
    %c0_i32_0 = arith.constant 0 : i32
    return %arg0, %c0_i32 : i32, i32
  }
}

</mosaic_0001>

<sc_bundles>
// kernel: kernel.10.cloned.1.call-start
scs
__scs_entry_jumppad:
0x0: {  	(pc) =	sbr.rel $0x88, $3  }
0x1: {  	(tag) =	ssettag $0x0;
	lr =	simm.s32 $0x1  }
0x2: {  	[smem:$0x3F99] =	sst lr;
	_ =	strace $0xD0000000  }
0x3: {  	_ = 	snop  }
0x4: {  	_ = 	snop  }
0x5: {  	_ = 	snop  }
0x6: {  	_ = 	snop  }
0x7: {  	_ = 	snop  }
__scs_overlays_trampoline_lowered:
0x8: {  	[smem:$0x3FA8] =	sst s0  }
0x9: {  	[smem:$0x3FA9] =	sst s1  }
0xa: {  	[smem:$0x3FAA] =	sst s2  }
0xb: {  	[smem:$0x3FAB] =	sst s3  }
0xc: {  	[smem:$0x3FAC] =	sst s4  }
0xd: {  	[smem:$0x3FAD] =	sst s5  }
0xe: {  	[smem:$0x3FAE] =	sst s6  }
0xf: {  	[smem:$0x3FAF] =	sst s7  }
0x10: {  	[smem:$0x3FB0] =	sst s8  }
0x11: {  	[smem:$0x3FB1] =	sst s9;
	s0 =	simm.s32 @!p0 $0x0  }
0x12: {  	s1 =	sld [smem:$0x3F97];
	s0 =	simm.s32 @p0 $0x1  }
0x13: {  	[smem:$0x3FB2] =	sst s0;
	s0 =	simm.s32 @!p1 $0x0  }
0x14: {  	s2 =	sld [smem:$0x3F96];
	s0 =	simm.s32 @p1 $0x1  }
0x15: {  	[smem:$0x3FB3] =	sst s0;
	s0 =	simm.s32 @!p2 $0x0  }
0x16: {  	s3 =	sld [smem:$0x3FDB];
	s0 =	simm.s32 @p2 $0x1  }
0x17: {  	s4 =	simm.s32 $0x1BF5;
	[smem:$0x3FB5] =	sst s0  }
0x18: {  	s0 =	sld [smem:$0x3F98];
	_ =	swait.ge [sflag:s4], $0x0  }
0x19: {  	s7 =	sld [smem:$0x3F99]  }
0x1a: {  	s8 =	sadd.s32 $0xFFFFE003, lr  }
0x1b: {  	s9 =	sadd.s32 $0xFFFFFEF7, lr;
	s5 =	simm.s32 $0xFFFFFFFF;
	p2 =	slt.u32 s8, $0xFFFFF086  }
0x1c: {  	p1 =	slt.u32 s9, $0xF7A;
	s5 =	simm.s32 @!p2 $0x0  }
0x1d: {  	s5 =	simm.s32 @p1 $0x1;
	p0 =	seq.s32 s7, s2  }
0x1e: {  	s7 =	smul.u32 @!p0 $0xF7A, s2;
	p2 =	seq.s32 @!p0 s5, $0x0  }
0x1f: {  	s9 =	smul.u32 $0xF7A, s1;
	s8 =	simm.s32 @!p0 $0x1BF5;
	p2 =	por !p2, p0  }
0x20: {  	[sflag:s8] =	ssyncset.s32 @!p0 $0xFFFFF086;
	s6 =	sadd.s32 @!p0 s3, s7;
	s7 =	simm.s32 @!p0 $0x108  }
0x21: {  	s3 =	sadd.s32 s3, s9;
	s6 =	sadd.s32 @!p0 $0x88, s6;
	s7 =	simm.s32 @p2 $0x1082  }
0x22: {  	[simem:s7], [sflag:s8] =	dma.local @!p0 [hbm:s6], $0xF7A  }
0x23: {  	s9 =	sor.u32 $0xD0000000, s2;
	s6 =	simm.s32 $0x108;
	_ =	swait.ge @!p0 [sflag:s8], $0x0  }
0x24: {  	s3 =	sadd.s32 $0x88, s3;
	s6 =	simm.s32 @!p1 $0x1082;
	[sflag:s4] =	ssyncset.s32 $0xFFFFF086  }
0x25: {  	[simem:s6], [sflag:s4] =	dma.local [hbm:s3], $0xF7A  }
0x26: {  	[smem:$0x3F99] =	sst s1;
	(tag) =	ssettag s2;
	_ =	strace s9  }
0x27: {  	s1 =	sld [smem:$0x3FA9]  }
0x28: {  	s2 =	sld [smem:$0x3FAA]  }
0x29: {  	s4 =	sld [smem:$0x3FAC]  }
0x2a: {  	p0 =	seq.s32 s5, $0x0;
	s5 =	sld [smem:$0x3FAD]  }
0x2b: {  	s6 =	sld [smem:$0x3FAE]  }
0x2c: {  	s7 =	sld [smem:$0x3FAF]  }
0x2d: {  	s3 =	simm.s32 $0x108;
	s8 =	sld [smem:$0x3FB0]  }
0x2e: {  	s3 =	simm.s32 @!p0 $0x1082;
	s9 =	sld [smem:$0x3FB1]  }
0x2f: {  	lr =	sadd.s32 s0, s3;
	s0 =	sld [smem:$0x3FA8]  }
0x30: {  	s3 =	sld [smem:$0x3FAB]  }
0x31: {  	[smem:$0x3FB4] =	sst s10  }
0x32: {  	s10 =	sld [smem:$0x3FB2];
	_ =	sdelay $0x3  }
0x33: {  	p0 =	seq.s32 s10, $0x1;
	s10 =	sld [smem:$0x3FB4];
	_ =	sdelay $0x3  }
0x34: {  	[smem:$0x3FB4] =	sst s10  }
0x35: {  	s10 =	sld [smem:$0x3FB3];
	_ =	sdelay $0x3  }
0x36: {  	p1 =	seq.s32 s10, $0x1;
	s10 =	sld [smem:$0x3FB4];
	_ =	sdelay $0x3  }
0x37: {  	[smem:$0x3FB4] =	sst s10  }
0x38: {  	s10 =	sld [smem:$0x3FB5]  }
0x39: {  	_ = 	snop;
	(pc) =	sbr.ind lr, $3  }
0x3a: {  	_ = 	snop  }
0x3b: {  	_ = 	snop  }
0x3c: {  	p2 =	seq.s32 s10, $0x1;
	s10 =	sld [smem:$0x3FB4]  }
0x3d: {  	_ =	shalt  }
0x3e: {  	_ =	shalt  }
0x3f: {  	_ =	shalt  }
0x40: {  	_ =	shalt  }
0x41: {  	_ =	shalt  }
0x42: {  	_ =	shalt  }
0x43: {  	_ =	shalt  }
0x44: {  	_ =	shalt  }
0x45: {  	_ =	shalt  }
0x46: {  	_ =	shalt  }
0x47: {  	_ =	shalt  }
0x48: {  	_ =	shalt  }
0x49: {  	_ =	shalt  }
0x4a: {  	_ =	shalt  }
0x4b: {  	_ =	shalt  }
0x4c: {  	_ =	shalt  }
0x4d: {  	_ =	shalt  }
0x4e: {  	_ =	shalt  }
0x4f: {  	_ =	shalt  }
0x50: {  	_ =	shalt  }
0x51: {  	_ =	shalt  }
0x52: {  	_ =	shalt  }
0x53: {  	_ =	shalt  }
0x54: {  	_ =	shalt  }
0x55: {  	_ =	shalt  }
0x56: {  	_ =	shalt  }
0x57: {  	_ =	shalt  }
0x58: {  	_ =	shalt  }
0x59: {  	_ =	shalt  }
0x5a: {  	_ =	shalt  }
0x5b: {  	_ =	shalt  }
0x5c: {  	_ =	shalt  }
0x5d: {  	_ =	shalt  }
0x5e: {  	_ =	shalt  }
0x5f: {  	_ =	shalt  }
0x60: {  	_ =	shalt  }
0x61: {  	_ =	shalt  }
0x62: {  	_ =	shalt  }
0x63: {  	_ =	shalt  }
0x64: {  	_ =	shalt  }
0x65: {  	_ =	shalt  }
0x66: {  	_ =	shalt  }
0x67: {  	_ =	shalt  }
0x68: {  	_ =	shalt  }
0x69: {  	_ =	shalt  }
0x6a: {  	_ =	shalt  }
0x6b: {  	_ =	shalt  }
0x6c: {  	_ =	shalt  }
0x6d: {  	_ =	shalt  }
0x6e: {  	_ =	shalt  }
0x6f: {  	_ =	shalt  }
0x70: {  	_ =	shalt  }
0x71: {  	_ =	shalt  }
0x72: {  	_ =	shalt  }
0x73: {  	_ =	shalt  }
0x74: {  	_ =	shalt  }
0x75: {  	_ =	shalt  }
0x76: {  	_ =	shalt  }
0x77: {  	_ =	shalt  }
0x78: {  	_ =	shalt  }
0x79: {  	_ =	shalt  }
0x7a: {  	_ =	shalt  }
0x7b: {  	_ =	shalt  }
0x7c: {  	_ =	shalt  }
0x7d: {  	_ =	shalt  }
0x7e: {  	_ =	shalt  }
0x7f: {  	_ =	shalt  }
0x80: {  	_ =	shalt  }
0x81: {  	_ =	shalt  }
0x82: {  	_ =	shalt  }
0x83: {  	_ =	shalt  }
0x84: {  	_ =	shalt  }
0x85: {  	_ =	shalt  }
0x86: {  	_ =	shalt  }
0x87: {  	_ =	shalt  }
.Lfunc_end0:
.L_simem_size_0:
called_computation_lowered:
.L_overlay_start_0:
0x88: {  	s2 =	sld [smem:$0x3FD9]  }
0x89: {  	s3 =	sld [smem:$0x3FFE];
	_ =	sdelay $0x1  }
0x8a: {  	s1 =	srdreg.scid  }
0x8b: {  	s0 =	sand.u32 $0x1, s1  }
0x8c: {  	s17 =	sshll.u32 s0, $0xA;
	s2 =	sadd.s32 s3, s2  }
0x8d: {  	s2 =	sadd.s32 s2, s17  }
0x8e: {  	[smem:$0x3FC0] =	sst s2  }
0x8f: {  	_ = 	snop  }
0x90: {  	s2 =	sld [smem:$0x3FD0];
	(tm) =	ssettm $0x1  }
0x91: {  	s18 =	sld [smem:$0x3FFB];
	_ =	sdelay $0x3  }
0x92: {  	_ =	strace s18  }
0x93: {  	s3 =	sld [smem:$0x3FFC];
	_ =	sdelay $0x3  }
0x94: {  	_ =	strace s3  }
0x95: {  	s3 =	sld [smem:$0x3FFD];
	_ =	sdelay $0x3  }
0x96: {  	_ =	strace s3  }
0x97: {  	_ =	strace $0x8FFFFFFF  }
0x98: {  	s19 =	sld [smem:$0x3FDB];
	_ =	sdelay $0x1  }
0x99: {  	s4 =	simm.s32 $_scs_section_size  }
0x9a: {  	s5 =	simm.s32 $_size__tile_overlayer_lowered;
	s6 =	simm.s32 $_tile_overlayer_lowered  }
0x9b: {  	s22 =	simm.s32 $0x1BFF;
	s21 =	sshll.u32 s6, $0x1;
	s3 =	sadd.s32 s4, s19  }
0x9c: {  	s7 =	simm.s32 $0x0;
	s20 =	sshll.u32 s5, $0x1;
	s5 =	sadd.s32 s21, s3  }
0x9d: {  	[timem:s7], [sflag:s22] =	dma.local [hbm:s5], s20  }
0x9e: {  	_ =	swait.ge [sflag:s22], s20  }
0x9f: {  	s4 =	ssub.s32 $0x0, s20;
	[sflag:s22] =	ssyncset.done $0x0  }
0xa0: {  	[sflag:s22] =	ssyncadd.s32 s4;
	_ =	sdelay $0x1  }
0xa1: {  	s23 =	simm.s32 $0x1B8B  }
0xa2: {  	_ =	swait.ge [sflag:s23], $0x1  }
0xa3: {  	[sflag:s23] =	ssyncset.done $0x0  }
0xa4: {  	s25 =	simm.s32 $0x1B8E;
	s24 =	sld [smem:$0x3FFE];
	[sflag:s23] =	ssyncadd.s32 $0xFFFFFFFF  }
0xa5: {  	s26 =	simm.s32 $execute0_lowered;
	[smem:$0x3FD2] =	sst s25  }
0xa6: {  	s5 =	sshll.u32 s26, $0x1;
	_ =	strace $0x80000046;
	[dreg:$0x1] =	wrdreg $0xFFFFFFFF  }
0xa7: {  	s28 =	simm.s32 $_size_execute0_lowered;
	s3 =	sadd.s32 s3, s5;
	[dreg:$0x0] =	wrdreg $0x0  }
0xa8: {  	s5 =	sshll.u32 s28, $0x1;
	[dreg:$0x2] =	wrdreg s3  }
0xa9: {  	[dreg:$0x3] =	wrdreg s5  }
0xaa: {  	[dreg:$0x4] =	wrdreg $0xC0  }
0xab: {  	_ =	task [dreg:s7], $0x5FFFF  }
0xac: {  	[dreg:$0x1] =	wrdreg $0xFFFFFFFF  }
0xad: {  	[dreg:$0x0] =	wrdreg $0x60  }
0xae: {  	[dreg:$0x2] =	wrdreg s24  }
0xaf: {  	[dreg:$0x3] =	wrdreg s2  }
0xb0: {  	[dreg:$0x4] =	wrdreg $0x30000  }
0xb1: {  	[dreg:$0x5] =	wrdreg $0x9  }
0xb2: {  	_ =	task.clear_ibuf [dreg:s7], $0x6FFFF;
	_ =	strace $0x90000046  }
0xb3: {  	s29 =	simm.s32 $0x9;
	_ =	strace $0x80000048  }
0xb4: {  	_ =	swait.ge [sflag:s29], $0x1  }
0xb5: {  	[sflag:s29] =	ssyncadd.s32 $0xFFFFFFFF  }
0xb6: {  	_ =	strace $0x90000048  }
0xb7: {  	_ =	sfence  }
0xb8: {  	s30 =	sld [smem:$0x0];
	_ =	sdelay $0x2  }
0xb9: {  	s31 =	sshll.u32 s1, $0xD;
	s1 =	sshrl.u32 s1, $0x2  }
0xba: {  	s3 =	sand.u32 $0x4000, s31;
	s1 =	sadd.s32 s1, s30  }
0xbb: {  	s0 =	sor.u32 s3, s0;
	s1 =	sshll.u32 s1, $0x11  }
0xbc: {  	s0 =	sor.u32 s1, s0  }
0xbd: {  	s0 =	sadd.s32 $0x8F2B, s0  }
0xbe: {  	[sflag:s0] =	ssyncadd.remote.s32 $0x1  }
0xbf: {  	_ =	sfence.sel $0xFFFF  }
0xc0: {  	[dreg:$0x0] =	wrdreg $0xFFFFFFFF;
	(pc) =	sbr.abs _section_cstart, $3  }
0xc1: {  	[dreg:$0x1] =	wrdreg $0xFFFFFFFF  }
0xc2: {  	_ =	task.clear_ibuf [dreg:s7], $0x2FFFF;
	_ =	strace $0x9FFFFFFF  }
0xc3: {  	(tm) =	ssettm $0x7FFFFFFF  }
tec
execute0_lowered:
.L_overlay_start_1:
0x0: {  	(tag) =	ssettag $0x1  }
0x1: {  	s8 =	rddreg [dreg:$0x0]  }
0x2: {  	s6 =	rddreg [dreg:$0x1];
	s1 =	srdreg.scid  }
0x3: {  	s0 =	stileid.u32;
	s2 =	rddreg [dreg:$0x2]  }
0x4: {  	s3 =	simm.s32 $0x0;
	s11 =	simm.s32 $0x1DA00;
	s13 =	simm.s32 $0x80  }
0x5: {  	s14 =	simm.s32 $0x1;
	s7 =	sand.u32 $0x1, s1;
	s1 =	rddreg [dreg:$0x3]  }
0x6: {  	s15 =	simm.s32 $0x0;
	s4 =	sshll.u32 s0, $0x1;
	[smem:$0x7FF] =	sst s3  }
0x7: {  	s30 =	smul.u32 $0x2800, s0;
	s31 =	sshll.u32 s0, $0x6;
	s4 =	sor.u32 s7, s4  }
0x8: {  	_ =	strace $0x80000047;
	s9 =	ssub.s32 $0x2, s7;
	p0 =	seq.s32 s7, $0x1  }
0x9: {  	s5 =	smul.u32 $0x2800, s4;
	s4 =	sadd.s32 $0x18800, s8;
	s10 =	sshrl.u32 s9, $0x1  }
0xa: {  	s12 =	sadd.s32 s30, s2;
	s11 =	simm.s32 @!p0 $0x18A00;
	s9 =	ssub.s32 s9, s10  }
0xb: {  	s10 =	sshrl.u32 s30, $0x3;
	s12 =	sshrl.u32 s12, $0x3;
	s5 =	sshrl.u32 s5, $0x3  }
0xc: {  	s6 =	sadd.s32 s6, s10;
	s7 =	smax.u32 s9, $0x1;
	s9 =	simm.s32 $0x2800  }
0xd: {  	s5 =	sadd.s32 s8, s5;
	s8 =	sadd.s32 s11, s8;
	s11 =	sor.u32 $0x1C02, s31  }
0xe: {  	s5 =	sadd.s32 $0xE800, s5;
	s8 =	sadd.s32 s8, s10;
	s10 =	simm.s32 $0x2  }
.LBB2_1:
0xf: {  	[tilespmem:s9], [sflag:$0x2] =	stream.linear.gather [hbm4b:s4+s3], $0x800, $0x38;
	[tilespmem:$0x5800] =	vst v63  }
0x10: {  	_ =	swait.ge [sflag:s10], $0x800  }
0x11: {  	[sflag:s10] =	ssyncset.done $0x0  }
0x12: {  	[sflag:s10] =	ssyncadd.s32 $0xFFFFF800  }
0x13: {  	[tilespmem:s3], [sflag:$0x2] =	stream.linear.gather [hbm4b:s5+s3], $0x2800, $0x38;
	[tilespmem:$0x5800] =	vst v63  }
0x14: {  	_ =	swait.ge [sflag:s10], $0x2800  }
0x15: {  	[sflag:s10] =	ssyncset.done $0x0  }
0x16: {  	[sflag:s10] =	ssyncadd.s32 $0xFFFFD800  }
0x17: {  	[spmem:s12], [sflag:s11] =	dma.local [hbm:s6], $0x500  }
0x18: {  	_ =	swait.ge [sflag:s10], $0x500  }
0x19: {  	[sflag:s10] =	ssyncset.done $0x0  }
0x1a: {  	[sflag:s10] =	ssyncadd.s32 $0xFFFFFB00  }
0x1b: {  	s16 =	simm.s32 $0x0;
	[bflag:$0x0] =	sbarrier.arrive $0xFFFF  }
.LBB2_2:
0x1c: {  	p0 =	sne.s32 s16, $0x9E00  }
.Ltmp0:
0x1d: {  	_ = 	snop;
	(pc) =	sbr.rel @p0 .LBB2_2-.Ltmp0, $3  }
0x1e: {  	_ =	sdelay $0x1  }
0x1f: {  	s17 =	sshra.s32 s16, $0x2;
	s16 =	sadd.s32 $0x200, s16  }
0x20: {  	[spmem:s2] =	stream.indirect.scatter.add.f32 [tilespmem:s9], [sflag:$0x1], $0x10, s17, s13, $0xb8;
	[tilespmem:$0x5800] =	vst v63  }
0x21: {  	_ =	swait.ge [sflag:s14], $0x800  }
0x22: {  	s16 =	simm.s32 $0x4F;
	[sflag:s14] =	ssyncset.done $0x0  }
.LBB2_4:
0x23: {  	p0 =	sne.s32 s16, $0x1;
	s16 =	sadd.s32 $0xFFFFFFFF, s16;
	[sflag:s14] =	ssyncadd.s32 $0xFFFFF800  }
.Ltmp1:
0x24: {  	(pc) =	sbr.rel @p0 .LBB2_4-.Ltmp1, $3  }
0x25: {  	_ =	sdelay $0x1  }
0x26: {  	_ =	swait.ge [sflag:s14], $0x800  }
0x27: {  	[sflag:s14] =	ssyncset.done $0x0  }
0x28: {  	s15 =	sadd.s32 $0x1, s15  }
0x29: {  	[sflag:s14] =	ssyncadd.s32 $0xFFFFF800;
	p0 =	sne.s32 s15, s7  }
.Ltmp2:
0x2a: {  	[bflag:$0x0] =	sbarrier.arrive $0xFFFF;
	(pc) =	sbr.rel @p0 .LBB2_1-.Ltmp2, $4  }
0x2b: {  	[hbm:s8], [sflag:s11] =	dma.local [spmem:s12], $0x500  }
0x2c: {  	_ =	swait.ge [sflag:s10], $0x500  }
0x2d: {  	[sflag:s10] =	ssyncset.done $0x0  }
0x2e: {  	[sflag:s10] =	ssyncadd.s32 $0xFFFFFB00  }
0x2f: {  	_ =	sfence.sel $0x180000  }
0x30: {  	[bflag:$0x0] =	sbarrier.arrive $0xFFFF  }
0x31: {  	p0 =	sne.s32 s0, $0x0;
	_ =	strace $0x90000047  }
0x32: {  	s0 =	sadd.s32 @!p0 $0x100000, s1;
	[bflag:$0x2] =	sbarrier.arrive $0xFFFF  }
0x33: {  	[sflag:s0] =	ssyncadd.tile.s32 @!p0 $0x1;
	_ =	shalt  }
.Lfunc_end2:
_tile_overlayer_lowered:
.L_overlay_start_2:
0x34: {  	(tag) =	ssettag $0x2  }
0x35: {  	s0 =	rddreg [dreg:$0x0];
	s2 =	stileid.u32  }
0x36: {  	s1 =	rddreg [dreg:$0x1];
	p0 =	sne.s32 s2, $0x0  }
0x37: {  	s3 =	rddreg [dreg:$0x2];
	[bflag:$0x3] =	sbarrier.arrive $0xFFFF;
	s2 =	simm.s32 @!p0 $0x1C02  }
0x38: {  	[timem:s3], [sflag:s2] =	dma.local @!p0 [hbm:s0], s1  }
0x39: {  	s0 =	simm.s32 @!p0 $0x2  }
0x3a: {  	_ =	swait.ge @!p0 [sflag:s0], s1  }
0x3b: {  	s1 =	ssub.s32 @!p0 $0x0, s1;
	[sflag:s0] =	ssyncset.done @!p0 $0x0  }
0x3c: {  	[sflag:s0] =	ssyncadd.s32 @!p0 s1  }
0x3d: {  	[bflag:$0x3] =	sbarrier.arrive $0xFFFF  }
0x3e: {  	_ =	shalt  }

// kernel: kernel.13.cloned.1.call-start
scs
__scs_entry_jumppad:
0x0: {  	(pc) =	sbr.rel $0x88, $3  }
0x1: {  	(tag) =	ssettag $0x0;
	lr =	simm.s32 $0x1  }
0x2: {  	[smem:$0x3F99] =	sst lr;
	_ =	strace $0xD0000000  }
0x3: {  	_ = 	snop  }
0x4: {  	_ = 	snop  }
0x5: {  	_ = 	snop  }
0x6: {  	_ = 	snop  }
0x7: {  	_ = 	snop  }
__scs_overlays_trampoline_lowered:
0x8: {  	[smem:$0x3FA8] =	sst s0  }
0x9: {  	[smem:$0x3FA9] =	sst s1  }
0xa: {  	[smem:$0x3FAA] =	sst s2  }
0xb: {  	[smem:$0x3FAB] =	sst s3  }
0xc: {  	[smem:$0x3FAC] =	sst s4  }
0xd: {  	[smem:$0x3FAD] =	sst s5  }
0xe: {  	[smem:$0x3FAE] =	sst s6  }
0xf: {  	[smem:$0x3FAF] =	sst s7  }
0x10: {  	[smem:$0x3FB0] =	sst s8  }
0x11: {  	[smem:$0x3FB1] =	sst s9;
	s0 =	simm.s32 @!p0 $0x0  }
0x12: {  	s1 =	sld [smem:$0x3F97];
	s0 =	simm.s32 @p0 $0x1  }
0x13: {  	[smem:$0x3FB2] =	sst s0;
	s0 =	simm.s32 @!p1 $0x0  }
0x14: {  	s2 =	sld [smem:$0x3F96];
	s0 =	simm.s32 @p1 $0x1  }
0x15: {  	[smem:$0x3FB3] =	sst s0;
	s0 =	simm.s32 @!p2 $0x0  }
0x16: {  	s3 =	sld [smem:$0x3FDB];
	s0 =	simm.s32 @p2 $0x1  }
0x17: {  	s4 =	simm.s32 $0x1BF5;
	[smem:$0x3FB5] =	sst s0  }
0x18: {  	s0 =	sld [smem:$0x3F98];
	_ =	swait.ge [sflag:s4], $0x0  }
0x19: {  	s7 =	sld [smem:$0x3F99]  }
0x1a: {  	s8 =	sadd.s32 $0xFFFFE003, lr  }
0x1b: {  	s9 =	sadd.s32 $0xFFFFFEF7, lr;
	s5 =	simm.s32 $0xFFFFFFFF;
	p2 =	slt.u32 s8, $0xFFFFF086  }
0x1c: {  	p1 =	slt.u32 s9, $0xF7A;
	s5 =	simm.s32 @!p2 $0x0  }
0x1d: {  	s5 =	simm.s32 @p1 $0x1;
	p0 =	seq.s32 s7, s2  }
0x1e: {  	s7 =	smul.u32 @!p0 $0xF7A, s2;
	p2 =	seq.s32 @!p0 s5, $0x0  }
0x1f: {  	s9 =	smul.u32 $0xF7A, s1;
	s8 =	simm.s32 @!p0 $0x1BF5;
	p2 =	por !p2, p0  }
0x20: {  	[sflag:s8] =	ssyncset.s32 @!p0 $0xFFFFF086;
	s6 =	sadd.s32 @!p0 s3, s7;
	s7 =	simm.s32 @!p0 $0x108  }
0x21: {  	s3 =	sadd.s32 s3, s9;
	s6 =	sadd.s32 @!p0 $0x88, s6;
	s7 =	simm.s32 @p2 $0x1082  }
0x22: {  	[simem:s7], [sflag:s8] =	dma.local @!p0 [hbm:s6], $0xF7A  }
0x23: {  	s9 =	sor.u32 $0xD0000000, s2;
	s6 =	simm.s32 $0x108;
	_ =	swait.ge @!p0 [sflag:s8], $0x0  }
0x24: {  	s3 =	sadd.s32 $0x88, s3;
	s6 =	simm.s32 @!p1 $0x1082;
	[sflag:s4] =	ssyncset.s32 $0xFFFFF086  }
0x25: {  	[simem:s6], [sflag:s4] =	dma.local [hbm:s3], $0xF7A  }
0x26: {  	[smem:$0x3F99] =	sst s1;
	(tag) =	ssettag s2;
	_ =	strace s9  }
0x27: {  	s1 =	sld [smem:$0x3FA9]  }
0x28: {  	s2 =	sld [smem:$0x3FAA]  }
0x29: {  	s4 =	sld [smem:$0x3FAC]  }
0x2a: {  	p0 =	seq.s32 s5, $0x0;
	s5 =	sld [smem:$0x3FAD]  }
0x2b: {  	s6 =	sld [smem:$0x3FAE]  }
0x2c: {  	s7 =	sld [smem:$0x3FAF]  }
0x2d: {  	s3 =	simm.s32 $0x108;
	s8 =	sld [smem:$0x3FB0]  }
0x2e: {  	s3 =	simm.s32 @!p0 $0x1082;
	s9 =	sld [smem:$0x3FB1]  }
0x2f: {  	lr =	sadd.s32 s0, s3;
	s0 =	sld [smem:$0x3FA8]  }
0x30: {  	s3 =	sld [smem:$0x3FAB]  }
0x31: {  	[smem:$0x3FB4] =	sst s10  }
0x32: {  	s10 =	sld [smem:$0x3FB2];
	_ =	sdelay $0x3  }
0x33: {  	p0 =	seq.s32 s10, $0x1;
	s10 =	sld [smem:$0x3FB4];
	_ =	sdelay $0x3  }
0x34: {  	[smem:$0x3FB4] =	sst s10  }
0x35: {  	s10 =	sld [smem:$0x3FB3];
	_ =	sdelay $0x3  }
0x36: {  	p1 =	seq.s32 s10, $0x1;
	s10 =	sld [smem:$0x3FB4];
	_ =	sdelay $0x3  }
0x37: {  	[smem:$0x3FB4] =	sst s10  }
0x38: {  	s10 =	sld [smem:$0x3FB5]  }
0x39: {  	_ = 	snop;
	(pc) =	sbr.ind lr, $3  }
0x3a: {  	_ = 	snop  }
0x3b: {  	_ = 	snop  }
0x3c: {  	p2 =	seq.s32 s10, $0x1;
	s10 =	sld [smem:$0x3FB4]  }
0x3d: {  	_ =	shalt  }
0x3e: {  	_ =	shalt  }
0x3f: {  	_ =	shalt  }
0x40: {  	_ =	shalt  }
0x41: {  	_ =	shalt  }
0x42: {  	_ =	shalt  }
0x43: {  	_ =	shalt  }
0x44: {  	_ =	shalt  }
0x45: {  	_ =	shalt  }
0x46: {  	_ =	shalt  }
0x47: {  	_ =	shalt  }
0x48: {  	_ =	shalt  }
0x49: {  	_ =	shalt  }
0x4a: {  	_ =	shalt  }
0x4b: {  	_ =	shalt  }
0x4c: {  	_ =	shalt  }
0x4d: {  	_ =	shalt  }
0x4e: {  	_ =	shalt  }
0x4f: {  	_ =	shalt  }
0x50: {  	_ =	shalt  }
0x51: {  	_ =	shalt  }
0x52: {  	_ =	shalt  }
0x53: {  	_ =	shalt  }
0x54: {  	_ =	shalt  }
0x55: {  	_ =	shalt  }
0x56: {  	_ =	shalt  }
0x57: {  	_ =	shalt  }
0x58: {  	_ =	shalt  }
0x59: {  	_ =	shalt  }
0x5a: {  	_ =	shalt  }
0x5b: {  	_ =	shalt  }
0x5c: {  	_ =	shalt  }
0x5d: {  	_ =	shalt  }
0x5e: {  	_ =	shalt  }
0x5f: {  	_ =	shalt  }
0x60: {  	_ =	shalt  }
0x61: {  	_ =	shalt  }
0x62: {  	_ =	shalt  }
0x63: {  	_ =	shalt  }
0x64: {  	_ =	shalt  }
0x65: {  	_ =	shalt  }
0x66: {  	_ =	shalt  }
0x67: {  	_ =	shalt  }
0x68: {  	_ =	shalt  }
0x69: {  	_ =	shalt  }
0x6a: {  	_ =	shalt  }
0x6b: {  	_ =	shalt  }
0x6c: {  	_ =	shalt  }
0x6d: {  	_ =	shalt  }
0x6e: {  	_ =	shalt  }
0x6f: {  	_ =	shalt  }
0x70: {  	_ =	shalt  }
0x71: {  	_ =	shalt  }
0x72: {  	_ =	shalt  }
0x73: {  	_ =	shalt  }
0x74: {  	_ =	shalt  }
0x75: {  	_ =	shalt  }
0x76: {  	_ =	shalt  }
0x77: {  	_ =	shalt  }
0x78: {  	_ =	shalt  }
0x79: {  	_ =	shalt  }
0x7a: {  	_ =	shalt  }
0x7b: {  	_ =	shalt  }
0x7c: {  	_ =	shalt  }
0x7d: {  	_ =	shalt  }
0x7e: {  	_ =	shalt  }
0x7f: {  	_ =	shalt  }
0x80: {  	_ =	shalt  }
0x81: {  	_ =	shalt  }
0x82: {  	_ =	shalt  }
0x83: {  	_ =	shalt  }
0x84: {  	_ =	shalt  }
0x85: {  	_ =	shalt  }
0x86: {  	_ =	shalt  }
0x87: {  	_ =	shalt  }
.Lfunc_end0:
.L_simem_size_0:
called_computation.1_lowered:
.L_overlay_start_0:
0x88: {  	s2 =	sld [smem:$0x3FD9]  }
0x89: {  	s3 =	sld [smem:$0x3FFE];
	_ =	sdelay $0x1  }
0x8a: {  	s1 =	srdreg.scid  }
0x8b: {  	s0 =	sand.u32 $0x1, s1  }
0x8c: {  	s16 =	sshll.u32 s0, $0xA;
	s2 =	sadd.s32 s3, s2  }
0x8d: {  	s2 =	sadd.s32 s2, s16  }
0x8e: {  	[smem:$0x3FC0] =	sst s2  }
0x8f: {  	_ = 	snop  }
0x90: {  	(tm) =	ssettm $0x1  }
0x91: {  	s17 =	sld [smem:$0x3FFB];
	_ =	sdelay $0x3  }
0x92: {  	_ =	strace s17  }
0x93: {  	s2 =	sld [smem:$0x3FFC];
	_ =	sdelay $0x3  }
0x94: {  	_ =	strace s2  }
0x95: {  	s2 =	sld [smem:$0x3FFD];
	_ =	sdelay $0x3  }
0x96: {  	_ =	strace s2  }
0x97: {  	_ =	strace $0x8FFFFFFF  }
0x98: {  	s18 =	sld [smem:$0x3FDB];
	_ =	sdelay $0x1  }
0x99: {  	s19 =	simm.s32 $_scs_section_size  }
0x9a: {  	s4 =	simm.s32 $_size__tile_overlayer_lowered;
	s5 =	simm.s32 $_tile_overlayer_lowered  }
0x9b: {  	s22 =	simm.s32 $0x1BFF;
	s21 =	sshll.u32 s5, $0x1;
	s2 =	sadd.s32 s19, s18  }
0x9c: {  	s6 =	simm.s32 $0x0;
	s20 =	sshll.u32 s4, $0x1;
	s4 =	sadd.s32 s21, s2  }
0x9d: {  	[timem:s6], [sflag:s22] =	dma.local [hbm:s4], s20  }
0x9e: {  	_ =	swait.ge [sflag:s22], s20  }
0x9f: {  	s3 =	ssub.s32 $0x0, s20;
	[sflag:s22] =	ssyncset.done $0x0  }
0xa0: {  	[sflag:s22] =	ssyncadd.s32 s3;
	_ =	sdelay $0x1  }
0xa1: {  	s23 =	simm.s32 $0x1B8B  }
0xa2: {  	_ =	swait.ge [sflag:s23], $0x1  }
0xa3: {  	[sflag:s23] =	ssyncset.done $0x0  }
0xa4: {  	s25 =	simm.s32 $0x1B8E;
	s24 =	sld [smem:$0x3FFE];
	[sflag:s23] =	ssyncadd.s32 $0xFFFFFFFF  }
0xa5: {  	s26 =	simm.s32 $execute0_lowered;
	[smem:$0x3FD2] =	sst s25  }
0xa6: {  	s4 =	sshll.u32 s26, $0x1;
	_ =	strace $0x80000049;
	[dreg:$0x1] =	wrdreg $0xFFFFFFFF  }
0xa7: {  	s28 =	simm.s32 $_size_execute0_lowered;
	s2 =	sadd.s32 s2, s4;
	[dreg:$0x0] =	wrdreg $0x0  }
0xa8: {  	s4 =	sshll.u32 s28, $0x1;
	[dreg:$0x2] =	wrdreg s2  }
0xa9: {  	[dreg:$0x3] =	wrdreg s4  }
0xaa: {  	[dreg:$0x4] =	wrdreg $0xC0  }
0xab: {  	_ =	task [dreg:s6], $0x5FFFF  }
0xac: {  	[dreg:$0x1] =	wrdreg $0xFFFFFFFF  }
0xad: {  	[dreg:$0x0] =	wrdreg $0x60  }
0xae: {  	[dreg:$0x2] =	wrdreg s24  }
0xaf: {  	[dreg:$0x3] =	wrdreg $0x150000  }
0xb0: {  	[dreg:$0x4] =	wrdreg $0x9  }
0xb1: {  	_ =	task.clear_ibuf [dreg:s6], $0x5FFFF;
	_ =	strace $0x90000049  }
0xb2: {  	s29 =	simm.s32 $0x9;
	_ =	strace $0x8000004B  }
0xb3: {  	_ =	swait.ge [sflag:s29], $0x1  }
0xb4: {  	[sflag:s29] =	ssyncadd.s32 $0xFFFFFFFF  }
0xb5: {  	_ =	strace $0x9000004B  }
0xb6: {  	_ =	sfence  }
0xb7: {  	s30 =	sld [smem:$0x0];
	_ =	sdelay $0x2  }
0xb8: {  	s31 =	sshll.u32 s1, $0xD;
	s1 =	sshrl.u32 s1, $0x2  }
0xb9: {  	s3 =	sand.u32 $0x4000, s31;
	s1 =	sadd.s32 s1, s30  }
0xba: {  	s0 =	sor.u32 s3, s0;
	s1 =	sshll.u32 s1, $0x11  }
0xbb: {  	s0 =	sor.u32 s1, s0  }
0xbc: {  	s0 =	sadd.s32 $0x8F2B, s0  }
0xbd: {  	[sflag:s0] =	ssyncadd.remote.s32 $0x1  }
0xbe: {  	_ =	sfence.sel $0xFFFF  }
0xbf: {  	[dreg:$0x0] =	wrdreg $0xFFFFFFFF;
	(pc) =	sbr.abs _section_cstart, $3  }
0xc0: {  	[dreg:$0x1] =	wrdreg $0xFFFFFFFF  }
0xc1: {  	_ =	task.clear_ibuf [dreg:s6], $0x2FFFF;
	_ =	strace $0x9FFFFFFF  }
0xc2: {  	(tm) =	ssettm $0x7FFFFFFF  }
0xc3: {  	_ =	shalt  }
tec
execute0_lowered:
.L_overlay_start_1:
0x0: {  	(tag) =	ssettag $0x1  }
0x1: {  	s0 =	srdreg.scid;
	s1 =	rddreg [dreg:$0x0]  }
0x2: {  	s9 =	stileid.u32;
	s2 =	rddreg [dreg:$0x1]  }
0x3: {  	s4 =	simm.s32 $0x0;
	s13 =	simm.s32 $0x11;
	s14 =	simm.s32 $0x80  }
0x4: {  	s15 =	simm.s32 $0x5000;
	s16 =	simm.s32 $0x7000;
	s18 =	simm.s32 $0x9000  }
0x5: {  	s20 =	simm.s32 $0xB000;
	s29 =	simm.s32 $0x13000;
	s30 =	simm.s32 $0x1  }
0x6: {  	s31 =	simm.s32 $0x2;
	s11 =	simm.s32 $0x5;
	s17 =	simm.s32 $0x6  }
0x7: {  	s19 =	simm.s32 $0x7;
	s21 =	simm.s32 $0x8;
	s28 =	simm.s32 $0xB  }
0x8: {  	s0 =	sand.u32 $0x1, s0;
	s3 =	sshll.u32 s9, $0x1;
	[smem:$0x7FF] =	sst s4  }
0x9: {  	s5 =	smul.u32 $0xA000, s9;
	s4 =	sadd.s32 $0x18800, s1;
	s26 =	sshll.u32 s9, $0x6  }
0xa: {  	s9 =	simm.s32 $0x10;
	s3 =	sor.u32 s0, s3;
	_ =	strace $0x8000004A  }
0xb: {  	s6 =	ssub.s32 $0x2, s0;
	p0 =	seq.s32 s0, $0x1;
	s0 =	simm.s32 $0x54800  }
0xc: {  	s12 =	sor.u32 $0x1C11, s26;
	s26 =	simm.s32 $0x11000;
	s3 =	smul.u32 $0x2800, s3  }
0xd: {  	s7 =	sshrl.u32 s5, $0x3;
	s8 =	sshrl.u32 s6, $0x1;
	s23 =	sadd.s32 s5, s2  }
0xe: {  	s0 =	simm.s32 @!p0 $0x40800;
	s5 =	simm.s32 $0xC;
	[dreg:$0xa] =	wrdreg s12  }
0xf: {  	s6 =	ssub.s32 s6, s8;
	s10 =	sshrl.u32 s23, $0x3;
	s23 =	simm.s32 $0x9  }
0x10: {  	s8 =	simm.s32 $0xF;
	s3 =	sshrl.u32 s3, $0x3;
	s25 =	smax.u32 s6, $0x1  }
0x11: {  	s6 =	simm.s32 $0xD;
	[dreg:$0x8] =	wrdreg s10;
	s3 =	sadd.s32 s3, s1  }
0x12: {  	s1 =	sadd.s32 s7, s1;
	[dreg:$0x6] =	wrdreg s25;
	s22 =	sadd.s32 $0x4800, s3  }
0x13: {  	s25 =	simm.s32 $0xA;
	s3 =	sadd.s32 $0xE800, s3;
	[dreg:$0x3] =	wrdreg s22  }
0x14: {  	s7 =	simm.s32 $0xE;
	s24 =	sadd.s32 $0x2C800, s1;
	[dreg:$0x4] =	wrdreg s3  }
0x15: {  	s0 =	sadd.s32 s0, s1;
	s1 =	simm.s32 $0x3;
	[dreg:$0x5] =	wrdreg s24  }
0x16: {  	[dreg:$0x7] =	wrdreg s0;
	s22 =	simm.s32 $0xD000;
	s3 =	simm.s32 $0x0  }
0x17: {  	s24 =	simm.s32 $0xF000;
	s0 =	simm.s32 $0x4;
	[dreg:$0x9] =	wrdreg s3  }
.LBB2_1:
0x18: {  	s3 =	simm.s32 $0x0;
	s12 =	rddreg [dreg:$0x3]  }
0x19: {  	[tilespmem:s3], [sflag:$0x11] =	stream.linear.gather [hbm4b:s12+s3], $0x2800, $0x38;
	[tilespmem:$0x1F000] =	vst v63  }
0x1a: {  	_ =	swait.ge [sflag:s13], $0x2800  }
0x1b: {  	s10 =	simm.s32 $0x0;
	[sflag:s13] =	ssyncset.done $0x0  }
0x1c: {  	s3 =	simm.s32 $0x2800;
	s12 =	rddreg [dreg:$0x4];
	[sflag:s13] =	ssyncadd.s32 $0xFFFFD800  }
0x1d: {  	[tilespmem:s3], [sflag:$0x11] =	stream.linear.gather [hbm4b:s12+s10], $0x2800, $0x38;
	[tilespmem:$0x1F000] =	vst v63  }
0x1e: {  	_ =	swait.ge [sflag:s13], $0x2800  }
0x1f: {  	s12 =	rddreg [dreg:$0x5]  }
0x20: {  	[sflag:s13] =	ssyncset.done $0x0;
	s10 =	rddreg [dreg:$0x8]  }
0x21: {  	s3 =	rddreg [dreg:$0xa];
	[sflag:s13] =	ssyncadd.s32 $0xFFFFD800  }
0x22: {  	[spmem:s10], [sflag:s3] =	dma.local [hbm:s12], $0x1400  }
0x23: {  	_ =	swait.ge [sflag:s13], $0x1400  }
0x24: {  	[sflag:s13] =	ssyncset.done $0x0  }
0x25: {  	[sflag:s13] =	ssyncadd.s32 $0xFFFFEC00  }
0x26: {  	s13 =	simm.s32 $0x0;
	[bflag:$0x0] =	sbarrier.arrive $0xFFFF  }
0x27: {  	[tilespmem:s15], [sflag:$0x1] =	stream.indirect.gather [hbm4b:s4+s14], $0x40, s13, s14, $0xb8;
	[tilespmem:$0x1F000] =	vst v63  }
0x28: {  	_ = 	snop  }
0x29: {  	[tilespmem:s16], [sflag:$0x2] =	stream.indirect.gather [hbm4b:s4+s14], $0x40, s14, s14, $0xb8;
	[tilespmem:$0x1F000] =	vst v63  }
0x2a: {  	s10 =	simm.s32 $0x100  }
0x2b: {  	[tilespmem:s18], [sflag:$0x3] =	stream.indirect.gather [hbm4b:s4+s14], $0x40, s10, s14, $0xb8;
	[tilespmem:$0x1F000] =	vst v63  }
0x2c: {  	s12 =	simm.s32 $0x180  }
0x2d: {  	[tilespmem:s20], [sflag:$0x4] =	stream.indirect.gather [hbm4b:s4+s14], $0x40, s12, s14, $0xb8;
	[tilespmem:$0x1F000] =	vst v63  }
0x2e: {  	s13 =	simm.s32 $0x200  }
0x2f: {  	[tilespmem:s22], [sflag:$0x5] =	stream.indirect.gather [hbm4b:s4+s14], $0x40, s13, s14, $0xb8;
	[tilespmem:$0x1F000] =	vst v63  }
0x30: {  	s10 =	simm.s32 $0x280  }
0x31: {  	[tilespmem:s24], [sflag:$0x6] =	stream.indirect.gather [hbm4b:s4+s14], $0x40, s10, s14, $0xb8;
	[tilespmem:$0x1F000] =	vst v63  }
0x32: {  	s12 =	simm.s32 $0x300  }
0x33: {  	[tilespmem:s26], [sflag:$0x7] =	stream.indirect.gather [hbm4b:s4+s14], $0x40, s12, s14, $0xb8;
	[tilespmem:$0x1F000] =	vst v63  }
0x34: {  	s13 =	simm.s32 $0x380  }
0x35: {  	[tilespmem:s29], [sflag:$0x8] =	stream.indirect.gather [hbm4b:s4+s14], $0x40, s13, s14, $0xb8;
	[tilespmem:$0x1F000] =	vst v63  }
0x36: {  	_ =	swait.ge [sflag:s30], $0x2000  }
0x37: {  	[sflag:s30] =	ssyncset.done $0x0  }
0x38: {  	s3 =	simm.s32 $0x2800;
	[sflag:s30] =	ssyncadd.s32 $0xFFFFE000  }
0x39: {  	[spmem:s2] =	stream.indirect.scatter.add.f32 [tilespmem:s15], [sflag:$0x9], $0x40, s3, s14, $0xb8;
	[tilespmem:$0x1F000] =	vst v63  }
0x3a: {  	_ =	swait.ge [sflag:s31], $0x2000  }
0x3b: {  	[sflag:s31] =	ssyncset.done $0x0  }
0x3c: {  	s10 =	simm.s32 $0x2880;
	[sflag:s31] =	ssyncadd.s32 $0xFFFFE000  }
0x3d: {  	[spmem:s2] =	stream.indirect.scatter.add.f32 [tilespmem:s16], [sflag:$0xA], $0x40, s10, s14, $0xb8;
	[tilespmem:$0x1F000] =	vst v63  }
0x3e: {  	_ =	swait.ge [sflag:s1], $0x2000  }
0x3f: {  	[sflag:s1] =	ssyncset.done $0x0  }
0x40: {  	s13 =	simm.s32 $0x2900;
	[sflag:s1] =	ssyncadd.s32 $0xFFFFE000  }
0x41: {  	[spmem:s2] =	stream.indirect.scatter.add.f32 [tilespmem:s18], [sflag:$0xB], $0x40, s13, s14, $0xb8;
	[tilespmem:$0x1F000] =	vst v63  }
0x42: {  	_ =	swait.ge [sflag:s0], $0x2000  }
0x43: {  	[sflag:s0] =	ssyncset.done $0x0  }
0x44: {  	s3 =	simm.s32 $0x2980;
	[sflag:s0] =	ssyncadd.s32 $0xFFFFE000  }
0x45: {  	[spmem:s2] =	stream.indirect.scatter.add.f32 [tilespmem:s20], [sflag:$0xC], $0x40, s3, s14, $0xb8;
	[tilespmem:$0x1F000] =	vst v63  }
0x46: {  	_ =	swait.ge [sflag:s11], $0x2000  }
0x47: {  	[sflag:s11] =	ssyncset.done $0x0  }
0x48: {  	s10 =	simm.s32 $0x2A00;
	[sflag:s11] =	ssyncadd.s32 $0xFFFFE000  }
0x49: {  	[spmem:s2] =	stream.indirect.scatter.add.f32 [tilespmem:s22], [sflag:$0xD], $0x40, s10, s14, $0xb8;
	[tilespmem:$0x1F000] =	vst v63  }
0x4a: {  	_ =	swait.ge [sflag:s17], $0x2000  }
0x4b: {  	[sflag:s17] =	ssyncset.done $0x0  }
0x4c: {  	s13 =	simm.s32 $0x2A80;
	[sflag:s17] =	ssyncadd.s32 $0xFFFFE000  }
0x4d: {  	[spmem:s2] =	stream.indirect.scatter.add.f32 [tilespmem:s24], [sflag:$0xE], $0x40, s13, s14, $0xb8;
	[tilespmem:$0x1F000] =	vst v63  }
0x4e: {  	_ =	swait.ge [sflag:s19], $0x2000  }
0x4f: {  	[sflag:s19] =	ssyncset.done $0x0  }
0x50: {  	s3 =	simm.s32 $0x2B00;
	[sflag:s19] =	ssyncadd.s32 $0xFFFFE000  }
0x51: {  	[spmem:s2] =	stream.indirect.scatter.add.f32 [tilespmem:s26], [sflag:$0xF], $0x40, s3, s14, $0xb8;
	[tilespmem:$0x1F000] =	vst v63  }
0x52: {  	_ =	swait.ge [sflag:s21], $0x2000  }
0x53: {  	[sflag:s21] =	ssyncset.done $0x0  }
0x54: {  	s10 =	simm.s32 $0x2B80;
	[sflag:s21] =	ssyncadd.s32 $0xFFFFE000  }
0x55: {  	[spmem:s2] =	stream.indirect.scatter.add.f32 [tilespmem:s29], [sflag:$0x10], $0x40, s10, s14, $0xb8;
	[tilespmem:$0x1F000] =	vst v63  }
0x56: {  	_ =	swait.ge [sflag:s23], $0x2000  }
0x57: {  	[sflag:s23] =	ssyncset.done $0x0  }
0x58: {  	s13 =	simm.s32 $0x400;
	[sflag:s23] =	ssyncadd.s32 $0xFFFFE000  }
0x59: {  	[tilespmem:s15], [sflag:$0x1] =	stream.indirect.gather [hbm4b:s4+s14], $0x40, s13, s14, $0xb8;
	[tilespmem:$0x1F000] =	vst v63  }
0x5a: {  	_ =	swait.ge [sflag:s25], $0x2000  }
0x5b: {  	[sflag:s25] =	ssyncset.done $0x0  }
0x5c: {  	s3 =	simm.s32 $0x480;
	[sflag:s25] =	ssyncadd.s32 $0xFFFFE000  }
0x5d: {  	[tilespmem:s16], [sflag:$0x2] =	stream.indirect.gather [hbm4b:s4+s14], $0x40, s3, s14, $0xb8;
	[tilespmem:$0x1F000] =	vst v63  }
0x5e: {  	_ =	swait.ge [sflag:s28], $0x2000  }
0x5f: {  	[sflag:s28] =	ssyncset.done $0x0  }
0x60: {  	s10 =	simm.s32 $0x500;
	[sflag:s28] =	ssyncadd.s32 $0xFFFFE000  }
0x61: {  	[tilespmem:s18], [sflag:$0x3] =	stream.indirect.gather [hbm4b:s4+s14], $0x40, s10, s14, $0xb8;
	[tilespmem:$0x1F000] =	vst v63  }
0x62: {  	_ =	swait.ge [sflag:s5], $0x2000  }
0x63: {  	[sflag:s5] =	ssyncset.done $0x0  }
0x64: {  	s13 =	simm.s32 $0x580;
	[sflag:s5] =	ssyncadd.s32 $0xFFFFE000  }
0x65: {  	[tilespmem:s20], [sflag:$0x4] =	stream.indirect.gather [hbm4b:s4+s14], $0x40, s13, s14, $0xb8;
	[tilespmem:$0x1F000] =	vst v63  }
0x66: {  	_ =	swait.ge [sflag:s6], $0x2000  }
0x67: {  	[sflag:s6] =	ssyncset.done $0x0  }
0x68: {  	s3 =	simm.s32 $0x600;
	[sflag:s6] =	ssyncadd.s32 $0xFFFFE000  }
0x69: {  	[tilespmem:s22], [sflag:$0x5] =	stream.indirect.gather [hbm4b:s4+s14], $0x40, s3, s14, $0xb8;
	[tilespmem:$0x1F000] =	vst v63  }
0x6a: {  	_ =	swait.ge [sflag:s7], $0x2000  }
0x6b: {  	[sflag:s7] =	ssyncset.done $0x0  }
0x6c: {  	s10 =	simm.s32 $0x680;
	[sflag:s7] =	ssyncadd.s32 $0xFFFFE000  }
0x6d: {  	[tilespmem:s24], [sflag:$0x6] =	stream.indirect.gather [hbm4b:s4+s14], $0x40, s10, s14, $0xb8;
	[tilespmem:$0x1F000] =	vst v63  }
0x6e: {  	_ =	swait.ge [sflag:s8], $0x2000  }
0x6f: {  	[sflag:s8] =	ssyncset.done $0x0  }
0x70: {  	s13 =	simm.s32 $0x700;
	[sflag:s8] =	ssyncadd.s32 $0xFFFFE000  }
0x71: {  	[tilespmem:s26], [sflag:$0x7] =	stream.indirect.gather [hbm4b:s4+s14], $0x40, s13, s14, $0xb8;
	[tilespmem:$0x1F000] =	vst v63  }
0x72: {  	_ =	swait.ge [sflag:s9], $0x2000  }
0x73: {  	s12 =	simm.s32 $0x1000;
	[sflag:s9] =	ssyncset.done $0x0  }
0x74: {  	s13 =	simm.s32 $0x780;
	s3 =	rddreg [dreg:$0xa];
	[sflag:s9] =	ssyncadd.s32 $0xFFFFE000  }
.LBB2_2:
0x75: {  	[tilespmem:s29], [sflag:$0x8] =	stream.indirect.gather [hbm4b:s4+s14], $0x40, s13, s14, $0xb8;
	[tilespmem:$0x1F000] =	vst v63  }
0x76: {  	s13 =	smov.u32 s12  }
0x77: {  	p0 =	sne.s32 s12, $0x8000;
	s12 =	sadd.s32 $0x1000, s12;
	_ =	swait.ge [sflag:s30], $0x2000  }
0x78: {  	s13 =	sshra.s32 s13, $0x2;
	[sflag:s30] =	ssyncset.done $0x0  }
0x79: {  	s10 =	sadd.s32 $0x2800, s13;
	[sflag:s30] =	ssyncadd.s32 $0xFFFFE000  }
0x7a: {  	[spmem:s2] =	stream.indirect.scatter.add.f32 [tilespmem:s15], [sflag:$0x9], $0x40, s10, s14, $0xb8;
	[tilespmem:$0x1F000] =	vst v63  }
0x7b: {  	_ =	swait.ge [sflag:s31], $0x2000  }
0x7c: {  	[sflag:s31] =	ssyncset.done $0x0  }
0x7d: {  	s10 =	sadd.s32 $0x2880, s13;
	[sflag:s31] =	ssyncadd.s32 $0xFFFFE000  }
0x7e: {  	[spmem:s2] =	stream.indirect.scatter.add.f32 [tilespmem:s16], [sflag:$0xA], $0x40, s10, s14, $0xb8;
	[tilespmem:$0x1F000] =	vst v63  }
0x7f: {  	_ =	swait.ge [sflag:s1], $0x2000  }
0x80: {  	[sflag:s1] =	ssyncset.done $0x0  }
0x81: {  	s10 =	sadd.s32 $0x2900, s13;
	[sflag:s1] =	ssyncadd.s32 $0xFFFFE000  }
0x82: {  	[spmem:s2] =	stream.indirect.scatter.add.f32 [tilespmem:s18], [sflag:$0xB], $0x40, s10, s14, $0xb8;
	[tilespmem:$0x1F000] =	vst v63  }
0x83: {  	_ =	swait.ge [sflag:s0], $0x2000  }
0x84: {  	[sflag:s0] =	ssyncset.done $0x0  }
0x85: {  	s10 =	sadd.s32 $0x2980, s13;
	[sflag:s0] =	ssyncadd.s32 $0xFFFFE000  }
0x86: {  	[spmem:s2] =	stream.indirect.scatter.add.f32 [tilespmem:s20], [sflag:$0xC], $0x40, s10, s14, $0xb8;
	[tilespmem:$0x1F000] =	vst v63  }
0x87: {  	_ =	swait.ge [sflag:s11], $0x2000  }
0x88: {  	[sflag:s11] =	ssyncset.done $0x0  }
0x89: {  	s10 =	sadd.s32 $0x2A00, s13;
	[sflag:s11] =	ssyncadd.s32 $0xFFFFE000  }
0x8a: {  	[spmem:s2] =	stream.indirect.scatter.add.f32 [tilespmem:s22], [sflag:$0xD], $0x40, s10, s14, $0xb8;
	[tilespmem:$0x1F000] =	vst v63  }
0x8b: {  	_ =	swait.ge [sflag:s17], $0x2000  }
0x8c: {  	[sflag:s17] =	ssyncset.done $0x0  }
0x8d: {  	s10 =	sadd.s32 $0x2A80, s13;
	[sflag:s17] =	ssyncadd.s32 $0xFFFFE000  }
0x8e: {  	[spmem:s2] =	stream.indirect.scatter.add.f32 [tilespmem:s24], [sflag:$0xE], $0x40, s10, s14, $0xb8;
	[tilespmem:$0x1F000] =	vst v63  }
0x8f: {  	_ =	swait.ge [sflag:s19], $0x2000  }
0x90: {  	[sflag:s19] =	ssyncset.done $0x0  }
0x91: {  	s10 =	sadd.s32 $0x2B00, s13;
	[sflag:s19] =	ssyncadd.s32 $0xFFFFE000  }
0x92: {  	[spmem:s2] =	stream.indirect.scatter.add.f32 [tilespmem:s26], [sflag:$0xF], $0x40, s10, s14, $0xb8;
	[tilespmem:$0x1F000] =	vst v63  }
0x93: {  	_ =	swait.ge [sflag:s21], $0x2000  }
0x94: {  	[sflag:s21] =	ssyncset.done $0x0  }
0x95: {  	s10 =	sadd.s32 $0x2B80, s13;
	[sflag:s21] =	ssyncadd.s32 $0xFFFFE000  }
0x96: {  	[spmem:s2] =	stream.indirect.scatter.add.f32 [tilespmem:s29], [sflag:$0x10], $0x40, s10, s14, $0xb8;
	[tilespmem:$0x1F000] =	vst v63  }
0x97: {  	_ =	swait.ge [sflag:s23], $0x2000  }
0x98: {  	[sflag:s23] =	ssyncset.done $0x0  }
0x99: {  	s10 =	sadd.s32 $0x400, s13;
	[sflag:s23] =	ssyncadd.s32 $0xFFFFE000  }
0x9a: {  	[tilespmem:s15], [sflag:$0x1] =	stream.indirect.gather [hbm4b:s4+s14], $0x40, s10, s14, $0xb8;
	[tilespmem:$0x1F000] =	vst v63  }
0x9b: {  	_ =	swait.ge [sflag:s25], $0x2000  }
0x9c: {  	[sflag:s25] =	ssyncset.done $0x0  }
0x9d: {  	s10 =	sadd.s32 $0x480, s13;
	[sflag:s25] =	ssyncadd.s32 $0xFFFFE000  }
0x9e: {  	[tilespmem:s16], [sflag:$0x2] =	stream.indirect.gather [hbm4b:s4+s14], $0x40, s10, s14, $0xb8;
	[tilespmem:$0x1F000] =	vst v63  }
0x9f: {  	_ =	swait.ge [sflag:s28], $0x2000  }
0xa0: {  	[sflag:s28] =	ssyncset.done $0x0  }
0xa1: {  	s10 =	sadd.s32 $0x500, s13;
	[sflag:s28] =	ssyncadd.s32 $0xFFFFE000  }
0xa2: {  	[tilespmem:s18], [sflag:$0x3] =	stream.indirect.gather [hbm4b:s4+s14], $0x40, s10, s14, $0xb8;
	[tilespmem:$0x1F000] =	vst v63  }
0xa3: {  	_ =	swait.ge [sflag:s5], $0x2000  }
0xa4: {  	[sflag:s5] =	ssyncset.done $0x0  }
0xa5: {  	s10 =	sadd.s32 $0x580, s13;
	[sflag:s5] =	ssyncadd.s32 $0xFFFFE000  }
0xa6: {  	[tilespmem:s20], [sflag:$0x4] =	stream.indirect.gather [hbm4b:s4+s14], $0x40, s10, s14, $0xb8;
	[tilespmem:$0x1F000] =	vst v63  }
0xa7: {  	_ =	swait.ge [sflag:s6], $0x2000  }
0xa8: {  	[sflag:s6] =	ssyncset.done $0x0  }
0xa9: {  	s10 =	sadd.s32 $0x600, s13;
	[sflag:s6] =	ssyncadd.s32 $0xFFFFE000  }
0xaa: {  	[tilespmem:s22], [sflag:$0x5] =	stream.indirect.gather [hbm4b:s4+s14], $0x40, s10, s14, $0xb8;
	[tilespmem:$0x1F000] =	vst v63  }
0xab: {  	_ =	swait.ge [sflag:s7], $0x2000  }
0xac: {  	[sflag:s7] =	ssyncset.done $0x0  }
0xad: {  	s10 =	sadd.s32 $0x680, s13;
	[sflag:s7] =	ssyncadd.s32 $0xFFFFE000  }
0xae: {  	[tilespmem:s24], [sflag:$0x6] =	stream.indirect.gather [hbm4b:s4+s14], $0x40, s10, s14, $0xb8;
	[tilespmem:$0x1F000] =	vst v63  }
0xaf: {  	_ =	swait.ge [sflag:s8], $0x2000  }
0xb0: {  	[sflag:s8] =	ssyncset.done $0x0  }
.Ltmp0:
0xb1: {  	s10 =	sadd.s32 $0x700, s13;
	[sflag:s8] =	ssyncadd.s32 $0xFFFFE000;
	(pc) =	sbr.rel @p0 .LBB2_2-.Ltmp0, $4  }
0xb2: {  	[tilespmem:s26], [sflag:$0x7] =	stream.indirect.gather [hbm4b:s4+s14], $0x40, s10, s14, $0xb8;
	[tilespmem:$0x1F000] =	vst v63  }
0xb3: {  	_ =	swait.ge [sflag:s9], $0x2000  }
0xb4: {  	[sflag:s9] =	ssyncset.done $0x0  }
0xb5: {  	s13 =	sadd.s32 $0x780, s13;
	[sflag:s9] =	ssyncadd.s32 $0xFFFFE000  }
0xb6: {  	[tilespmem:s29], [sflag:$0x8] =	stream.indirect.gather [hbm4b:s4+s14], $0x40, s13, s14, $0xb8;
	[tilespmem:$0x1F000] =	vst v63  }
0xb7: {  	_ =	swait.ge [sflag:s30], $0x2000  }
0xb8: {  	[sflag:s30] =	ssyncset.done $0x0  }
0xb9: {  	s10 =	simm.s32 $0x4C00;
	[sflag:s30] =	ssyncadd.s32 $0xFFFFE000  }
0xba: {  	[spmem:s2] =	stream.indirect.scatter.add.f32 [tilespmem:s15], [sflag:$0x9], $0x40, s10, s14, $0xb8;
	[tilespmem:$0x1F000] =	vst v63  }
0xbb: {  	_ =	swait.ge [sflag:s31], $0x2000  }
0xbc: {  	[sflag:s31] =	ssyncset.done $0x0  }
0xbd: {  	s12 =	simm.s32 $0x4C80;
	[sflag:s31] =	ssyncadd.s32 $0xFFFFE000  }
0xbe: {  	[spmem:s2] =	stream.indirect.scatter.add.f32 [tilespmem:s16], [sflag:$0xA], $0x40, s12, s14, $0xb8;
	[tilespmem:$0x1F000] =	vst v63  }
0xbf: {  	_ =	swait.ge [sflag:s1], $0x2000  }
0xc0: {  	[sflag:s1] =	ssyncset.done $0x0  }
0xc1: {  	s13 =	simm.s32 $0x4D00;
	[sflag:s1] =	ssyncadd.s32 $0xFFFFE000  }
0xc2: {  	[spmem:s2] =	stream.indirect.scatter.add.f32 [tilespmem:s18], [sflag:$0xB], $0x40, s13, s14, $0xb8;
	[tilespmem:$0x1F000] =	vst v63  }
0xc3: {  	_ =	swait.ge [sflag:s0], $0x2000  }
0xc4: {  	[sflag:s0] =	ssyncset.done $0x0  }
0xc5: {  	s12 =	simm.s32 $0x4D80;
	[sflag:s0] =	ssyncadd.s32 $0xFFFFE000  }
0xc6: {  	[spmem:s2] =	stream.indirect.scatter.add.f32 [tilespmem:s20], [sflag:$0xC], $0x40, s12, s14, $0xb8;
	[tilespmem:$0x1F000] =	vst v63  }
0xc7: {  	_ =	swait.ge [sflag:s11], $0x2000  }
0xc8: {  	[sflag:s11] =	ssyncset.done $0x0  }
0xc9: {  	s13 =	simm.s32 $0x4E00;
	[sflag:s11] =	ssyncadd.s32 $0xFFFFE000  }
0xca: {  	[spmem:s2] =	stream.indirect.scatter.add.f32 [tilespmem:s22], [sflag:$0xD], $0x40, s13, s14, $0xb8;
	[tilespmem:$0x1F000] =	vst v63  }
0xcb: {  	_ =	swait.ge [sflag:s17], $0x2000  }
0xcc: {  	[sflag:s17] =	ssyncset.done $0x0  }
0xcd: {  	s12 =	simm.s32 $0x4E80;
	[sflag:s17] =	ssyncadd.s32 $0xFFFFE000  }
0xce: {  	[spmem:s2] =	stream.indirect.scatter.add.f32 [tilespmem:s24], [sflag:$0xE], $0x40, s12, s14, $0xb8;
	[tilespmem:$0x1F000] =	vst v63  }
0xcf: {  	_ =	swait.ge [sflag:s19], $0x2000  }
0xd0: {  	[sflag:s19] =	ssyncset.done $0x0  }
0xd1: {  	s13 =	simm.s32 $0x4F00;
	[sflag:s19] =	ssyncadd.s32 $0xFFFFE000  }
0xd2: {  	[spmem:s2] =	stream.indirect.scatter.add.f32 [tilespmem:s26], [sflag:$0xF], $0x40, s13, s14, $0xb8;
	[tilespmem:$0x1F000] =	vst v63  }
0xd3: {  	_ =	swait.ge [sflag:s21], $0x2000  }
0xd4: {  	[sflag:s21] =	ssyncset.done $0x0  }
0xd5: {  	s12 =	simm.s32 $0x4F80;
	[sflag:s21] =	ssyncadd.s32 $0xFFFFE000  }
0xd6: {  	[spmem:s2] =	stream.indirect.scatter.add.f32 [tilespmem:s29], [sflag:$0x10], $0x40, s12, s14, $0xb8;
	[tilespmem:$0x1F000] =	vst v63  }
0xd7: {  	_ =	swait.ge [sflag:s23], $0x2000  }
0xd8: {  	[sflag:s23] =	ssyncset.done $0x0  }
0xd9: {  	[sflag:s23] =	ssyncadd.s32 $0xFFFFE000  }
0xda: {  	_ =	swait.ge [sflag:s25], $0x2000  }
0xdb: {  	[sflag:s25] =	ssyncset.done $0x0  }
0xdc: {  	[sflag:s25] =	ssyncadd.s32 $0xFFFFE000  }
0xdd: {  	_ =	swait.ge [sflag:s28], $0x2000  }
0xde: {  	[sflag:s28] =	ssyncset.done $0x0  }
0xdf: {  	[sflag:s28] =	ssyncadd.s32 $0xFFFFE000  }
0xe0: {  	_ =	swait.ge [sflag:s5], $0x2000  }
0xe1: {  	[sflag:s5] =	ssyncset.done $0x0  }
0xe2: {  	[sflag:s5] =	ssyncadd.s32 $0xFFFFE000  }
0xe3: {  	_ =	swait.ge [sflag:s6], $0x2000  }
0xe4: {  	[sflag:s6] =	ssyncset.done $0x0  }
0xe5: {  	[sflag:s6] =	ssyncadd.s32 $0xFFFFE000  }
0xe6: {  	_ =	swait.ge [sflag:s7], $0x2000  }
0xe7: {  	[sflag:s7] =	ssyncset.done $0x0  }
0xe8: {  	[sflag:s7] =	ssyncadd.s32 $0xFFFFE000  }
0xe9: {  	_ =	swait.ge [sflag:s8], $0x2000  }
0xea: {  	[sflag:s8] =	ssyncset.done $0x0  }
0xeb: {  	[sflag:s8] =	ssyncadd.s32 $0xFFFFE000  }
0xec: {  	_ =	swait.ge [sflag:s9], $0x2000  }
0xed: {  	[sflag:s9] =	ssyncset.done $0x0  }
0xee: {  	[sflag:s9] =	ssyncadd.s32 $0xFFFFE000  }
0xef: {  	[bflag:$0x0] =	sbarrier.arrive $0xFFFF  }
0xf0: {  	s13 =	rddreg [dreg:$0x7]  }
0xf1: {  	s12 =	rddreg [dreg:$0x8]  }
0xf2: {  	[hbm:s13], [sflag:s3] =	dma.local [spmem:s12], $0x1400  }
0xf3: {  	s13 =	simm.s32 $0x11  }
0xf4: {  	_ =	swait.ge [sflag:s13], $0x1400  }
0xf5: {  	s10 =	rddreg [dreg:$0x9]  }
0xf6: {  	s12 =	rddreg [dreg:$0x6];
	s3 =	sadd.s32 $0x1, s10  }
0xf7: {  	p0 =	sne.s32 s3, s12  }
.Ltmp1:
0xf8: {  	_ = 	snop;
	(pc) =	sbr.rel @p0 .LBB2_1-.Ltmp1, $3  }
0xf9: {  	_ =	sdelay $0x1  }
0xfa: {  	[sflag:s13] =	ssyncset.done $0x0  }
0xfb: {  	[sflag:s13] =	ssyncadd.s32 $0xFFFFEC00;
	[dreg:$0x9] =	wrdreg s3  }
0xfc: {  	_ =	sfence.sel $0x180000  }
0xfd: {  	[bflag:$0x0] =	sbarrier.arrive $0xFFFF  }
0xfe: {  	_ =	strace $0x9000004A  }
0xff: {  	s0 =	stileid.u32;
	[bflag:$0x2] =	sbarrier.arrive $0xFFFF  }
0x100: {  	p0 =	sne.s32 s0, $0x0;
	s0 =	rddreg [dreg:$0x2]  }
0x101: {  	s0 =	sadd.s32 @!p0 $0x100000, s0  }
0x102: {  	[sflag:s0] =	ssyncadd.tile.s32 @!p0 $0x1;
	_ =	shalt  }
.Lfunc_end2:
_tile_overlayer_lowered:
.L_overlay_start_2:
0x103: {  	(tag) =	ssettag $0x2  }
0x104: {  	s0 =	rddreg [dreg:$0x0];
	s2 =	stileid.u32  }
0x105: {  	s1 =	rddreg [dreg:$0x1];
	p0 =	sne.s32 s2, $0x0  }
0x106: {  	s3 =	rddreg [dreg:$0x2];
	[bflag:$0x3] =	sbarrier.arrive $0xFFFF;
	s2 =	simm.s32 @!p0 $0x1C11  }
0x107: {  	[timem:s3], [sflag:s2] =	dma.local @!p0 [hbm:s0], s1  }
0x108: {  	s0 =	simm.s32 @!p0 $0x11  }
0x109: {  	_ =	swait.ge @!p0 [sflag:s0], s1  }
0x10a: {  	s1 =	ssub.s32 @!p0 $0x0, s1;
	[sflag:s0] =	ssyncset.done @!p0 $0x0  }
0x10b: {  	[sflag:s0] =	ssyncadd.s32 @!p0 s1  }
0x10c: {  	[bflag:$0x3] =	sbarrier.arrive $0xFFFF  }
0x10d: {  	_ =	shalt  }

// kernel: kernel.16.cloned.1.call-start
scs
__scs_entry_jumppad:
0x0: {  	(pc) =	sbr.rel $0x88, $3  }
0x1: {  	(tag) =	ssettag $0x0;
	lr =	simm.s32 $0x1  }
0x2: {  	[smem:$0x3F99] =	sst lr;
	_ =	strace $0xD0000000  }
0x3: {  	_ = 	snop  }
0x4: {  	_ = 	snop  }
0x5: {  	_ = 	snop  }
0x6: {  	_ = 	snop  }
0x7: {  	_ = 	snop  }
__scs_overlays_trampoline_lowered:
0x8: {  	[smem:$0x3FA8] =	sst s0  }
0x9: {  	[smem:$0x3FA9] =	sst s1  }
0xa: {  	[smem:$0x3FAA] =	sst s2  }
0xb: {  	[smem:$0x3FAB] =	sst s3  }
0xc: {  	[smem:$0x3FAC] =	sst s4  }
0xd: {  	[smem:$0x3FAD] =	sst s5  }
0xe: {  	[smem:$0x3FAE] =	sst s6  }
0xf: {  	[smem:$0x3FAF] =	sst s7  }
0x10: {  	[smem:$0x3FB0] =	sst s8  }
0x11: {  	[smem:$0x3FB1] =	sst s9;
	s0 =	simm.s32 @!p0 $0x0  }
0x12: {  	s1 =	sld [smem:$0x3F97];
	s0 =	simm.s32 @p0 $0x1  }
0x13: {  	[smem:$0x3FB2] =	sst s0;
	s0 =	simm.s32 @!p1 $0x0  }
0x14: {  	s2 =	sld [smem:$0x3F96];
	s0 =	simm.s32 @p1 $0x1  }
0x15: {  	[smem:$0x3FB3] =	sst s0;
	s0 =	simm.s32 @!p2 $0x0  }
0x16: {  	s3 =	sld [smem:$0x3FDB];
	s0 =	simm.s32 @p2 $0x1  }
0x17: {  	s4 =	simm.s32 $0x1BF5;
	[smem:$0x3FB5] =	sst s0  }
0x18: {  	s0 =	sld [smem:$0x3F98];
	_ =	swait.ge [sflag:s4], $0x0  }
0x19: {  	s7 =	sld [smem:$0x3F99]  }
0x1a: {  	s8 =	sadd.s32 $0xFFFFE003, lr  }
0x1b: {  	s9 =	sadd.s32 $0xFFFFFEF7, lr;
	s5 =	simm.s32 $0xFFFFFFFF;
	p2 =	slt.u32 s8, $0xFFFFF086  }
0x1c: {  	p1 =	slt.u32 s9, $0xF7A;
	s5 =	simm.s32 @!p2 $0x0  }
0x1d: {  	s5 =	simm.s32 @p1 $0x1;
	p0 =	seq.s32 s7, s2  }
0x1e: {  	s7 =	smul.u32 @!p0 $0xF7A, s2;
	p2 =	seq.s32 @!p0 s5, $0x0  }
0x1f: {  	s9 =	smul.u32 $0xF7A, s1;
	s8 =	simm.s32 @!p0 $0x1BF5;
	p2 =	por !p2, p0  }
0x20: {  	[sflag:s8] =	ssyncset.s32 @!p0 $0xFFFFF086;
	s6 =	sadd.s32 @!p0 s3, s7;
	s7 =	simm.s32 @!p0 $0x108  }
0x21: {  	s3 =	sadd.s32 s3, s9;
	s6 =	sadd.s32 @!p0 $0x88, s6;
	s7 =	simm.s32 @p2 $0x1082  }
0x22: {  	[simem:s7], [sflag:s8] =	dma.local @!p0 [hbm:s6], $0xF7A  }
0x23: {  	s9 =	sor.u32 $0xD0000000, s2;
	s6 =	simm.s32 $0x108;
	_ =	swait.ge @!p0 [sflag:s8], $0x0  }
0x24: {  	s3 =	sadd.s32 $0x88, s3;
	s6 =	simm.s32 @!p1 $0x1082;
	[sflag:s4] =	ssyncset.s32 $0xFFFFF086  }
0x25: {  	[simem:s6], [sflag:s4] =	dma.local [hbm:s3], $0xF7A  }
0x26: {  	[smem:$0x3F99] =	sst s1;
	(tag) =	ssettag s2;
	_ =	strace s9  }
0x27: {  	s1 =	sld [smem:$0x3FA9]  }
0x28: {  	s2 =	sld [smem:$0x3FAA]  }
0x29: {  	s4 =	sld [smem:$0x3FAC]  }
0x2a: {  	p0 =	seq.s32 s5, $0x0;
	s5 =	sld [smem:$0x3FAD]  }
0x2b: {  	s6 =	sld [smem:$0x3FAE]  }
0x2c: {  	s7 =	sld [smem:$0x3FAF]  }
0x2d: {  	s3 =	simm.s32 $0x108;
	s8 =	sld [smem:$0x3FB0]  }
0x2e: {  	s3 =	simm.s32 @!p0 $0x1082;
	s9 =	sld [smem:$0x3FB1]  }
0x2f: {  	lr =	sadd.s32 s0, s3;
	s0 =	sld [smem:$0x3FA8]  }
0x30: {  	s3 =	sld [smem:$0x3FAB]  }
0x31: {  	[smem:$0x3FB4] =	sst s10  }
0x32: {  	s10 =	sld [smem:$0x3FB2];
	_ =	sdelay $0x3  }
0x33: {  	p0 =	seq.s32 s10, $0x1;
	s10 =	sld [smem:$0x3FB4];
	_ =	sdelay $0x3  }
0x34: {  	[smem:$0x3FB4] =	sst s10  }
0x35: {  	s10 =	sld [smem:$0x3FB3];
	_ =	sdelay $0x3  }
0x36: {  	p1 =	seq.s32 s10, $0x1;
	s10 =	sld [smem:$0x3FB4];
	_ =	sdelay $0x3  }
0x37: {  	[smem:$0x3FB4] =	sst s10  }
0x38: {  	s10 =	sld [smem:$0x3FB5]  }
0x39: {  	_ = 	snop;
	(pc) =	sbr.ind lr, $3  }
0x3a: {  	_ = 	snop  }
0x3b: {  	_ = 	snop  }
0x3c: {  	p2 =	seq.s32 s10, $0x1;
	s10 =	sld [smem:$0x3FB4]  }
0x3d: {  	_ =	shalt  }
0x3e: {  	_ =	shalt  }
0x3f: {  	_ =	shalt  }
0x40: {  	_ =	shalt  }
0x41: {  	_ =	shalt  }
0x42: {  	_ =	shalt  }
0x43: {  	_ =	shalt  }
0x44: {  	_ =	shalt  }
0x45: {  	_ =	shalt  }
0x46: {  	_ =	shalt  }
0x47: {  	_ =	shalt  }
0x48: {  	_ =	shalt  }
0x49: {  	_ =	shalt  }
0x4a: {  	_ =	shalt  }
0x4b: {  	_ =	shalt  }
0x4c: {  	_ =	shalt  }
0x4d: {  	_ =	shalt  }
0x4e: {  	_ =	shalt  }
0x4f: {  	_ =	shalt  }
0x50: {  	_ =	shalt  }
0x51: {  	_ =	shalt  }
0x52: {  	_ =	shalt  }
0x53: {  	_ =	shalt  }
0x54: {  	_ =	shalt  }
0x55: {  	_ =	shalt  }
0x56: {  	_ =	shalt  }
0x57: {  	_ =	shalt  }
0x58: {  	_ =	shalt  }
0x59: {  	_ =	shalt  }
0x5a: {  	_ =	shalt  }
0x5b: {  	_ =	shalt  }
0x5c: {  	_ =	shalt  }
0x5d: {  	_ =	shalt  }
0x5e: {  	_ =	shalt  }
0x5f: {  	_ =	shalt  }
0x60: {  	_ =	shalt  }
0x61: {  	_ =	shalt  }
0x62: {  	_ =	shalt  }
0x63: {  	_ =	shalt  }
0x64: {  	_ =	shalt  }
0x65: {  	_ =	shalt  }
0x66: {  	_ =	shalt  }
0x67: {  	_ =	shalt  }
0x68: {  	_ =	shalt  }
0x69: {  	_ =	shalt  }
0x6a: {  	_ =	shalt  }
0x6b: {  	_ =	shalt  }
0x6c: {  	_ =	shalt  }
0x6d: {  	_ =	shalt  }
0x6e: {  	_ =	shalt  }
0x6f: {  	_ =	shalt  }
0x70: {  	_ =	shalt  }
0x71: {  	_ =	shalt  }
0x72: {  	_ =	shalt  }
0x73: {  	_ =	shalt  }
0x74: {  	_ =	shalt  }
0x75: {  	_ =	shalt  }
0x76: {  	_ =	shalt  }
0x77: {  	_ =	shalt  }
0x78: {  	_ =	shalt  }
0x79: {  	_ =	shalt  }
0x7a: {  	_ =	shalt  }
0x7b: {  	_ =	shalt  }
0x7c: {  	_ =	shalt  }
0x7d: {  	_ =	shalt  }
0x7e: {  	_ =	shalt  }
0x7f: {  	_ =	shalt  }
0x80: {  	_ =	shalt  }
0x81: {  	_ =	shalt  }
0x82: {  	_ =	shalt  }
0x83: {  	_ =	shalt  }
0x84: {  	_ =	shalt  }
0x85: {  	_ =	shalt  }
0x86: {  	_ =	shalt  }
0x87: {  	_ =	shalt  }
.Lfunc_end0:
.L_simem_size_0:
called_computation.2_lowered:
.L_overlay_start_0:
0x88: {  	s2 =	sld [smem:$0x3FD9]  }
0x89: {  	s3 =	sld [smem:$0x3FFE];
	_ =	sdelay $0x1  }
0x8a: {  	s1 =	srdreg.scid  }
0x8b: {  	s0 =	sand.u32 $0x1, s1  }
0x8c: {  	s16 =	sshll.u32 s0, $0xA;
	s2 =	sadd.s32 s3, s2  }
0x8d: {  	s2 =	sadd.s32 s2, s16  }
0x8e: {  	[smem:$0x3FC0] =	sst s2  }
0x8f: {  	_ = 	snop  }
0x90: {  	(tm) =	ssettm $0x1  }
0x91: {  	s17 =	sld [smem:$0x3FFB];
	_ =	sdelay $0x3  }
0x92: {  	_ =	strace s17  }
0x93: {  	s2 =	sld [smem:$0x3FFC];
	_ =	sdelay $0x3  }
0x94: {  	_ =	strace s2  }
0x95: {  	s2 =	sld [smem:$0x3FFD];
	_ =	sdelay $0x3  }
0x96: {  	_ =	strace s2  }
0x97: {  	_ =	strace $0x8FFFFFFF  }
0x98: {  	s18 =	sld [smem:$0x3FDB];
	_ =	sdelay $0x1  }
0x99: {  	s19 =	simm.s32 $_scs_section_size  }
0x9a: {  	s4 =	simm.s32 $_size__tile_overlayer_lowered;
	s5 =	simm.s32 $_tile_overlayer_lowered  }
0x9b: {  	s22 =	simm.s32 $0x1BFF;
	s21 =	sshll.u32 s5, $0x1;
	s2 =	sadd.s32 s19, s18  }
0x9c: {  	s6 =	simm.s32 $0x0;
	s20 =	sshll.u32 s4, $0x1;
	s4 =	sadd.s32 s21, s2  }
0x9d: {  	[timem:s6], [sflag:s22] =	dma.local [hbm:s4], s20  }
0x9e: {  	_ =	swait.ge [sflag:s22], s20  }
0x9f: {  	s3 =	ssub.s32 $0x0, s20;
	[sflag:s22] =	ssyncset.done $0x0  }
0xa0: {  	[sflag:s22] =	ssyncadd.s32 s3;
	_ =	sdelay $0x1  }
0xa1: {  	s23 =	simm.s32 $0x1B8B  }
0xa2: {  	_ =	swait.ge [sflag:s23], $0x1  }
0xa3: {  	[sflag:s23] =	ssyncset.done $0x0  }
0xa4: {  	s25 =	simm.s32 $0x1B8E;
	s24 =	sld [smem:$0x3FFE];
	[sflag:s23] =	ssyncadd.s32 $0xFFFFFFFF  }
0xa5: {  	s26 =	simm.s32 $execute0_lowered;
	[smem:$0x3FD2] =	sst s25  }
0xa6: {  	s4 =	sshll.u32 s26, $0x1;
	_ =	strace $0x8000004C;
	[dreg:$0x1] =	wrdreg $0xFFFFFFFF  }
0xa7: {  	s28 =	simm.s32 $_size_execute0_lowered;
	s2 =	sadd.s32 s2, s4;
	[dreg:$0x0] =	wrdreg $0x0  }
0xa8: {  	s4 =	sshll.u32 s28, $0x1;
	[dreg:$0x2] =	wrdreg s2  }
0xa9: {  	[dreg:$0x3] =	wrdreg s4  }
0xaa: {  	[dreg:$0x4] =	wrdreg $0xC0  }
0xab: {  	_ =	task [dreg:s6], $0x5FFFF  }
0xac: {  	[dreg:$0x1] =	wrdreg $0xFFFFFFFF  }
0xad: {  	[dreg:$0x0] =	wrdreg $0x60  }
0xae: {  	[dreg:$0x2] =	wrdreg s24  }
0xaf: {  	[dreg:$0x3] =	wrdreg $0x150000  }
0xb0: {  	[dreg:$0x4] =	wrdreg $0x9  }
0xb1: {  	_ =	task.clear_ibuf [dreg:s6], $0x5FFFF;
	_ =	strace $0x9000004C  }
0xb2: {  	s29 =	simm.s32 $0x9;
	_ =	strace $0x8000004E  }
0xb3: {  	_ =	swait.ge [sflag:s29], $0x1  }
0xb4: {  	[sflag:s29] =	ssyncadd.s32 $0xFFFFFFFF  }
0xb5: {  	_ =	strace $0x9000004E  }
0xb6: {  	_ =	sfence  }
0xb7: {  	s30 =	sld [smem:$0x0];
	_ =	sdelay $0x2  }
0xb8: {  	s31 =	sshll.u32 s1, $0xD;
	s1 =	sshrl.u32 s1, $0x2  }
0xb9: {  	s3 =	sand.u32 $0x4000, s31;
	s1 =	sadd.s32 s1, s30  }
0xba: {  	s0 =	sor.u32 s3, s0;
	s1 =	sshll.u32 s1, $0x11  }
0xbb: {  	s0 =	sor.u32 s1, s0  }
0xbc: {  	s0 =	sadd.s32 $0x8F2B, s0  }
0xbd: {  	[sflag:s0] =	ssyncadd.remote.s32 $0x1  }
0xbe: {  	_ =	sfence.sel $0xFFFF  }
0xbf: {  	[dreg:$0x0] =	wrdreg $0xFFFFFFFF;
	(pc) =	sbr.abs _section_cstart, $3  }
0xc0: {  	[dreg:$0x1] =	wrdreg $0xFFFFFFFF  }
0xc1: {  	_ =	task.clear_ibuf [dreg:s6], $0x2FFFF;
	_ =	strace $0x9FFFFFFF  }
0xc2: {  	(tm) =	ssettm $0x7FFFFFFF  }
0xc3: {  	_ =	shalt  }
tec
execute0_lowered:
.L_overlay_start_1:
0x0: {  	(tag) =	ssettag $0x1  }
0x1: {  	s0 =	srdreg.scid;
	s1 =	rddreg [dreg:$0x0]  }
0x2: {  	s9 =	stileid.u32;
	s2 =	rddreg [dreg:$0x1]  }
0x3: {  	s4 =	simm.s32 $0x0;
	s13 =	simm.s32 $0x11;
	s14 =	simm.s32 $0x80  }
0x4: {  	s15 =	simm.s32 $0x5000;
	s16 =	simm.s32 $0x7000;
	s18 =	simm.s32 $0x9000  }
0x5: {  	s20 =	simm.s32 $0xB000;
	s29 =	simm.s32 $0x13000;
	s30 =	simm.s32 $0x1  }
0x6: {  	s31 =	simm.s32 $0x2;
	s11 =	simm.s32 $0x5;
	s17 =	simm.s32 $0x6  }
0x7: {  	s19 =	simm.s32 $0x7;
	s21 =	simm.s32 $0x8;
	s28 =	simm.s32 $0xB  }
0x8: {  	s0 =	sand.u32 $0x1, s0;
	s3 =	sshll.u32 s9, $0x1;
	[smem:$0x7FF] =	sst s4  }
0x9: {  	s5 =	smul.u32 $0xA000, s9;
	s4 =	sadd.s32 $0x18800, s1;
	s26 =	sshll.u32 s9, $0x6  }
0xa: {  	s9 =	simm.s32 $0x10;
	s3 =	sor.u32 s0, s3;
	_ =	strace $0x8000004D  }
0xb: {  	s6 =	ssub.s32 $0x2, s0;
	p0 =	seq.s32 s0, $0x1;
	s0 =	simm.s32 $0x54800  }
0xc: {  	s12 =	sor.u32 $0x1C11, s26;
	s26 =	simm.s32 $0x11000;
	s3 =	smul.u32 $0x2800, s3  }
0xd: {  	s7 =	sshrl.u32 s5, $0x3;
	s8 =	sshrl.u32 s6, $0x1;
	s23 =	sadd.s32 s5, s2  }
0xe: {  	s0 =	simm.s32 @!p0 $0x40800;
	s5 =	simm.s32 $0xC;
	[dreg:$0xa] =	wrdreg s12  }
0xf: {  	s6 =	ssub.s32 s6, s8;
	s10 =	sshrl.u32 s23, $0x3;
	s23 =	simm.s32 $0x9  }
0x10: {  	s8 =	simm.s32 $0xF;
	s3 =	sshrl.u32 s3, $0x3;
	s25 =	smax.u32 s6, $0x1  }
0x11: {  	s6 =	simm.s32 $0xD;
	[dreg:$0x8] =	wrdreg s10;
	s3 =	sadd.s32 s3, s1  }
0x12: {  	s1 =	sadd.s32 s7, s1;
	[dreg:$0x6] =	wrdreg s25;
	s22 =	sadd.s32 $0x4800, s3  }
0x13: {  	s25 =	simm.s32 $0xA;
	s3 =	sadd.s32 $0xE800, s3;
	[dreg:$0x3] =	wrdreg s22  }
0x14: {  	s7 =	simm.s32 $0xE;
	s24 =	sadd.s32 $0x2C800, s1;
	[dreg:$0x4] =	wrdreg s3  }
0x15: {  	s0 =	sadd.s32 s0, s1;
	s1 =	simm.s32 $0x3;
	[dreg:$0x5] =	wrdreg s24  }
0x16: {  	[dreg:$0x7] =	wrdreg s0;
	s22 =	simm.s32 $0xD000;
	s3 =	simm.s32 $0x0  }
0x17: {  	s24 =	simm.s32 $0xF000;
	s0 =	simm.s32 $0x4;
	[dreg:$0x9] =	wrdreg s3  }
.LBB2_1:
0x18: {  	s3 =	simm.s32 $0x0;
	s12 =	rddreg [dreg:$0x3]  }
0x19: {  	[tilespmem:s3], [sflag:$0x11] =	stream.linear.gather [hbm4b:s12+s3], $0x2800, $0x38;
	[tilespmem:$0x1F000] =	vst v63  }
0x1a: {  	_ =	swait.ge [sflag:s13], $0x2800  }
0x1b: {  	s10 =	simm.s32 $0x0;
	[sflag:s13] =	ssyncset.done $0x0  }
0x1c: {  	s3 =	simm.s32 $0x2800;
	s12 =	rddreg [dreg:$0x4];
	[sflag:s13] =	ssyncadd.s32 $0xFFFFD800  }
0x1d: {  	[tilespmem:s3], [sflag:$0x11] =	stream.linear.gather [hbm4b:s12+s10], $0x2800, $0x38;
	[tilespmem:$0x1F000] =	vst v63  }
0x1e: {  	_ =	swait.ge [sflag:s13], $0x2800  }
0x1f: {  	s12 =	rddreg [dreg:$0x5]  }
0x20: {  	[sflag:s13] =	ssyncset.done $0x0;
	s10 =	rddreg [dreg:$0x8]  }
0x21: {  	s3 =	rddreg [dreg:$0xa];
	[sflag:s13] =	ssyncadd.s32 $0xFFFFD800  }
0x22: {  	[spmem:s10], [sflag:s3] =	dma.local [hbm:s12], $0x1400  }
0x23: {  	_ =	swait.ge [sflag:s13], $0x1400  }
0x24: {  	[sflag:s13] =	ssyncset.done $0x0  }
0x25: {  	[sflag:s13] =	ssyncadd.s32 $0xFFFFEC00  }
0x26: {  	s13 =	simm.s32 $0x0;
	[bflag:$0x0] =	sbarrier.arrive $0xFFFF  }
0x27: {  	[tilespmem:s15], [sflag:$0x1] =	stream.indirect.gather [hbm4b:s4+s14], $0x40, s13, s14, $0xb8;
	[tilespmem:$0x1F000] =	vst v63  }
0x28: {  	_ = 	snop  }
0x29: {  	[tilespmem:s16], [sflag:$0x2] =	stream.indirect.gather [hbm4b:s4+s14], $0x40, s14, s14, $0xb8;
	[tilespmem:$0x1F000] =	vst v63  }
0x2a: {  	s10 =	simm.s32 $0x100  }
0x2b: {  	[tilespmem:s18], [sflag:$0x3] =	stream.indirect.gather [hbm4b:s4+s14], $0x40, s10, s14, $0xb8;
	[tilespmem:$0x1F000] =	vst v63  }
0x2c: {  	s12 =	simm.s32 $0x180  }
0x2d: {  	[tilespmem:s20], [sflag:$0x4] =	stream.indirect.gather [hbm4b:s4+s14], $0x40, s12, s14, $0xb8;
	[tilespmem:$0x1F000] =	vst v63  }
0x2e: {  	s13 =	simm.s32 $0x200  }
0x2f: {  	[tilespmem:s22], [sflag:$0x5] =	stream.indirect.gather [hbm4b:s4+s14], $0x40, s13, s14, $0xb8;
	[tilespmem:$0x1F000] =	vst v63  }
0x30: {  	s10 =	simm.s32 $0x280  }
0x31: {  	[tilespmem:s24], [sflag:$0x6] =	stream.indirect.gather [hbm4b:s4+s14], $0x40, s10, s14, $0xb8;
	[tilespmem:$0x1F000] =	vst v63  }
0x32: {  	s12 =	simm.s32 $0x300  }
0x33: {  	[tilespmem:s26], [sflag:$0x7] =	stream.indirect.gather [hbm4b:s4+s14], $0x40, s12, s14, $0xb8;
	[tilespmem:$0x1F000] =	vst v63  }
0x34: {  	s13 =	simm.s32 $0x380  }
0x35: {  	[tilespmem:s29], [sflag:$0x8] =	stream.indirect.gather [hbm4b:s4+s14], $0x40, s13, s14, $0xb8;
	[tilespmem:$0x1F000] =	vst v63  }
0x36: {  	_ =	swait.ge [sflag:s30], $0x2000  }
0x37: {  	[sflag:s30] =	ssyncset.done $0x0  }
0x38: {  	s3 =	simm.s32 $0x2800;
	[sflag:s30] =	ssyncadd.s32 $0xFFFFE000  }
0x39: {  	[spmem:s2] =	stream.indirect.scatter.add.f32 [tilespmem:s15], [sflag:$0x9], $0x40, s3, s14, $0xb8;
	[tilespmem:$0x1F000] =	vst v63  }
0x3a: {  	_ =	swait.ge [sflag:s31], $0x2000  }
0x3b: {  	[sflag:s31] =	ssyncset.done $0x0  }
0x3c: {  	s10 =	simm.s32 $0x2880;
	[sflag:s31] =	ssyncadd.s32 $0xFFFFE000  }
0x3d: {  	[spmem:s2] =	stream.indirect.scatter.add.f32 [tilespmem:s16], [sflag:$0xA], $0x40, s10, s14, $0xb8;
	[tilespmem:$0x1F000] =	vst v63  }
0x3e: {  	_ =	swait.ge [sflag:s1], $0x2000  }
0x3f: {  	[sflag:s1] =	ssyncset.done $0x0  }
0x40: {  	s13 =	simm.s32 $0x2900;
	[sflag:s1] =	ssyncadd.s32 $0xFFFFE000  }
0x41: {  	[spmem:s2] =	stream.indirect.scatter.add.f32 [tilespmem:s18], [sflag:$0xB], $0x40, s13, s14, $0xb8;
	[tilespmem:$0x1F000] =	vst v63  }
0x42: {  	_ =	swait.ge [sflag:s0], $0x2000  }
0x43: {  	[sflag:s0] =	ssyncset.done $0x0  }
0x44: {  	s3 =	simm.s32 $0x2980;
	[sflag:s0] =	ssyncadd.s32 $0xFFFFE000  }
0x45: {  	[spmem:s2] =	stream.indirect.scatter.add.f32 [tilespmem:s20], [sflag:$0xC], $0x40, s3, s14, $0xb8;
	[tilespmem:$0x1F000] =	vst v63  }
0x46: {  	_ =	swait.ge [sflag:s11], $0x2000  }
0x47: {  	[sflag:s11] =	ssyncset.done $0x0  }
0x48: {  	s10 =	simm.s32 $0x2A00;
	[sflag:s11] =	ssyncadd.s32 $0xFFFFE000  }
0x49: {  	[spmem:s2] =	stream.indirect.scatter.add.f32 [tilespmem:s22], [sflag:$0xD], $0x40, s10, s14, $0xb8;
	[tilespmem:$0x1F000] =	vst v63  }
0x4a: {  	_ =	swait.ge [sflag:s17], $0x2000  }
0x4b: {  	[sflag:s17] =	ssyncset.done $0x0  }
0x4c: {  	s13 =	simm.s32 $0x2A80;
	[sflag:s17] =	ssyncadd.s32 $0xFFFFE000  }
0x4d: {  	[spmem:s2] =	stream.indirect.scatter.add.f32 [tilespmem:s24], [sflag:$0xE], $0x40, s13, s14, $0xb8;
	[tilespmem:$0x1F000] =	vst v63  }
0x4e: {  	_ =	swait.ge [sflag:s19], $0x2000  }
0x4f: {  	[sflag:s19] =	ssyncset.done $0x0  }
0x50: {  	s3 =	simm.s32 $0x2B00;
	[sflag:s19] =	ssyncadd.s32 $0xFFFFE000  }
0x51: {  	[spmem:s2] =	stream.indirect.scatter.add.f32 [tilespmem:s26], [sflag:$0xF], $0x40, s3, s14, $0xb8;
	[tilespmem:$0x1F000] =	vst v63  }
0x52: {  	_ =	swait.ge [sflag:s21], $0x2000  }
0x53: {  	[sflag:s21] =	ssyncset.done $0x0  }
0x54: {  	s10 =	simm.s32 $0x2B80;
	[sflag:s21] =	ssyncadd.s32 $0xFFFFE000  }
0x55: {  	[spmem:s2] =	stream.indirect.scatter.add.f32 [tilespmem:s29], [sflag:$0x10], $0x40, s10, s14, $0xb8;
	[tilespmem:$0x1F000] =	vst v63  }
0x56: {  	_ =	swait.ge [sflag:s23], $0x2000  }
0x57: {  	[sflag:s23] =	ssyncset.done $0x0  }
0x58: {  	s13 =	simm.s32 $0x400;
	[sflag:s23] =	ssyncadd.s32 $0xFFFFE000  }
0x59: {  	[tilespmem:s15], [sflag:$0x1] =	stream.indirect.gather [hbm4b:s4+s14], $0x40, s13, s14, $0xb8;
	[tilespmem:$0x1F000] =	vst v63  }
0x5a: {  	_ =	swait.ge [sflag:s25], $0x2000  }
0x5b: {  	[sflag:s25] =	ssyncset.done $0x0  }
0x5c: {  	s3 =	simm.s32 $0x480;
	[sflag:s25] =	ssyncadd.s32 $0xFFFFE000  }
0x5d: {  	[tilespmem:s16], [sflag:$0x2] =	stream.indirect.gather [hbm4b:s4+s14], $0x40, s3, s14, $0xb8;
	[tilespmem:$0x1F000] =	vst v63  }
0x5e: {  	_ =	swait.ge [sflag:s28], $0x2000  }
0x5f: {  	[sflag:s28] =	ssyncset.done $0x0  }
0x60: {  	s10 =	simm.s32 $0x500;
	[sflag:s28] =	ssyncadd.s32 $0xFFFFE000  }
0x61: {  	[tilespmem:s18], [sflag:$0x3] =	stream.indirect.gather [hbm4b:s4+s14], $0x40, s10, s14, $0xb8;
	[tilespmem:$0x1F000] =	vst v63  }
0x62: {  	_ =	swait.ge [sflag:s5], $0x2000  }
0x63: {  	[sflag:s5] =	ssyncset.done $0x0  }
0x64: {  	s13 =	simm.s32 $0x580;
	[sflag:s5] =	ssyncadd.s32 $0xFFFFE000  }
0x65: {  	[tilespmem:s20], [sflag:$0x4] =	stream.indirect.gather [hbm4b:s4+s14], $0x40, s13, s14, $0xb8;
	[tilespmem:$0x1F000] =	vst v63  }
0x66: {  	_ =	swait.ge [sflag:s6], $0x2000  }
0x67: {  	[sflag:s6] =	ssyncset.done $0x0  }
0x68: {  	s3 =	simm.s32 $0x600;
	[sflag:s6] =	ssyncadd.s32 $0xFFFFE000  }
0x69: {  	[tilespmem:s22], [sflag:$0x5] =	stream.indirect.gather [hbm4b:s4+s14], $0x40, s3, s14, $0xb8;
	[tilespmem:$0x1F000] =	vst v63  }
0x6a: {  	_ =	swait.ge [sflag:s7], $0x2000  }
0x6b: {  	[sflag:s7] =	ssyncset.done $0x0  }
0x6c: {  	s10 =	simm.s32 $0x680;
	[sflag:s7] =	ssyncadd.s32 $0xFFFFE000  }
0x6d: {  	[tilespmem:s24], [sflag:$0x6] =	stream.indirect.gather [hbm4b:s4+s14], $0x40, s10, s14, $0xb8;
	[tilespmem:$0x1F000] =	vst v63  }
0x6e: {  	_ =	swait.ge [sflag:s8], $0x2000  }
0x6f: {  	[sflag:s8] =	ssyncset.done $0x0  }
0x70: {  	s13 =	simm.s32 $0x700;
	[sflag:s8] =	ssyncadd.s32 $0xFFFFE000  }
0x71: {  	[tilespmem:s26], [sflag:$0x7] =	stream.indirect.gather [hbm4b:s4+s14], $0x40, s13, s14, $0xb8;
	[tilespmem:$0x1F000] =	vst v63  }
0x72: {  	_ =	swait.ge [sflag:s9], $0x2000  }
0x73: {  	s12 =	simm.s32 $0x1000;
	[sflag:s9] =	ssyncset.done $0x0  }
0x74: {  	s13 =	simm.s32 $0x780;
	s3 =	rddreg [dreg:$0xa];
	[sflag:s9] =	ssyncadd.s32 $0xFFFFE000  }
.LBB2_2:
0x75: {  	[tilespmem:s29], [sflag:$0x8] =	stream.indirect.gather [hbm4b:s4+s14], $0x40, s13, s14, $0xb8;
	[tilespmem:$0x1F000] =	vst v63  }
0x76: {  	s13 =	smov.u32 s12  }
0x77: {  	p0 =	sne.s32 s12, $0x8000;
	s12 =	sadd.s32 $0x1000, s12;
	_ =	swait.ge [sflag:s30], $0x2000  }
0x78: {  	s13 =	sshra.s32 s13, $0x2;
	[sflag:s30] =	ssyncset.done $0x0  }
0x79: {  	s10 =	sadd.s32 $0x2800, s13;
	[sflag:s30] =	ssyncadd.s32 $0xFFFFE000  }
0x7a: {  	[spmem:s2] =	stream.indirect.scatter.add.f32 [tilespmem:s15], [sflag:$0x9], $0x40, s10, s14, $0xb8;
	[tilespmem:$0x1F000] =	vst v63  }
0x7b: {  	_ =	swait.ge [sflag:s31], $0x2000  }
0x7c: {  	[sflag:s31] =	ssyncset.done $0x0  }
0x7d: {  	s10 =	sadd.s32 $0x2880, s13;
	[sflag:s31] =	ssyncadd.s32 $0xFFFFE000  }
0x7e: {  	[spmem:s2] =	stream.indirect.scatter.add.f32 [tilespmem:s16], [sflag:$0xA], $0x40, s10, s14, $0xb8;
	[tilespmem:$0x1F000] =	vst v63  }
0x7f: {  	_ =	swait.ge [sflag:s1], $0x2000  }
0x80: {  	[sflag:s1] =	ssyncset.done $0x0  }
0x81: {  	s10 =	sadd.s32 $0x2900, s13;
	[sflag:s1] =	ssyncadd.s32 $0xFFFFE000  }
0x82: {  	[spmem:s2] =	stream.indirect.scatter.add.f32 [tilespmem:s18], [sflag:$0xB], $0x40, s10, s14, $0xb8;
	[tilespmem:$0x1F000] =	vst v63  }
0x83: {  	_ =	swait.ge [sflag:s0], $0x2000  }
0x84: {  	[sflag:s0] =	ssyncset.done $0x0  }
0x85: {  	s10 =	sadd.s32 $0x2980, s13;
	[sflag:s0] =	ssyncadd.s32 $0xFFFFE000  }
0x86: {  	[spmem:s2] =	stream.indirect.scatter.add.f32 [tilespmem:s20], [sflag:$0xC], $0x40, s10, s14, $0xb8;
	[tilespmem:$0x1F000] =	vst v63  }
0x87: {  	_ =	swait.ge [sflag:s11], $0x2000  }
0x88: {  	[sflag:s11] =	ssyncset.done $0x0  }
0x89: {  	s10 =	sadd.s32 $0x2A00, s13;
	[sflag:s11] =	ssyncadd.s32 $0xFFFFE000  }
0x8a: {  	[spmem:s2] =	stream.indirect.scatter.add.f32 [tilespmem:s22], [sflag:$0xD], $0x40, s10, s14, $0xb8;
	[tilespmem:$0x1F000] =	vst v63  }
0x8b: {  	_ =	swait.ge [sflag:s17], $0x2000  }
0x8c: {  	[sflag:s17] =	ssyncset.done $0x0  }
0x8d: {  	s10 =	sadd.s32 $0x2A80, s13;
	[sflag:s17] =	ssyncadd.s32 $0xFFFFE000  }
0x8e: {  	[spmem:s2] =	stream.indirect.scatter.add.f32 [tilespmem:s24], [sflag:$0xE], $0x40, s10, s14, $0xb8;
	[tilespmem:$0x1F000] =	vst v63  }
0x8f: {  	_ =	swait.ge [sflag:s19], $0x2000  }
0x90: {  	[sflag:s19] =	ssyncset.done $0x0  }
0x91: {  	s10 =	sadd.s32 $0x2B00, s13;
	[sflag:s19] =	ssyncadd.s32 $0xFFFFE000  }
0x92: {  	[spmem:s2] =	stream.indirect.scatter.add.f32 [tilespmem:s26], [sflag:$0xF], $0x40, s10, s14, $0xb8;
	[tilespmem:$0x1F000] =	vst v63  }
0x93: {  	_ =	swait.ge [sflag:s21], $0x2000  }
0x94: {  	[sflag:s21] =	ssyncset.done $0x0  }
0x95: {  	s10 =	sadd.s32 $0x2B80, s13;
	[sflag:s21] =	ssyncadd.s32 $0xFFFFE000  }
0x96: {  	[spmem:s2] =	stream.indirect.scatter.add.f32 [tilespmem:s29], [sflag:$0x10], $0x40, s10, s14, $0xb8;
	[tilespmem:$0x1F000] =	vst v63  }
0x97: {  	_ =	swait.ge [sflag:s23], $0x2000  }
0x98: {  	[sflag:s23] =	ssyncset.done $0x0  }
0x99: {  	s10 =	sadd.s32 $0x400, s13;
	[sflag:s23] =	ssyncadd.s32 $0xFFFFE000  }
0x9a: {  	[tilespmem:s15], [sflag:$0x1] =	stream.indirect.gather [hbm4b:s4+s14], $0x40, s10, s14, $0xb8;
	[tilespmem:$0x1F000] =	vst v63  }
0x9b: {  	_ =	swait.ge [sflag:s25], $0x2000  }
0x9c: {  	[sflag:s25] =	ssyncset.done $0x0  }
0x9d: {  	s10 =	sadd.s32 $0x480, s13;
	[sflag:s25] =	ssyncadd.s32 $0xFFFFE000  }
0x9e: {  	[tilespmem:s16], [sflag:$0x2] =	stream.indirect.gather [hbm4b:s4+s14], $0x40, s10, s14, $0xb8;
	[tilespmem:$0x1F000] =	vst v63  }
0x9f: {  	_ =	swait.ge [sflag:s28], $0x2000  }
0xa0: {  	[sflag:s28] =	ssyncset.done $0x0  }
0xa1: {  	s10 =	sadd.s32 $0x500, s13;
	[sflag:s28] =	ssyncadd.s32 $0xFFFFE000  }
0xa2: {  	[tilespmem:s18], [sflag:$0x3] =	stream.indirect.gather [hbm4b:s4+s14], $0x40, s10, s14, $0xb8;
	[tilespmem:$0x1F000] =	vst v63  }
0xa3: {  	_ =	swait.ge [sflag:s5], $0x2000  }
0xa4: {  	[sflag:s5] =	ssyncset.done $0x0  }
0xa5: {  	s10 =	sadd.s32 $0x580, s13;
	[sflag:s5] =	ssyncadd.s32 $0xFFFFE000  }
0xa6: {  	[tilespmem:s20], [sflag:$0x4] =	stream.indirect.gather [hbm4b:s4+s14], $0x40, s10, s14, $0xb8;
	[tilespmem:$0x1F000] =	vst v63  }
0xa7: {  	_ =	swait.ge [sflag:s6], $0x2000  }
0xa8: {  	[sflag:s6] =	ssyncset.done $0x0  }
0xa9: {  	s10 =	sadd.s32 $0x600, s13;
	[sflag:s6] =	ssyncadd.s32 $0xFFFFE000  }
0xaa: {  	[tilespmem:s22], [sflag:$0x5] =	stream.indirect.gather [hbm4b:s4+s14], $0x40, s10, s14, $0xb8;
	[tilespmem:$0x1F000] =	vst v63  }
0xab: {  	_ =	swait.ge [sflag:s7], $0x2000  }
0xac: {  	[sflag:s7] =	ssyncset.done $0x0  }
0xad: {  	s10 =	sadd.s32 $0x680, s13;
	[sflag:s7] =	ssyncadd.s32 $0xFFFFE000  }
0xae: {  	[tilespmem:s24], [sflag:$0x6] =	stream.indirect.gather [hbm4b:s4+s14], $0x40, s10, s14, $0xb8;
	[tilespmem:$0x1F000] =	vst v63  }
0xaf: {  	_ =	swait.ge [sflag:s8], $0x2000  }
0xb0: {  	[sflag:s8] =	ssyncset.done $0x0  }
.Ltmp0:
0xb1: {  	s10 =	sadd.s32 $0x700, s13;
	[sflag:s8] =	ssyncadd.s32 $0xFFFFE000;
	(pc) =	sbr.rel @p0 .LBB2_2-.Ltmp0, $4  }
0xb2: {  	[tilespmem:s26], [sflag:$0x7] =	stream.indirect.gather [hbm4b:s4+s14], $0x40, s10, s14, $0xb8;
	[tilespmem:$0x1F000] =	vst v63  }
0xb3: {  	_ =	swait.ge [sflag:s9], $0x2000  }
0xb4: {  	[sflag:s9] =	ssyncset.done $0x0  }
0xb5: {  	s13 =	sadd.s32 $0x780, s13;
	[sflag:s9] =	ssyncadd.s32 $0xFFFFE000  }
0xb6: {  	[tilespmem:s29], [sflag:$0x8] =	stream.indirect.gather [hbm4b:s4+s14], $0x40, s13, s14, $0xb8;
	[tilespmem:$0x1F000] =	vst v63  }
0xb7: {  	_ =	swait.ge [sflag:s30], $0x2000  }
0xb8: {  	[sflag:s30] =	ssyncset.done $0x0  }
0xb9: {  	s10 =	simm.s32 $0x4C00;
	[sflag:s30] =	ssyncadd.s32 $0xFFFFE000  }
0xba: {  	[spmem:s2] =	stream.indirect.scatter.add.f32 [tilespmem:s15], [sflag:$0x9], $0x40, s10, s14, $0xb8;
	[tilespmem:$0x1F000] =	vst v63  }
0xbb: {  	_ =	swait.ge [sflag:s31], $0x2000  }
0xbc: {  	[sflag:s31] =	ssyncset.done $0x0  }
0xbd: {  	s12 =	simm.s32 $0x4C80;
	[sflag:s31] =	ssyncadd.s32 $0xFFFFE000  }
0xbe: {  	[spmem:s2] =	stream.indirect.scatter.add.f32 [tilespmem:s16], [sflag:$0xA], $0x40, s12, s14, $0xb8;
	[tilespmem:$0x1F000] =	vst v63  }
0xbf: {  	_ =	swait.ge [sflag:s1], $0x2000  }
0xc0: {  	[sflag:s1] =	ssyncset.done $0x0  }
0xc1: {  	s13 =	simm.s32 $0x4D00;
	[sflag:s1] =	ssyncadd.s32 $0xFFFFE000  }
0xc2: {  	[spmem:s2] =	stream.indirect.scatter.add.f32 [tilespmem:s18], [sflag:$0xB], $0x40, s13, s14, $0xb8;
	[tilespmem:$0x1F000] =	vst v63  }
0xc3: {  	_ =	swait.ge [sflag:s0], $0x2000  }
0xc4: {  	[sflag:s0] =	ssyncset.done $0x0  }
0xc5: {  	s12 =	simm.s32 $0x4D80;
	[sflag:s0] =	ssyncadd.s32 $0xFFFFE000  }
0xc6: {  	[spmem:s2] =	stream.indirect.scatter.add.f32 [tilespmem:s20], [sflag:$0xC], $0x40, s12, s14, $0xb8;
	[tilespmem:$0x1F000] =	vst v63  }
0xc7: {  	_ =	swait.ge [sflag:s11], $0x2000  }
0xc8: {  	[sflag:s11] =	ssyncset.done $0x0  }
0xc9: {  	s13 =	simm.s32 $0x4E00;
	[sflag:s11] =	ssyncadd.s32 $0xFFFFE000  }
0xca: {  	[spmem:s2] =	stream.indirect.scatter.add.f32 [tilespmem:s22], [sflag:$0xD], $0x40, s13, s14, $0xb8;
	[tilespmem:$0x1F000] =	vst v63  }
0xcb: {  	_ =	swait.ge [sflag:s17], $0x2000  }
0xcc: {  	[sflag:s17] =	ssyncset.done $0x0  }
0xcd: {  	s12 =	simm.s32 $0x4E80;
	[sflag:s17] =	ssyncadd.s32 $0xFFFFE000  }
0xce: {  	[spmem:s2] =	stream.indirect.scatter.add.f32 [tilespmem:s24], [sflag:$0xE], $0x40, s12, s14, $0xb8;
	[tilespmem:$0x1F000] =	vst v63  }
0xcf: {  	_ =	swait.ge [sflag:s19], $0x2000  }
0xd0: {  	[sflag:s19] =	ssyncset.done $0x0  }
0xd1: {  	s13 =	simm.s32 $0x4F00;
	[sflag:s19] =	ssyncadd.s32 $0xFFFFE000  }
0xd2: {  	[spmem:s2] =	stream.indirect.scatter.add.f32 [tilespmem:s26], [sflag:$0xF], $0x40, s13, s14, $0xb8;
	[tilespmem:$0x1F000] =	vst v63  }
0xd3: {  	_ =	swait.ge [sflag:s21], $0x2000  }
0xd4: {  	[sflag:s21] =	ssyncset.done $0x0  }
0xd5: {  	s12 =	simm.s32 $0x4F80;
	[sflag:s21] =	ssyncadd.s32 $0xFFFFE000  }
0xd6: {  	[spmem:s2] =	stream.indirect.scatter.add.f32 [tilespmem:s29], [sflag:$0x10], $0x40, s12, s14, $0xb8;
	[tilespmem:$0x1F000] =	vst v63  }
0xd7: {  	_ =	swait.ge [sflag:s23], $0x2000  }
0xd8: {  	[sflag:s23] =	ssyncset.done $0x0  }
0xd9: {  	[sflag:s23] =	ssyncadd.s32 $0xFFFFE000  }
0xda: {  	_ =	swait.ge [sflag:s25], $0x2000  }
0xdb: {  	[sflag:s25] =	ssyncset.done $0x0  }
0xdc: {  	[sflag:s25] =	ssyncadd.s32 $0xFFFFE000  }
0xdd: {  	_ =	swait.ge [sflag:s28], $0x2000  }
0xde: {  	[sflag:s28] =	ssyncset.done $0x0  }
0xdf: {  	[sflag:s28] =	ssyncadd.s32 $0xFFFFE000  }
0xe0: {  	_ =	swait.ge [sflag:s5], $0x2000  }
0xe1: {  	[sflag:s5] =	ssyncset.done $0x0  }
0xe2: {  	[sflag:s5] =	ssyncadd.s32 $0xFFFFE000  }
0xe3: {  	_ =	swait.ge [sflag:s6], $0x2000  }
0xe4: {  	[sflag:s6] =	ssyncset.done $0x0  }
0xe5: {  	[sflag:s6] =	ssyncadd.s32 $0xFFFFE000  }
0xe6: {  	_ =	swait.ge [sflag:s7], $0x2000  }
0xe7: {  	[sflag:s7] =	ssyncset.done $0x0  }
0xe8: {  	[sflag:s7] =	ssyncadd.s32 $0xFFFFE000  }
0xe9: {  	_ =	swait.ge [sflag:s8], $0x2000  }
0xea: {  	[sflag:s8] =	ssyncset.done $0x0  }
0xeb: {  	[sflag:s8] =	ssyncadd.s32 $0xFFFFE000  }
0xec: {  	_ =	swait.ge [sflag:s9], $0x2000  }
0xed: {  	[sflag:s9] =	ssyncset.done $0x0  }
0xee: {  	[sflag:s9] =	ssyncadd.s32 $0xFFFFE000  }
0xef: {  	[bflag:$0x0] =	sbarrier.arrive $0xFFFF  }
0xf0: {  	s13 =	rddreg [dreg:$0x7]  }
0xf1: {  	s12 =	rddreg [dreg:$0x8]  }
0xf2: {  	[hbm:s13], [sflag:s3] =	dma.local [spmem:s12], $0x1400  }
0xf3: {  	s13 =	simm.s32 $0x11  }
0xf4: {  	_ =	swait.ge [sflag:s13], $0x1400  }
0xf5: {  	s10 =	rddreg [dreg:$0x9]  }
0xf6: {  	s12 =	rddreg [dreg:$0x6];
	s3 =	sadd.s32 $0x1, s10  }
0xf7: {  	p0 =	sne.s32 s3, s12  }
.Ltmp1:
0xf8: {  	_ = 	snop;
	(pc) =	sbr.rel @p0 .LBB2_1-.Ltmp1, $3  }
0xf9: {  	_ =	sdelay $0x1  }
0xfa: {  	[sflag:s13] =	ssyncset.done $0x0  }
0xfb: {  	[sflag:s13] =	ssyncadd.s32 $0xFFFFEC00;
	[dreg:$0x9] =	wrdreg s3  }
0xfc: {  	_ =	sfence.sel $0x180000  }
0xfd: {  	[bflag:$0x0] =	sbarrier.arrive $0xFFFF  }
0xfe: {  	_ =	strace $0x9000004D  }
0xff: {  	s0 =	stileid.u32;
	[bflag:$0x2] =	sbarrier.arrive $0xFFFF  }
0x100: {  	p0 =	sne.s32 s0, $0x0;
	s0 =	rddreg [dreg:$0x2]  }
0x101: {  	s0 =	sadd.s32 @!p0 $0x100000, s0  }
0x102: {  	[sflag:s0] =	ssyncadd.tile.s32 @!p0 $0x1;
	_ =	shalt  }
.Lfunc_end2:
_tile_overlayer_lowered:
.L_overlay_start_2:
0x103: {  	(tag) =	ssettag $0x2  }
0x104: {  	s0 =	rddreg [dreg:$0x0];
	s2 =	stileid.u32  }
0x105: {  	s1 =	rddreg [dreg:$0x1];
	p0 =	sne.s32 s2, $0x0  }
0x106: {  	s3 =	rddreg [dreg:$0x2];
	[bflag:$0x3] =	sbarrier.arrive $0xFFFF;
	s2 =	simm.s32 @!p0 $0x1C11  }
0x107: {  	[timem:s3], [sflag:s2] =	dma.local @!p0 [hbm:s0], s1  }
0x108: {  	s0 =	simm.s32 @!p0 $0x11  }
0x109: {  	_ =	swait.ge @!p0 [sflag:s0], s1  }
0x10a: {  	s1 =	ssub.s32 @!p0 $0x0, s1;
	[sflag:s0] =	ssyncset.done @!p0 $0x0  }
0x10b: {  	[sflag:s0] =	ssyncadd.s32 @!p0 s1  }
0x10c: {  	[bflag:$0x3] =	sbarrier.arrive $0xFFFF  }
0x10d: {  	_ =	shalt  }

// kernel: kernel.19.cloned.1.call-start
scs
__scs_entry_jumppad:
0x0: {  	(pc) =	sbr.rel $0x88, $3  }
0x1: {  	(tag) =	ssettag $0x0;
	lr =	simm.s32 $0x1  }
0x2: {  	[smem:$0x3F99] =	sst lr;
	_ =	strace $0xD0000000  }
0x3: {  	_ = 	snop  }
0x4: {  	_ = 	snop  }
0x5: {  	_ = 	snop  }
0x6: {  	_ = 	snop  }
0x7: {  	_ = 	snop  }
__scs_overlays_trampoline_lowered:
0x8: {  	[smem:$0x3FA8] =	sst s0  }
0x9: {  	[smem:$0x3FA9] =	sst s1  }
0xa: {  	[smem:$0x3FAA] =	sst s2  }
0xb: {  	[smem:$0x3FAB] =	sst s3  }
0xc: {  	[smem:$0x3FAC] =	sst s4  }
0xd: {  	[smem:$0x3FAD] =	sst s5  }
0xe: {  	[smem:$0x3FAE] =	sst s6  }
0xf: {  	[smem:$0x3FAF] =	sst s7  }
0x10: {  	[smem:$0x3FB0] =	sst s8  }
0x11: {  	[smem:$0x3FB1] =	sst s9;
	s0 =	simm.s32 @!p0 $0x0  }
0x12: {  	s1 =	sld [smem:$0x3F97];
	s0 =	simm.s32 @p0 $0x1  }
0x13: {  	[smem:$0x3FB2] =	sst s0;
	s0 =	simm.s32 @!p1 $0x0  }
0x14: {  	s2 =	sld [smem:$0x3F96];
	s0 =	simm.s32 @p1 $0x1  }
0x15: {  	[smem:$0x3FB3] =	sst s0;
	s0 =	simm.s32 @!p2 $0x0  }
0x16: {  	s3 =	sld [smem:$0x3FDB];
	s0 =	simm.s32 @p2 $0x1  }
0x17: {  	s4 =	simm.s32 $0x1BF5;
	[smem:$0x3FB5] =	sst s0  }
0x18: {  	s0 =	sld [smem:$0x3F98];
	_ =	swait.ge [sflag:s4], $0x0  }
0x19: {  	s7 =	sld [smem:$0x3F99]  }
0x1a: {  	s8 =	sadd.s32 $0xFFFFE003, lr  }
0x1b: {  	s9 =	sadd.s32 $0xFFFFFEF7, lr;
	s5 =	simm.s32 $0xFFFFFFFF;
	p2 =	slt.u32 s8, $0xFFFFF086  }
0x1c: {  	p1 =	slt.u32 s9, $0xF7A;
	s5 =	simm.s32 @!p2 $0x0  }
0x1d: {  	s5 =	simm.s32 @p1 $0x1;
	p0 =	seq.s32 s7, s2  }
0x1e: {  	s7 =	smul.u32 @!p0 $0xF7A, s2;
	p2 =	seq.s32 @!p0 s5, $0x0  }
0x1f: {  	s9 =	smul.u32 $0xF7A, s1;
	s8 =	simm.s32 @!p0 $0x1BF5;
	p2 =	por !p2, p0  }
0x20: {  	[sflag:s8] =	ssyncset.s32 @!p0 $0xFFFFF086;
	s6 =	sadd.s32 @!p0 s3, s7;
	s7 =	simm.s32 @!p0 $0x108  }
0x21: {  	s3 =	sadd.s32 s3, s9;
	s6 =	sadd.s32 @!p0 $0x88, s6;
	s7 =	simm.s32 @p2 $0x1082  }
0x22: {  	[simem:s7], [sflag:s8] =	dma.local @!p0 [hbm:s6], $0xF7A  }
0x23: {  	s9 =	sor.u32 $0xD0000000, s2;
	s6 =	simm.s32 $0x108;
	_ =	swait.ge @!p0 [sflag:s8], $0x0  }
0x24: {  	s3 =	sadd.s32 $0x88, s3;
	s6 =	simm.s32 @!p1 $0x1082;
	[sflag:s4] =	ssyncset.s32 $0xFFFFF086  }
0x25: {  	[simem:s6], [sflag:s4] =	dma.local [hbm:s3], $0xF7A  }
0x26: {  	[smem:$0x3F99] =	sst s1;
	(tag) =	ssettag s2;
	_ =	strace s9  }
0x27: {  	s1 =	sld [smem:$0x3FA9]  }
0x28: {  	s2 =	sld [smem:$0x3FAA]  }
0x29: {  	s4 =	sld [smem:$0x3FAC]  }
0x2a: {  	p0 =	seq.s32 s5, $0x0;
	s5 =	sld [smem:$0x3FAD]  }
0x2b: {  	s6 =	sld [smem:$0x3FAE]  }
0x2c: {  	s7 =	sld [smem:$0x3FAF]  }
0x2d: {  	s3 =	simm.s32 $0x108;
	s8 =	sld [smem:$0x3FB0]  }
0x2e: {  	s3 =	simm.s32 @!p0 $0x1082;
	s9 =	sld [smem:$0x3FB1]  }
0x2f: {  	lr =	sadd.s32 s0, s3;
	s0 =	sld [smem:$0x3FA8]  }
0x30: {  	s3 =	sld [smem:$0x3FAB]  }
0x31: {  	[smem:$0x3FB4] =	sst s10  }
0x32: {  	s10 =	sld [smem:$0x3FB2];
	_ =	sdelay $0x3  }
0x33: {  	p0 =	seq.s32 s10, $0x1;
	s10 =	sld [smem:$0x3FB4];
	_ =	sdelay $0x3  }
0x34: {  	[smem:$0x3FB4] =	sst s10  }
0x35: {  	s10 =	sld [smem:$0x3FB3];
	_ =	sdelay $0x3  }
0x36: {  	p1 =	seq.s32 s10, $0x1;
	s10 =	sld [smem:$0x3FB4];
	_ =	sdelay $0x3  }
0x37: {  	[smem:$0x3FB4] =	sst s10  }
0x38: {  	s10 =	sld [smem:$0x3FB5]  }
0x39: {  	_ = 	snop;
	(pc) =	sbr.ind lr, $3  }
0x3a: {  	_ = 	snop  }
0x3b: {  	_ = 	snop  }
0x3c: {  	p2 =	seq.s32 s10, $0x1;
	s10 =	sld [smem:$0x3FB4]  }
0x3d: {  	_ =	shalt  }
0x3e: {  	_ =	shalt  }
0x3f: {  	_ =	shalt  }
0x40: {  	_ =	shalt  }
0x41: {  	_ =	shalt  }
0x42: {  	_ =	shalt  }
0x43: {  	_ =	shalt  }
0x44: {  	_ =	shalt  }
0x45: {  	_ =	shalt  }
0x46: {  	_ =	shalt  }
0x47: {  	_ =	shalt  }
0x48: {  	_ =	shalt  }
0x49: {  	_ =	shalt  }
0x4a: {  	_ =	shalt  }
0x4b: {  	_ =	shalt  }
0x4c: {  	_ =	shalt  }
0x4d: {  	_ =	shalt  }
0x4e: {  	_ =	shalt  }
0x4f: {  	_ =	shalt  }
0x50: {  	_ =	shalt  }
0x51: {  	_ =	shalt  }
0x52: {  	_ =	shalt  }
0x53: {  	_ =	shalt  }
0x54: {  	_ =	shalt  }
0x55: {  	_ =	shalt  }
0x56: {  	_ =	shalt  }
0x57: {  	_ =	shalt  }
0x58: {  	_ =	shalt  }
0x59: {  	_ =	shalt  }
0x5a: {  	_ =	shalt  }
0x5b: {  	_ =	shalt  }
0x5c: {  	_ =	shalt  }
0x5d: {  	_ =	shalt  }
0x5e: {  	_ =	shalt  }
0x5f: {  	_ =	shalt  }
0x60: {  	_ =	shalt  }
0x61: {  	_ =	shalt  }
0x62: {  	_ =	shalt  }
0x63: {  	_ =	shalt  }
0x64: {  	_ =	shalt  }
0x65: {  	_ =	shalt  }
0x66: {  	_ =	shalt  }
0x67: {  	_ =	shalt  }
0x68: {  	_ =	shalt  }
0x69: {  	_ =	shalt  }
0x6a: {  	_ =	shalt  }
0x6b: {  	_ =	shalt  }
0x6c: {  	_ =	shalt  }
0x6d: {  	_ =	shalt  }
0x6e: {  	_ =	shalt  }
0x6f: {  	_ =	shalt  }
0x70: {  	_ =	shalt  }
0x71: {  	_ =	shalt  }
0x72: {  	_ =	shalt  }
0x73: {  	_ =	shalt  }
0x74: {  	_ =	shalt  }
0x75: {  	_ =	shalt  }
0x76: {  	_ =	shalt  }
0x77: {  	_ =	shalt  }
0x78: {  	_ =	shalt  }
0x79: {  	_ =	shalt  }
0x7a: {  	_ =	shalt  }
0x7b: {  	_ =	shalt  }
0x7c: {  	_ =	shalt  }
0x7d: {  	_ =	shalt  }
0x7e: {  	_ =	shalt  }
0x7f: {  	_ =	shalt  }
0x80: {  	_ =	shalt  }
0x81: {  	_ =	shalt  }
0x82: {  	_ =	shalt  }
0x83: {  	_ =	shalt  }
0x84: {  	_ =	shalt  }
0x85: {  	_ =	shalt  }
0x86: {  	_ =	shalt  }
0x87: {  	_ =	shalt  }
.Lfunc_end0:
.L_simem_size_0:
called_computation.3_lowered:
.L_overlay_start_0:
0x88: {  	s2 =	sld [smem:$0x3FD9]  }
0x89: {  	s3 =	sld [smem:$0x3FFE];
	_ =	sdelay $0x1  }
0x8a: {  	s1 =	srdreg.scid  }
0x8b: {  	s0 =	sand.u32 $0x1, s1  }
0x8c: {  	s16 =	sshll.u32 s0, $0xA;
	s2 =	sadd.s32 s3, s2  }
0x8d: {  	s2 =	sadd.s32 s2, s16  }
0x8e: {  	[smem:$0x3FC0] =	sst s2  }
0x8f: {  	_ = 	snop  }
0x90: {  	(tm) =	ssettm $0x1  }
0x91: {  	s17 =	sld [smem:$0x3FFB];
	_ =	sdelay $0x3  }
0x92: {  	_ =	strace s17  }
0x93: {  	s2 =	sld [smem:$0x3FFC];
	_ =	sdelay $0x3  }
0x94: {  	_ =	strace s2  }
0x95: {  	s2 =	sld [smem:$0x3FFD];
	_ =	sdelay $0x3  }
0x96: {  	_ =	strace s2  }
0x97: {  	_ =	strace $0x8FFFFFFF  }
0x98: {  	s18 =	sld [smem:$0x3FDB];
	_ =	sdelay $0x1  }
0x99: {  	s19 =	simm.s32 $_scs_section_size  }
0x9a: {  	s4 =	simm.s32 $_size__tile_overlayer_lowered;
	s5 =	simm.s32 $_tile_overlayer_lowered  }
0x9b: {  	s22 =	simm.s32 $0x1BFF;
	s21 =	sshll.u32 s5, $0x1;
	s2 =	sadd.s32 s19, s18  }
0x9c: {  	s6 =	simm.s32 $0x0;
	s20 =	sshll.u32 s4, $0x1;
	s4 =	sadd.s32 s21, s2  }
0x9d: {  	[timem:s6], [sflag:s22] =	dma.local [hbm:s4], s20  }
0x9e: {  	_ =	swait.ge [sflag:s22], s20  }
0x9f: {  	s3 =	ssub.s32 $0x0, s20;
	[sflag:s22] =	ssyncset.done $0x0  }
0xa0: {  	[sflag:s22] =	ssyncadd.s32 s3;
	_ =	sdelay $0x1  }
0xa1: {  	s23 =	simm.s32 $0x1B8B  }
0xa2: {  	_ =	swait.ge [sflag:s23], $0x1  }
0xa3: {  	[sflag:s23] =	ssyncset.done $0x0  }
0xa4: {  	s25 =	simm.s32 $0x1B8E;
	s24 =	sld [smem:$0x3FFE];
	[sflag:s23] =	ssyncadd.s32 $0xFFFFFFFF  }
0xa5: {  	s26 =	simm.s32 $execute0_lowered;
	[smem:$0x3FD2] =	sst s25  }
0xa6: {  	s4 =	sshll.u32 s26, $0x1;
	_ =	strace $0x8000004F;
	[dreg:$0x1] =	wrdreg $0xFFFFFFFF  }
0xa7: {  	s28 =	simm.s32 $_size_execute0_lowered;
	s2 =	sadd.s32 s2, s4;
	[dreg:$0x0] =	wrdreg $0x0  }
0xa8: {  	s4 =	sshll.u32 s28, $0x1;
	[dreg:$0x2] =	wrdreg s2  }
0xa9: {  	[dreg:$0x3] =	wrdreg s4  }
0xaa: {  	[dreg:$0x4] =	wrdreg $0xC0  }
0xab: {  	_ =	task [dreg:s6], $0x5FFFF  }
0xac: {  	[dreg:$0x1] =	wrdreg $0xFFFFFFFF  }
0xad: {  	[dreg:$0x0] =	wrdreg $0x60  }
0xae: {  	[dreg:$0x2] =	wrdreg s24  }
0xaf: {  	[dreg:$0x3] =	wrdreg $0x150000  }
0xb0: {  	[dreg:$0x4] =	wrdreg $0x9  }
0xb1: {  	_ =	task.clear_ibuf [dreg:s6], $0x5FFFF;
	_ =	strace $0x9000004F  }
0xb2: {  	s29 =	simm.s32 $0x9;
	_ =	strace $0x80000051  }
0xb3: {  	_ =	swait.ge [sflag:s29], $0x1  }
0xb4: {  	[sflag:s29] =	ssyncadd.s32 $0xFFFFFFFF  }
0xb5: {  	_ =	strace $0x90000051  }
0xb6: {  	_ =	sfence  }
0xb7: {  	s30 =	sld [smem:$0x0];
	_ =	sdelay $0x2  }
0xb8: {  	s31 =	sshll.u32 s1, $0xD;
	s1 =	sshrl.u32 s1, $0x2  }
0xb9: {  	s3 =	sand.u32 $0x4000, s31;
	s1 =	sadd.s32 s1, s30  }
0xba: {  	s0 =	sor.u32 s3, s0;
	s1 =	sshll.u32 s1, $0x11  }
0xbb: {  	s0 =	sor.u32 s1, s0  }
0xbc: {  	s0 =	sadd.s32 $0x8F2B, s0  }
0xbd: {  	[sflag:s0] =	ssyncadd.remote.s32 $0x1  }
0xbe: {  	_ =	sfence.sel $0xFFFF  }
0xbf: {  	[dreg:$0x0] =	wrdreg $0xFFFFFFFF;
	(pc) =	sbr.abs _section_cstart, $3  }
0xc0: {  	[dreg:$0x1] =	wrdreg $0xFFFFFFFF  }
0xc1: {  	_ =	task.clear_ibuf [dreg:s6], $0x2FFFF;
	_ =	strace $0x9FFFFFFF  }
0xc2: {  	(tm) =	ssettm $0x7FFFFFFF  }
0xc3: {  	_ =	shalt  }
tec
execute0_lowered:
.L_overlay_start_1:
0x0: {  	(tag) =	ssettag $0x1  }
0x1: {  	s0 =	srdreg.scid;
	s1 =	rddreg [dreg:$0x0]  }
0x2: {  	s9 =	stileid.u32;
	s2 =	rddreg [dreg:$0x1]  }
0x3: {  	s4 =	simm.s32 $0x0;
	s13 =	simm.s32 $0x11;
	s14 =	simm.s32 $0x80  }
0x4: {  	s15 =	simm.s32 $0x5000;
	s16 =	simm.s32 $0x7000;
	s18 =	simm.s32 $0x9000  }
0x5: {  	s20 =	simm.s32 $0xB000;
	s29 =	simm.s32 $0x13000;
	s30 =	simm.s32 $0x1  }
0x6: {  	s31 =	simm.s32 $0x2;
	s11 =	simm.s32 $0x5;
	s17 =	simm.s32 $0x6  }
0x7: {  	s19 =	simm.s32 $0x7;
	s21 =	simm.s32 $0x8;
	s28 =	simm.s32 $0xB  }
0x8: {  	s0 =	sand.u32 $0x1, s0;
	s3 =	sshll.u32 s9, $0x1;
	[smem:$0x7FF] =	sst s4  }
0x9: {  	s5 =	smul.u32 $0xA000, s9;
	s4 =	sadd.s32 $0x18800, s1;
	s26 =	sshll.u32 s9, $0x6  }
0xa: {  	s9 =	simm.s32 $0x10;
	s3 =	sor.u32 s0, s3;
	_ =	strace $0x80000050  }
0xb: {  	s6 =	ssub.s32 $0x2, s0;
	p0 =	seq.s32 s0, $0x1;
	s0 =	simm.s32 $0x54800  }
0xc: {  	s12 =	sor.u32 $0x1C11, s26;
	s26 =	simm.s32 $0x11000;
	s3 =	smul.u32 $0x2800, s3  }
0xd: {  	s7 =	sshrl.u32 s5, $0x3;
	s8 =	sshrl.u32 s6, $0x1;
	s23 =	sadd.s32 s5, s2  }
0xe: {  	s0 =	simm.s32 @!p0 $0x40800;
	s5 =	simm.s32 $0xC;
	[dreg:$0xa] =	wrdreg s12  }
0xf: {  	s6 =	ssub.s32 s6, s8;
	s10 =	sshrl.u32 s23, $0x3;
	s23 =	simm.s32 $0x9  }
0x10: {  	s8 =	simm.s32 $0xF;
	s3 =	sshrl.u32 s3, $0x3;
	s25 =	smax.u32 s6, $0x1  }
0x11: {  	s6 =	simm.s32 $0xD;
	[dreg:$0x8] =	wrdreg s10;
	s3 =	sadd.s32 s3, s1  }
0x12: {  	s1 =	sadd.s32 s7, s1;
	[dreg:$0x6] =	wrdreg s25;
	s22 =	sadd.s32 $0x4800, s3  }
0x13: {  	s25 =	simm.s32 $0xA;
	s3 =	sadd.s32 $0xE800, s3;
	[dreg:$0x3] =	wrdreg s22  }
0x14: {  	s7 =	simm.s32 $0xE;
	s24 =	sadd.s32 $0x2C800, s1;
	[dreg:$0x4] =	wrdreg s3  }
0x15: {  	s0 =	sadd.s32 s0, s1;
	s1 =	simm.s32 $0x3;
	[dreg:$0x5] =	wrdreg s24  }
0x16: {  	[dreg:$0x7] =	wrdreg s0;
	s22 =	simm.s32 $0xD000;
	s3 =	simm.s32 $0x0  }
0x17: {  	s24 =	simm.s32 $0xF000;
	s0 =	simm.s32 $0x4;
	[dreg:$0x9] =	wrdreg s3  }
.LBB2_1:
0x18: {  	s3 =	simm.s32 $0x0;
	s12 =	rddreg [dreg:$0x3]  }
0x19: {  	[tilespmem:s3], [sflag:$0x11] =	stream.linear.gather [hbm4b:s12+s3], $0x2800, $0x38;
	[tilespmem:$0x1F000] =	vst v63  }
0x1a: {  	_ =	swait.ge [sflag:s13], $0x2800  }
0x1b: {  	s10 =	simm.s32 $0x0;
	[sflag:s13] =	ssyncset.done $0x0  }
0x1c: {  	s3 =	simm.s32 $0x2800;
	s12 =	rddreg [dreg:$0x4];
	[sflag:s13] =	ssyncadd.s32 $0xFFFFD800  }
0x1d: {  	[tilespmem:s3], [sflag:$0x11] =	stream.linear.gather [hbm4b:s12+s10], $0x2800, $0x38;
	[tilespmem:$0x1F000] =	vst v63  }
0x1e: {  	_ =	swait.ge [sflag:s13], $0x2800  }
0x1f: {  	s12 =	rddreg [dreg:$0x5]  }
0x20: {  	[sflag:s13] =	ssyncset.done $0x0;
	s10 =	rddreg [dreg:$0x8]  }
0x21: {  	s3 =	rddreg [dreg:$0xa];
	[sflag:s13] =	ssyncadd.s32 $0xFFFFD800  }
0x22: {  	[spmem:s10], [sflag:s3] =	dma.local [hbm:s12], $0x1400  }
0x23: {  	_ =	swait.ge [sflag:s13], $0x1400  }
0x24: {  	[sflag:s13] =	ssyncset.done $0x0  }
0x25: {  	[sflag:s13] =	ssyncadd.s32 $0xFFFFEC00  }
0x26: {  	s13 =	simm.s32 $0x0;
	[bflag:$0x0] =	sbarrier.arrive $0xFFFF  }
0x27: {  	[tilespmem:s15], [sflag:$0x1] =	stream.indirect.gather [hbm4b:s4+s14], $0x40, s13, s14, $0xb8;
	[tilespmem:$0x1F000] =	vst v63  }
0x28: {  	_ = 	snop  }
0x29: {  	[tilespmem:s16], [sflag:$0x2] =	stream.indirect.gather [hbm4b:s4+s14], $0x40, s14, s14, $0xb8;
	[tilespmem:$0x1F000] =	vst v63  }
0x2a: {  	s10 =	simm.s32 $0x100  }
0x2b: {  	[tilespmem:s18], [sflag:$0x3] =	stream.indirect.gather [hbm4b:s4+s14], $0x40, s10, s14, $0xb8;
	[tilespmem:$0x1F000] =	vst v63  }
0x2c: {  	s12 =	simm.s32 $0x180  }
0x2d: {  	[tilespmem:s20], [sflag:$0x4] =	stream.indirect.gather [hbm4b:s4+s14], $0x40, s12, s14, $0xb8;
	[tilespmem:$0x1F000] =	vst v63  }
0x2e: {  	s13 =	simm.s32 $0x200  }
0x2f: {  	[tilespmem:s22], [sflag:$0x5] =	stream.indirect.gather [hbm4b:s4+s14], $0x40, s13, s14, $0xb8;
	[tilespmem:$0x1F000] =	vst v63  }
0x30: {  	s10 =	simm.s32 $0x280  }
0x31: {  	[tilespmem:s24], [sflag:$0x6] =	stream.indirect.gather [hbm4b:s4+s14], $0x40, s10, s14, $0xb8;
	[tilespmem:$0x1F000] =	vst v63  }
0x32: {  	s12 =	simm.s32 $0x300  }
0x33: {  	[tilespmem:s26], [sflag:$0x7] =	stream.indirect.gather [hbm4b:s4+s14], $0x40, s12, s14, $0xb8;
	[tilespmem:$0x1F000] =	vst v63  }
0x34: {  	s13 =	simm.s32 $0x380  }
0x35: {  	[tilespmem:s29], [sflag:$0x8] =	stream.indirect.gather [hbm4b:s4+s14], $0x40, s13, s14, $0xb8;
	[tilespmem:$0x1F000] =	vst v63  }
0x36: {  	_ =	swait.ge [sflag:s30], $0x2000  }
0x37: {  	[sflag:s30] =	ssyncset.done $0x0  }
0x38: {  	s3 =	simm.s32 $0x2800;
	[sflag:s30] =	ssyncadd.s32 $0xFFFFE000  }
0x39: {  	[spmem:s2] =	stream.indirect.scatter.add.f32 [tilespmem:s15], [sflag:$0x9], $0x40, s3, s14, $0xb8;
	[tilespmem:$0x1F000] =	vst v63  }
0x3a: {  	_ =	swait.ge [sflag:s31], $0x2000  }
0x3b: {  	[sflag:s31] =	ssyncset.done $0x0  }
0x3c: {  	s10 =	simm.s32 $0x2880;
	[sflag:s31] =	ssyncadd.s32 $0xFFFFE000  }
0x3d: {  	[spmem:s2] =	stream.indirect.scatter.add.f32 [tilespmem:s16], [sflag:$0xA], $0x40, s10, s14, $0xb8;
	[tilespmem:$0x1F000] =	vst v63  }
0x3e: {  	_ =	swait.ge [sflag:s1], $0x2000  }
0x3f: {  	[sflag:s1] =	ssyncset.done $0x0  }
0x40: {  	s13 =	simm.s32 $0x2900;
	[sflag:s1] =	ssyncadd.s32 $0xFFFFE000  }
0x41: {  	[spmem:s2] =	stream.indirect.scatter.add.f32 [tilespmem:s18], [sflag:$0xB], $0x40, s13, s14, $0xb8;
	[tilespmem:$0x1F000] =	vst v63  }
0x42: {  	_ =	swait.ge [sflag:s0], $0x2000  }
0x43: {  	[sflag:s0] =	ssyncset.done $0x0  }
0x44: {  	s3 =	simm.s32 $0x2980;
	[sflag:s0] =	ssyncadd.s32 $0xFFFFE000  }
0x45: {  	[spmem:s2] =	stream.indirect.scatter.add.f32 [tilespmem:s20], [sflag:$0xC], $0x40, s3, s14, $0xb8;
	[tilespmem:$0x1F000] =	vst v63  }
0x46: {  	_ =	swait.ge [sflag:s11], $0x2000  }
0x47: {  	[sflag:s11] =	ssyncset.done $0x0  }
0x48: {  	s10 =	simm.s32 $0x2A00;
	[sflag:s11] =	ssyncadd.s32 $0xFFFFE000  }
0x49: {  	[spmem:s2] =	stream.indirect.scatter.add.f32 [tilespmem:s22], [sflag:$0xD], $0x40, s10, s14, $0xb8;
	[tilespmem:$0x1F000] =	vst v63  }
0x4a: {  	_ =	swait.ge [sflag:s17], $0x2000  }
0x4b: {  	[sflag:s17] =	ssyncset.done $0x0  }
0x4c: {  	s13 =	simm.s32 $0x2A80;
	[sflag:s17] =	ssyncadd.s32 $0xFFFFE000  }
0x4d: {  	[spmem:s2] =	stream.indirect.scatter.add.f32 [tilespmem:s24], [sflag:$0xE], $0x40, s13, s14, $0xb8;
	[tilespmem:$0x1F000] =	vst v63  }
0x4e: {  	_ =	swait.ge [sflag:s19], $0x2000  }
0x4f: {  	[sflag:s19] =	ssyncset.done $0x0  }
0x50: {  	s3 =	simm.s32 $0x2B00;
	[sflag:s19] =	ssyncadd.s32 $0xFFFFE000  }
0x51: {  	[spmem:s2] =	stream.indirect.scatter.add.f32 [tilespmem:s26], [sflag:$0xF], $0x40, s3, s14, $0xb8;
	[tilespmem:$0x1F000] =	vst v63  }
0x52: {  	_ =	swait.ge [sflag:s21], $0x2000  }
0x53: {  	[sflag:s21] =	ssyncset.done $0x0  }
0x54: {  	s10 =	simm.s32 $0x2B80;
	[sflag:s21] =	ssyncadd.s32 $0xFFFFE000  }
0x55: {  	[spmem:s2] =	stream.indirect.scatter.add.f32 [tilespmem:s29], [sflag:$0x10], $0x40, s10, s14, $0xb8;
	[tilespmem:$0x1F000] =	vst v63  }
0x56: {  	_ =	swait.ge [sflag:s23], $0x2000  }
0x57: {  	[sflag:s23] =	ssyncset.done $0x0  }
0x58: {  	s13 =	simm.s32 $0x400;
	[sflag:s23] =	ssyncadd.s32 $0xFFFFE000  }
0x59: {  	[tilespmem:s15], [sflag:$0x1] =	stream.indirect.gather [hbm4b:s4+s14], $0x40, s13, s14, $0xb8;
	[tilespmem:$0x1F000] =	vst v63  }
0x5a: {  	_ =	swait.ge [sflag:s25], $0x2000  }
0x5b: {  	[sflag:s25] =	ssyncset.done $0x0  }
0x5c: {  	s3 =	simm.s32 $0x480;
	[sflag:s25] =	ssyncadd.s32 $0xFFFFE000  }
0x5d: {  	[tilespmem:s16], [sflag:$0x2] =	stream.indirect.gather [hbm4b:s4+s14], $0x40, s3, s14, $0xb8;
	[tilespmem:$0x1F000] =	vst v63  }
0x5e: {  	_ =	swait.ge [sflag:s28], $0x2000  }
0x5f: {  	[sflag:s28] =	ssyncset.done $0x0  }
0x60: {  	s10 =	simm.s32 $0x500;
	[sflag:s28] =	ssyncadd.s32 $0xFFFFE000  }
0x61: {  	[tilespmem:s18], [sflag:$0x3] =	stream.indirect.gather [hbm4b:s4+s14], $0x40, s10, s14, $0xb8;
	[tilespmem:$0x1F000] =	vst v63  }
0x62: {  	_ =	swait.ge [sflag:s5], $0x2000  }
0x63: {  	[sflag:s5] =	ssyncset.done $0x0  }
0x64: {  	s13 =	simm.s32 $0x580;
	[sflag:s5] =	ssyncadd.s32 $0xFFFFE000  }
0x65: {  	[tilespmem:s20], [sflag:$0x4] =	stream.indirect.gather [hbm4b:s4+s14], $0x40, s13, s14, $0xb8;
	[tilespmem:$0x1F000] =	vst v63  }
0x66: {  	_ =	swait.ge [sflag:s6], $0x2000  }
0x67: {  	[sflag:s6] =	ssyncset.done $0x0  }
0x68: {  	s3 =	simm.s32 $0x600;
	[sflag:s6] =	ssyncadd.s32 $0xFFFFE000  }
0x69: {  	[tilespmem:s22], [sflag:$0x5] =	stream.indirect.gather [hbm4b:s4+s14], $0x40, s3, s14, $0xb8;
	[tilespmem:$0x1F000] =	vst v63  }
0x6a: {  	_ =	swait.ge [sflag:s7], $0x2000  }
0x6b: {  	[sflag:s7] =	ssyncset.done $0x0  }
0x6c: {  	s10 =	simm.s32 $0x680;
	[sflag:s7] =	ssyncadd.s32 $0xFFFFE000  }
0x6d: {  	[tilespmem:s24], [sflag:$0x6] =	stream.indirect.gather [hbm4b:s4+s14], $0x40, s10, s14, $0xb8;
	[tilespmem:$0x1F000] =	vst v63  }
0x6e: {  	_ =	swait.ge [sflag:s8], $0x2000  }
0x6f: {  	[sflag:s8] =	ssyncset.done $0x0  }
0x70: {  	s13 =	simm.s32 $0x700;
	[sflag:s8] =	ssyncadd.s32 $0xFFFFE000  }
0x71: {  	[tilespmem:s26], [sflag:$0x7] =	stream.indirect.gather [hbm4b:s4+s14], $0x40, s13, s14, $0xb8;
	[tilespmem:$0x1F000] =	vst v63  }
0x72: {  	_ =	swait.ge [sflag:s9], $0x2000  }
0x73: {  	s12 =	simm.s32 $0x1000;
	[sflag:s9] =	ssyncset.done $0x0  }
0x74: {  	s13 =	simm.s32 $0x780;
	s3 =	rddreg [dreg:$0xa];
	[sflag:s9] =	ssyncadd.s32 $0xFFFFE000  }
.LBB2_2:
0x75: {  	[tilespmem:s29], [sflag:$0x8] =	stream.indirect.gather [hbm4b:s4+s14], $0x40, s13, s14, $0xb8;
	[tilespmem:$0x1F000] =	vst v63  }
0x76: {  	s13 =	smov.u32 s12  }
0x77: {  	p0 =	sne.s32 s12, $0x8000;
	s12 =	sadd.s32 $0x1000, s12;
	_ =	swait.ge [sflag:s30], $0x2000  }
0x78: {  	s13 =	sshra.s32 s13, $0x2;
	[sflag:s30] =	ssyncset.done $0x0  }
0x79: {  	s10 =	sadd.s32 $0x2800, s13;
	[sflag:s30] =	ssyncadd.s32 $0xFFFFE000  }
0x7a: {  	[spmem:s2] =	stream.indirect.scatter.add.f32 [tilespmem:s15], [sflag:$0x9], $0x40, s10, s14, $0xb8;
	[tilespmem:$0x1F000] =	vst v63  }
0x7b: {  	_ =	swait.ge [sflag:s31], $0x2000  }
0x7c: {  	[sflag:s31] =	ssyncset.done $0x0  }
0x7d: {  	s10 =	sadd.s32 $0x2880, s13;
	[sflag:s31] =	ssyncadd.s32 $0xFFFFE000  }
0x7e: {  	[spmem:s2] =	stream.indirect.scatter.add.f32 [tilespmem:s16], [sflag:$0xA], $0x40, s10, s14, $0xb8;
	[tilespmem:$0x1F000] =	vst v63  }
0x7f: {  	_ =	swait.ge [sflag:s1], $0x2000  }
0x80: {  	[sflag:s1] =	ssyncset.done $0x0  }
0x81: {  	s10 =	sadd.s32 $0x2900, s13;
	[sflag:s1] =	ssyncadd.s32 $0xFFFFE000  }
0x82: {  	[spmem:s2] =	stream.indirect.scatter.add.f32 [tilespmem:s18], [sflag:$0xB], $0x40, s10, s14, $0xb8;
	[tilespmem:$0x1F000] =	vst v63  }
0x83: {  	_ =	swait.ge [sflag:s0], $0x2000  }
0x84: {  	[sflag:s0] =	ssyncset.done $0x0  }
0x85: {  	s10 =	sadd.s32 $0x2980, s13;
	[sflag:s0] =	ssyncadd.s32 $0xFFFFE000  }
0x86: {  	[spmem:s2] =	stream.indirect.scatter.add.f32 [tilespmem:s20], [sflag:$0xC], $0x40, s10, s14, $0xb8;
	[tilespmem:$0x1F000] =	vst v63  }
0x87: {  	_ =	swait.ge [sflag:s11], $0x2000  }
0x88: {  	[sflag:s11] =	ssyncset.done $0x0  }
0x89: {  	s10 =	sadd.s32 $0x2A00, s13;
	[sflag:s11] =	ssyncadd.s32 $0xFFFFE000  }
0x8a: {  	[spmem:s2] =	stream.indirect.scatter.add.f32 [tilespmem:s22], [sflag:$0xD], $0x40, s10, s14, $0xb8;
	[tilespmem:$0x1F000] =	vst v63  }
0x8b: {  	_ =	swait.ge [sflag:s17], $0x2000  }
0x8c: {  	[sflag:s17] =	ssyncset.done $0x0  }
0x8d: {  	s10 =	sadd.s32 $0x2A80, s13;
	[sflag:s17] =	ssyncadd.s32 $0xFFFFE000  }
0x8e: {  	[spmem:s2] =	stream.indirect.scatter.add.f32 [tilespmem:s24], [sflag:$0xE], $0x40, s10, s14, $0xb8;
	[tilespmem:$0x1F000] =	vst v63  }
0x8f: {  	_ =	swait.ge [sflag:s19], $0x2000  }
0x90: {  	[sflag:s19] =	ssyncset.done $0x0  }
0x91: {  	s10 =	sadd.s32 $0x2B00, s13;
	[sflag:s19] =	ssyncadd.s32 $0xFFFFE000  }
0x92: {  	[spmem:s2] =	stream.indirect.scatter.add.f32 [tilespmem:s26], [sflag:$0xF], $0x40, s10, s14, $0xb8;
	[tilespmem:$0x1F000] =	vst v63  }
0x93: {  	_ =	swait.ge [sflag:s21], $0x2000  }
0x94: {  	[sflag:s21] =	ssyncset.done $0x0  }
0x95: {  	s10 =	sadd.s32 $0x2B80, s13;
	[sflag:s21] =	ssyncadd.s32 $0xFFFFE000  }
0x96: {  	[spmem:s2] =	stream.indirect.scatter.add.f32 [tilespmem:s29], [sflag:$0x10], $0x40, s10, s14, $0xb8;
	[tilespmem:$0x1F000] =	vst v63  }
0x97: {  	_ =	swait.ge [sflag:s23], $0x2000  }
0x98: {  	[sflag:s23] =	ssyncset.done $0x0  }
0x99: {  	s10 =	sadd.s32 $0x400, s13;
	[sflag:s23] =	ssyncadd.s32 $0xFFFFE000  }
0x9a: {  	[tilespmem:s15], [sflag:$0x1] =	stream.indirect.gather [hbm4b:s4+s14], $0x40, s10, s14, $0xb8;
	[tilespmem:$0x1F000] =	vst v63  }
0x9b: {  	_ =	swait.ge [sflag:s25], $0x2000  }
0x9c: {  	[sflag:s25] =	ssyncset.done $0x0  }
0x9d: {  	s10 =	sadd.s32 $0x480, s13;
	[sflag:s25] =	ssyncadd.s32 $0xFFFFE000  }
0x9e: {  	[tilespmem:s16], [sflag:$0x2] =	stream.indirect.gather [hbm4b:s4+s14], $0x40, s10, s14, $0xb8;
	[tilespmem:$0x1F000] =	vst v63  }
0x9f: {  	_ =	swait.ge [sflag:s28], $0x2000  }
0xa0: {  	[sflag:s28] =	ssyncset.done $0x0  }
0xa1: {  	s10 =	sadd.s32 $0x500, s13;
	[sflag:s28] =	ssyncadd.s32 $0xFFFFE000  }
0xa2: {  	[tilespmem:s18], [sflag:$0x3] =	stream.indirect.gather [hbm4b:s4+s14], $0x40, s10, s14, $0xb8;
	[tilespmem:$0x1F000] =	vst v63  }
0xa3: {  	_ =	swait.ge [sflag:s5], $0x2000  }
0xa4: {  	[sflag:s5] =	ssyncset.done $0x0  }
0xa5: {  	s10 =	sadd.s32 $0x580, s13;
	[sflag:s5] =	ssyncadd.s32 $0xFFFFE000  }
0xa6: {  	[tilespmem:s20], [sflag:$0x4] =	stream.indirect.gather [hbm4b:s4+s14], $0x40, s10, s14, $0xb8;
	[tilespmem:$0x1F000] =	vst v63  }
0xa7: {  	_ =	swait.ge [sflag:s6], $0x2000  }
0xa8: {  	[sflag:s6] =	ssyncset.done $0x0  }
0xa9: {  	s10 =	sadd.s32 $0x600, s13;
	[sflag:s6] =	ssyncadd.s32 $0xFFFFE000  }
0xaa: {  	[tilespmem:s22], [sflag:$0x5] =	stream.indirect.gather [hbm4b:s4+s14], $0x40, s10, s14, $0xb8;
	[tilespmem:$0x1F000] =	vst v63  }
0xab: {  	_ =	swait.ge [sflag:s7], $0x2000  }
0xac: {  	[sflag:s7] =	ssyncset.done $0x0  }
0xad: {  	s10 =	sadd.s32 $0x680, s13;
	[sflag:s7] =	ssyncadd.s32 $0xFFFFE000  }
0xae: {  	[tilespmem:s24], [sflag:$0x6] =	stream.indirect.gather [hbm4b:s4+s14], $0x40, s10, s14, $0xb8;
	[tilespmem:$0x1F000] =	vst v63  }
0xaf: {  	_ =	swait.ge [sflag:s8], $0x2000  }
0xb0: {  	[sflag:s8] =	ssyncset.done $0x0  }
.Ltmp0:
0xb1: {  	s10 =	sadd.s32 $0x700, s13;
	[sflag:s8] =	ssyncadd.s32 $0xFFFFE000;
	(pc) =	sbr.rel @p0 .LBB2_2-.Ltmp0, $4  }
0xb2: {  	[tilespmem:s26], [sflag:$0x7] =	stream.indirect.gather [hbm4b:s4+s14], $0x40, s10, s14, $0xb8;
	[tilespmem:$0x1F000] =	vst v63  }
0xb3: {  	_ =	swait.ge [sflag:s9], $0x2000  }
0xb4: {  	[sflag:s9] =	ssyncset.done $0x0  }
0xb5: {  	s13 =	sadd.s32 $0x780, s13;
	[sflag:s9] =	ssyncadd.s32 $0xFFFFE000  }
0xb6: {  	[tilespmem:s29], [sflag:$0x8] =	stream.indirect.gather [hbm4b:s4+s14], $0x40, s13, s14, $0xb8;
	[tilespmem:$0x1F000] =	vst v63  }
0xb7: {  	_ =	swait.ge [sflag:s30], $0x2000  }
0xb8: {  	[sflag:s30] =	ssyncset.done $0x0  }
0xb9: {  	s10 =	simm.s32 $0x4C00;
	[sflag:s30] =	ssyncadd.s32 $0xFFFFE000  }
0xba: {  	[spmem:s2] =	stream.indirect.scatter.add.f32 [tilespmem:s15], [sflag:$0x9], $0x40, s10, s14, $0xb8;
	[tilespmem:$0x1F000] =	vst v63  }
0xbb: {  	_ =	swait.ge [sflag:s31], $0x2000  }
0xbc: {  	[sflag:s31] =	ssyncset.done $0x0  }
0xbd: {  	s12 =	simm.s32 $0x4C80;
	[sflag:s31] =	ssyncadd.s32 $0xFFFFE000  }
0xbe: {  	[spmem:s2] =	stream.indirect.scatter.add.f32 [tilespmem:s16], [sflag:$0xA], $0x40, s12, s14, $0xb8;
	[tilespmem:$0x1F000] =	vst v63  }
0xbf: {  	_ =	swait.ge [sflag:s1], $0x2000  }
0xc0: {  	[sflag:s1] =	ssyncset.done $0x0  }
0xc1: {  	s13 =	simm.s32 $0x4D00;
	[sflag:s1] =	ssyncadd.s32 $0xFFFFE000  }
0xc2: {  	[spmem:s2] =	stream.indirect.scatter.add.f32 [tilespmem:s18], [sflag:$0xB], $0x40, s13, s14, $0xb8;
	[tilespmem:$0x1F000] =	vst v63  }
0xc3: {  	_ =	swait.ge [sflag:s0], $0x2000  }
0xc4: {  	[sflag:s0] =	ssyncset.done $0x0  }
0xc5: {  	s12 =	simm.s32 $0x4D80;
	[sflag:s0] =	ssyncadd.s32 $0xFFFFE000  }
0xc6: {  	[spmem:s2] =	stream.indirect.scatter.add.f32 [tilespmem:s20], [sflag:$0xC], $0x40, s12, s14, $0xb8;
	[tilespmem:$0x1F000] =	vst v63  }
0xc7: {  	_ =	swait.ge [sflag:s11], $0x2000  }
0xc8: {  	[sflag:s11] =	ssyncset.done $0x0  }
0xc9: {  	s13 =	simm.s32 $0x4E00;
	[sflag:s11] =	ssyncadd.s32 $0xFFFFE000  }
0xca: {  	[spmem:s2] =	stream.indirect.scatter.add.f32 [tilespmem:s22], [sflag:$0xD], $0x40, s13, s14, $0xb8;
	[tilespmem:$0x1F000] =	vst v63  }
0xcb: {  	_ =	swait.ge [sflag:s17], $0x2000  }
0xcc: {  	[sflag:s17] =	ssyncset.done $0x0  }
0xcd: {  	s12 =	simm.s32 $0x4E80;
	[sflag:s17] =	ssyncadd.s32 $0xFFFFE000  }
0xce: {  	[spmem:s2] =	stream.indirect.scatter.add.f32 [tilespmem:s24], [sflag:$0xE], $0x40, s12, s14, $0xb8;
	[tilespmem:$0x1F000] =	vst v63  }
0xcf: {  	_ =	swait.ge [sflag:s19], $0x2000  }
0xd0: {  	[sflag:s19] =	ssyncset.done $0x0  }
0xd1: {  	s13 =	simm.s32 $0x4F00;
	[sflag:s19] =	ssyncadd.s32 $0xFFFFE000  }
0xd2: {  	[spmem:s2] =	stream.indirect.scatter.add.f32 [tilespmem:s26], [sflag:$0xF], $0x40, s13, s14, $0xb8;
	[tilespmem:$0x1F000] =	vst v63  }
0xd3: {  	_ =	swait.ge [sflag:s21], $0x2000  }
0xd4: {  	[sflag:s21] =	ssyncset.done $0x0  }
0xd5: {  	s12 =	simm.s32 $0x4F80;
	[sflag:s21] =	ssyncadd.s32 $0xFFFFE000  }
0xd6: {  	[spmem:s2] =	stream.indirect.scatter.add.f32 [tilespmem:s29], [sflag:$0x10], $0x40, s12, s14, $0xb8;
	[tilespmem:$0x1F000] =	vst v63  }
0xd7: {  	_ =	swait.ge [sflag:s23], $0x2000  }
0xd8: {  	[sflag:s23] =	ssyncset.done $0x0  }
0xd9: {  	[sflag:s23] =	ssyncadd.s32 $0xFFFFE000  }
0xda: {  	_ =	swait.ge [sflag:s25], $0x2000  }
0xdb: {  	[sflag:s25] =	ssyncset.done $0x0  }
0xdc: {  	[sflag:s25] =	ssyncadd.s32 $0xFFFFE000  }
0xdd: {  	_ =	swait.ge [sflag:s28], $0x2000  }
0xde: {  	[sflag:s28] =	ssyncset.done $0x0  }
0xdf: {  	[sflag:s28] =	ssyncadd.s32 $0xFFFFE000  }
0xe0: {  	_ =	swait.ge [sflag:s5], $0x2000  }
0xe1: {  	[sflag:s5] =	ssyncset.done $0x0  }
0xe2: {  	[sflag:s5] =	ssyncadd.s32 $0xFFFFE000  }
0xe3: {  	_ =	swait.ge [sflag:s6], $0x2000  }
0xe4: {  	[sflag:s6] =	ssyncset.done $0x0  }
0xe5: {  	[sflag:s6] =	ssyncadd.s32 $0xFFFFE000  }
0xe6: {  	_ =	swait.ge [sflag:s7], $0x2000  }
0xe7: {  	[sflag:s7] =	ssyncset.done $0x0  }
0xe8: {  	[sflag:s7] =	ssyncadd.s32 $0xFFFFE000  }
0xe9: {  	_ =	swait.ge [sflag:s8], $0x2000  }
0xea: {  	[sflag:s8] =	ssyncset.done $0x0  }
0xeb: {  	[sflag:s8] =	ssyncadd.s32 $0xFFFFE000  }
0xec: {  	_ =	swait.ge [sflag:s9], $0x2000  }
0xed: {  	[sflag:s9] =	ssyncset.done $0x0  }
0xee: {  	[sflag:s9] =	ssyncadd.s32 $0xFFFFE000  }
0xef: {  	[bflag:$0x0] =	sbarrier.arrive $0xFFFF  }
0xf0: {  	s13 =	rddreg [dreg:$0x7]  }
0xf1: {  	s12 =	rddreg [dreg:$0x8]  }
0xf2: {  	[hbm:s13], [sflag:s3] =	dma.local [spmem:s12], $0x1400  }
0xf3: {  	s13 =	simm.s32 $0x11  }
0xf4: {  	_ =	swait.ge [sflag:s13], $0x1400  }
0xf5: {  	s10 =	rddreg [dreg:$0x9]  }
0xf6: {  	s12 =	rddreg [dreg:$0x6];
	s3 =	sadd.s32 $0x1, s10  }
0xf7: {  	p0 =	sne.s32 s3, s12  }
.Ltmp1:
0xf8: {  	_ = 	snop;
	(pc) =	sbr.rel @p0 .LBB2_1-.Ltmp1, $3  }
0xf9: {  	_ =	sdelay $0x1  }
0xfa: {  	[sflag:s13] =	ssyncset.done $0x0  }
0xfb: {  	[sflag:s13] =	ssyncadd.s32 $0xFFFFEC00;
	[dreg:$0x9] =	wrdreg s3  }
0xfc: {  	_ =	sfence.sel $0x180000  }
0xfd: {  	[bflag:$0x0] =	sbarrier.arrive $0xFFFF  }
0xfe: {  	_ =	strace $0x90000050  }
0xff: {  	s0 =	stileid.u32;
	[bflag:$0x2] =	sbarrier.arrive $0xFFFF  }
0x100: {  	p0 =	sne.s32 s0, $0x0;
	s0 =	rddreg [dreg:$0x2]  }
0x101: {  	s0 =	sadd.s32 @!p0 $0x100000, s0  }
0x102: {  	[sflag:s0] =	ssyncadd.tile.s32 @!p0 $0x1;
	_ =	shalt  }
.Lfunc_end2:
_tile_overlayer_lowered:
.L_overlay_start_2:
0x103: {  	(tag) =	ssettag $0x2  }
0x104: {  	s0 =	rddreg [dreg:$0x0];
	s2 =	stileid.u32  }
0x105: {  	s1 =	rddreg [dreg:$0x1];
	p0 =	sne.s32 s2, $0x0  }
0x106: {  	s3 =	rddreg [dreg:$0x2];
	[bflag:$0x3] =	sbarrier.arrive $0xFFFF;
	s2 =	simm.s32 @!p0 $0x1C11  }
0x107: {  	[timem:s3], [sflag:s2] =	dma.local @!p0 [hbm:s0], s1  }
0x108: {  	s0 =	simm.s32 @!p0 $0x11  }
0x109: {  	_ =	swait.ge @!p0 [sflag:s0], s1  }
0x10a: {  	s1 =	ssub.s32 @!p0 $0x0, s1;
	[sflag:s0] =	ssyncset.done @!p0 $0x0  }
0x10b: {  	[sflag:s0] =	ssyncadd.s32 @!p0 s1  }
0x10c: {  	[bflag:$0x3] =	sbarrier.arrive $0xFFFF  }
0x10d: {  	_ =	shalt  }

</sc_bundles>
